<compile_context>
chip_gen: v7x
topology: tpu7x:2x2x1
jax: 0.10.2.dev20260603
libtpu: 0.0.44.dev20260713+nightly
codegen_flags: <defaults>
</compile_context>

<pallas_src>
import functools

import jax
import jax.numpy as jnp
from jax import lax
from jax.experimental import pallas as pl
from jax.experimental.pallas import tpu as pltpu
from jax.experimental.pallas import tpu_sc as plsc

F = 2
GROUPS = 4
SC_CORES = 2
SC_SUBCORES = 16
SC_LANES = 16
NEG = -3.0e38


def _sc_topk2_body(focus_hbm, out_hbm, fs, iv_s, sem):
    cid = lax.axis_index("c")
    bsz, secl = focus_hbm.shape
    half = bsz // SC_CORES

    def row_body(r, _):
        row = cid * half + r
        cp = pltpu.make_async_copy(focus_hbm.at[row], fs, sem)
        cp.start()
        cp.wait()

        def body(i, carry):
            m1, i1, m2, i2 = carry
            v = fs[i]
            better1 = v > m1
            better2 = v > m2
            m2n = jnp.where(better1, m1, jnp.where(better2, v, m2))
            i2n = jnp.where(better1, i1, jnp.where(better2, i, i2))
            m1n = jnp.where(better1, v, m1)
            i1n = jnp.where(better1, i, i1)
            return m1n, i1n, m2n, i2n

        init = (jnp.float32(NEG), jnp.int32(0), jnp.float32(NEG),
                jnp.int32(0))
        _, i1, _, i2 = lax.fori_loop(0, secl, body, init)
        iv_s[0] = i1
        iv_s[1] = i2
        ocp = pltpu.make_async_copy(iv_s, out_hbm.at[row], sem)
        ocp.start()
        ocp.wait()
        return 0

    lax.fori_loop(0, half, row_body, 0)


def _sc_topk2(focus):
    batch = focus.shape[0]
    mesh = plsc.ScalarSubcoreMesh(axis_name="c", num_cores=SC_CORES)
    fn = functools.partial(
        pl.kernel,
        out_type=jax.ShapeDtypeStruct((batch, SC_LANES), jnp.int32),
        mesh=mesh,
        scratch_types=[
            pltpu.SMEM((focus.shape[1],), jnp.float32),
            pltpu.SMEM((SC_LANES,), jnp.int32),
            pltpu.SemaphoreType.DMA,
        ],
    )(_sc_topk2_body)
    return fn(focus)


def _top2(f):
    rows, cols = f.shape
    iota = lax.broadcasted_iota(jnp.int32, (rows, cols), 1)
    m1 = jnp.max(f, axis=1, keepdims=True)
    i1 = jnp.min(jnp.where(f == m1, iota, cols), axis=1, keepdims=True)
    f2 = jnp.where(iota == i1, -jnp.inf, f)
    m2 = jnp.max(f2, axis=1, keepdims=True)
    i2 = jnp.min(jnp.where(f2 == m2, iota, cols), axis=1, keepdims=True)
    return i1, i2, m1, m2, iota


def _attn_body(is_ref, focus_ref, dec_h_ref, wd_ref, bdec_ref, wv_ref,
               wcov_ref, ef_hbm, eo_hbm, cov_ref, mask_ref,
               ctx_ref, attn_ref, covout_ref,
               efg0, efg1, efg2, efg3, eog0, eog1, eog2, eog3,
               sems_ef, sems_eo):
    bsz, src_len = cov_ref.shape
    secl = focus_ref.shape[1]
    wordl = src_len // secl
    gb = bsz // GROUPS
    efgs = [efg0, efg1, efg2, efg3]
    eogs = [eog0, eog1, eog2, eog3]

    i1, i2, m1, m2, _ = _top2(focus_ref[...])

    pos = lax.broadcasted_iota(jnp.int32, (bsz, src_len), 1)
    sec_of_pos = pos // wordl
    oh0_full = (sec_of_pos == i1).astype(jnp.float32)
    oh1_full = (sec_of_pos == i2).astype(jnp.float32)

    tj = lax.broadcasted_iota(jnp.int32, (wordl, src_len), 0)
    tp = lax.broadcasted_iota(jnp.int32, (wordl, src_len), 1)
    t_sel = (tp % wordl == tj).astype(jnp.float32)

    ef_copies = [[] for _ in range(GROUPS)]
    eo_copies = [[] for _ in range(GROUPS)]
    for b in range(bsz):
        g = b // gb
        lb = b % gb
        for f in range(F):
            sec = is_ref[b, f]
            ef_copies[g].append(pltpu.make_async_copy(
                ef_hbm.at[b, sec],
                efgs[g].at[lb, pl.ds(f * wordl, wordl), :],
                sems_ef.at[g]))
            eo_copies[g].append(pltpu.make_async_copy(
                eo_hbm.at[b, sec],
                eogs[g].at[lb, pl.ds(f * wordl, wordl), :],
                sems_eo.at[g]))
    for g in range(GROUPS):
        for c in ef_copies[g]:
            c.start()
        for c in eo_copies[g]:
            c.start()

    dec = lax.dot_general(
        dec_h_ref[...], wd_ref[...], (((1,), (1,)), ((), ())),
        preferred_element_type=jnp.float32)
    dec = dec + bdec_ref[...]

    cov2 = cov_ref[...]
    mask2 = mask_ref[...]

    def _rows(full2, oh_full):
        return lax.dot_general(
            full2 * oh_full, t_sel, (((1,), (1,)), ((), ())),
            preferred_element_type=jnp.float32)

    mask_row = jnp.concatenate(
        [_rows(mask2, oh0_full), _rows(mask2, oh1_full)], axis=1)
    cov_row = jnp.concatenate(
        [_rows(cov2, oh0_full), _rows(cov2, oh1_full)], axis=1)
    foc_row = jnp.concatenate(
        [jnp.broadcast_to(m1, (bsz, wordl)),
         jnp.broadcast_to(m2, (bsz, wordl))], axis=1)

    wv = wv_ref[...]
    wcov = wcov_ref[...]

    for g in range(GROUPS):
        for c in ef_copies[g]:
            c.wait()
        sl = pl.ds(g * gb, gb)
        x = (efgs[g][...] + dec[g * gb:(g + 1) * gb, None, :]
             + cov_row[g * gb:(g + 1) * gb, :, None] * wcov[None, :, :])
        t = jnp.tanh(x)
        s = jnp.sum(t * wv[None, :, :], axis=2)

        e = jnp.exp(s - jnp.max(s, axis=1, keepdims=True))
        af = e * mask_row[g * gb:(g + 1) * gb] * foc_row[g * gb:(g + 1) * gb]
        w = af / jnp.sum(af, axis=1, keepdims=True)

        for c in eo_copies[g]:
            c.wait()
        ctx_ref[sl] = jnp.sum(w[:, :, None] * eogs[g][...], axis=1)

        w_full0 = lax.dot_general(
            w[:, :wordl], t_sel, (((1,), (0,)), ((), ())),
            preferred_element_type=jnp.float32)
        w_full1 = lax.dot_general(
            w[:, wordl:], t_sel, (((1,), (0,)), ((), ())),
            preferred_element_type=jnp.float32)
        attn = (oh0_full[g * gb:(g + 1) * gb] * w_full0
                + oh1_full[g * gb:(g + 1) * gb] * w_full1)
        attn_ref[sl] = attn
        covout_ref[sl] = cov2[g * gb:(g + 1) * gb] + attn


def kernel(dec_hidden, enc_output, enc_feature, enc_mask, sec_attn, coverage,
           focus, W_dec, b_dec, w_v, w_cov):
    batch, src_len, dim = enc_output.shape
    secl = focus.shape[1]
    wordl = src_len // secl
    gb = batch // GROUPS

    ef = enc_feature.reshape(batch, secl, wordl, dim)
    eo = enc_output.reshape(batch, secl, wordl, dim)

    inds = _sc_topk2(focus)

    context, attn_dist, covout = pl.pallas_call(
        _attn_body,
        in_specs=[
            pl.BlockSpec(memory_space=pltpu.SMEM),
            pl.BlockSpec(memory_space=pltpu.VMEM),
            pl.BlockSpec(memory_space=pltpu.VMEM),
            pl.BlockSpec(memory_space=pltpu.VMEM),
            pl.BlockSpec(memory_space=pltpu.VMEM),
            pl.BlockSpec(memory_space=pltpu.VMEM),
            pl.BlockSpec(memory_space=pltpu.VMEM),
            pl.BlockSpec(memory_space=pltpu.HBM),
            pl.BlockSpec(memory_space=pltpu.HBM),
            pl.BlockSpec(memory_space=pltpu.VMEM),
            pl.BlockSpec(memory_space=pltpu.VMEM),
        ],
        out_specs=[
            pl.BlockSpec(memory_space=pltpu.VMEM),
            pl.BlockSpec(memory_space=pltpu.VMEM),
            pl.BlockSpec(memory_space=pltpu.VMEM),
        ],
        scratch_shapes=(
            [pltpu.VMEM((gb, F * wordl, dim), jnp.float32)
             for _ in range(2 * GROUPS)]
            + [pltpu.SemaphoreType.DMA((GROUPS,)),
               pltpu.SemaphoreType.DMA((GROUPS,))]),
        out_shape=(jax.ShapeDtypeStruct((batch, dim), jnp.float32),
                   jax.ShapeDtypeStruct((batch, src_len), jnp.float32),
                   jax.ShapeDtypeStruct((batch, src_len), jnp.float32)),
    )(inds, focus, dec_hidden, W_dec, b_dec.reshape(1, dim),
      w_v.reshape(1, dim), w_cov.reshape(1, dim), ef, eo, coverage, enc_mask)

    return (context, attn_dist, covout)

# --- scband reference (transcript-rebuilt; emitter-appended) ---
"""Pipeline reference for scband-attention-15109694948045 (READ-ONLY COPY).

The authoritative reference and input builder live on the scoring server;
editing this copy changes nothing except your own understanding.
"""

import jax, jax.numpy as jnp
import numpy as np

B, S, DIM = 32, 2048, 512
SECL, WORDL = 64, 32
F_SIZE = 2  # config.mode == 'train'


def setup_inputs(seed: int = 0) -> dict:
    key = jax.random.key(seed)
    ks = jax.random.split(key, 12)
    return {
        "dec_hidden": jax.random.normal(ks[0], (B, DIM), jnp.float32),
        "enc_output": jax.random.normal(ks[1], (B, S, DIM), jnp.float32),
        "enc_feature": jax.random.normal(ks[2], (B, S, DIM), jnp.float32),
        "enc_mask": jnp.ones((B, S), jnp.float32),
        "sec_attn": jax.random.uniform(ks[3], (B, SECL), jnp.float32),
        "coverage": jax.random.uniform(ks[4], (B, S), jnp.float32),
        "focus": jax.random.uniform(ks[5], (B, SECL), jnp.float32),
        "W_dec": jax.random.normal(ks[6], (DIM, DIM), jnp.float32) * 0.02,
        "b_dec": jnp.zeros((DIM,), jnp.float32),
        "w_v": jax.random.normal(ks[7], (DIM,), jnp.float32) * 0.02,
        "w_cov": jax.random.normal(ks[8], (DIM,), jnp.float32) * 0.02,
    }


def reference(dec_hidden, enc_output, enc_feature, enc_mask, sec_attn, coverage, focus, W_dec, b_dec, w_v, w_cov):
    batch, src_len, dim = enc_output.shape
    # decode_proj
    dec_feature = dec_hidden @ W_dec.T + b_dec  # [B, dim]
    att_features = enc_feature + dec_feature[:, None, :]  # [B, S, dim]
    # coverage feature: Linear(1, dim, bias=False)
    att_features = att_features + coverage[:, :, None] * w_cov[None, None, :]
    # v: Linear(dim, 1, bias=False)
    score = jnp.tanh(att_features) @ w_v  # [B, S]
    secL = sec_attn.shape[1]
    wordL = src_len // secL
    # hard branch: top-k focus over sections
    score_r = score.reshape(batch, secL, wordL)
    topk_focus, gather_inds = jax.lax.top_k(focus, F_SIZE)  # [B, F]
    gidx = jnp.broadcast_to(gather_inds[:, :, None], (batch, F_SIZE, wordL))
    score_g = jnp.take_along_axis(score_r, gidx, axis=1).reshape(batch, -1)  # [B, F*wordL]
    mask_g = jnp.take_along_axis(enc_mask.reshape(batch, secL, wordL), gidx, axis=1).reshape(batch, -1)
    attn = jax.nn.softmax(score_g, axis=1) * mask_g
    attn = attn / jnp.sum(attn, axis=1, keepdims=True)
    attn_foc = attn.reshape(batch, F_SIZE, wordL) * topk_focus[:, :, None]  # einsum bs,bsw->bsw
    # scatter back into full [B, secL, wordL]
    b_idx = jnp.arange(batch)[:, None, None]
    w_idx = jnp.arange(wordL)[None, None, :]
    attn_full = jnp.zeros((batch, secL, wordL), jnp.float32).at[b_idx, gidx, w_idx].set(attn_foc)
    attn_dist = attn_full.reshape(batch, src_len)
    attn_dist = attn_dist / jnp.sum(attn_dist, axis=1, keepdims=True)
    context = jnp.einsum('bs,bsd->bd', attn_dist, enc_output)  # bmm with [B,1,S]
    coverage_out = coverage + attn_dist
    return (context, attn_dist, coverage_out)

if __name__ == "__main__":
    import jax
    _d = setup_inputs()
    print(jax.jit(kernel)(*tuple(_d.values())))

</pallas_src>

<mosaic_0001>
#map = affine_map<(d0) -> (0, 0)>
module attributes {stable_mosaic.version = 14 : i64} {
  func.func @_sc_topk2_body(%arg0: i32, %arg1: memref<32x64xf32, #tpu.memory_space<hbm>>, %arg2: memref<32x16xi32, #tpu.memory_space<hbm>>, %arg3: memref<64xf32, #tpu.memory_space<smem>>, %arg4: memref<16xi32, #tpu.memory_space<smem>>, %arg5: memref<!tpu.dma_semaphore, #tpu.memory_space<semaphore_mem>>) attributes {dimension_semantics = [#tpu.dimension_semantics<core_parallel>], iteration_bounds = array<i64: 2>, scalar_prefetch = 0 : i64, scratch_operands = 3 : i64, tpu.core_type = #tpu.core_type<sc_scalar_subcore>, window_params = [{transform_indices = #map}, {transform_indices = #map}]} {
    %scan3A = arith.constant 0 : i32
    %scan3A_0 = arith.constant 0 : i32
    %scan3A_1 = arith.constant 16 : i32
    %scan3A_2 = arith.addi %scan3A_0, %scan3A_1 : i32
    %scan3A_3 = arith.constant 1 : i32
    %scan3A_4 = scf.for %scan3A_6 = %scan3A_0 to %scan3A_2 step %scan3A_3 iter_args(%scan3A_7 = %scan3A) -> (i32)  : i32 {
      %mul3A = arith.constant 16 : i32
      %mul3A_8 = arith.muli %arg0, %mul3A : i32
      %add3A = arith.addi %mul3A_8, %scan3A_6 : i32
      %dma_start3A = arith.constant 0 : i32
      %dma_start3A_9 = tpu.memref_slice %arg1[%add3A, %dma_start3A] : memref<32x64xf32, #tpu.memory_space<hbm>> -> memref<1x64xf32, #tpu.memory_space<hbm>>
      %dma_start3A_10 = tpu.memref_squeeze %dma_start3A_9 : memref<1x64xf32, #tpu.memory_space<hbm>> -> memref<64xf32, #tpu.memory_space<hbm>>
      tpu.enqueue_dma source(%dma_start3A_10 : memref<64xf32, #tpu.memory_space<hbm>>) target(%arg3 : memref<64xf32, #tpu.memory_space<smem>>) target_semaphore(%arg5 : memref<!tpu.dma_semaphore, #tpu.memory_space<semaphore_mem>>)
      %dma_wait3A = arith.constant 0 : i32
      %dma_wait3A_11 = tpu.memref_slice %arg1[%add3A, %dma_wait3A] : memref<32x64xf32, #tpu.memory_space<hbm>> -> memref<1x64xf32, #tpu.memory_space<hbm>>
      %dma_wait3A_12 = tpu.memref_squeeze %dma_wait3A_11 : memref<1x64xf32, #tpu.memory_space<hbm>> -> memref<64xf32, #tpu.memory_space<hbm>>
      tpu.wait_dma2 semaphore(%arg5 : memref<!tpu.dma_semaphore, #tpu.memory_space<semaphore_mem>>) src(%dma_wait3A_12 : memref<64xf32, #tpu.memory_space<hbm>>) dst(%arg3 : memref<64xf32, #tpu.memory_space<smem>>)
      %scan3A_13 = arith.constant -3.000000e+38 : f32
      %scan3A_14 = arith.constant 0 : i32
      %scan3A_15 = arith.constant -3.000000e+38 : f32
      %scan3A_16 = arith.constant 0 : i32
      %scan3A_17 = arith.constant 0 : i32
      %scan3A_18 = arith.constant 64 : i32
      %scan3A_19 = arith.addi %scan3A_17, %scan3A_18 : i32
      %scan3A_20 = arith.constant 1 : i32
      %scan3A_21:4 = scf.for %scan3A_35 = %scan3A_17 to %scan3A_19 step %scan3A_20 iter_args(%scan3A_36 = %scan3A_13, %scan3A_37 = %scan3A_14, %scan3A_38 = %scan3A_15, %scan3A_39 = %scan3A_16) -> (f32, i32, f32, i32)  : i32 {
        %get3A = arith.index_cast %scan3A_35 : i32 to index
        %get3A_40 = memref.load %arg3[%get3A] : memref<64xf32, #tpu.memory_space<smem>>
        %gt3A = arith.cmpf ogt, %get3A_40, %scan3A_36 : f32
        %gt3A_41 = arith.cmpf ogt, %get3A_40, %scan3A_38 : f32
        %select_n3A = arith.select %gt3A_41, %get3A_40, %scan3A_38 : f32
        %select_n3A_42 = arith.select %gt3A, %scan3A_36, %select_n3A : f32
        %select_n3A_43 = arith.select %gt3A_41, %scan3A_35, %scan3A_39 : i32
        %select_n3A_44 = arith.select %gt3A, %scan3A_37, %select_n3A_43 : i32
        %select_n3A_45 = arith.select %gt3A, %get3A_40, %scan3A_36 : f32
        %select_n3A_46 = arith.select %gt3A, %scan3A_35, %scan3A_37 : i32
        scf.yield %select_n3A_45, %select_n3A_46, %select_n3A_42, %select_n3A_44 : f32, i32, f32, i32
      }
      %scan3A_22 = arith.constant 64 : i32
      %swap3A = arith.constant 0 : i32
      %swap3A_23 = arith.index_cast %swap3A : i32 to index
      %swap3A_24 = memref.load %arg4[%swap3A_23] : memref<16xi32, #tpu.memory_space<smem>>
      memref.store %scan3A_21#1, %arg4[%swap3A_23] : memref<16xi32, #tpu.memory_space<smem>>
      %swap3A_25 = arith.constant 1 : i32
      %swap3A_26 = arith.index_cast %swap3A_25 : i32 to index
      %swap3A_27 = memref.load %arg4[%swap3A_26] : memref<16xi32, #tpu.memory_space<smem>>
      memref.store %scan3A_21#3, %arg4[%swap3A_26] : memref<16xi32, #tpu.memory_space<smem>>
      %dma_start3A_28 = arith.constant 0 : i32
      %dma_start3A_29 = tpu.memref_slice %arg2[%add3A, %dma_start3A_28] : memref<32x16xi32, #tpu.memory_space<hbm>> -> memref<1x16xi32, #tpu.memory_space<hbm>>
      %dma_start3A_30 = tpu.memref_squeeze %dma_start3A_29 : memref<1x16xi32, #tpu.memory_space<hbm>> -> memref<16xi32, #tpu.memory_space<hbm>>
      tpu.enqueue_dma source(%arg4 : memref<16xi32, #tpu.memory_space<smem>>) target(%dma_start3A_30 : memref<16xi32, #tpu.memory_space<hbm>>) target_semaphore(%arg5 : memref<!tpu.dma_semaphore, #tpu.memory_space<semaphore_mem>>)
      %dma_wait3A_31 = arith.constant 0 : i32
      %dma_wait3A_32 = tpu.memref_slice %arg2[%add3A, %dma_wait3A_31] : memref<32x16xi32, #tpu.memory_space<hbm>> -> memref<1x16xi32, #tpu.memory_space<hbm>>
      %dma_wait3A_33 = tpu.memref_squeeze %dma_wait3A_32 : memref<1x16xi32, #tpu.memory_space<hbm>> -> memref<16xi32, #tpu.memory_space<hbm>>
      tpu.wait_dma2 semaphore(%arg5 : memref<!tpu.dma_semaphore, #tpu.memory_space<semaphore_mem>>) src(%arg4 : memref<16xi32, #tpu.memory_space<smem>>) dst(%dma_wait3A_33 : memref<16xi32, #tpu.memory_space<hbm>>)
      %scan3A_34 = arith.constant 0 : i32
      scf.yield %scan3A_34 : i32
    }
    %scan3A_5 = arith.constant 16 : i32
    return
  }
}

module attributes {stable_mosaic.version = 14 : i64} {
  func.func @_attn_body(%arg0: memref<32x16xi32, #tpu.memory_space<smem>>, %arg1: memref<32x64xf32, #tpu.memory_space<vmem>>, %arg2: memref<32x512xf32, #tpu.memory_space<vmem>>, %arg3: memref<512x512xf32, #tpu.memory_space<vmem>>, %arg4: memref<1x512xf32, #tpu.memory_space<vmem>>, %arg5: memref<1x512xf32, #tpu.memory_space<vmem>>, %arg6: memref<1x512xf32, #tpu.memory_space<vmem>>, %arg7: memref<32x64x32x512xf32, #tpu.memory_space<hbm>>, %arg8: memref<32x64x32x512xf32, #tpu.memory_space<hbm>>, %arg9: memref<32x2048xf32, #tpu.memory_space<vmem>>, %arg10: memref<32x2048xf32, #tpu.memory_space<vmem>>, %arg11: memref<32x512xf32, #tpu.memory_space<vmem>>, %arg12: memref<32x2048xf32, #tpu.memory_space<vmem>>, %arg13: memref<32x2048xf32, #tpu.memory_space<vmem>>, %arg14: memref<8x64x512xf32, #tpu.memory_space<vmem>>, %arg15: memref<8x64x512xf32, #tpu.memory_space<vmem>>, %arg16: memref<8x64x512xf32, #tpu.memory_space<vmem>>, %arg17: memref<8x64x512xf32, #tpu.memory_space<vmem>>, %arg18: memref<8x64x512xf32, #tpu.memory_space<vmem>>, %arg19: memref<8x64x512xf32, #tpu.memory_space<vmem>>, %arg20: memref<8x64x512xf32, #tpu.memory_space<vmem>>, %arg21: memref<8x64x512xf32, #tpu.memory_space<vmem>>, %arg22: memref<4x!tpu.dma_semaphore, #tpu.memory_space<semaphore_mem>>, %arg23: memref<4x!tpu.dma_semaphore, #tpu.memory_space<semaphore_mem>>) attributes {dimension_semantics = [], scalar_prefetch = 0 : i64, scratch_operands = 10 : i64, tpu.core_type = #tpu.core_type<tc>} {
    %get3A = arith.constant 0 : index
    %get3A_0 = arith.constant 0 : index
    %get3A_1 = vector.load %arg1[%get3A, %get3A_0] : memref<32x64xf32, #tpu.memory_space<vmem>>, vector<32x64xf32>
    %iota3A = tpu.iota {dimensions = array<i32: 1>} : vector<32x64xi32>
    %reduce_max3A = arith.constant dense<0xFF800000> : vector<32xf32>
    %reduce_max3A_2 = vector.multi_reduction <maximumf>, %get3A_1, %reduce_max3A [1] : vector<32x64xf32> to vector<32xf32>
    %broadcast_in_dim3A = vector.shape_cast %reduce_max3A_2 : vector<32xf32> to vector<32x1xf32>
    %eq3A = vector.broadcast %broadcast_in_dim3A : vector<32x1xf32> to vector<32x64xf32>
    %eq3A_3 = arith.cmpf oeq, %get3A_1, %eq3A : vector<32x64xf32>
    %jit3A = arith.constant 64 : i32
    %broadcast_in_dim3A_4 = vector.broadcast %jit3A : i32 to vector<32x64xi32>
    %select_n3A = arith.select %eq3A_3, %iota3A, %broadcast_in_dim3A_4 : vector<32x64xi1>, vector<32x64xi32>
    %reduce_min3A = arith.constant dense<2147483647> : vector<32xi32>
    %reduce_min3A_5 = vector.multi_reduction <minsi>, %select_n3A, %reduce_min3A [1] : vector<32x64xi32> to vector<32xi32>
    %broadcast_in_dim3A_6 = vector.shape_cast %reduce_min3A_5 : vector<32xi32> to vector<32x1xi32>
    %eq3A_7 = vector.broadcast %broadcast_in_dim3A_6 : vector<32x1xi32> to vector<32x64xi32>
    %eq3A_8 = arith.cmpi eq, %iota3A, %eq3A_7 : vector<32x64xi32>
    %jit3A_9 = arith.constant 0xFF800000 : f32
    %broadcast_in_dim3A_10 = vector.broadcast %jit3A_9 : f32 to vector<32x64xf32>
    %select_n3A_11 = arith.select %eq3A_8, %broadcast_in_dim3A_10, %get3A_1 : vector<32x64xi1>, vector<32x64xf32>
    %reduce_max3A_12 = arith.constant dense<0xFF800000> : vector<32xf32>
    %reduce_max3A_13 = vector.multi_reduction <maximumf>, %select_n3A_11, %reduce_max3A_12 [1] : vector<32x64xf32> to vector<32xf32>
    %broadcast_in_dim3A_14 = vector.shape_cast %reduce_max3A_13 : vector<32xf32> to vector<32x1xf32>
    %eq3A_15 = vector.broadcast %broadcast_in_dim3A_14 : vector<32x1xf32> to vector<32x64xf32>
    %eq3A_16 = arith.cmpf oeq, %select_n3A_11, %eq3A_15 : vector<32x64xf32>
    %jit3A_17 = arith.constant 64 : i32
    %broadcast_in_dim3A_18 = vector.broadcast %jit3A_17 : i32 to vector<32x64xi32>
    %select_n3A_19 = arith.select %eq3A_16, %iota3A, %broadcast_in_dim3A_18 : vector<32x64xi1>, vector<32x64xi32>
    %reduce_min3A_20 = arith.constant dense<2147483647> : vector<32xi32>
    %reduce_min3A_21 = vector.multi_reduction <minsi>, %select_n3A_19, %reduce_min3A_20 [1] : vector<32x64xi32> to vector<32xi32>
    %broadcast_in_dim3A_22 = vector.shape_cast %reduce_min3A_21 : vector<32xi32> to vector<32x1xi32>
    %iota3A_23 = tpu.iota {dimensions = array<i32: 1>} : vector<32x2048xi32>
    %jit3A_24 = arith.constant 32 : i32
    %div3A = vector.broadcast %jit3A_24 : i32 to vector<32x2048xi32>
    %div3A_25 = arith.divsi %iota3A_23, %div3A : vector<32x2048xi32>
    %sign3A = arith.constant 0 : i32
    %sign3A_26 = vector.broadcast %sign3A : i32 to vector<32x2048xi32>
    %sign3A_27 = arith.cmpi sgt, %iota3A_23, %sign3A_26 : vector<32x2048xi32>
    %sign3A_28 = arith.extui %sign3A_27 : vector<32x2048xi1> to vector<32x2048xi32>
    %sign3A_29 = arith.constant 0 : i32
    %sign3A_30 = vector.broadcast %sign3A_29 : i32 to vector<32x2048xi32>
    %sign3A_31 = arith.cmpi slt, %iota3A_23, %sign3A_30 : vector<32x2048xi32>
    %sign3A_32 = arith.extui %sign3A_31 : vector<32x2048xi1> to vector<32x2048xi32>
    %sign3A_33 = arith.subi %sign3A_28, %sign3A_32 : vector<32x2048xi32>
    %sign3A_34 = arith.constant 0 : i32
    %sign3A_35 = arith.cmpi sgt, %jit3A_24, %sign3A_34 : i32
    %sign3A_36 = arith.extui %sign3A_35 : i1 to i32
    %sign3A_37 = arith.constant 0 : i32
    %sign3A_38 = arith.cmpi slt, %jit3A_24, %sign3A_37 : i32
    %sign3A_39 = arith.extui %sign3A_38 : i1 to i32
    %sign3A_40 = arith.subi %sign3A_36, %sign3A_39 : i32
    %ne3A = vector.broadcast %sign3A_40 : i32 to vector<32x2048xi32>
    %ne3A_41 = arith.cmpi ne, %sign3A_33, %ne3A : vector<32x2048xi32>
    %rem3A = vector.broadcast %jit3A_24 : i32 to vector<32x2048xi32>
    %rem3A_42 = arith.remsi %iota3A_23, %rem3A : vector<32x2048xi32>
    %ne3A_43 = arith.constant 0 : i32
    %ne3A_44 = vector.broadcast %ne3A_43 : i32 to vector<32x2048xi32>
    %ne3A_45 = arith.cmpi ne, %rem3A_42, %ne3A_44 : vector<32x2048xi32>
    %and3A = arith.andi %ne3A_41, %ne3A_45 : vector<32x2048xi1>
    %sub3A = arith.constant 1 : i32
    %sub3A_46 = vector.broadcast %sub3A : i32 to vector<32x2048xi32>
    %sub3A_47 = arith.subi %div3A_25, %sub3A_46 : vector<32x2048xi32>
    %select_n3A_48 = arith.select %and3A, %sub3A_47, %div3A_25 : vector<32x2048xi1>, vector<32x2048xi32>
    %eq3A_49 = vector.broadcast %broadcast_in_dim3A_6 : vector<32x1xi32> to vector<32x2048xi32>
    %eq3A_50 = arith.cmpi eq, %select_n3A_48, %eq3A_49 : vector<32x2048xi32>
    %convert_element_type3A = arith.extui %eq3A_50 : vector<32x2048xi1> to vector<32x2048xi32>
    %convert_element_type3A_51 = arith.sitofp %convert_element_type3A : vector<32x2048xi32> to vector<32x2048xf32>
    %eq3A_52 = vector.broadcast %broadcast_in_dim3A_22 : vector<32x1xi32> to vector<32x2048xi32>
    %eq3A_53 = arith.cmpi eq, %select_n3A_48, %eq3A_52 : vector<32x2048xi32>
    %convert_element_type3A_54 = arith.extui %eq3A_53 : vector<32x2048xi1> to vector<32x2048xi32>
    %convert_element_type3A_55 = arith.sitofp %convert_element_type3A_54 : vector<32x2048xi32> to vector<32x2048xf32>
    %iota3A_56 = tpu.iota {dimensions = array<i32: 0>} : vector<32x2048xi32>
    %iota3A_57 = tpu.iota {dimensions = array<i32: 1>} : vector<32x2048xi32>
    %jit3A_58 = arith.constant 32 : i32
    %eq3A_59 = arith.constant 0 : i32
    %eq3A_60 = arith.cmpi eq, %jit3A_58, %eq3A_59 : i32
    %jit3A_61 = arith.constant 1 : i32
    %select_n3A_62 = arith.select %eq3A_60, %jit3A_61, %jit3A_58 : i32
    %rem3A_63 = vector.broadcast %select_n3A_62 : i32 to vector<32x2048xi32>
    %rem3A_64 = arith.remsi %iota3A_57, %rem3A_63 : vector<32x2048xi32>
    %ne3A_65 = arith.constant 0 : i32
    %ne3A_66 = vector.broadcast %ne3A_65 : i32 to vector<32x2048xi32>
    %ne3A_67 = arith.cmpi ne, %rem3A_64, %ne3A_66 : vector<32x2048xi32>
    %lt3A = arith.constant 0 : i32
    %lt3A_68 = vector.broadcast %lt3A : i32 to vector<32x2048xi32>
    %lt3A_69 = arith.cmpi slt, %rem3A_64, %lt3A_68 : vector<32x2048xi32>
    %lt3A_70 = arith.constant 0 : i32
    %lt3A_71 = arith.cmpi slt, %select_n3A_62, %lt3A_70 : i32
    %ne3A_72 = vector.broadcast %lt3A_71 : i1 to vector<32x2048xi1>
    %ne3A_73 = vector.broadcast %ne3A_72 : vector<32x2048xi1> to vector<32x2048xi1>
    %ne3A_74 = arith.xori %lt3A_69, %ne3A_73 : vector<32x2048xi1>
    %and3A_75 = arith.andi %ne3A_74, %ne3A_67 : vector<32x2048xi1>
    %add3A = vector.broadcast %select_n3A_62 : i32 to vector<32x2048xi32>
    %add3A_76 = arith.addi %rem3A_64, %add3A : vector<32x2048xi32>
    %select_n3A_77 = arith.select %and3A_75, %add3A_76, %rem3A_64 : vector<32x2048xi1>, vector<32x2048xi32>
    %eq3A_78 = arith.cmpi eq, %select_n3A_77, %iota3A_56 : vector<32x2048xi32>
    %convert_element_type3A_79 = arith.extui %eq3A_78 : vector<32x2048xi1> to vector<32x2048xi32>
    %convert_element_type3A_80 = arith.sitofp %convert_element_type3A_79 : vector<32x2048xi32> to vector<32x2048xf32>
    %get3A_81 = arith.constant 0 : index
    %get3A_82 = arith.constant 0 : index
    %get3A_83 = memref.load %arg0[%get3A_81, %get3A_82] : memref<32x16xi32, #tpu.memory_space<smem>>
    %get3A_84 = arith.constant 0 : index
    %get3A_85 = arith.constant 1 : index
    %get3A_86 = memref.load %arg0[%get3A_84, %get3A_85] : memref<32x16xi32, #tpu.memory_space<smem>>
    %get3A_87 = arith.constant 1 : index
    %get3A_88 = arith.constant 0 : index
    %get3A_89 = memref.load %arg0[%get3A_87, %get3A_88] : memref<32x16xi32, #tpu.memory_space<smem>>
    %get3A_90 = arith.constant 1 : index
    %get3A_91 = arith.constant 1 : index
    %get3A_92 = memref.load %arg0[%get3A_90, %get3A_91] : memref<32x16xi32, #tpu.memory_space<smem>>
    %get3A_93 = arith.constant 2 : index
    %get3A_94 = arith.constant 0 : index
    %get3A_95 = memref.load %arg0[%get3A_93, %get3A_94] : memref<32x16xi32, #tpu.memory_space<smem>>
    %get3A_96 = arith.constant 2 : index
    %get3A_97 = arith.constant 1 : index
    %get3A_98 = memref.load %arg0[%get3A_96, %get3A_97] : memref<32x16xi32, #tpu.memory_space<smem>>
    %get3A_99 = arith.constant 3 : index
    %get3A_100 = arith.constant 0 : index
    %get3A_101 = memref.load %arg0[%get3A_99, %get3A_100] : memref<32x16xi32, #tpu.memory_space<smem>>
    %get3A_102 = arith.constant 3 : index
    %get3A_103 = arith.constant 1 : index
    %get3A_104 = memref.load %arg0[%get3A_102, %get3A_103] : memref<32x16xi32, #tpu.memory_space<smem>>
    %get3A_105 = arith.constant 4 : index
    %get3A_106 = arith.constant 0 : index
    %get3A_107 = memref.load %arg0[%get3A_105, %get3A_106] : memref<32x16xi32, #tpu.memory_space<smem>>
    %get3A_108 = arith.constant 4 : index
    %get3A_109 = arith.constant 1 : index
    %get3A_110 = memref.load %arg0[%get3A_108, %get3A_109] : memref<32x16xi32, #tpu.memory_space<smem>>
    %get3A_111 = arith.constant 5 : index
    %get3A_112 = arith.constant 0 : index
    %get3A_113 = memref.load %arg0[%get3A_111, %get3A_112] : memref<32x16xi32, #tpu.memory_space<smem>>
    %get3A_114 = arith.constant 5 : index
    %get3A_115 = arith.constant 1 : index
    %get3A_116 = memref.load %arg0[%get3A_114, %get3A_115] : memref<32x16xi32, #tpu.memory_space<smem>>
    %get3A_117 = arith.constant 6 : index
    %get3A_118 = arith.constant 0 : index
    %get3A_119 = memref.load %arg0[%get3A_117, %get3A_118] : memref<32x16xi32, #tpu.memory_space<smem>>
    %get3A_120 = arith.constant 6 : index
    %get3A_121 = arith.constant 1 : index
    %get3A_122 = memref.load %arg0[%get3A_120, %get3A_121] : memref<32x16xi32, #tpu.memory_space<smem>>
    %get3A_123 = arith.constant 7 : index
    %get3A_124 = arith.constant 0 : index
    %get3A_125 = memref.load %arg0[%get3A_123, %get3A_124] : memref<32x16xi32, #tpu.memory_space<smem>>
    %get3A_126 = arith.constant 7 : index
    %get3A_127 = arith.constant 1 : index
    %get3A_128 = memref.load %arg0[%get3A_126, %get3A_127] : memref<32x16xi32, #tpu.memory_space<smem>>
    %get3A_129 = arith.constant 8 : index
    %get3A_130 = arith.constant 0 : index
    %get3A_131 = memref.load %arg0[%get3A_129, %get3A_130] : memref<32x16xi32, #tpu.memory_space<smem>>
    %get3A_132 = arith.constant 8 : index
    %get3A_133 = arith.constant 1 : index
    %get3A_134 = memref.load %arg0[%get3A_132, %get3A_133] : memref<32x16xi32, #tpu.memory_space<smem>>
    %get3A_135 = arith.constant 9 : index
    %get3A_136 = arith.constant 0 : index
    %get3A_137 = memref.load %arg0[%get3A_135, %get3A_136] : memref<32x16xi32, #tpu.memory_space<smem>>
    %get3A_138 = arith.constant 9 : index
    %get3A_139 = arith.constant 1 : index
    %get3A_140 = memref.load %arg0[%get3A_138, %get3A_139] : memref<32x16xi32, #tpu.memory_space<smem>>
    %get3A_141 = arith.constant 10 : index
    %get3A_142 = arith.constant 0 : index
    %get3A_143 = memref.load %arg0[%get3A_141, %get3A_142] : memref<32x16xi32, #tpu.memory_space<smem>>
    %get3A_144 = arith.constant 10 : index
    %get3A_145 = arith.constant 1 : index
    %get3A_146 = memref.load %arg0[%get3A_144, %get3A_145] : memref<32x16xi32, #tpu.memory_space<smem>>
    %get3A_147 = arith.constant 11 : index
    %get3A_148 = arith.constant 0 : index
    %get3A_149 = memref.load %arg0[%get3A_147, %get3A_148] : memref<32x16xi32, #tpu.memory_space<smem>>
    %get3A_150 = arith.constant 11 : index
    %get3A_151 = arith.constant 1 : index
    %get3A_152 = memref.load %arg0[%get3A_150, %get3A_151] : memref<32x16xi32, #tpu.memory_space<smem>>
    %get3A_153 = arith.constant 12 : index
    %get3A_154 = arith.constant 0 : index
    %get3A_155 = memref.load %arg0[%get3A_153, %get3A_154] : memref<32x16xi32, #tpu.memory_space<smem>>
    %get3A_156 = arith.constant 12 : index
    %get3A_157 = arith.constant 1 : index
    %get3A_158 = memref.load %arg0[%get3A_156, %get3A_157] : memref<32x16xi32, #tpu.memory_space<smem>>
    %get3A_159 = arith.constant 13 : index
    %get3A_160 = arith.constant 0 : index
    %get3A_161 = memref.load %arg0[%get3A_159, %get3A_160] : memref<32x16xi32, #tpu.memory_space<smem>>
    %get3A_162 = arith.constant 13 : index
    %get3A_163 = arith.constant 1 : index
    %get3A_164 = memref.load %arg0[%get3A_162, %get3A_163] : memref<32x16xi32, #tpu.memory_space<smem>>
    %get3A_165 = arith.constant 14 : index
    %get3A_166 = arith.constant 0 : index
    %get3A_167 = memref.load %arg0[%get3A_165, %get3A_166] : memref<32x16xi32, #tpu.memory_space<smem>>
    %get3A_168 = arith.constant 14 : index
    %get3A_169 = arith.constant 1 : index
    %get3A_170 = memref.load %arg0[%get3A_168, %get3A_169] : memref<32x16xi32, #tpu.memory_space<smem>>
    %get3A_171 = arith.constant 15 : index
    %get3A_172 = arith.constant 0 : index
    %get3A_173 = memref.load %arg0[%get3A_171, %get3A_172] : memref<32x16xi32, #tpu.memory_space<smem>>
    %get3A_174 = arith.constant 15 : index
    %get3A_175 = arith.constant 1 : index
    %get3A_176 = memref.load %arg0[%get3A_174, %get3A_175] : memref<32x16xi32, #tpu.memory_space<smem>>
    %get3A_177 = arith.constant 16 : index
    %get3A_178 = arith.constant 0 : index
    %get3A_179 = memref.load %arg0[%get3A_177, %get3A_178] : memref<32x16xi32, #tpu.memory_space<smem>>
    %get3A_180 = arith.constant 16 : index
    %get3A_181 = arith.constant 1 : index
    %get3A_182 = memref.load %arg0[%get3A_180, %get3A_181] : memref<32x16xi32, #tpu.memory_space<smem>>
    %get3A_183 = arith.constant 17 : index
    %get3A_184 = arith.constant 0 : index
    %get3A_185 = memref.load %arg0[%get3A_183, %get3A_184] : memref<32x16xi32, #tpu.memory_space<smem>>
    %get3A_186 = arith.constant 17 : index
    %get3A_187 = arith.constant 1 : index
    %get3A_188 = memref.load %arg0[%get3A_186, %get3A_187] : memref<32x16xi32, #tpu.memory_space<smem>>
    %get3A_189 = arith.constant 18 : index
    %get3A_190 = arith.constant 0 : index
    %get3A_191 = memref.load %arg0[%get3A_189, %get3A_190] : memref<32x16xi32, #tpu.memory_space<smem>>
    %get3A_192 = arith.constant 18 : index
    %get3A_193 = arith.constant 1 : index
    %get3A_194 = memref.load %arg0[%get3A_192, %get3A_193] : memref<32x16xi32, #tpu.memory_space<smem>>
    %get3A_195 = arith.constant 19 : index
    %get3A_196 = arith.constant 0 : index
    %get3A_197 = memref.load %arg0[%get3A_195, %get3A_196] : memref<32x16xi32, #tpu.memory_space<smem>>
    %get3A_198 = arith.constant 19 : index
    %get3A_199 = arith.constant 1 : index
    %get3A_200 = memref.load %arg0[%get3A_198, %get3A_199] : memref<32x16xi32, #tpu.memory_space<smem>>
    %get3A_201 = arith.constant 20 : index
    %get3A_202 = arith.constant 0 : index
    %get3A_203 = memref.load %arg0[%get3A_201, %get3A_202] : memref<32x16xi32, #tpu.memory_space<smem>>
    %get3A_204 = arith.constant 20 : index
    %get3A_205 = arith.constant 1 : index
    %get3A_206 = memref.load %arg0[%get3A_204, %get3A_205] : memref<32x16xi32, #tpu.memory_space<smem>>
    %get3A_207 = arith.constant 21 : index
    %get3A_208 = arith.constant 0 : index
    %get3A_209 = memref.load %arg0[%get3A_207, %get3A_208] : memref<32x16xi32, #tpu.memory_space<smem>>
    %get3A_210 = arith.constant 21 : index
    %get3A_211 = arith.constant 1 : index
    %get3A_212 = memref.load %arg0[%get3A_210, %get3A_211] : memref<32x16xi32, #tpu.memory_space<smem>>
    %get3A_213 = arith.constant 22 : index
    %get3A_214 = arith.constant 0 : index
    %get3A_215 = memref.load %arg0[%get3A_213, %get3A_214] : memref<32x16xi32, #tpu.memory_space<smem>>
    %get3A_216 = arith.constant 22 : index
    %get3A_217 = arith.constant 1 : index
    %get3A_218 = memref.load %arg0[%get3A_216, %get3A_217] : memref<32x16xi32, #tpu.memory_space<smem>>
    %get3A_219 = arith.constant 23 : index
    %get3A_220 = arith.constant 0 : index
    %get3A_221 = memref.load %arg0[%get3A_219, %get3A_220] : memref<32x16xi32, #tpu.memory_space<smem>>
    %get3A_222 = arith.constant 23 : index
    %get3A_223 = arith.constant 1 : index
    %get3A_224 = memref.load %arg0[%get3A_222, %get3A_223] : memref<32x16xi32, #tpu.memory_space<smem>>
    %get3A_225 = arith.constant 24 : index
    %get3A_226 = arith.constant 0 : index
    %get3A_227 = memref.load %arg0[%get3A_225, %get3A_226] : memref<32x16xi32, #tpu.memory_space<smem>>
    %get3A_228 = arith.constant 24 : index
    %get3A_229 = arith.constant 1 : index
    %get3A_230 = memref.load %arg0[%get3A_228, %get3A_229] : memref<32x16xi32, #tpu.memory_space<smem>>
    %get3A_231 = arith.constant 25 : index
    %get3A_232 = arith.constant 0 : index
    %get3A_233 = memref.load %arg0[%get3A_231, %get3A_232] : memref<32x16xi32, #tpu.memory_space<smem>>
    %get3A_234 = arith.constant 25 : index
    %get3A_235 = arith.constant 1 : index
    %get3A_236 = memref.load %arg0[%get3A_234, %get3A_235] : memref<32x16xi32, #tpu.memory_space<smem>>
    %get3A_237 = arith.constant 26 : index
    %get3A_238 = arith.constant 0 : index
    %get3A_239 = memref.load %arg0[%get3A_237, %get3A_238] : memref<32x16xi32, #tpu.memory_space<smem>>
    %get3A_240 = arith.constant 26 : index
    %get3A_241 = arith.constant 1 : index
    %get3A_242 = memref.load %arg0[%get3A_240, %get3A_241] : memref<32x16xi32, #tpu.memory_space<smem>>
    %get3A_243 = arith.constant 27 : index
    %get3A_244 = arith.constant 0 : index
    %get3A_245 = memref.load %arg0[%get3A_243, %get3A_244] : memref<32x16xi32, #tpu.memory_space<smem>>
    %get3A_246 = arith.constant 27 : index
    %get3A_247 = arith.constant 1 : index
    %get3A_248 = memref.load %arg0[%get3A_246, %get3A_247] : memref<32x16xi32, #tpu.memory_space<smem>>
    %get3A_249 = arith.constant 28 : index
    %get3A_250 = arith.constant 0 : index
    %get3A_251 = memref.load %arg0[%get3A_249, %get3A_250] : memref<32x16xi32, #tpu.memory_space<smem>>
    %get3A_252 = arith.constant 28 : index
    %get3A_253 = arith.constant 1 : index
    %get3A_254 = memref.load %arg0[%get3A_252, %get3A_253] : memref<32x16xi32, #tpu.memory_space<smem>>
    %get3A_255 = arith.constant 29 : index
    %get3A_256 = arith.constant 0 : index
    %get3A_257 = memref.load %arg0[%get3A_255, %get3A_256] : memref<32x16xi32, #tpu.memory_space<smem>>
    %get3A_258 = arith.constant 29 : index
    %get3A_259 = arith.constant 1 : index
    %get3A_260 = memref.load %arg0[%get3A_258, %get3A_259] : memref<32x16xi32, #tpu.memory_space<smem>>
    %get3A_261 = arith.constant 30 : index
    %get3A_262 = arith.constant 0 : index
    %get3A_263 = memref.load %arg0[%get3A_261, %get3A_262] : memref<32x16xi32, #tpu.memory_space<smem>>
    %get3A_264 = arith.constant 30 : index
    %get3A_265 = arith.constant 1 : index
    %get3A_266 = memref.load %arg0[%get3A_264, %get3A_265] : memref<32x16xi32, #tpu.memory_space<smem>>
    %get3A_267 = arith.constant 31 : index
    %get3A_268 = arith.constant 0 : index
    %get3A_269 = memref.load %arg0[%get3A_267, %get3A_268] : memref<32x16xi32, #tpu.memory_space<smem>>
    %get3A_270 = arith.constant 31 : index
    %get3A_271 = arith.constant 1 : index
    %get3A_272 = memref.load %arg0[%get3A_270, %get3A_271] : memref<32x16xi32, #tpu.memory_space<smem>>
    %dma_start3A = arith.constant 0 : i32
    %dma_start3A_273 = arith.constant 0 : i32
    %dma_start3A_274 = arith.constant 0 : i32
    %dma_start3A_275 = tpu.memref_slice %arg22[%dma_start3A_274] : memref<4x!tpu.dma_semaphore, #tpu.memory_space<semaphore_mem>> -> memref<1x!tpu.dma_semaphore, #tpu.memory_space<semaphore_mem>>
    %dma_start3A_276 = tpu.memref_squeeze %dma_start3A_275 : memref<1x!tpu.dma_semaphore, #tpu.memory_space<semaphore_mem>> -> memref<!tpu.dma_semaphore, #tpu.memory_space<semaphore_mem>>
    %dma_start3A_277 = arith.constant 0 : i32
    %dma_start3A_278 = arith.constant 0 : i32
    %dma_start3A_279 = tpu.memref_slice %arg14[%dma_start3A_273, %dma_start3A_277, %dma_start3A_278] : memref<8x64x512xf32, #tpu.memory_space<vmem>> -> memref<1x32x512xf32, #tpu.memory_space<vmem>>
    %dma_start3A_280 = tpu.memref_squeeze %dma_start3A_279 : memref<1x32x512xf32, #tpu.memory_space<vmem>> -> memref<32x512xf32, #tpu.memory_space<vmem>>
    %dma_start3A_281 = arith.constant 0 : i32
    %dma_start3A_282 = arith.constant 0 : i32
    %dma_start3A_283 = tpu.memref_slice %arg7[%dma_start3A, %get3A_83, %dma_start3A_281, %dma_start3A_282] : memref<32x64x32x512xf32, #tpu.memory_space<hbm>> -> memref<1x1x32x512xf32, #tpu.memory_space<hbm>>
    %dma_start3A_284 = tpu.memref_squeeze %dma_start3A_283 : memref<1x1x32x512xf32, #tpu.memory_space<hbm>> -> memref<32x512xf32, #tpu.memory_space<hbm>>
    tpu.enqueue_dma source(%dma_start3A_284 : memref<32x512xf32, #tpu.memory_space<hbm>>) target(%dma_start3A_280 : memref<32x512xf32, #tpu.memory_space<vmem>>) target_semaphore(%dma_start3A_276 : memref<!tpu.dma_semaphore, #tpu.memory_space<semaphore_mem>>)
    %dma_start3A_285 = arith.constant 0 : i32
    %dma_start3A_286 = arith.constant 0 : i32
    %dma_start3A_287 = arith.constant 0 : i32
    %dma_start3A_288 = tpu.memref_slice %arg22[%dma_start3A_287] : memref<4x!tpu.dma_semaphore, #tpu.memory_space<semaphore_mem>> -> memref<1x!tpu.dma_semaphore, #tpu.memory_space<semaphore_mem>>
    %dma_start3A_289 = tpu.memref_squeeze %dma_start3A_288 : memref<1x!tpu.dma_semaphore, #tpu.memory_space<semaphore_mem>> -> memref<!tpu.dma_semaphore, #tpu.memory_space<semaphore_mem>>
    %dma_start3A_290 = arith.constant 32 : i32
    %dma_start3A_291 = arith.constant 0 : i32
    %dma_start3A_292 = tpu.memref_slice %arg14[%dma_start3A_286, %dma_start3A_290, %dma_start3A_291] : memref<8x64x512xf32, #tpu.memory_space<vmem>> -> memref<1x32x512xf32, #tpu.memory_space<vmem>>
    %dma_start3A_293 = tpu.memref_squeeze %dma_start3A_292 : memref<1x32x512xf32, #tpu.memory_space<vmem>> -> memref<32x512xf32, #tpu.memory_space<vmem>>
    %dma_start3A_294 = arith.constant 0 : i32
    %dma_start3A_295 = arith.constant 0 : i32
    %dma_start3A_296 = tpu.memref_slice %arg7[%dma_start3A_285, %get3A_86, %dma_start3A_294, %dma_start3A_295] : memref<32x64x32x512xf32, #tpu.memory_space<hbm>> -> memref<1x1x32x512xf32, #tpu.memory_space<hbm>>
    %dma_start3A_297 = tpu.memref_squeeze %dma_start3A_296 : memref<1x1x32x512xf32, #tpu.memory_space<hbm>> -> memref<32x512xf32, #tpu.memory_space<hbm>>
    tpu.enqueue_dma source(%dma_start3A_297 : memref<32x512xf32, #tpu.memory_space<hbm>>) target(%dma_start3A_293 : memref<32x512xf32, #tpu.memory_space<vmem>>) target_semaphore(%dma_start3A_289 : memref<!tpu.dma_semaphore, #tpu.memory_space<semaphore_mem>>)
    %dma_start3A_298 = arith.constant 1 : i32
    %dma_start3A_299 = arith.constant 1 : i32
    %dma_start3A_300 = arith.constant 0 : i32
    %dma_start3A_301 = tpu.memref_slice %arg22[%dma_start3A_300] : memref<4x!tpu.dma_semaphore, #tpu.memory_space<semaphore_mem>> -> memref<1x!tpu.dma_semaphore, #tpu.memory_space<semaphore_mem>>
    %dma_start3A_302 = tpu.memref_squeeze %dma_start3A_301 : memref<1x!tpu.dma_semaphore, #tpu.memory_space<semaphore_mem>> -> memref<!tpu.dma_semaphore, #tpu.memory_space<semaphore_mem>>
    %dma_start3A_303 = arith.constant 0 : i32
    %dma_start3A_304 = arith.constant 0 : i32
    %dma_start3A_305 = tpu.memref_slice %arg14[%dma_start3A_299, %dma_start3A_303, %dma_start3A_304] : memref<8x64x512xf32, #tpu.memory_space<vmem>> -> memref<1x32x512xf32, #tpu.memory_space<vmem>>
    %dma_start3A_306 = tpu.memref_squeeze %dma_start3A_305 : memref<1x32x512xf32, #tpu.memory_space<vmem>> -> memref<32x512xf32, #tpu.memory_space<vmem>>
    %dma_start3A_307 = arith.constant 0 : i32
    %dma_start3A_308 = arith.constant 0 : i32
    %dma_start3A_309 = tpu.memref_slice %arg7[%dma_start3A_298, %get3A_89, %dma_start3A_307, %dma_start3A_308] : memref<32x64x32x512xf32, #tpu.memory_space<hbm>> -> memref<1x1x32x512xf32, #tpu.memory_space<hbm>>
    %dma_start3A_310 = tpu.memref_squeeze %dma_start3A_309 : memref<1x1x32x512xf32, #tpu.memory_space<hbm>> -> memref<32x512xf32, #tpu.memory_space<hbm>>
    tpu.enqueue_dma source(%dma_start3A_310 : memref<32x512xf32, #tpu.memory_space<hbm>>) target(%dma_start3A_306 : memref<32x512xf32, #tpu.memory_space<vmem>>) target_semaphore(%dma_start3A_302 : memref<!tpu.dma_semaphore, #tpu.memory_space<semaphore_mem>>)
    %dma_start3A_311 = arith.constant 1 : i32
    %dma_start3A_312 = arith.constant 1 : i32
    %dma_start3A_313 = arith.constant 0 : i32
    %dma_start3A_314 = tpu.memref_slice %arg22[%dma_start3A_313] : memref<4x!tpu.dma_semaphore, #tpu.memory_space<semaphore_mem>> -> memref<1x!tpu.dma_semaphore, #tpu.memory_space<semaphore_mem>>
    %dma_start3A_315 = tpu.memref_squeeze %dma_start3A_314 : memref<1x!tpu.dma_semaphore, #tpu.memory_space<semaphore_mem>> -> memref<!tpu.dma_semaphore, #tpu.memory_space<semaphore_mem>>
    %dma_start3A_316 = arith.constant 32 : i32
    %dma_start3A_317 = arith.constant 0 : i32
    %dma_start3A_318 = tpu.memref_slice %arg14[%dma_start3A_312, %dma_start3A_316, %dma_start3A_317] : memref<8x64x512xf32, #tpu.memory_space<vmem>> -> memref<1x32x512xf32, #tpu.memory_space<vmem>>
    %dma_start3A_319 = tpu.memref_squeeze %dma_start3A_318 : memref<1x32x512xf32, #tpu.memory_space<vmem>> -> memref<32x512xf32, #tpu.memory_space<vmem>>
    %dma_start3A_320 = arith.constant 0 : i32
    %dma_start3A_321 = arith.constant 0 : i32
    %dma_start3A_322 = tpu.memref_slice %arg7[%dma_start3A_311, %get3A_92, %dma_start3A_320, %dma_start3A_321] : memref<32x64x32x512xf32, #tpu.memory_space<hbm>> -> memref<1x1x32x512xf32, #tpu.memory_space<hbm>>
    %dma_start3A_323 = tpu.memref_squeeze %dma_start3A_322 : memref<1x1x32x512xf32, #tpu.memory_space<hbm>> -> memref<32x512xf32, #tpu.memory_space<hbm>>
    tpu.enqueue_dma source(%dma_start3A_323 : memref<32x512xf32, #tpu.memory_space<hbm>>) target(%dma_start3A_319 : memref<32x512xf32, #tpu.memory_space<vmem>>) target_semaphore(%dma_start3A_315 : memref<!tpu.dma_semaphore, #tpu.memory_space<semaphore_mem>>)
    %dma_start3A_324 = arith.constant 2 : i32
    %dma_start3A_325 = arith.constant 2 : i32
    %dma_start3A_326 = arith.constant 0 : i32
    %dma_start3A_327 = tpu.memref_slice %arg22[%dma_start3A_326] : memref<4x!tpu.dma_semaphore, #tpu.memory_space<semaphore_mem>> -> memref<1x!tpu.dma_semaphore, #tpu.memory_space<semaphore_mem>>
    %dma_start3A_328 = tpu.memref_squeeze %dma_start3A_327 : memref<1x!tpu.dma_semaphore, #tpu.memory_space<semaphore_mem>> -> memref<!tpu.dma_semaphore, #tpu.memory_space<semaphore_mem>>
    %dma_start3A_329 = arith.constant 0 : i32
    %dma_start3A_330 = arith.constant 0 : i32
    %dma_start3A_331 = tpu.memref_slice %arg14[%dma_start3A_325, %dma_start3A_329, %dma_start3A_330] : memref<8x64x512xf32, #tpu.memory_space<vmem>> -> memref<1x32x512xf32, #tpu.memory_space<vmem>>
    %dma_start3A_332 = tpu.memref_squeeze %dma_start3A_331 : memref<1x32x512xf32, #tpu.memory_space<vmem>> -> memref<32x512xf32, #tpu.memory_space<vmem>>
    %dma_start3A_333 = arith.constant 0 : i32
    %dma_start3A_334 = arith.constant 0 : i32
    %dma_start3A_335 = tpu.memref_slice %arg7[%dma_start3A_324, %get3A_95, %dma_start3A_333, %dma_start3A_334] : memref<32x64x32x512xf32, #tpu.memory_space<hbm>> -> memref<1x1x32x512xf32, #tpu.memory_space<hbm>>
    %dma_start3A_336 = tpu.memref_squeeze %dma_start3A_335 : memref<1x1x32x512xf32, #tpu.memory_space<hbm>> -> memref<32x512xf32, #tpu.memory_space<hbm>>
    tpu.enqueue_dma source(%dma_start3A_336 : memref<32x512xf32, #tpu.memory_space<hbm>>) target(%dma_start3A_332 : memref<32x512xf32, #tpu.memory_space<vmem>>) target_semaphore(%dma_start3A_328 : memref<!tpu.dma_semaphore, #tpu.memory_space<semaphore_mem>>)
    %dma_start3A_337 = arith.constant 2 : i32
    %dma_start3A_338 = arith.constant 2 : i32
    %dma_start3A_339 = arith.constant 0 : i32
    %dma_start3A_340 = tpu.memref_slice %arg22[%dma_start3A_339] : memref<4x!tpu.dma_semaphore, #tpu.memory_space<semaphore_mem>> -> memref<1x!tpu.dma_semaphore, #tpu.memory_space<semaphore_mem>>
    %dma_start3A_341 = tpu.memref_squeeze %dma_start3A_340 : memref<1x!tpu.dma_semaphore, #tpu.memory_space<semaphore_mem>> -> memref<!tpu.dma_semaphore, #tpu.memory_space<semaphore_mem>>
    %dma_start3A_342 = arith.constant 32 : i32
    %dma_start3A_343 = arith.constant 0 : i32
    %dma_start3A_344 = tpu.memref_slice %arg14[%dma_start3A_338, %dma_start3A_342, %dma_start3A_343] : memref<8x64x512xf32, #tpu.memory_space<vmem>> -> memref<1x32x512xf32, #tpu.memory_space<vmem>>
    %dma_start3A_345 = tpu.memref_squeeze %dma_start3A_344 : memref<1x32x512xf32, #tpu.memory_space<vmem>> -> memref<32x512xf32, #tpu.memory_space<vmem>>
    %dma_start3A_346 = arith.constant 0 : i32
    %dma_start3A_347 = arith.constant 0 : i32
    %dma_start3A_348 = tpu.memref_slice %arg7[%dma_start3A_337, %get3A_98, %dma_start3A_346, %dma_start3A_347] : memref<32x64x32x512xf32, #tpu.memory_space<hbm>> -> memref<1x1x32x512xf32, #tpu.memory_space<hbm>>
    %dma_start3A_349 = tpu.memref_squeeze %dma_start3A_348 : memref<1x1x32x512xf32, #tpu.memory_space<hbm>> -> memref<32x512xf32, #tpu.memory_space<hbm>>
    tpu.enqueue_dma source(%dma_start3A_349 : memref<32x512xf32, #tpu.memory_space<hbm>>) target(%dma_start3A_345 : memref<32x512xf32, #tpu.memory_space<vmem>>) target_semaphore(%dma_start3A_341 : memref<!tpu.dma_semaphore, #tpu.memory_space<semaphore_mem>>)
    %dma_start3A_350 = arith.constant 3 : i32
    %dma_start3A_351 = arith.constant 3 : i32
    %dma_start3A_352 = arith.constant 0 : i32
    %dma_start3A_353 = tpu.memref_slice %arg22[%dma_start3A_352] : memref<4x!tpu.dma_semaphore, #tpu.memory_space<semaphore_mem>> -> memref<1x!tpu.dma_semaphore, #tpu.memory_space<semaphore_mem>>
    %dma_start3A_354 = tpu.memref_squeeze %dma_start3A_353 : memref<1x!tpu.dma_semaphore, #tpu.memory_space<semaphore_mem>> -> memref<!tpu.dma_semaphore, #tpu.memory_space<semaphore_mem>>
    %dma_start3A_355 = arith.constant 0 : i32
    %dma_start3A_356 = arith.constant 0 : i32
    %dma_start3A_357 = tpu.memref_slice %arg14[%dma_start3A_351, %dma_start3A_355, %dma_start3A_356] : memref<8x64x512xf32, #tpu.memory_space<vmem>> -> memref<1x32x512xf32, #tpu.memory_space<vmem>>
    %dma_start3A_358 = tpu.memref_squeeze %dma_start3A_357 : memref<1x32x512xf32, #tpu.memory_space<vmem>> -> memref<32x512xf32, #tpu.memory_space<vmem>>
    %dma_start3A_359 = arith.constant 0 : i32
    %dma_start3A_360 = arith.constant 0 : i32
    %dma_start3A_361 = tpu.memref_slice %arg7[%dma_start3A_350, %get3A_101, %dma_start3A_359, %dma_start3A_360] : memref<32x64x32x512xf32, #tpu.memory_space<hbm>> -> memref<1x1x32x512xf32, #tpu.memory_space<hbm>>
    %dma_start3A_362 = tpu.memref_squeeze %dma_start3A_361 : memref<1x1x32x512xf32, #tpu.memory_space<hbm>> -> memref<32x512xf32, #tpu.memory_space<hbm>>
    tpu.enqueue_dma source(%dma_start3A_362 : memref<32x512xf32, #tpu.memory_space<hbm>>) target(%dma_start3A_358 : memref<32x512xf32, #tpu.memory_space<vmem>>) target_semaphore(%dma_start3A_354 : memref<!tpu.dma_semaphore, #tpu.memory_space<semaphore_mem>>)
    %dma_start3A_363 = arith.constant 3 : i32
    %dma_start3A_364 = arith.constant 3 : i32
    %dma_start3A_365 = arith.constant 0 : i32
    %dma_start3A_366 = tpu.memref_slice %arg22[%dma_start3A_365] : memref<4x!tpu.dma_semaphore, #tpu.memory_space<semaphore_mem>> -> memref<1x!tpu.dma_semaphore, #tpu.memory_space<semaphore_mem>>
    %dma_start3A_367 = tpu.memref_squeeze %dma_start3A_366 : memref<1x!tpu.dma_semaphore, #tpu.memory_space<semaphore_mem>> -> memref<!tpu.dma_semaphore, #tpu.memory_space<semaphore_mem>>
    %dma_start3A_368 = arith.constant 32 : i32
    %dma_start3A_369 = arith.constant 0 : i32
    %dma_start3A_370 = tpu.memref_slice %arg14[%dma_start3A_364, %dma_start3A_368, %dma_start3A_369] : memref<8x64x512xf32, #tpu.memory_space<vmem>> -> memref<1x32x512xf32, #tpu.memory_space<vmem>>
    %dma_start3A_371 = tpu.memref_squeeze %dma_start3A_370 : memref<1x32x512xf32, #tpu.memory_space<vmem>> -> memref<32x512xf32, #tpu.memory_space<vmem>>
    %dma_start3A_372 = arith.constant 0 : i32
    %dma_start3A_373 = arith.constant 0 : i32
    %dma_start3A_374 = tpu.memref_slice %arg7[%dma_start3A_363, %get3A_104, %dma_start3A_372, %dma_start3A_373] : memref<32x64x32x512xf32, #tpu.memory_space<hbm>> -> memref<1x1x32x512xf32, #tpu.memory_space<hbm>>
    %dma_start3A_375 = tpu.memref_squeeze %dma_start3A_374 : memref<1x1x32x512xf32, #tpu.memory_space<hbm>> -> memref<32x512xf32, #tpu.memory_space<hbm>>
    tpu.enqueue_dma source(%dma_start3A_375 : memref<32x512xf32, #tpu.memory_space<hbm>>) target(%dma_start3A_371 : memref<32x512xf32, #tpu.memory_space<vmem>>) target_semaphore(%dma_start3A_367 : memref<!tpu.dma_semaphore, #tpu.memory_space<semaphore_mem>>)
    %dma_start3A_376 = arith.constant 4 : i32
    %dma_start3A_377 = arith.constant 4 : i32
    %dma_start3A_378 = arith.constant 0 : i32
    %dma_start3A_379 = tpu.memref_slice %arg22[%dma_start3A_378] : memref<4x!tpu.dma_semaphore, #tpu.memory_space<semaphore_mem>> -> memref<1x!tpu.dma_semaphore, #tpu.memory_space<semaphore_mem>>
    %dma_start3A_380 = tpu.memref_squeeze %dma_start3A_379 : memref<1x!tpu.dma_semaphore, #tpu.memory_space<semaphore_mem>> -> memref<!tpu.dma_semaphore, #tpu.memory_space<semaphore_mem>>
    %dma_start3A_381 = arith.constant 0 : i32
    %dma_start3A_382 = arith.constant 0 : i32
    %dma_start3A_383 = tpu.memref_slice %arg14[%dma_start3A_377, %dma_start3A_381, %dma_start3A_382] : memref<8x64x512xf32, #tpu.memory_space<vmem>> -> memref<1x32x512xf32, #tpu.memory_space<vmem>>
    %dma_start3A_384 = tpu.memref_squeeze %dma_start3A_383 : memref<1x32x512xf32, #tpu.memory_space<vmem>> -> memref<32x512xf32, #tpu.memory_space<vmem>>
    %dma_start3A_385 = arith.constant 0 : i32
    %dma_start3A_386 = arith.constant 0 : i32
    %dma_start3A_387 = tpu.memref_slice %arg7[%dma_start3A_376, %get3A_107, %dma_start3A_385, %dma_start3A_386] : memref<32x64x32x512xf32, #tpu.memory_space<hbm>> -> memref<1x1x32x512xf32, #tpu.memory_space<hbm>>
    %dma_start3A_388 = tpu.memref_squeeze %dma_start3A_387 : memref<1x1x32x512xf32, #tpu.memory_space<hbm>> -> memref<32x512xf32, #tpu.memory_space<hbm>>
    tpu.enqueue_dma source(%dma_start3A_388 : memref<32x512xf32, #tpu.memory_space<hbm>>) target(%dma_start3A_384 : memref<32x512xf32, #tpu.memory_space<vmem>>) target_semaphore(%dma_start3A_380 : memref<!tpu.dma_semaphore, #tpu.memory_space<semaphore_mem>>)
    %dma_start3A_389 = arith.constant 4 : i32
    %dma_start3A_390 = arith.constant 4 : i32
    %dma_start3A_391 = arith.constant 0 : i32
    %dma_start3A_392 = tpu.memref_slice %arg22[%dma_start3A_391] : memref<4x!tpu.dma_semaphore, #tpu.memory_space<semaphore_mem>> -> memref<1x!tpu.dma_semaphore, #tpu.memory_space<semaphore_mem>>
    %dma_start3A_393 = tpu.memref_squeeze %dma_start3A_392 : memref<1x!tpu.dma_semaphore, #tpu.memory_space<semaphore_mem>> -> memref<!tpu.dma_semaphore, #tpu.memory_space<semaphore_mem>>
    %dma_start3A_394 = arith.constant 32 : i32
    %dma_start3A_395 = arith.constant 0 : i32
    %dma_start3A_396 = tpu.memref_slice %arg14[%dma_start3A_390, %dma_start3A_394, %dma_start3A_395] : memref<8x64x512xf32, #tpu.memory_space<vmem>> -> memref<1x32x512xf32, #tpu.memory_space<vmem>>
    %dma_start3A_397 = tpu.memref_squeeze %dma_start3A_396 : memref<1x32x512xf32, #tpu.memory_space<vmem>> -> memref<32x512xf32, #tpu.memory_space<vmem>>
    %dma_start3A_398 = arith.constant 0 : i32
    %dma_start3A_399 = arith.constant 0 : i32
    %dma_start3A_400 = tpu.memref_slice %arg7[%dma_start3A_389, %get3A_110, %dma_start3A_398, %dma_start3A_399] : memref<32x64x32x512xf32, #tpu.memory_space<hbm>> -> memref<1x1x32x512xf32, #tpu.memory_space<hbm>>
    %dma_start3A_401 = tpu.memref_squeeze %dma_start3A_400 : memref<1x1x32x512xf32, #tpu.memory_space<hbm>> -> memref<32x512xf32, #tpu.memory_space<hbm>>
    tpu.enqueue_dma source(%dma_start3A_401 : memref<32x512xf32, #tpu.memory_space<hbm>>) target(%dma_start3A_397 : memref<32x512xf32, #tpu.memory_space<vmem>>) target_semaphore(%dma_start3A_393 : memref<!tpu.dma_semaphore, #tpu.memory_space<semaphore_mem>>)
    %dma_start3A_402 = arith.constant 5 : i32
    %dma_start3A_403 = arith.constant 5 : i32
    %dma_start3A_404 = arith.constant 0 : i32
    %dma_start3A_405 = tpu.memref_slice %arg22[%dma_start3A_404] : memref<4x!tpu.dma_semaphore, #tpu.memory_space<semaphore_mem>> -> memref<1x!tpu.dma_semaphore, #tpu.memory_space<semaphore_mem>>
    %dma_start3A_406 = tpu.memref_squeeze %dma_start3A_405 : memref<1x!tpu.dma_semaphore, #tpu.memory_space<semaphore_mem>> -> memref<!tpu.dma_semaphore, #tpu.memory_space<semaphore_mem>>
    %dma_start3A_407 = arith.constant 0 : i32
    %dma_start3A_408 = arith.constant 0 : i32
    %dma_start3A_409 = tpu.memref_slice %arg14[%dma_start3A_403, %dma_start3A_407, %dma_start3A_408] : memref<8x64x512xf32, #tpu.memory_space<vmem>> -> memref<1x32x512xf32, #tpu.memory_space<vmem>>
    %dma_start3A_410 = tpu.memref_squeeze %dma_start3A_409 : memref<1x32x512xf32, #tpu.memory_space<vmem>> -> memref<32x512xf32, #tpu.memory_space<vmem>>
    %dma_start3A_411 = arith.constant 0 : i32
    %dma_start3A_412 = arith.constant 0 : i32
    %dma_start3A_413 = tpu.memref_slice %arg7[%dma_start3A_402, %get3A_113, %dma_start3A_411, %dma_start3A_412] : memref<32x64x32x512xf32, #tpu.memory_space<hbm>> -> memref<1x1x32x512xf32, #tpu.memory_space<hbm>>
    %dma_start3A_414 = tpu.memref_squeeze %dma_start3A_413 : memref<1x1x32x512xf32, #tpu.memory_space<hbm>> -> memref<32x512xf32, #tpu.memory_space<hbm>>
    tpu.enqueue_dma source(%dma_start3A_414 : memref<32x512xf32, #tpu.memory_space<hbm>>) target(%dma_start3A_410 : memref<32x512xf32, #tpu.memory_space<vmem>>) target_semaphore(%dma_start3A_406 : memref<!tpu.dma_semaphore, #tpu.memory_space<semaphore_mem>>)
    %dma_start3A_415 = arith.constant 5 : i32
    %dma_start3A_416 = arith.constant 5 : i32
    %dma_start3A_417 = arith.constant 0 : i32
    %dma_start3A_418 = tpu.memref_slice %arg22[%dma_start3A_417] : memref<4x!tpu.dma_semaphore, #tpu.memory_space<semaphore_mem>> -> memref<1x!tpu.dma_semaphore, #tpu.memory_space<semaphore_mem>>
    %dma_start3A_419 = tpu.memref_squeeze %dma_start3A_418 : memref<1x!tpu.dma_semaphore, #tpu.memory_space<semaphore_mem>> -> memref<!tpu.dma_semaphore, #tpu.memory_space<semaphore_mem>>
    %dma_start3A_420 = arith.constant 32 : i32
    %dma_start3A_421 = arith.constant 0 : i32
    %dma_start3A_422 = tpu.memref_slice %arg14[%dma_start3A_416, %dma_start3A_420, %dma_start3A_421] : memref<8x64x512xf32, #tpu.memory_space<vmem>> -> memref<1x32x512xf32, #tpu.memory_space<vmem>>
    %dma_start3A_423 = tpu.memref_squeeze %dma_start3A_422 : memref<1x32x512xf32, #tpu.memory_space<vmem>> -> memref<32x512xf32, #tpu.memory_space<vmem>>
    %dma_start3A_424 = arith.constant 0 : i32
    %dma_start3A_425 = arith.constant 0 : i32
    %dma_start3A_426 = tpu.memref_slice %arg7[%dma_start3A_415, %get3A_116, %dma_start3A_424, %dma_start3A_425] : memref<32x64x32x512xf32, #tpu.memory_space<hbm>> -> memref<1x1x32x512xf32, #tpu.memory_space<hbm>>
    %dma_start3A_427 = tpu.memref_squeeze %dma_start3A_426 : memref<1x1x32x512xf32, #tpu.memory_space<hbm>> -> memref<32x512xf32, #tpu.memory_space<hbm>>
    tpu.enqueue_dma source(%dma_start3A_427 : memref<32x512xf32, #tpu.memory_space<hbm>>) target(%dma_start3A_423 : memref<32x512xf32, #tpu.memory_space<vmem>>) target_semaphore(%dma_start3A_419 : memref<!tpu.dma_semaphore, #tpu.memory_space<semaphore_mem>>)
    %dma_start3A_428 = arith.constant 6 : i32
    %dma_start3A_429 = arith.constant 6 : i32
    %dma_start3A_430 = arith.constant 0 : i32
    %dma_start3A_431 = tpu.memref_slice %arg22[%dma_start3A_430] : memref<4x!tpu.dma_semaphore, #tpu.memory_space<semaphore_mem>> -> memref<1x!tpu.dma_semaphore, #tpu.memory_space<semaphore_mem>>
    %dma_start3A_432 = tpu.memref_squeeze %dma_start3A_431 : memref<1x!tpu.dma_semaphore, #tpu.memory_space<semaphore_mem>> -> memref<!tpu.dma_semaphore, #tpu.memory_space<semaphore_mem>>
    %dma_start3A_433 = arith.constant 0 : i32
    %dma_start3A_434 = arith.constant 0 : i32
    %dma_start3A_435 = tpu.memref_slice %arg14[%dma_start3A_429, %dma_start3A_433, %dma_start3A_434] : memref<8x64x512xf32, #tpu.memory_space<vmem>> -> memref<1x32x512xf32, #tpu.memory_space<vmem>>
    %dma_start3A_436 = tpu.memref_squeeze %dma_start3A_435 : memref<1x32x512xf32, #tpu.memory_space<vmem>> -> memref<32x512xf32, #tpu.memory_space<vmem>>
    %dma_start3A_437 = arith.constant 0 : i32
    %dma_start3A_438 = arith.constant 0 : i32
    %dma_start3A_439 = tpu.memref_slice %arg7[%dma_start3A_428, %get3A_119, %dma_start3A_437, %dma_start3A_438] : memref<32x64x32x512xf32, #tpu.memory_space<hbm>> -> memref<1x1x32x512xf32, #tpu.memory_space<hbm>>
    %dma_start3A_440 = tpu.memref_squeeze %dma_start3A_439 : memref<1x1x32x512xf32, #tpu.memory_space<hbm>> -> memref<32x512xf32, #tpu.memory_space<hbm>>
    tpu.enqueue_dma source(%dma_start3A_440 : memref<32x512xf32, #tpu.memory_space<hbm>>) target(%dma_start3A_436 : memref<32x512xf32, #tpu.memory_space<vmem>>) target_semaphore(%dma_start3A_432 : memref<!tpu.dma_semaphore, #tpu.memory_space<semaphore_mem>>)
    %dma_start3A_441 = arith.constant 6 : i32
    %dma_start3A_442 = arith.constant 6 : i32
    %dma_start3A_443 = arith.constant 0 : i32
    %dma_start3A_444 = tpu.memref_slice %arg22[%dma_start3A_443] : memref<4x!tpu.dma_semaphore, #tpu.memory_space<semaphore_mem>> -> memref<1x!tpu.dma_semaphore, #tpu.memory_space<semaphore_mem>>
    %dma_start3A_445 = tpu.memref_squeeze %dma_start3A_444 : memref<1x!tpu.dma_semaphore, #tpu.memory_space<semaphore_mem>> -> memref<!tpu.dma_semaphore, #tpu.memory_space<semaphore_mem>>
    %dma_start3A_446 = arith.constant 32 : i32
    %dma_start3A_447 = arith.constant 0 : i32
    %dma_start3A_448 = tpu.memref_slice %arg14[%dma_start3A_442, %dma_start3A_446, %dma_start3A_447] : memref<8x64x512xf32, #tpu.memory_space<vmem>> -> memref<1x32x512xf32, #tpu.memory_space<vmem>>
    %dma_start3A_449 = tpu.memref_squeeze %dma_start3A_448 : memref<1x32x512xf32, #tpu.memory_space<vmem>> -> memref<32x512xf32, #tpu.memory_space<vmem>>
    %dma_start3A_450 = arith.constant 0 : i32
    %dma_start3A_451 = arith.constant 0 : i32
    %dma_start3A_452 = tpu.memref_slice %arg7[%dma_start3A_441, %get3A_122, %dma_start3A_450, %dma_start3A_451] : memref<32x64x32x512xf32, #tpu.memory_space<hbm>> -> memref<1x1x32x512xf32, #tpu.memory_space<hbm>>
    %dma_start3A_453 = tpu.memref_squeeze %dma_start3A_452 : memref<1x1x32x512xf32, #tpu.memory_space<hbm>> -> memref<32x512xf32, #tpu.memory_space<hbm>>
    tpu.enqueue_dma source(%dma_start3A_453 : memref<32x512xf32, #tpu.memory_space<hbm>>) target(%dma_start3A_449 : memref<32x512xf32, #tpu.memory_space<vmem>>) target_semaphore(%dma_start3A_445 : memref<!tpu.dma_semaphore, #tpu.memory_space<semaphore_mem>>)
    %dma_start3A_454 = arith.constant 7 : i32
    %dma_start3A_455 = arith.constant 7 : i32
    %dma_start3A_456 = arith.constant 0 : i32
    %dma_start3A_457 = tpu.memref_slice %arg22[%dma_start3A_456] : memref<4x!tpu.dma_semaphore, #tpu.memory_space<semaphore_mem>> -> memref<1x!tpu.dma_semaphore, #tpu.memory_space<semaphore_mem>>
    %dma_start3A_458 = tpu.memref_squeeze %dma_start3A_457 : memref<1x!tpu.dma_semaphore, #tpu.memory_space<semaphore_mem>> -> memref<!tpu.dma_semaphore, #tpu.memory_space<semaphore_mem>>
    %dma_start3A_459 = arith.constant 0 : i32
    %dma_start3A_460 = arith.constant 0 : i32
    %dma_start3A_461 = tpu.memref_slice %arg14[%dma_start3A_455, %dma_start3A_459, %dma_start3A_460] : memref<8x64x512xf32, #tpu.memory_space<vmem>> -> memref<1x32x512xf32, #tpu.memory_space<vmem>>
    %dma_start3A_462 = tpu.memref_squeeze %dma_start3A_461 : memref<1x32x512xf32, #tpu.memory_space<vmem>> -> memref<32x512xf32, #tpu.memory_space<vmem>>
    %dma_start3A_463 = arith.constant 0 : i32
    %dma_start3A_464 = arith.constant 0 : i32
    %dma_start3A_465 = tpu.memref_slice %arg7[%dma_start3A_454, %get3A_125, %dma_start3A_463, %dma_start3A_464] : memref<32x64x32x512xf32, #tpu.memory_space<hbm>> -> memref<1x1x32x512xf32, #tpu.memory_space<hbm>>
    %dma_start3A_466 = tpu.memref_squeeze %dma_start3A_465 : memref<1x1x32x512xf32, #tpu.memory_space<hbm>> -> memref<32x512xf32, #tpu.memory_space<hbm>>
    tpu.enqueue_dma source(%dma_start3A_466 : memref<32x512xf32, #tpu.memory_space<hbm>>) target(%dma_start3A_462 : memref<32x512xf32, #tpu.memory_space<vmem>>) target_semaphore(%dma_start3A_458 : memref<!tpu.dma_semaphore, #tpu.memory_space<semaphore_mem>>)
    %dma_start3A_467 = arith.constant 7 : i32
    %dma_start3A_468 = arith.constant 7 : i32
    %dma_start3A_469 = arith.constant 0 : i32
    %dma_start3A_470 = tpu.memref_slice %arg22[%dma_start3A_469] : memref<4x!tpu.dma_semaphore, #tpu.memory_space<semaphore_mem>> -> memref<1x!tpu.dma_semaphore, #tpu.memory_space<semaphore_mem>>
    %dma_start3A_471 = tpu.memref_squeeze %dma_start3A_470 : memref<1x!tpu.dma_semaphore, #tpu.memory_space<semaphore_mem>> -> memref<!tpu.dma_semaphore, #tpu.memory_space<semaphore_mem>>
    %dma_start3A_472 = arith.constant 32 : i32
    %dma_start3A_473 = arith.constant 0 : i32
    %dma_start3A_474 = tpu.memref_slice %arg14[%dma_start3A_468, %dma_start3A_472, %dma_start3A_473] : memref<8x64x512xf32, #tpu.memory_space<vmem>> -> memref<1x32x512xf32, #tpu.memory_space<vmem>>
    %dma_start3A_475 = tpu.memref_squeeze %dma_start3A_474 : memref<1x32x512xf32, #tpu.memory_space<vmem>> -> memref<32x512xf32, #tpu.memory_space<vmem>>
    %dma_start3A_476 = arith.constant 0 : i32
    %dma_start3A_477 = arith.constant 0 : i32
    %dma_start3A_478 = tpu.memref_slice %arg7[%dma_start3A_467, %get3A_128, %dma_start3A_476, %dma_start3A_477] : memref<32x64x32x512xf32, #tpu.memory_space<hbm>> -> memref<1x1x32x512xf32, #tpu.memory_space<hbm>>
    %dma_start3A_479 = tpu.memref_squeeze %dma_start3A_478 : memref<1x1x32x512xf32, #tpu.memory_space<hbm>> -> memref<32x512xf32, #tpu.memory_space<hbm>>
    tpu.enqueue_dma source(%dma_start3A_479 : memref<32x512xf32, #tpu.memory_space<hbm>>) target(%dma_start3A_475 : memref<32x512xf32, #tpu.memory_space<vmem>>) target_semaphore(%dma_start3A_471 : memref<!tpu.dma_semaphore, #tpu.memory_space<semaphore_mem>>)
    %dma_start3A_480 = arith.constant 0 : i32
    %dma_start3A_481 = arith.constant 0 : i32
    %dma_start3A_482 = arith.constant 0 : i32
    %dma_start3A_483 = tpu.memref_slice %arg23[%dma_start3A_482] : memref<4x!tpu.dma_semaphore, #tpu.memory_space<semaphore_mem>> -> memref<1x!tpu.dma_semaphore, #tpu.memory_space<semaphore_mem>>
    %dma_start3A_484 = tpu.memref_squeeze %dma_start3A_483 : memref<1x!tpu.dma_semaphore, #tpu.memory_space<semaphore_mem>> -> memref<!tpu.dma_semaphore, #tpu.memory_space<semaphore_mem>>
    %dma_start3A_485 = arith.constant 0 : i32
    %dma_start3A_486 = arith.constant 0 : i32
    %dma_start3A_487 = tpu.memref_slice %arg18[%dma_start3A_481, %dma_start3A_485, %dma_start3A_486] : memref<8x64x512xf32, #tpu.memory_space<vmem>> -> memref<1x32x512xf32, #tpu.memory_space<vmem>>
    %dma_start3A_488 = tpu.memref_squeeze %dma_start3A_487 : memref<1x32x512xf32, #tpu.memory_space<vmem>> -> memref<32x512xf32, #tpu.memory_space<vmem>>
    %dma_start3A_489 = arith.constant 0 : i32
    %dma_start3A_490 = arith.constant 0 : i32
    %dma_start3A_491 = tpu.memref_slice %arg8[%dma_start3A_480, %get3A_83, %dma_start3A_489, %dma_start3A_490] : memref<32x64x32x512xf32, #tpu.memory_space<hbm>> -> memref<1x1x32x512xf32, #tpu.memory_space<hbm>>
    %dma_start3A_492 = tpu.memref_squeeze %dma_start3A_491 : memref<1x1x32x512xf32, #tpu.memory_space<hbm>> -> memref<32x512xf32, #tpu.memory_space<hbm>>
    tpu.enqueue_dma source(%dma_start3A_492 : memref<32x512xf32, #tpu.memory_space<hbm>>) target(%dma_start3A_488 : memref<32x512xf32, #tpu.memory_space<vmem>>) target_semaphore(%dma_start3A_484 : memref<!tpu.dma_semaphore, #tpu.memory_space<semaphore_mem>>)
    %dma_start3A_493 = arith.constant 0 : i32
    %dma_start3A_494 = arith.constant 0 : i32
    %dma_start3A_495 = arith.constant 0 : i32
    %dma_start3A_496 = tpu.memref_slice %arg23[%dma_start3A_495] : memref<4x!tpu.dma_semaphore, #tpu.memory_space<semaphore_mem>> -> memref<1x!tpu.dma_semaphore, #tpu.memory_space<semaphore_mem>>
    %dma_start3A_497 = tpu.memref_squeeze %dma_start3A_496 : memref<1x!tpu.dma_semaphore, #tpu.memory_space<semaphore_mem>> -> memref<!tpu.dma_semaphore, #tpu.memory_space<semaphore_mem>>
    %dma_start3A_498 = arith.constant 32 : i32
    %dma_start3A_499 = arith.constant 0 : i32
    %dma_start3A_500 = tpu.memref_slice %arg18[%dma_start3A_494, %dma_start3A_498, %dma_start3A_499] : memref<8x64x512xf32, #tpu.memory_space<vmem>> -> memref<1x32x512xf32, #tpu.memory_space<vmem>>
    %dma_start3A_501 = tpu.memref_squeeze %dma_start3A_500 : memref<1x32x512xf32, #tpu.memory_space<vmem>> -> memref<32x512xf32, #tpu.memory_space<vmem>>
    %dma_start3A_502 = arith.constant 0 : i32
    %dma_start3A_503 = arith.constant 0 : i32
    %dma_start3A_504 = tpu.memref_slice %arg8[%dma_start3A_493, %get3A_86, %dma_start3A_502, %dma_start3A_503] : memref<32x64x32x512xf32, #tpu.memory_space<hbm>> -> memref<1x1x32x512xf32, #tpu.memory_space<hbm>>
    %dma_start3A_505 = tpu.memref_squeeze %dma_start3A_504 : memref<1x1x32x512xf32, #tpu.memory_space<hbm>> -> memref<32x512xf32, #tpu.memory_space<hbm>>
    tpu.enqueue_dma source(%dma_start3A_505 : memref<32x512xf32, #tpu.memory_space<hbm>>) target(%dma_start3A_501 : memref<32x512xf32, #tpu.memory_space<vmem>>) target_semaphore(%dma_start3A_497 : memref<!tpu.dma_semaphore, #tpu.memory_space<semaphore_mem>>)
    %dma_start3A_506 = arith.constant 1 : i32
    %dma_start3A_507 = arith.constant 1 : i32
    %dma_start3A_508 = arith.constant 0 : i32
    %dma_start3A_509 = tpu.memref_slice %arg23[%dma_start3A_508] : memref<4x!tpu.dma_semaphore, #tpu.memory_space<semaphore_mem>> -> memref<1x!tpu.dma_semaphore, #tpu.memory_space<semaphore_mem>>
    %dma_start3A_510 = tpu.memref_squeeze %dma_start3A_509 : memref<1x!tpu.dma_semaphore, #tpu.memory_space<semaphore_mem>> -> memref<!tpu.dma_semaphore, #tpu.memory_space<semaphore_mem>>
    %dma_start3A_511 = arith.constant 0 : i32
    %dma_start3A_512 = arith.constant 0 : i32
    %dma_start3A_513 = tpu.memref_slice %arg18[%dma_start3A_507, %dma_start3A_511, %dma_start3A_512] : memref<8x64x512xf32, #tpu.memory_space<vmem>> -> memref<1x32x512xf32, #tpu.memory_space<vmem>>
    %dma_start3A_514 = tpu.memref_squeeze %dma_start3A_513 : memref<1x32x512xf32, #tpu.memory_space<vmem>> -> memref<32x512xf32, #tpu.memory_space<vmem>>
    %dma_start3A_515 = arith.constant 0 : i32
    %dma_start3A_516 = arith.constant 0 : i32
    %dma_start3A_517 = tpu.memref_slice %arg8[%dma_start3A_506, %get3A_89, %dma_start3A_515, %dma_start3A_516] : memref<32x64x32x512xf32, #tpu.memory_space<hbm>> -> memref<1x1x32x512xf32, #tpu.memory_space<hbm>>
    %dma_start3A_518 = tpu.memref_squeeze %dma_start3A_517 : memref<1x1x32x512xf32, #tpu.memory_space<hbm>> -> memref<32x512xf32, #tpu.memory_space<hbm>>
    tpu.enqueue_dma source(%dma_start3A_518 : memref<32x512xf32, #tpu.memory_space<hbm>>) target(%dma_start3A_514 : memref<32x512xf32, #tpu.memory_space<vmem>>) target_semaphore(%dma_start3A_510 : memref<!tpu.dma_semaphore, #tpu.memory_space<semaphore_mem>>)
    %dma_start3A_519 = arith.constant 1 : i32
    %dma_start3A_520 = arith.constant 1 : i32
    %dma_start3A_521 = arith.constant 0 : i32
    %dma_start3A_522 = tpu.memref_slice %arg23[%dma_start3A_521] : memref<4x!tpu.dma_semaphore, #tpu.memory_space<semaphore_mem>> -> memref<1x!tpu.dma_semaphore, #tpu.memory_space<semaphore_mem>>
    %dma_start3A_523 = tpu.memref_squeeze %dma_start3A_522 : memref<1x!tpu.dma_semaphore, #tpu.memory_space<semaphore_mem>> -> memref<!tpu.dma_semaphore, #tpu.memory_space<semaphore_mem>>
    %dma_start3A_524 = arith.constant 32 : i32
    %dma_start3A_525 = arith.constant 0 : i32
    %dma_start3A_526 = tpu.memref_slice %arg18[%dma_start3A_520, %dma_start3A_524, %dma_start3A_525] : memref<8x64x512xf32, #tpu.memory_space<vmem>> -> memref<1x32x512xf32, #tpu.memory_space<vmem>>
    %dma_start3A_527 = tpu.memref_squeeze %dma_start3A_526 : memref<1x32x512xf32, #tpu.memory_space<vmem>> -> memref<32x512xf32, #tpu.memory_space<vmem>>
    %dma_start3A_528 = arith.constant 0 : i32
    %dma_start3A_529 = arith.constant 0 : i32
    %dma_start3A_530 = tpu.memref_slice %arg8[%dma_start3A_519, %get3A_92, %dma_start3A_528, %dma_start3A_529] : memref<32x64x32x512xf32, #tpu.memory_space<hbm>> -> memref<1x1x32x512xf32, #tpu.memory_space<hbm>>
    %dma_start3A_531 = tpu.memref_squeeze %dma_start3A_530 : memref<1x1x32x512xf32, #tpu.memory_space<hbm>> -> memref<32x512xf32, #tpu.memory_space<hbm>>
    tpu.enqueue_dma source(%dma_start3A_531 : memref<32x512xf32, #tpu.memory_space<hbm>>) target(%dma_start3A_527 : memref<32x512xf32, #tpu.memory_space<vmem>>) target_semaphore(%dma_start3A_523 : memref<!tpu.dma_semaphore, #tpu.memory_space<semaphore_mem>>)
    %dma_start3A_532 = arith.constant 2 : i32
    %dma_start3A_533 = arith.constant 2 : i32
    %dma_start3A_534 = arith.constant 0 : i32
    %dma_start3A_535 = tpu.memref_slice %arg23[%dma_start3A_534] : memref<4x!tpu.dma_semaphore, #tpu.memory_space<semaphore_mem>> -> memref<1x!tpu.dma_semaphore, #tpu.memory_space<semaphore_mem>>
    %dma_start3A_536 = tpu.memref_squeeze %dma_start3A_535 : memref<1x!tpu.dma_semaphore, #tpu.memory_space<semaphore_mem>> -> memref<!tpu.dma_semaphore, #tpu.memory_space<semaphore_mem>>
    %dma_start3A_537 = arith.constant 0 : i32
    %dma_start3A_538 = arith.constant 0 : i32
    %dma_start3A_539 = tpu.memref_slice %arg18[%dma_start3A_533, %dma_start3A_537, %dma_start3A_538] : memref<8x64x512xf32, #tpu.memory_space<vmem>> -> memref<1x32x512xf32, #tpu.memory_space<vmem>>
    %dma_start3A_540 = tpu.memref_squeeze %dma_start3A_539 : memref<1x32x512xf32, #tpu.memory_space<vmem>> -> memref<32x512xf32, #tpu.memory_space<vmem>>
    %dma_start3A_541 = arith.constant 0 : i32
    %dma_start3A_542 = arith.constant 0 : i32
    %dma_start3A_543 = tpu.memref_slice %arg8[%dma_start3A_532, %get3A_95, %dma_start3A_541, %dma_start3A_542] : memref<32x64x32x512xf32, #tpu.memory_space<hbm>> -> memref<1x1x32x512xf32, #tpu.memory_space<hbm>>
    %dma_start3A_544 = tpu.memref_squeeze %dma_start3A_543 : memref<1x1x32x512xf32, #tpu.memory_space<hbm>> -> memref<32x512xf32, #tpu.memory_space<hbm>>
    tpu.enqueue_dma source(%dma_start3A_544 : memref<32x512xf32, #tpu.memory_space<hbm>>) target(%dma_start3A_540 : memref<32x512xf32, #tpu.memory_space<vmem>>) target_semaphore(%dma_start3A_536 : memref<!tpu.dma_semaphore, #tpu.memory_space<semaphore_mem>>)
    %dma_start3A_545 = arith.constant 2 : i32
    %dma_start3A_546 = arith.constant 2 : i32
    %dma_start3A_547 = arith.constant 0 : i32
    %dma_start3A_548 = tpu.memref_slice %arg23[%dma_start3A_547] : memref<4x!tpu.dma_semaphore, #tpu.memory_space<semaphore_mem>> -> memref<1x!tpu.dma_semaphore, #tpu.memory_space<semaphore_mem>>
    %dma_start3A_549 = tpu.memref_squeeze %dma_start3A_548 : memref<1x!tpu.dma_semaphore, #tpu.memory_space<semaphore_mem>> -> memref<!tpu.dma_semaphore, #tpu.memory_space<semaphore_mem>>
    %dma_start3A_550 = arith.constant 32 : i32
    %dma_start3A_551 = arith.constant 0 : i32
    %dma_start3A_552 = tpu.memref_slice %arg18[%dma_start3A_546, %dma_start3A_550, %dma_start3A_551] : memref<8x64x512xf32, #tpu.memory_space<vmem>> -> memref<1x32x512xf32, #tpu.memory_space<vmem>>
    %dma_start3A_553 = tpu.memref_squeeze %dma_start3A_552 : memref<1x32x512xf32, #tpu.memory_space<vmem>> -> memref<32x512xf32, #tpu.memory_space<vmem>>
    %dma_start3A_554 = arith.constant 0 : i32
    %dma_start3A_555 = arith.constant 0 : i32
    %dma_start3A_556 = tpu.memref_slice %arg8[%dma_start3A_545, %get3A_98, %dma_start3A_554, %dma_start3A_555] : memref<32x64x32x512xf32, #tpu.memory_space<hbm>> -> memref<1x1x32x512xf32, #tpu.memory_space<hbm>>
    %dma_start3A_557 = tpu.memref_squeeze %dma_start3A_556 : memref<1x1x32x512xf32, #tpu.memory_space<hbm>> -> memref<32x512xf32, #tpu.memory_space<hbm>>
    tpu.enqueue_dma source(%dma_start3A_557 : memref<32x512xf32, #tpu.memory_space<hbm>>) target(%dma_start3A_553 : memref<32x512xf32, #tpu.memory_space<vmem>>) target_semaphore(%dma_start3A_549 : memref<!tpu.dma_semaphore, #tpu.memory_space<semaphore_mem>>)
    %dma_start3A_558 = arith.constant 3 : i32
    %dma_start3A_559 = arith.constant 3 : i32
    %dma_start3A_560 = arith.constant 0 : i32
    %dma_start3A_561 = tpu.memref_slice %arg23[%dma_start3A_560] : memref<4x!tpu.dma_semaphore, #tpu.memory_space<semaphore_mem>> -> memref<1x!tpu.dma_semaphore, #tpu.memory_space<semaphore_mem>>
    %dma_start3A_562 = tpu.memref_squeeze %dma_start3A_561 : memref<1x!tpu.dma_semaphore, #tpu.memory_space<semaphore_mem>> -> memref<!tpu.dma_semaphore, #tpu.memory_space<semaphore_mem>>
    %dma_start3A_563 = arith.constant 0 : i32
    %dma_start3A_564 = arith.constant 0 : i32
    %dma_start3A_565 = tpu.memref_slice %arg18[%dma_start3A_559, %dma_start3A_563, %dma_start3A_564] : memref<8x64x512xf32, #tpu.memory_space<vmem>> -> memref<1x32x512xf32, #tpu.memory_space<vmem>>
    %dma_start3A_566 = tpu.memref_squeeze %dma_start3A_565 : memref<1x32x512xf32, #tpu.memory_space<vmem>> -> memref<32x512xf32, #tpu.memory_space<vmem>>
    %dma_start3A_567 = arith.constant 0 : i32
    %dma_start3A_568 = arith.constant 0 : i32
    %dma_start3A_569 = tpu.memref_slice %arg8[%dma_start3A_558, %get3A_101, %dma_start3A_567, %dma_start3A_568] : memref<32x64x32x512xf32, #tpu.memory_space<hbm>> -> memref<1x1x32x512xf32, #tpu.memory_space<hbm>>
    %dma_start3A_570 = tpu.memref_squeeze %dma_start3A_569 : memref<1x1x32x512xf32, #tpu.memory_space<hbm>> -> memref<32x512xf32, #tpu.memory_space<hbm>>
    tpu.enqueue_dma source(%dma_start3A_570 : memref<32x512xf32, #tpu.memory_space<hbm>>) target(%dma_start3A_566 : memref<32x512xf32, #tpu.memory_space<vmem>>) target_semaphore(%dma_start3A_562 : memref<!tpu.dma_semaphore, #tpu.memory_space<semaphore_mem>>)
    %dma_start3A_571 = arith.constant 3 : i32
    %dma_start3A_572 = arith.constant 3 : i32
    %dma_start3A_573 = arith.constant 0 : i32
    %dma_start3A_574 = tpu.memref_slice %arg23[%dma_start3A_573] : memref<4x!tpu.dma_semaphore, #tpu.memory_space<semaphore_mem>> -> memref<1x!tpu.dma_semaphore, #tpu.memory_space<semaphore_mem>>
    %dma_start3A_575 = tpu.memref_squeeze %dma_start3A_574 : memref<1x!tpu.dma_semaphore, #tpu.memory_space<semaphore_mem>> -> memref<!tpu.dma_semaphore, #tpu.memory_space<semaphore_mem>>
    %dma_start3A_576 = arith.constant 32 : i32
    %dma_start3A_577 = arith.constant 0 : i32
    %dma_start3A_578 = tpu.memref_slice %arg18[%dma_start3A_572, %dma_start3A_576, %dma_start3A_577] : memref<8x64x512xf32, #tpu.memory_space<vmem>> -> memref<1x32x512xf32, #tpu.memory_space<vmem>>
    %dma_start3A_579 = tpu.memref_squeeze %dma_start3A_578 : memref<1x32x512xf32, #tpu.memory_space<vmem>> -> memref<32x512xf32, #tpu.memory_space<vmem>>
    %dma_start3A_580 = arith.constant 0 : i32
    %dma_start3A_581 = arith.constant 0 : i32
    %dma_start3A_582 = tpu.memref_slice %arg8[%dma_start3A_571, %get3A_104, %dma_start3A_580, %dma_start3A_581] : memref<32x64x32x512xf32, #tpu.memory_space<hbm>> -> memref<1x1x32x512xf32, #tpu.memory_space<hbm>>
    %dma_start3A_583 = tpu.memref_squeeze %dma_start3A_582 : memref<1x1x32x512xf32, #tpu.memory_space<hbm>> -> memref<32x512xf32, #tpu.memory_space<hbm>>
    tpu.enqueue_dma source(%dma_start3A_583 : memref<32x512xf32, #tpu.memory_space<hbm>>) target(%dma_start3A_579 : memref<32x512xf32, #tpu.memory_space<vmem>>) target_semaphore(%dma_start3A_575 : memref<!tpu.dma_semaphore, #tpu.memory_space<semaphore_mem>>)
    %dma_start3A_584 = arith.constant 4 : i32
    %dma_start3A_585 = arith.constant 4 : i32
    %dma_start3A_586 = arith.constant 0 : i32
    %dma_start3A_587 = tpu.memref_slice %arg23[%dma_start3A_586] : memref<4x!tpu.dma_semaphore, #tpu.memory_space<semaphore_mem>> -> memref<1x!tpu.dma_semaphore, #tpu.memory_space<semaphore_mem>>
    %dma_start3A_588 = tpu.memref_squeeze %dma_start3A_587 : memref<1x!tpu.dma_semaphore, #tpu.memory_space<semaphore_mem>> -> memref<!tpu.dma_semaphore, #tpu.memory_space<semaphore_mem>>
    %dma_start3A_589 = arith.constant 0 : i32
    %dma_start3A_590 = arith.constant 0 : i32
    %dma_start3A_591 = tpu.memref_slice %arg18[%dma_start3A_585, %dma_start3A_589, %dma_start3A_590] : memref<8x64x512xf32, #tpu.memory_space<vmem>> -> memref<1x32x512xf32, #tpu.memory_space<vmem>>
    %dma_start3A_592 = tpu.memref_squeeze %dma_start3A_591 : memref<1x32x512xf32, #tpu.memory_space<vmem>> -> memref<32x512xf32, #tpu.memory_space<vmem>>
    %dma_start3A_593 = arith.constant 0 : i32
    %dma_start3A_594 = arith.constant 0 : i32
    %dma_start3A_595 = tpu.memref_slice %arg8[%dma_start3A_584, %get3A_107, %dma_start3A_593, %dma_start3A_594] : memref<32x64x32x512xf32, #tpu.memory_space<hbm>> -> memref<1x1x32x512xf32, #tpu.memory_space<hbm>>
    %dma_start3A_596 = tpu.memref_squeeze %dma_start3A_595 : memref<1x1x32x512xf32, #tpu.memory_space<hbm>> -> memref<32x512xf32, #tpu.memory_space<hbm>>
    tpu.enqueue_dma source(%dma_start3A_596 : memref<32x512xf32, #tpu.memory_space<hbm>>) target(%dma_start3A_592 : memref<32x512xf32, #tpu.memory_space<vmem>>) target_semaphore(%dma_start3A_588 : memref<!tpu.dma_semaphore, #tpu.memory_space<semaphore_mem>>)
    %dma_start3A_597 = arith.constant 4 : i32
    %dma_start3A_598 = arith.constant 4 : i32
    %dma_start3A_599 = arith.constant 0 : i32
    %dma_start3A_600 = tpu.memref_slice %arg23[%dma_start3A_599] : memref<4x!tpu.dma_semaphore, #tpu.memory_space<semaphore_mem>> -> memref<1x!tpu.dma_semaphore, #tpu.memory_space<semaphore_mem>>
    %dma_start3A_601 = tpu.memref_squeeze %dma_start3A_600 : memref<1x!tpu.dma_semaphore, #tpu.memory_space<semaphore_mem>> -> memref<!tpu.dma_semaphore, #tpu.memory_space<semaphore_mem>>
    %dma_start3A_602 = arith.constant 32 : i32
    %dma_start3A_603 = arith.constant 0 : i32
    %dma_start3A_604 = tpu.memref_slice %arg18[%dma_start3A_598, %dma_start3A_602, %dma_start3A_603] : memref<8x64x512xf32, #tpu.memory_space<vmem>> -> memref<1x32x512xf32, #tpu.memory_space<vmem>>
    %dma_start3A_605 = tpu.memref_squeeze %dma_start3A_604 : memref<1x32x512xf32, #tpu.memory_space<vmem>> -> memref<32x512xf32, #tpu.memory_space<vmem>>
    %dma_start3A_606 = arith.constant 0 : i32
    %dma_start3A_607 = arith.constant 0 : i32
    %dma_start3A_608 = tpu.memref_slice %arg8[%dma_start3A_597, %get3A_110, %dma_start3A_606, %dma_start3A_607] : memref<32x64x32x512xf32, #tpu.memory_space<hbm>> -> memref<1x1x32x512xf32, #tpu.memory_space<hbm>>
    %dma_start3A_609 = tpu.memref_squeeze %dma_start3A_608 : memref<1x1x32x512xf32, #tpu.memory_space<hbm>> -> memref<32x512xf32, #tpu.memory_space<hbm>>
    tpu.enqueue_dma source(%dma_start3A_609 : memref<32x512xf32, #tpu.memory_space<hbm>>) target(%dma_start3A_605 : memref<32x512xf32, #tpu.memory_space<vmem>>) target_semaphore(%dma_start3A_601 : memref<!tpu.dma_semaphore, #tpu.memory_space<semaphore_mem>>)
    %dma_start3A_610 = arith.constant 5 : i32
    %dma_start3A_611 = arith.constant 5 : i32
    %dma_start3A_612 = arith.constant 0 : i32
    %dma_start3A_613 = tpu.memref_slice %arg23[%dma_start3A_612] : memref<4x!tpu.dma_semaphore, #tpu.memory_space<semaphore_mem>> -> memref<1x!tpu.dma_semaphore, #tpu.memory_space<semaphore_mem>>
    %dma_start3A_614 = tpu.memref_squeeze %dma_start3A_613 : memref<1x!tpu.dma_semaphore, #tpu.memory_space<semaphore_mem>> -> memref<!tpu.dma_semaphore, #tpu.memory_space<semaphore_mem>>
    %dma_start3A_615 = arith.constant 0 : i32
    %dma_start3A_616 = arith.constant 0 : i32
    %dma_start3A_617 = tpu.memref_slice %arg18[%dma_start3A_611, %dma_start3A_615, %dma_start3A_616] : memref<8x64x512xf32, #tpu.memory_space<vmem>> -> memref<1x32x512xf32, #tpu.memory_space<vmem>>
    %dma_start3A_618 = tpu.memref_squeeze %dma_start3A_617 : memref<1x32x512xf32, #tpu.memory_space<vmem>> -> memref<32x512xf32, #tpu.memory_space<vmem>>
    %dma_start3A_619 = arith.constant 0 : i32
    %dma_start3A_620 = arith.constant 0 : i32
    %dma_start3A_621 = tpu.memref_slice %arg8[%dma_start3A_610, %get3A_113, %dma_start3A_619, %dma_start3A_620] : memref<32x64x32x512xf32, #tpu.memory_space<hbm>> -> memref<1x1x32x512xf32, #tpu.memory_space<hbm>>
    %dma_start3A_622 = tpu.memref_squeeze %dma_start3A_621 : memref<1x1x32x512xf32, #tpu.memory_space<hbm>> -> memref<32x512xf32, #tpu.memory_space<hbm>>
    tpu.enqueue_dma source(%dma_start3A_622 : memref<32x512xf32, #tpu.memory_space<hbm>>) target(%dma_start3A_618 : memref<32x512xf32, #tpu.memory_space<vmem>>) target_semaphore(%dma_start3A_614 : memref<!tpu.dma_semaphore, #tpu.memory_space<semaphore_mem>>)
    %dma_start3A_623 = arith.constant 5 : i32
    %dma_start3A_624 = arith.constant 5 : i32
    %dma_start3A_625 = arith.constant 0 : i32
    %dma_start3A_626 = tpu.memref_slice %arg23[%dma_start3A_625] : memref<4x!tpu.dma_semaphore, #tpu.memory_space<semaphore_mem>> -> memref<1x!tpu.dma_semaphore, #tpu.memory_space<semaphore_mem>>
    %dma_start3A_627 = tpu.memref_squeeze %dma_start3A_626 : memref<1x!tpu.dma_semaphore, #tpu.memory_space<semaphore_mem>> -> memref<!tpu.dma_semaphore, #tpu.memory_space<semaphore_mem>>
    %dma_start3A_628 = arith.constant 32 : i32
    %dma_start3A_629 = arith.constant 0 : i32
    %dma_start3A_630 = tpu.memref_slice %arg18[%dma_start3A_624, %dma_start3A_628, %dma_start3A_629] : memref<8x64x512xf32, #tpu.memory_space<vmem>> -> memref<1x32x512xf32, #tpu.memory_space<vmem>>
    %dma_start3A_631 = tpu.memref_squeeze %dma_start3A_630 : memref<1x32x512xf32, #tpu.memory_space<vmem>> -> memref<32x512xf32, #tpu.memory_space<vmem>>
    %dma_start3A_632 = arith.constant 0 : i32
    %dma_start3A_633 = arith.constant 0 : i32
    %dma_start3A_634 = tpu.memref_slice %arg8[%dma_start3A_623, %get3A_116, %dma_start3A_632, %dma_start3A_633] : memref<32x64x32x512xf32, #tpu.memory_space<hbm>> -> memref<1x1x32x512xf32, #tpu.memory_space<hbm>>
    %dma_start3A_635 = tpu.memref_squeeze %dma_start3A_634 : memref<1x1x32x512xf32, #tpu.memory_space<hbm>> -> memref<32x512xf32, #tpu.memory_space<hbm>>
    tpu.enqueue_dma source(%dma_start3A_635 : memref<32x512xf32, #tpu.memory_space<hbm>>) target(%dma_start3A_631 : memref<32x512xf32, #tpu.memory_space<vmem>>) target_semaphore(%dma_start3A_627 : memref<!tpu.dma_semaphore, #tpu.memory_space<semaphore_mem>>)
    %dma_start3A_636 = arith.constant 6 : i32
    %dma_start3A_637 = arith.constant 6 : i32
    %dma_start3A_638 = arith.constant 0 : i32
    %dma_start3A_639 = tpu.memref_slice %arg23[%dma_start3A_638] : memref<4x!tpu.dma_semaphore, #tpu.memory_space<semaphore_mem>> -> memref<1x!tpu.dma_semaphore, #tpu.memory_space<semaphore_mem>>
    %dma_start3A_640 = tpu.memref_squeeze %dma_start3A_639 : memref<1x!tpu.dma_semaphore, #tpu.memory_space<semaphore_mem>> -> memref<!tpu.dma_semaphore, #tpu.memory_space<semaphore_mem>>
    %dma_start3A_641 = arith.constant 0 : i32
    %dma_start3A_642 = arith.constant 0 : i32
    %dma_start3A_643 = tpu.memref_slice %arg18[%dma_start3A_637, %dma_start3A_641, %dma_start3A_642] : memref<8x64x512xf32, #tpu.memory_space<vmem>> -> memref<1x32x512xf32, #tpu.memory_space<vmem>>
    %dma_start3A_644 = tpu.memref_squeeze %dma_start3A_643 : memref<1x32x512xf32, #tpu.memory_space<vmem>> -> memref<32x512xf32, #tpu.memory_space<vmem>>
    %dma_start3A_645 = arith.constant 0 : i32
    %dma_start3A_646 = arith.constant 0 : i32
    %dma_start3A_647 = tpu.memref_slice %arg8[%dma_start3A_636, %get3A_119, %dma_start3A_645, %dma_start3A_646] : memref<32x64x32x512xf32, #tpu.memory_space<hbm>> -> memref<1x1x32x512xf32, #tpu.memory_space<hbm>>
    %dma_start3A_648 = tpu.memref_squeeze %dma_start3A_647 : memref<1x1x32x512xf32, #tpu.memory_space<hbm>> -> memref<32x512xf32, #tpu.memory_space<hbm>>
    tpu.enqueue_dma source(%dma_start3A_648 : memref<32x512xf32, #tpu.memory_space<hbm>>) target(%dma_start3A_644 : memref<32x512xf32, #tpu.memory_space<vmem>>) target_semaphore(%dma_start3A_640 : memref<!tpu.dma_semaphore, #tpu.memory_space<semaphore_mem>>)
    %dma_start3A_649 = arith.constant 6 : i32
    %dma_start3A_650 = arith.constant 6 : i32
    %dma_start3A_651 = arith.constant 0 : i32
    %dma_start3A_652 = tpu.memref_slice %arg23[%dma_start3A_651] : memref<4x!tpu.dma_semaphore, #tpu.memory_space<semaphore_mem>> -> memref<1x!tpu.dma_semaphore, #tpu.memory_space<semaphore_mem>>
    %dma_start3A_653 = tpu.memref_squeeze %dma_start3A_652 : memref<1x!tpu.dma_semaphore, #tpu.memory_space<semaphore_mem>> -> memref<!tpu.dma_semaphore, #tpu.memory_space<semaphore_mem>>
    %dma_start3A_654 = arith.constant 32 : i32
    %dma_start3A_655 = arith.constant 0 : i32
    %dma_start3A_656 = tpu.memref_slice %arg18[%dma_start3A_650, %dma_start3A_654, %dma_start3A_655] : memref<8x64x512xf32, #tpu.memory_space<vmem>> -> memref<1x32x512xf32, #tpu.memory_space<vmem>>
    %dma_start3A_657 = tpu.memref_squeeze %dma_start3A_656 : memref<1x32x512xf32, #tpu.memory_space<vmem>> -> memref<32x512xf32, #tpu.memory_space<vmem>>
    %dma_start3A_658 = arith.constant 0 : i32
    %dma_start3A_659 = arith.constant 0 : i32
    %dma_start3A_660 = tpu.memref_slice %arg8[%dma_start3A_649, %get3A_122, %dma_start3A_658, %dma_start3A_659] : memref<32x64x32x512xf32, #tpu.memory_space<hbm>> -> memref<1x1x32x512xf32, #tpu.memory_space<hbm>>
    %dma_start3A_661 = tpu.memref_squeeze %dma_start3A_660 : memref<1x1x32x512xf32, #tpu.memory_space<hbm>> -> memref<32x512xf32, #tpu.memory_space<hbm>>
    tpu.enqueue_dma source(%dma_start3A_661 : memref<32x512xf32, #tpu.memory_space<hbm>>) target(%dma_start3A_657 : memref<32x512xf32, #tpu.memory_space<vmem>>) target_semaphore(%dma_start3A_653 : memref<!tpu.dma_semaphore, #tpu.memory_space<semaphore_mem>>)
    %dma_start3A_662 = arith.constant 7 : i32
    %dma_start3A_663 = arith.constant 7 : i32
    %dma_start3A_664 = arith.constant 0 : i32
    %dma_start3A_665 = tpu.memref_slice %arg23[%dma_start3A_664] : memref<4x!tpu.dma_semaphore, #tpu.memory_space<semaphore_mem>> -> memref<1x!tpu.dma_semaphore, #tpu.memory_space<semaphore_mem>>
    %dma_start3A_666 = tpu.memref_squeeze %dma_start3A_665 : memref<1x!tpu.dma_semaphore, #tpu.memory_space<semaphore_mem>> -> memref<!tpu.dma_semaphore, #tpu.memory_space<semaphore_mem>>
    %dma_start3A_667 = arith.constant 0 : i32
    %dma_start3A_668 = arith.constant 0 : i32
    %dma_start3A_669 = tpu.memref_slice %arg18[%dma_start3A_663, %dma_start3A_667, %dma_start3A_668] : memref<8x64x512xf32, #tpu.memory_space<vmem>> -> memref<1x32x512xf32, #tpu.memory_space<vmem>>
    %dma_start3A_670 = tpu.memref_squeeze %dma_start3A_669 : memref<1x32x512xf32, #tpu.memory_space<vmem>> -> memref<32x512xf32, #tpu.memory_space<vmem>>
    %dma_start3A_671 = arith.constant 0 : i32
    %dma_start3A_672 = arith.constant 0 : i32
    %dma_start3A_673 = tpu.memref_slice %arg8[%dma_start3A_662, %get3A_125, %dma_start3A_671, %dma_start3A_672] : memref<32x64x32x512xf32, #tpu.memory_space<hbm>> -> memref<1x1x32x512xf32, #tpu.memory_space<hbm>>
    %dma_start3A_674 = tpu.memref_squeeze %dma_start3A_673 : memref<1x1x32x512xf32, #tpu.memory_space<hbm>> -> memref<32x512xf32, #tpu.memory_space<hbm>>
    tpu.enqueue_dma source(%dma_start3A_674 : memref<32x512xf32, #tpu.memory_space<hbm>>) target(%dma_start3A_670 : memref<32x512xf32, #tpu.memory_space<vmem>>) target_semaphore(%dma_start3A_666 : memref<!tpu.dma_semaphore, #tpu.memory_space<semaphore_mem>>)
    %dma_start3A_675 = arith.constant 7 : i32
    %dma_start3A_676 = arith.constant 7 : i32
    %dma_start3A_677 = arith.constant 0 : i32
    %dma_start3A_678 = tpu.memref_slice %arg23[%dma_start3A_677] : memref<4x!tpu.dma_semaphore, #tpu.memory_space<semaphore_mem>> -> memref<1x!tpu.dma_semaphore, #tpu.memory_space<semaphore_mem>>
    %dma_start3A_679 = tpu.memref_squeeze %dma_start3A_678 : memref<1x!tpu.dma_semaphore, #tpu.memory_space<semaphore_mem>> -> memref<!tpu.dma_semaphore, #tpu.memory_space<semaphore_mem>>
    %dma_start3A_680 = arith.constant 32 : i32
    %dma_start3A_681 = arith.constant 0 : i32
    %dma_start3A_682 = tpu.memref_slice %arg18[%dma_start3A_676, %dma_start3A_680, %dma_start3A_681] : memref<8x64x512xf32, #tpu.memory_space<vmem>> -> memref<1x32x512xf32, #tpu.memory_space<vmem>>
    %dma_start3A_683 = tpu.memref_squeeze %dma_start3A_682 : memref<1x32x512xf32, #tpu.memory_space<vmem>> -> memref<32x512xf32, #tpu.memory_space<vmem>>
    %dma_start3A_684 = arith.constant 0 : i32
    %dma_start3A_685 = arith.constant 0 : i32
    %dma_start3A_686 = tpu.memref_slice %arg8[%dma_start3A_675, %get3A_128, %dma_start3A_684, %dma_start3A_685] : memref<32x64x32x512xf32, #tpu.memory_space<hbm>> -> memref<1x1x32x512xf32, #tpu.memory_space<hbm>>
    %dma_start3A_687 = tpu.memref_squeeze %dma_start3A_686 : memref<1x1x32x512xf32, #tpu.memory_space<hbm>> -> memref<32x512xf32, #tpu.memory_space<hbm>>
    tpu.enqueue_dma source(%dma_start3A_687 : memref<32x512xf32, #tpu.memory_space<hbm>>) target(%dma_start3A_683 : memref<32x512xf32, #tpu.memory_space<vmem>>) target_semaphore(%dma_start3A_679 : memref<!tpu.dma_semaphore, #tpu.memory_space<semaphore_mem>>)
    %dma_start3A_688 = arith.constant 8 : i32
    %dma_start3A_689 = arith.constant 0 : i32
    %dma_start3A_690 = arith.constant 1 : i32
    %dma_start3A_691 = tpu.memref_slice %arg22[%dma_start3A_690] : memref<4x!tpu.dma_semaphore, #tpu.memory_space<semaphore_mem>> -> memref<1x!tpu.dma_semaphore, #tpu.memory_space<semaphore_mem>>
    %dma_start3A_692 = tpu.memref_squeeze %dma_start3A_691 : memref<1x!tpu.dma_semaphore, #tpu.memory_space<semaphore_mem>> -> memref<!tpu.dma_semaphore, #tpu.memory_space<semaphore_mem>>
    %dma_start3A_693 = arith.constant 0 : i32
    %dma_start3A_694 = arith.constant 0 : i32
    %dma_start3A_695 = tpu.memref_slice %arg15[%dma_start3A_689, %dma_start3A_693, %dma_start3A_694] : memref<8x64x512xf32, #tpu.memory_space<vmem>> -> memref<1x32x512xf32, #tpu.memory_space<vmem>>
    %dma_start3A_696 = tpu.memref_squeeze %dma_start3A_695 : memref<1x32x512xf32, #tpu.memory_space<vmem>> -> memref<32x512xf32, #tpu.memory_space<vmem>>
    %dma_start3A_697 = arith.constant 0 : i32
    %dma_start3A_698 = arith.constant 0 : i32
    %dma_start3A_699 = tpu.memref_slice %arg7[%dma_start3A_688, %get3A_131, %dma_start3A_697, %dma_start3A_698] : memref<32x64x32x512xf32, #tpu.memory_space<hbm>> -> memref<1x1x32x512xf32, #tpu.memory_space<hbm>>
    %dma_start3A_700 = tpu.memref_squeeze %dma_start3A_699 : memref<1x1x32x512xf32, #tpu.memory_space<hbm>> -> memref<32x512xf32, #tpu.memory_space<hbm>>
    tpu.enqueue_dma source(%dma_start3A_700 : memref<32x512xf32, #tpu.memory_space<hbm>>) target(%dma_start3A_696 : memref<32x512xf32, #tpu.memory_space<vmem>>) target_semaphore(%dma_start3A_692 : memref<!tpu.dma_semaphore, #tpu.memory_space<semaphore_mem>>)
    %dma_start3A_701 = arith.constant 8 : i32
    %dma_start3A_702 = arith.constant 0 : i32
    %dma_start3A_703 = arith.constant 1 : i32
    %dma_start3A_704 = tpu.memref_slice %arg22[%dma_start3A_703] : memref<4x!tpu.dma_semaphore, #tpu.memory_space<semaphore_mem>> -> memref<1x!tpu.dma_semaphore, #tpu.memory_space<semaphore_mem>>
    %dma_start3A_705 = tpu.memref_squeeze %dma_start3A_704 : memref<1x!tpu.dma_semaphore, #tpu.memory_space<semaphore_mem>> -> memref<!tpu.dma_semaphore, #tpu.memory_space<semaphore_mem>>
    %dma_start3A_706 = arith.constant 32 : i32
    %dma_start3A_707 = arith.constant 0 : i32
    %dma_start3A_708 = tpu.memref_slice %arg15[%dma_start3A_702, %dma_start3A_706, %dma_start3A_707] : memref<8x64x512xf32, #tpu.memory_space<vmem>> -> memref<1x32x512xf32, #tpu.memory_space<vmem>>
    %dma_start3A_709 = tpu.memref_squeeze %dma_start3A_708 : memref<1x32x512xf32, #tpu.memory_space<vmem>> -> memref<32x512xf32, #tpu.memory_space<vmem>>
    %dma_start3A_710 = arith.constant 0 : i32
    %dma_start3A_711 = arith.constant 0 : i32
    %dma_start3A_712 = tpu.memref_slice %arg7[%dma_start3A_701, %get3A_134, %dma_start3A_710, %dma_start3A_711] : memref<32x64x32x512xf32, #tpu.memory_space<hbm>> -> memref<1x1x32x512xf32, #tpu.memory_space<hbm>>
    %dma_start3A_713 = tpu.memref_squeeze %dma_start3A_712 : memref<1x1x32x512xf32, #tpu.memory_space<hbm>> -> memref<32x512xf32, #tpu.memory_space<hbm>>
    tpu.enqueue_dma source(%dma_start3A_713 : memref<32x512xf32, #tpu.memory_space<hbm>>) target(%dma_start3A_709 : memref<32x512xf32, #tpu.memory_space<vmem>>) target_semaphore(%dma_start3A_705 : memref<!tpu.dma_semaphore, #tpu.memory_space<semaphore_mem>>)
    %dma_start3A_714 = arith.constant 9 : i32
    %dma_start3A_715 = arith.constant 1 : i32
    %dma_start3A_716 = arith.constant 1 : i32
    %dma_start3A_717 = tpu.memref_slice %arg22[%dma_start3A_716] : memref<4x!tpu.dma_semaphore, #tpu.memory_space<semaphore_mem>> -> memref<1x!tpu.dma_semaphore, #tpu.memory_space<semaphore_mem>>
    %dma_start3A_718 = tpu.memref_squeeze %dma_start3A_717 : memref<1x!tpu.dma_semaphore, #tpu.memory_space<semaphore_mem>> -> memref<!tpu.dma_semaphore, #tpu.memory_space<semaphore_mem>>
    %dma_start3A_719 = arith.constant 0 : i32
    %dma_start3A_720 = arith.constant 0 : i32
    %dma_start3A_721 = tpu.memref_slice %arg15[%dma_start3A_715, %dma_start3A_719, %dma_start3A_720] : memref<8x64x512xf32, #tpu.memory_space<vmem>> -> memref<1x32x512xf32, #tpu.memory_space<vmem>>
    %dma_start3A_722 = tpu.memref_squeeze %dma_start3A_721 : memref<1x32x512xf32, #tpu.memory_space<vmem>> -> memref<32x512xf32, #tpu.memory_space<vmem>>
    %dma_start3A_723 = arith.constant 0 : i32
    %dma_start3A_724 = arith.constant 0 : i32
    %dma_start3A_725 = tpu.memref_slice %arg7[%dma_start3A_714, %get3A_137, %dma_start3A_723, %dma_start3A_724] : memref<32x64x32x512xf32, #tpu.memory_space<hbm>> -> memref<1x1x32x512xf32, #tpu.memory_space<hbm>>
    %dma_start3A_726 = tpu.memref_squeeze %dma_start3A_725 : memref<1x1x32x512xf32, #tpu.memory_space<hbm>> -> memref<32x512xf32, #tpu.memory_space<hbm>>
    tpu.enqueue_dma source(%dma_start3A_726 : memref<32x512xf32, #tpu.memory_space<hbm>>) target(%dma_start3A_722 : memref<32x512xf32, #tpu.memory_space<vmem>>) target_semaphore(%dma_start3A_718 : memref<!tpu.dma_semaphore, #tpu.memory_space<semaphore_mem>>)
    %dma_start3A_727 = arith.constant 9 : i32
    %dma_start3A_728 = arith.constant 1 : i32
    %dma_start3A_729 = arith.constant 1 : i32
    %dma_start3A_730 = tpu.memref_slice %arg22[%dma_start3A_729] : memref<4x!tpu.dma_semaphore, #tpu.memory_space<semaphore_mem>> -> memref<1x!tpu.dma_semaphore, #tpu.memory_space<semaphore_mem>>
    %dma_start3A_731 = tpu.memref_squeeze %dma_start3A_730 : memref<1x!tpu.dma_semaphore, #tpu.memory_space<semaphore_mem>> -> memref<!tpu.dma_semaphore, #tpu.memory_space<semaphore_mem>>
    %dma_start3A_732 = arith.constant 32 : i32
    %dma_start3A_733 = arith.constant 0 : i32
    %dma_start3A_734 = tpu.memref_slice %arg15[%dma_start3A_728, %dma_start3A_732, %dma_start3A_733] : memref<8x64x512xf32, #tpu.memory_space<vmem>> -> memref<1x32x512xf32, #tpu.memory_space<vmem>>
    %dma_start3A_735 = tpu.memref_squeeze %dma_start3A_734 : memref<1x32x512xf32, #tpu.memory_space<vmem>> -> memref<32x512xf32, #tpu.memory_space<vmem>>
    %dma_start3A_736 = arith.constant 0 : i32
    %dma_start3A_737 = arith.constant 0 : i32
    %dma_start3A_738 = tpu.memref_slice %arg7[%dma_start3A_727, %get3A_140, %dma_start3A_736, %dma_start3A_737] : memref<32x64x32x512xf32, #tpu.memory_space<hbm>> -> memref<1x1x32x512xf32, #tpu.memory_space<hbm>>
    %dma_start3A_739 = tpu.memref_squeeze %dma_start3A_738 : memref<1x1x32x512xf32, #tpu.memory_space<hbm>> -> memref<32x512xf32, #tpu.memory_space<hbm>>
    tpu.enqueue_dma source(%dma_start3A_739 : memref<32x512xf32, #tpu.memory_space<hbm>>) target(%dma_start3A_735 : memref<32x512xf32, #tpu.memory_space<vmem>>) target_semaphore(%dma_start3A_731 : memref<!tpu.dma_semaphore, #tpu.memory_space<semaphore_mem>>)
    %dma_start3A_740 = arith.constant 10 : i32
    %dma_start3A_741 = arith.constant 2 : i32
    %dma_start3A_742 = arith.constant 1 : i32
    %dma_start3A_743 = tpu.memref_slice %arg22[%dma_start3A_742] : memref<4x!tpu.dma_semaphore, #tpu.memory_space<semaphore_mem>> -> memref<1x!tpu.dma_semaphore, #tpu.memory_space<semaphore_mem>>
    %dma_start3A_744 = tpu.memref_squeeze %dma_start3A_743 : memref<1x!tpu.dma_semaphore, #tpu.memory_space<semaphore_mem>> -> memref<!tpu.dma_semaphore, #tpu.memory_space<semaphore_mem>>
    %dma_start3A_745 = arith.constant 0 : i32
    %dma_start3A_746 = arith.constant 0 : i32
    %dma_start3A_747 = tpu.memref_slice %arg15[%dma_start3A_741, %dma_start3A_745, %dma_start3A_746] : memref<8x64x512xf32, #tpu.memory_space<vmem>> -> memref<1x32x512xf32, #tpu.memory_space<vmem>>
    %dma_start3A_748 = tpu.memref_squeeze %dma_start3A_747 : memref<1x32x512xf32, #tpu.memory_space<vmem>> -> memref<32x512xf32, #tpu.memory_space<vmem>>
    %dma_start3A_749 = arith.constant 0 : i32
    %dma_start3A_750 = arith.constant 0 : i32
    %dma_start3A_751 = tpu.memref_slice %arg7[%dma_start3A_740, %get3A_143, %dma_start3A_749, %dma_start3A_750] : memref<32x64x32x512xf32, #tpu.memory_space<hbm>> -> memref<1x1x32x512xf32, #tpu.memory_space<hbm>>
    %dma_start3A_752 = tpu.memref_squeeze %dma_start3A_751 : memref<1x1x32x512xf32, #tpu.memory_space<hbm>> -> memref<32x512xf32, #tpu.memory_space<hbm>>
    tpu.enqueue_dma source(%dma_start3A_752 : memref<32x512xf32, #tpu.memory_space<hbm>>) target(%dma_start3A_748 : memref<32x512xf32, #tpu.memory_space<vmem>>) target_semaphore(%dma_start3A_744 : memref<!tpu.dma_semaphore, #tpu.memory_space<semaphore_mem>>)
    %dma_start3A_753 = arith.constant 10 : i32
    %dma_start3A_754 = arith.constant 2 : i32
    %dma_start3A_755 = arith.constant 1 : i32
    %dma_start3A_756 = tpu.memref_slice %arg22[%dma_start3A_755] : memref<4x!tpu.dma_semaphore, #tpu.memory_space<semaphore_mem>> -> memref<1x!tpu.dma_semaphore, #tpu.memory_space<semaphore_mem>>
    %dma_start3A_757 = tpu.memref_squeeze %dma_start3A_756 : memref<1x!tpu.dma_semaphore, #tpu.memory_space<semaphore_mem>> -> memref<!tpu.dma_semaphore, #tpu.memory_space<semaphore_mem>>
    %dma_start3A_758 = arith.constant 32 : i32
    %dma_start3A_759 = arith.constant 0 : i32
    %dma_start3A_760 = tpu.memref_slice %arg15[%dma_start3A_754, %dma_start3A_758, %dma_start3A_759] : memref<8x64x512xf32, #tpu.memory_space<vmem>> -> memref<1x32x512xf32, #tpu.memory_space<vmem>>
    %dma_start3A_761 = tpu.memref_squeeze %dma_start3A_760 : memref<1x32x512xf32, #tpu.memory_space<vmem>> -> memref<32x512xf32, #tpu.memory_space<vmem>>
    %dma_start3A_762 = arith.constant 0 : i32
    %dma_start3A_763 = arith.constant 0 : i32
    %dma_start3A_764 = tpu.memref_slice %arg7[%dma_start3A_753, %get3A_146, %dma_start3A_762, %dma_start3A_763] : memref<32x64x32x512xf32, #tpu.memory_space<hbm>> -> memref<1x1x32x512xf32, #tpu.memory_space<hbm>>
    %dma_start3A_765 = tpu.memref_squeeze %dma_start3A_764 : memref<1x1x32x512xf32, #tpu.memory_space<hbm>> -> memref<32x512xf32, #tpu.memory_space<hbm>>
    tpu.enqueue_dma source(%dma_start3A_765 : memref<32x512xf32, #tpu.memory_space<hbm>>) target(%dma_start3A_761 : memref<32x512xf32, #tpu.memory_space<vmem>>) target_semaphore(%dma_start3A_757 : memref<!tpu.dma_semaphore, #tpu.memory_space<semaphore_mem>>)
    %dma_start3A_766 = arith.constant 11 : i32
    %dma_start3A_767 = arith.constant 3 : i32
    %dma_start3A_768 = arith.constant 1 : i32
    %dma_start3A_769 = tpu.memref_slice %arg22[%dma_start3A_768] : memref<4x!tpu.dma_semaphore, #tpu.memory_space<semaphore_mem>> -> memref<1x!tpu.dma_semaphore, #tpu.memory_space<semaphore_mem>>
    %dma_start3A_770 = tpu.memref_squeeze %dma_start3A_769 : memref<1x!tpu.dma_semaphore, #tpu.memory_space<semaphore_mem>> -> memref<!tpu.dma_semaphore, #tpu.memory_space<semaphore_mem>>
    %dma_start3A_771 = arith.constant 0 : i32
    %dma_start3A_772 = arith.constant 0 : i32
    %dma_start3A_773 = tpu.memref_slice %arg15[%dma_start3A_767, %dma_start3A_771, %dma_start3A_772] : memref<8x64x512xf32, #tpu.memory_space<vmem>> -> memref<1x32x512xf32, #tpu.memory_space<vmem>>
    %dma_start3A_774 = tpu.memref_squeeze %dma_start3A_773 : memref<1x32x512xf32, #tpu.memory_space<vmem>> -> memref<32x512xf32, #tpu.memory_space<vmem>>
    %dma_start3A_775 = arith.constant 0 : i32
    %dma_start3A_776 = arith.constant 0 : i32
    %dma_start3A_777 = tpu.memref_slice %arg7[%dma_start3A_766, %get3A_149, %dma_start3A_775, %dma_start3A_776] : memref<32x64x32x512xf32, #tpu.memory_space<hbm>> -> memref<1x1x32x512xf32, #tpu.memory_space<hbm>>
    %dma_start3A_778 = tpu.memref_squeeze %dma_start3A_777 : memref<1x1x32x512xf32, #tpu.memory_space<hbm>> -> memref<32x512xf32, #tpu.memory_space<hbm>>
    tpu.enqueue_dma source(%dma_start3A_778 : memref<32x512xf32, #tpu.memory_space<hbm>>) target(%dma_start3A_774 : memref<32x512xf32, #tpu.memory_space<vmem>>) target_semaphore(%dma_start3A_770 : memref<!tpu.dma_semaphore, #tpu.memory_space<semaphore_mem>>)
    %dma_start3A_779 = arith.constant 11 : i32
    %dma_start3A_780 = arith.constant 3 : i32
    %dma_start3A_781 = arith.constant 1 : i32
    %dma_start3A_782 = tpu.memref_slice %arg22[%dma_start3A_781] : memref<4x!tpu.dma_semaphore, #tpu.memory_space<semaphore_mem>> -> memref<1x!tpu.dma_semaphore, #tpu.memory_space<semaphore_mem>>
    %dma_start3A_783 = tpu.memref_squeeze %dma_start3A_782 : memref<1x!tpu.dma_semaphore, #tpu.memory_space<semaphore_mem>> -> memref<!tpu.dma_semaphore, #tpu.memory_space<semaphore_mem>>
    %dma_start3A_784 = arith.constant 32 : i32
    %dma_start3A_785 = arith.constant 0 : i32
    %dma_start3A_786 = tpu.memref_slice %arg15[%dma_start3A_780, %dma_start3A_784, %dma_start3A_785] : memref<8x64x512xf32, #tpu.memory_space<vmem>> -> memref<1x32x512xf32, #tpu.memory_space<vmem>>
    %dma_start3A_787 = tpu.memref_squeeze %dma_start3A_786 : memref<1x32x512xf32, #tpu.memory_space<vmem>> -> memref<32x512xf32, #tpu.memory_space<vmem>>
    %dma_start3A_788 = arith.constant 0 : i32
    %dma_start3A_789 = arith.constant 0 : i32
    %dma_start3A_790 = tpu.memref_slice %arg7[%dma_start3A_779, %get3A_152, %dma_start3A_788, %dma_start3A_789] : memref<32x64x32x512xf32, #tpu.memory_space<hbm>> -> memref<1x1x32x512xf32, #tpu.memory_space<hbm>>
    %dma_start3A_791 = tpu.memref_squeeze %dma_start3A_790 : memref<1x1x32x512xf32, #tpu.memory_space<hbm>> -> memref<32x512xf32, #tpu.memory_space<hbm>>
    tpu.enqueue_dma source(%dma_start3A_791 : memref<32x512xf32, #tpu.memory_space<hbm>>) target(%dma_start3A_787 : memref<32x512xf32, #tpu.memory_space<vmem>>) target_semaphore(%dma_start3A_783 : memref<!tpu.dma_semaphore, #tpu.memory_space<semaphore_mem>>)
    %dma_start3A_792 = arith.constant 12 : i32
    %dma_start3A_793 = arith.constant 4 : i32
    %dma_start3A_794 = arith.constant 1 : i32
    %dma_start3A_795 = tpu.memref_slice %arg22[%dma_start3A_794] : memref<4x!tpu.dma_semaphore, #tpu.memory_space<semaphore_mem>> -> memref<1x!tpu.dma_semaphore, #tpu.memory_space<semaphore_mem>>
    %dma_start3A_796 = tpu.memref_squeeze %dma_start3A_795 : memref<1x!tpu.dma_semaphore, #tpu.memory_space<semaphore_mem>> -> memref<!tpu.dma_semaphore, #tpu.memory_space<semaphore_mem>>
    %dma_start3A_797 = arith.constant 0 : i32
    %dma_start3A_798 = arith.constant 0 : i32
    %dma_start3A_799 = tpu.memref_slice %arg15[%dma_start3A_793, %dma_start3A_797, %dma_start3A_798] : memref<8x64x512xf32, #tpu.memory_space<vmem>> -> memref<1x32x512xf32, #tpu.memory_space<vmem>>
    %dma_start3A_800 = tpu.memref_squeeze %dma_start3A_799 : memref<1x32x512xf32, #tpu.memory_space<vmem>> -> memref<32x512xf32, #tpu.memory_space<vmem>>
    %dma_start3A_801 = arith.constant 0 : i32
    %dma_start3A_802 = arith.constant 0 : i32
    %dma_start3A_803 = tpu.memref_slice %arg7[%dma_start3A_792, %get3A_155, %dma_start3A_801, %dma_start3A_802] : memref<32x64x32x512xf32, #tpu.memory_space<hbm>> -> memref<1x1x32x512xf32, #tpu.memory_space<hbm>>
    %dma_start3A_804 = tpu.memref_squeeze %dma_start3A_803 : memref<1x1x32x512xf32, #tpu.memory_space<hbm>> -> memref<32x512xf32, #tpu.memory_space<hbm>>
    tpu.enqueue_dma source(%dma_start3A_804 : memref<32x512xf32, #tpu.memory_space<hbm>>) target(%dma_start3A_800 : memref<32x512xf32, #tpu.memory_space<vmem>>) target_semaphore(%dma_start3A_796 : memref<!tpu.dma_semaphore, #tpu.memory_space<semaphore_mem>>)
    %dma_start3A_805 = arith.constant 12 : i32
    %dma_start3A_806 = arith.constant 4 : i32
    %dma_start3A_807 = arith.constant 1 : i32
    %dma_start3A_808 = tpu.memref_slice %arg22[%dma_start3A_807] : memref<4x!tpu.dma_semaphore, #tpu.memory_space<semaphore_mem>> -> memref<1x!tpu.dma_semaphore, #tpu.memory_space<semaphore_mem>>
    %dma_start3A_809 = tpu.memref_squeeze %dma_start3A_808 : memref<1x!tpu.dma_semaphore, #tpu.memory_space<semaphore_mem>> -> memref<!tpu.dma_semaphore, #tpu.memory_space<semaphore_mem>>
    %dma_start3A_810 = arith.constant 32 : i32
    %dma_start3A_811 = arith.constant 0 : i32
    %dma_start3A_812 = tpu.memref_slice %arg15[%dma_start3A_806, %dma_start3A_810, %dma_start3A_811] : memref<8x64x512xf32, #tpu.memory_space<vmem>> -> memref<1x32x512xf32, #tpu.memory_space<vmem>>
    %dma_start3A_813 = tpu.memref_squeeze %dma_start3A_812 : memref<1x32x512xf32, #tpu.memory_space<vmem>> -> memref<32x512xf32, #tpu.memory_space<vmem>>
    %dma_start3A_814 = arith.constant 0 : i32
    %dma_start3A_815 = arith.constant 0 : i32
    %dma_start3A_816 = tpu.memref_slice %arg7[%dma_start3A_805, %get3A_158, %dma_start3A_814, %dma_start3A_815] : memref<32x64x32x512xf32, #tpu.memory_space<hbm>> -> memref<1x1x32x512xf32, #tpu.memory_space<hbm>>
    %dma_start3A_817 = tpu.memref_squeeze %dma_start3A_816 : memref<1x1x32x512xf32, #tpu.memory_space<hbm>> -> memref<32x512xf32, #tpu.memory_space<hbm>>
    tpu.enqueue_dma source(%dma_start3A_817 : memref<32x512xf32, #tpu.memory_space<hbm>>) target(%dma_start3A_813 : memref<32x512xf32, #tpu.memory_space<vmem>>) target_semaphore(%dma_start3A_809 : memref<!tpu.dma_semaphore, #tpu.memory_space<semaphore_mem>>)
    %dma_start3A_818 = arith.constant 13 : i32
    %dma_start3A_819 = arith.constant 5 : i32
    %dma_start3A_820 = arith.constant 1 : i32
    %dma_start3A_821 = tpu.memref_slice %arg22[%dma_start3A_820] : memref<4x!tpu.dma_semaphore, #tpu.memory_space<semaphore_mem>> -> memref<1x!tpu.dma_semaphore, #tpu.memory_space<semaphore_mem>>
    %dma_start3A_822 = tpu.memref_squeeze %dma_start3A_821 : memref<1x!tpu.dma_semaphore, #tpu.memory_space<semaphore_mem>> -> memref<!tpu.dma_semaphore, #tpu.memory_space<semaphore_mem>>
    %dma_start3A_823 = arith.constant 0 : i32
    %dma_start3A_824 = arith.constant 0 : i32
    %dma_start3A_825 = tpu.memref_slice %arg15[%dma_start3A_819, %dma_start3A_823, %dma_start3A_824] : memref<8x64x512xf32, #tpu.memory_space<vmem>> -> memref<1x32x512xf32, #tpu.memory_space<vmem>>
    %dma_start3A_826 = tpu.memref_squeeze %dma_start3A_825 : memref<1x32x512xf32, #tpu.memory_space<vmem>> -> memref<32x512xf32, #tpu.memory_space<vmem>>
    %dma_start3A_827 = arith.constant 0 : i32
    %dma_start3A_828 = arith.constant 0 : i32
    %dma_start3A_829 = tpu.memref_slice %arg7[%dma_start3A_818, %get3A_161, %dma_start3A_827, %dma_start3A_828] : memref<32x64x32x512xf32, #tpu.memory_space<hbm>> -> memref<1x1x32x512xf32, #tpu.memory_space<hbm>>
    %dma_start3A_830 = tpu.memref_squeeze %dma_start3A_829 : memref<1x1x32x512xf32, #tpu.memory_space<hbm>> -> memref<32x512xf32, #tpu.memory_space<hbm>>
    tpu.enqueue_dma source(%dma_start3A_830 : memref<32x512xf32, #tpu.memory_space<hbm>>) target(%dma_start3A_826 : memref<32x512xf32, #tpu.memory_space<vmem>>) target_semaphore(%dma_start3A_822 : memref<!tpu.dma_semaphore, #tpu.memory_space<semaphore_mem>>)
    %dma_start3A_831 = arith.constant 13 : i32
    %dma_start3A_832 = arith.constant 5 : i32
    %dma_start3A_833 = arith.constant 1 : i32
    %dma_start3A_834 = tpu.memref_slice %arg22[%dma_start3A_833] : memref<4x!tpu.dma_semaphore, #tpu.memory_space<semaphore_mem>> -> memref<1x!tpu.dma_semaphore, #tpu.memory_space<semaphore_mem>>
    %dma_start3A_835 = tpu.memref_squeeze %dma_start3A_834 : memref<1x!tpu.dma_semaphore, #tpu.memory_space<semaphore_mem>> -> memref<!tpu.dma_semaphore, #tpu.memory_space<semaphore_mem>>
    %dma_start3A_836 = arith.constant 32 : i32
    %dma_start3A_837 = arith.constant 0 : i32
    %dma_start3A_838 = tpu.memref_slice %arg15[%dma_start3A_832, %dma_start3A_836, %dma_start3A_837] : memref<8x64x512xf32, #tpu.memory_space<vmem>> -> memref<1x32x512xf32, #tpu.memory_space<vmem>>
    %dma_start3A_839 = tpu.memref_squeeze %dma_start3A_838 : memref<1x32x512xf32, #tpu.memory_space<vmem>> -> memref<32x512xf32, #tpu.memory_space<vmem>>
    %dma_start3A_840 = arith.constant 0 : i32
    %dma_start3A_841 = arith.constant 0 : i32
    %dma_start3A_842 = tpu.memref_slice %arg7[%dma_start3A_831, %get3A_164, %dma_start3A_840, %dma_start3A_841] : memref<32x64x32x512xf32, #tpu.memory_space<hbm>> -> memref<1x1x32x512xf32, #tpu.memory_space<hbm>>
    %dma_start3A_843 = tpu.memref_squeeze %dma_start3A_842 : memref<1x1x32x512xf32, #tpu.memory_space<hbm>> -> memref<32x512xf32, #tpu.memory_space<hbm>>
    tpu.enqueue_dma source(%dma_start3A_843 : memref<32x512xf32, #tpu.memory_space<hbm>>) target(%dma_start3A_839 : memref<32x512xf32, #tpu.memory_space<vmem>>) target_semaphore(%dma_start3A_835 : memref<!tpu.dma_semaphore, #tpu.memory_space<semaphore_mem>>)
    %dma_start3A_844 = arith.constant 14 : i32
    %dma_start3A_845 = arith.constant 6 : i32
    %dma_start3A_846 = arith.constant 1 : i32
    %dma_start3A_847 = tpu.memref_slice %arg22[%dma_start3A_846] : memref<4x!tpu.dma_semaphore, #tpu.memory_space<semaphore_mem>> -> memref<1x!tpu.dma_semaphore, #tpu.memory_space<semaphore_mem>>
    %dma_start3A_848 = tpu.memref_squeeze %dma_start3A_847 : memref<1x!tpu.dma_semaphore, #tpu.memory_space<semaphore_mem>> -> memref<!tpu.dma_semaphore, #tpu.memory_space<semaphore_mem>>
    %dma_start3A_849 = arith.constant 0 : i32
    %dma_start3A_850 = arith.constant 0 : i32
    %dma_start3A_851 = tpu.memref_slice %arg15[%dma_start3A_845, %dma_start3A_849, %dma_start3A_850] : memref<8x64x512xf32, #tpu.memory_space<vmem>> -> memref<1x32x512xf32, #tpu.memory_space<vmem>>
    %dma_start3A_852 = tpu.memref_squeeze %dma_start3A_851 : memref<1x32x512xf32, #tpu.memory_space<vmem>> -> memref<32x512xf32, #tpu.memory_space<vmem>>
    %dma_start3A_853 = arith.constant 0 : i32
    %dma_start3A_854 = arith.constant 0 : i32
    %dma_start3A_855 = tpu.memref_slice %arg7[%dma_start3A_844, %get3A_167, %dma_start3A_853, %dma_start3A_854] : memref<32x64x32x512xf32, #tpu.memory_space<hbm>> -> memref<1x1x32x512xf32, #tpu.memory_space<hbm>>
    %dma_start3A_856 = tpu.memref_squeeze %dma_start3A_855 : memref<1x1x32x512xf32, #tpu.memory_space<hbm>> -> memref<32x512xf32, #tpu.memory_space<hbm>>
    tpu.enqueue_dma source(%dma_start3A_856 : memref<32x512xf32, #tpu.memory_space<hbm>>) target(%dma_start3A_852 : memref<32x512xf32, #tpu.memory_space<vmem>>) target_semaphore(%dma_start3A_848 : memref<!tpu.dma_semaphore, #tpu.memory_space<semaphore_mem>>)
    %dma_start3A_857 = arith.constant 14 : i32
    %dma_start3A_858 = arith.constant 6 : i32
    %dma_start3A_859 = arith.constant 1 : i32
    %dma_start3A_860 = tpu.memref_slice %arg22[%dma_start3A_859] : memref<4x!tpu.dma_semaphore, #tpu.memory_space<semaphore_mem>> -> memref<1x!tpu.dma_semaphore, #tpu.memory_space<semaphore_mem>>
    %dma_start3A_861 = tpu.memref_squeeze %dma_start3A_860 : memref<1x!tpu.dma_semaphore, #tpu.memory_space<semaphore_mem>> -> memref<!tpu.dma_semaphore, #tpu.memory_space<semaphore_mem>>
    %dma_start3A_862 = arith.constant 32 : i32
    %dma_start3A_863 = arith.constant 0 : i32
    %dma_start3A_864 = tpu.memref_slice %arg15[%dma_start3A_858, %dma_start3A_862, %dma_start3A_863] : memref<8x64x512xf32, #tpu.memory_space<vmem>> -> memref<1x32x512xf32, #tpu.memory_space<vmem>>
    %dma_start3A_865 = tpu.memref_squeeze %dma_start3A_864 : memref<1x32x512xf32, #tpu.memory_space<vmem>> -> memref<32x512xf32, #tpu.memory_space<vmem>>
    %dma_start3A_866 = arith.constant 0 : i32
    %dma_start3A_867 = arith.constant 0 : i32
    %dma_start3A_868 = tpu.memref_slice %arg7[%dma_start3A_857, %get3A_170, %dma_start3A_866, %dma_start3A_867] : memref<32x64x32x512xf32, #tpu.memory_space<hbm>> -> memref<1x1x32x512xf32, #tpu.memory_space<hbm>>
    %dma_start3A_869 = tpu.memref_squeeze %dma_start3A_868 : memref<1x1x32x512xf32, #tpu.memory_space<hbm>> -> memref<32x512xf32, #tpu.memory_space<hbm>>
    tpu.enqueue_dma source(%dma_start3A_869 : memref<32x512xf32, #tpu.memory_space<hbm>>) target(%dma_start3A_865 : memref<32x512xf32, #tpu.memory_space<vmem>>) target_semaphore(%dma_start3A_861 : memref<!tpu.dma_semaphore, #tpu.memory_space<semaphore_mem>>)
    %dma_start3A_870 = arith.constant 15 : i32
    %dma_start3A_871 = arith.constant 7 : i32
    %dma_start3A_872 = arith.constant 1 : i32
    %dma_start3A_873 = tpu.memref_slice %arg22[%dma_start3A_872] : memref<4x!tpu.dma_semaphore, #tpu.memory_space<semaphore_mem>> -> memref<1x!tpu.dma_semaphore, #tpu.memory_space<semaphore_mem>>
    %dma_start3A_874 = tpu.memref_squeeze %dma_start3A_873 : memref<1x!tpu.dma_semaphore, #tpu.memory_space<semaphore_mem>> -> memref<!tpu.dma_semaphore, #tpu.memory_space<semaphore_mem>>
    %dma_start3A_875 = arith.constant 0 : i32
    %dma_start3A_876 = arith.constant 0 : i32
    %dma_start3A_877 = tpu.memref_slice %arg15[%dma_start3A_871, %dma_start3A_875, %dma_start3A_876] : memref<8x64x512xf32, #tpu.memory_space<vmem>> -> memref<1x32x512xf32, #tpu.memory_space<vmem>>
    %dma_start3A_878 = tpu.memref_squeeze %dma_start3A_877 : memref<1x32x512xf32, #tpu.memory_space<vmem>> -> memref<32x512xf32, #tpu.memory_space<vmem>>
    %dma_start3A_879 = arith.constant 0 : i32
    %dma_start3A_880 = arith.constant 0 : i32
    %dma_start3A_881 = tpu.memref_slice %arg7[%dma_start3A_870, %get3A_173, %dma_start3A_879, %dma_start3A_880] : memref<32x64x32x512xf32, #tpu.memory_space<hbm>> -> memref<1x1x32x512xf32, #tpu.memory_space<hbm>>
    %dma_start3A_882 = tpu.memref_squeeze %dma_start3A_881 : memref<1x1x32x512xf32, #tpu.memory_space<hbm>> -> memref<32x512xf32, #tpu.memory_space<hbm>>
    tpu.enqueue_dma source(%dma_start3A_882 : memref<32x512xf32, #tpu.memory_space<hbm>>) target(%dma_start3A_878 : memref<32x512xf32, #tpu.memory_space<vmem>>) target_semaphore(%dma_start3A_874 : memref<!tpu.dma_semaphore, #tpu.memory_space<semaphore_mem>>)
    %dma_start3A_883 = arith.constant 15 : i32
    %dma_start3A_884 = arith.constant 7 : i32
    %dma_start3A_885 = arith.constant 1 : i32
    %dma_start3A_886 = tpu.memref_slice %arg22[%dma_start3A_885] : memref<4x!tpu.dma_semaphore, #tpu.memory_space<semaphore_mem>> -> memref<1x!tpu.dma_semaphore, #tpu.memory_space<semaphore_mem>>
    %dma_start3A_887 = tpu.memref_squeeze %dma_start3A_886 : memref<1x!tpu.dma_semaphore, #tpu.memory_space<semaphore_mem>> -> memref<!tpu.dma_semaphore, #tpu.memory_space<semaphore_mem>>
    %dma_start3A_888 = arith.constant 32 : i32
    %dma_start3A_889 = arith.constant 0 : i32
    %dma_start3A_890 = tpu.memref_slice %arg15[%dma_start3A_884, %dma_start3A_888, %dma_start3A_889] : memref<8x64x512xf32, #tpu.memory_space<vmem>> -> memref<1x32x512xf32, #tpu.memory_space<vmem>>
    %dma_start3A_891 = tpu.memref_squeeze %dma_start3A_890 : memref<1x32x512xf32, #tpu.memory_space<vmem>> -> memref<32x512xf32, #tpu.memory_space<vmem>>
    %dma_start3A_892 = arith.constant 0 : i32
    %dma_start3A_893 = arith.constant 0 : i32
    %dma_start3A_894 = tpu.memref_slice %arg7[%dma_start3A_883, %get3A_176, %dma_start3A_892, %dma_start3A_893] : memref<32x64x32x512xf32, #tpu.memory_space<hbm>> -> memref<1x1x32x512xf32, #tpu.memory_space<hbm>>
    %dma_start3A_895 = tpu.memref_squeeze %dma_start3A_894 : memref<1x1x32x512xf32, #tpu.memory_space<hbm>> -> memref<32x512xf32, #tpu.memory_space<hbm>>
    tpu.enqueue_dma source(%dma_start3A_895 : memref<32x512xf32, #tpu.memory_space<hbm>>) target(%dma_start3A_891 : memref<32x512xf32, #tpu.memory_space<vmem>>) target_semaphore(%dma_start3A_887 : memref<!tpu.dma_semaphore, #tpu.memory_space<semaphore_mem>>)
    %dma_start3A_896 = arith.constant 8 : i32
    %dma_start3A_897 = arith.constant 0 : i32
    %dma_start3A_898 = arith.constant 1 : i32
    %dma_start3A_899 = tpu.memref_slice %arg23[%dma_start3A_898] : memref<4x!tpu.dma_semaphore, #tpu.memory_space<semaphore_mem>> -> memref<1x!tpu.dma_semaphore, #tpu.memory_space<semaphore_mem>>
    %dma_start3A_900 = tpu.memref_squeeze %dma_start3A_899 : memref<1x!tpu.dma_semaphore, #tpu.memory_space<semaphore_mem>> -> memref<!tpu.dma_semaphore, #tpu.memory_space<semaphore_mem>>
    %dma_start3A_901 = arith.constant 0 : i32
    %dma_start3A_902 = arith.constant 0 : i32
    %dma_start3A_903 = tpu.memref_slice %arg19[%dma_start3A_897, %dma_start3A_901, %dma_start3A_902] : memref<8x64x512xf32, #tpu.memory_space<vmem>> -> memref<1x32x512xf32, #tpu.memory_space<vmem>>
    %dma_start3A_904 = tpu.memref_squeeze %dma_start3A_903 : memref<1x32x512xf32, #tpu.memory_space<vmem>> -> memref<32x512xf32, #tpu.memory_space<vmem>>
    %dma_start3A_905 = arith.constant 0 : i32
    %dma_start3A_906 = arith.constant 0 : i32
    %dma_start3A_907 = tpu.memref_slice %arg8[%dma_start3A_896, %get3A_131, %dma_start3A_905, %dma_start3A_906] : memref<32x64x32x512xf32, #tpu.memory_space<hbm>> -> memref<1x1x32x512xf32, #tpu.memory_space<hbm>>
    %dma_start3A_908 = tpu.memref_squeeze %dma_start3A_907 : memref<1x1x32x512xf32, #tpu.memory_space<hbm>> -> memref<32x512xf32, #tpu.memory_space<hbm>>
    tpu.enqueue_dma source(%dma_start3A_908 : memref<32x512xf32, #tpu.memory_space<hbm>>) target(%dma_start3A_904 : memref<32x512xf32, #tpu.memory_space<vmem>>) target_semaphore(%dma_start3A_900 : memref<!tpu.dma_semaphore, #tpu.memory_space<semaphore_mem>>)
    %dma_start3A_909 = arith.constant 8 : i32
    %dma_start3A_910 = arith.constant 0 : i32
    %dma_start3A_911 = arith.constant 1 : i32
    %dma_start3A_912 = tpu.memref_slice %arg23[%dma_start3A_911] : memref<4x!tpu.dma_semaphore, #tpu.memory_space<semaphore_mem>> -> memref<1x!tpu.dma_semaphore, #tpu.memory_space<semaphore_mem>>
    %dma_start3A_913 = tpu.memref_squeeze %dma_start3A_912 : memref<1x!tpu.dma_semaphore, #tpu.memory_space<semaphore_mem>> -> memref<!tpu.dma_semaphore, #tpu.memory_space<semaphore_mem>>
    %dma_start3A_914 = arith.constant 32 : i32
    %dma_start3A_915 = arith.constant 0 : i32
    %dma_start3A_916 = tpu.memref_slice %arg19[%dma_start3A_910, %dma_start3A_914, %dma_start3A_915] : memref<8x64x512xf32, #tpu.memory_space<vmem>> -> memref<1x32x512xf32, #tpu.memory_space<vmem>>
    %dma_start3A_917 = tpu.memref_squeeze %dma_start3A_916 : memref<1x32x512xf32, #tpu.memory_space<vmem>> -> memref<32x512xf32, #tpu.memory_space<vmem>>
    %dma_start3A_918 = arith.constant 0 : i32
    %dma_start3A_919 = arith.constant 0 : i32
    %dma_start3A_920 = tpu.memref_slice %arg8[%dma_start3A_909, %get3A_134, %dma_start3A_918, %dma_start3A_919] : memref<32x64x32x512xf32, #tpu.memory_space<hbm>> -> memref<1x1x32x512xf32, #tpu.memory_space<hbm>>
    %dma_start3A_921 = tpu.memref_squeeze %dma_start3A_920 : memref<1x1x32x512xf32, #tpu.memory_space<hbm>> -> memref<32x512xf32, #tpu.memory_space<hbm>>
    tpu.enqueue_dma source(%dma_start3A_921 : memref<32x512xf32, #tpu.memory_space<hbm>>) target(%dma_start3A_917 : memref<32x512xf32, #tpu.memory_space<vmem>>) target_semaphore(%dma_start3A_913 : memref<!tpu.dma_semaphore, #tpu.memory_space<semaphore_mem>>)
    %dma_start3A_922 = arith.constant 9 : i32
    %dma_start3A_923 = arith.constant 1 : i32
    %dma_start3A_924 = arith.constant 1 : i32
    %dma_start3A_925 = tpu.memref_slice %arg23[%dma_start3A_924] : memref<4x!tpu.dma_semaphore, #tpu.memory_space<semaphore_mem>> -> memref<1x!tpu.dma_semaphore, #tpu.memory_space<semaphore_mem>>
    %dma_start3A_926 = tpu.memref_squeeze %dma_start3A_925 : memref<1x!tpu.dma_semaphore, #tpu.memory_space<semaphore_mem>> -> memref<!tpu.dma_semaphore, #tpu.memory_space<semaphore_mem>>
    %dma_start3A_927 = arith.constant 0 : i32
    %dma_start3A_928 = arith.constant 0 : i32
    %dma_start3A_929 = tpu.memref_slice %arg19[%dma_start3A_923, %dma_start3A_927, %dma_start3A_928] : memref<8x64x512xf32, #tpu.memory_space<vmem>> -> memref<1x32x512xf32, #tpu.memory_space<vmem>>
    %dma_start3A_930 = tpu.memref_squeeze %dma_start3A_929 : memref<1x32x512xf32, #tpu.memory_space<vmem>> -> memref<32x512xf32, #tpu.memory_space<vmem>>
    %dma_start3A_931 = arith.constant 0 : i32
    %dma_start3A_932 = arith.constant 0 : i32
    %dma_start3A_933 = tpu.memref_slice %arg8[%dma_start3A_922, %get3A_137, %dma_start3A_931, %dma_start3A_932] : memref<32x64x32x512xf32, #tpu.memory_space<hbm>> -> memref<1x1x32x512xf32, #tpu.memory_space<hbm>>
    %dma_start3A_934 = tpu.memref_squeeze %dma_start3A_933 : memref<1x1x32x512xf32, #tpu.memory_space<hbm>> -> memref<32x512xf32, #tpu.memory_space<hbm>>
    tpu.enqueue_dma source(%dma_start3A_934 : memref<32x512xf32, #tpu.memory_space<hbm>>) target(%dma_start3A_930 : memref<32x512xf32, #tpu.memory_space<vmem>>) target_semaphore(%dma_start3A_926 : memref<!tpu.dma_semaphore, #tpu.memory_space<semaphore_mem>>)
    %dma_start3A_935 = arith.constant 9 : i32
    %dma_start3A_936 = arith.constant 1 : i32
    %dma_start3A_937 = arith.constant 1 : i32
    %dma_start3A_938 = tpu.memref_slice %arg23[%dma_start3A_937] : memref<4x!tpu.dma_semaphore, #tpu.memory_space<semaphore_mem>> -> memref<1x!tpu.dma_semaphore, #tpu.memory_space<semaphore_mem>>
    %dma_start3A_939 = tpu.memref_squeeze %dma_start3A_938 : memref<1x!tpu.dma_semaphore, #tpu.memory_space<semaphore_mem>> -> memref<!tpu.dma_semaphore, #tpu.memory_space<semaphore_mem>>
    %dma_start3A_940 = arith.constant 32 : i32
    %dma_start3A_941 = arith.constant 0 : i32
    %dma_start3A_942 = tpu.memref_slice %arg19[%dma_start3A_936, %dma_start3A_940, %dma_start3A_941] : memref<8x64x512xf32, #tpu.memory_space<vmem>> -> memref<1x32x512xf32, #tpu.memory_space<vmem>>
    %dma_start3A_943 = tpu.memref_squeeze %dma_start3A_942 : memref<1x32x512xf32, #tpu.memory_space<vmem>> -> memref<32x512xf32, #tpu.memory_space<vmem>>
    %dma_start3A_944 = arith.constant 0 : i32
    %dma_start3A_945 = arith.constant 0 : i32
    %dma_start3A_946 = tpu.memref_slice %arg8[%dma_start3A_935, %get3A_140, %dma_start3A_944, %dma_start3A_945] : memref<32x64x32x512xf32, #tpu.memory_space<hbm>> -> memref<1x1x32x512xf32, #tpu.memory_space<hbm>>
    %dma_start3A_947 = tpu.memref_squeeze %dma_start3A_946 : memref<1x1x32x512xf32, #tpu.memory_space<hbm>> -> memref<32x512xf32, #tpu.memory_space<hbm>>
    tpu.enqueue_dma source(%dma_start3A_947 : memref<32x512xf32, #tpu.memory_space<hbm>>) target(%dma_start3A_943 : memref<32x512xf32, #tpu.memory_space<vmem>>) target_semaphore(%dma_start3A_939 : memref<!tpu.dma_semaphore, #tpu.memory_space<semaphore_mem>>)
    %dma_start3A_948 = arith.constant 10 : i32
    %dma_start3A_949 = arith.constant 2 : i32
    %dma_start3A_950 = arith.constant 1 : i32
    %dma_start3A_951 = tpu.memref_slice %arg23[%dma_start3A_950] : memref<4x!tpu.dma_semaphore, #tpu.memory_space<semaphore_mem>> -> memref<1x!tpu.dma_semaphore, #tpu.memory_space<semaphore_mem>>
    %dma_start3A_952 = tpu.memref_squeeze %dma_start3A_951 : memref<1x!tpu.dma_semaphore, #tpu.memory_space<semaphore_mem>> -> memref<!tpu.dma_semaphore, #tpu.memory_space<semaphore_mem>>
    %dma_start3A_953 = arith.constant 0 : i32
    %dma_start3A_954 = arith.constant 0 : i32
    %dma_start3A_955 = tpu.memref_slice %arg19[%dma_start3A_949, %dma_start3A_953, %dma_start3A_954] : memref<8x64x512xf32, #tpu.memory_space<vmem>> -> memref<1x32x512xf32, #tpu.memory_space<vmem>>
    %dma_start3A_956 = tpu.memref_squeeze %dma_start3A_955 : memref<1x32x512xf32, #tpu.memory_space<vmem>> -> memref<32x512xf32, #tpu.memory_space<vmem>>
    %dma_start3A_957 = arith.constant 0 : i32
    %dma_start3A_958 = arith.constant 0 : i32
    %dma_start3A_959 = tpu.memref_slice %arg8[%dma_start3A_948, %get3A_143, %dma_start3A_957, %dma_start3A_958] : memref<32x64x32x512xf32, #tpu.memory_space<hbm>> -> memref<1x1x32x512xf32, #tpu.memory_space<hbm>>
    %dma_start3A_960 = tpu.memref_squeeze %dma_start3A_959 : memref<1x1x32x512xf32, #tpu.memory_space<hbm>> -> memref<32x512xf32, #tpu.memory_space<hbm>>
    tpu.enqueue_dma source(%dma_start3A_960 : memref<32x512xf32, #tpu.memory_space<hbm>>) target(%dma_start3A_956 : memref<32x512xf32, #tpu.memory_space<vmem>>) target_semaphore(%dma_start3A_952 : memref<!tpu.dma_semaphore, #tpu.memory_space<semaphore_mem>>)
    %dma_start3A_961 = arith.constant 10 : i32
    %dma_start3A_962 = arith.constant 2 : i32
    %dma_start3A_963 = arith.constant 1 : i32
    %dma_start3A_964 = tpu.memref_slice %arg23[%dma_start3A_963] : memref<4x!tpu.dma_semaphore, #tpu.memory_space<semaphore_mem>> -> memref<1x!tpu.dma_semaphore, #tpu.memory_space<semaphore_mem>>
    %dma_start3A_965 = tpu.memref_squeeze %dma_start3A_964 : memref<1x!tpu.dma_semaphore, #tpu.memory_space<semaphore_mem>> -> memref<!tpu.dma_semaphore, #tpu.memory_space<semaphore_mem>>
    %dma_start3A_966 = arith.constant 32 : i32
    %dma_start3A_967 = arith.constant 0 : i32
    %dma_start3A_968 = tpu.memref_slice %arg19[%dma_start3A_962, %dma_start3A_966, %dma_start3A_967] : memref<8x64x512xf32, #tpu.memory_space<vmem>> -> memref<1x32x512xf32, #tpu.memory_space<vmem>>
    %dma_start3A_969 = tpu.memref_squeeze %dma_start3A_968 : memref<1x32x512xf32, #tpu.memory_space<vmem>> -> memref<32x512xf32, #tpu.memory_space<vmem>>
    %dma_start3A_970 = arith.constant 0 : i32
    %dma_start3A_971 = arith.constant 0 : i32
    %dma_start3A_972 = tpu.memref_slice %arg8[%dma_start3A_961, %get3A_146, %dma_start3A_970, %dma_start3A_971] : memref<32x64x32x512xf32, #tpu.memory_space<hbm>> -> memref<1x1x32x512xf32, #tpu.memory_space<hbm>>
    %dma_start3A_973 = tpu.memref_squeeze %dma_start3A_972 : memref<1x1x32x512xf32, #tpu.memory_space<hbm>> -> memref<32x512xf32, #tpu.memory_space<hbm>>
    tpu.enqueue_dma source(%dma_start3A_973 : memref<32x512xf32, #tpu.memory_space<hbm>>) target(%dma_start3A_969 : memref<32x512xf32, #tpu.memory_space<vmem>>) target_semaphore(%dma_start3A_965 : memref<!tpu.dma_semaphore, #tpu.memory_space<semaphore_mem>>)
    %dma_start3A_974 = arith.constant 11 : i32
    %dma_start3A_975 = arith.constant 3 : i32
    %dma_start3A_976 = arith.constant 1 : i32
    %dma_start3A_977 = tpu.memref_slice %arg23[%dma_start3A_976] : memref<4x!tpu.dma_semaphore, #tpu.memory_space<semaphore_mem>> -> memref<1x!tpu.dma_semaphore, #tpu.memory_space<semaphore_mem>>
    %dma_start3A_978 = tpu.memref_squeeze %dma_start3A_977 : memref<1x!tpu.dma_semaphore, #tpu.memory_space<semaphore_mem>> -> memref<!tpu.dma_semaphore, #tpu.memory_space<semaphore_mem>>
    %dma_start3A_979 = arith.constant 0 : i32
    %dma_start3A_980 = arith.constant 0 : i32
    %dma_start3A_981 = tpu.memref_slice %arg19[%dma_start3A_975, %dma_start3A_979, %dma_start3A_980] : memref<8x64x512xf32, #tpu.memory_space<vmem>> -> memref<1x32x512xf32, #tpu.memory_space<vmem>>
    %dma_start3A_982 = tpu.memref_squeeze %dma_start3A_981 : memref<1x32x512xf32, #tpu.memory_space<vmem>> -> memref<32x512xf32, #tpu.memory_space<vmem>>
    %dma_start3A_983 = arith.constant 0 : i32
    %dma_start3A_984 = arith.constant 0 : i32
    %dma_start3A_985 = tpu.memref_slice %arg8[%dma_start3A_974, %get3A_149, %dma_start3A_983, %dma_start3A_984] : memref<32x64x32x512xf32, #tpu.memory_space<hbm>> -> memref<1x1x32x512xf32, #tpu.memory_space<hbm>>
    %dma_start3A_986 = tpu.memref_squeeze %dma_start3A_985 : memref<1x1x32x512xf32, #tpu.memory_space<hbm>> -> memref<32x512xf32, #tpu.memory_space<hbm>>
    tpu.enqueue_dma source(%dma_start3A_986 : memref<32x512xf32, #tpu.memory_space<hbm>>) target(%dma_start3A_982 : memref<32x512xf32, #tpu.memory_space<vmem>>) target_semaphore(%dma_start3A_978 : memref<!tpu.dma_semaphore, #tpu.memory_space<semaphore_mem>>)
    %dma_start3A_987 = arith.constant 11 : i32
    %dma_start3A_988 = arith.constant 3 : i32
    %dma_start3A_989 = arith.constant 1 : i32
    %dma_start3A_990 = tpu.memref_slice %arg23[%dma_start3A_989] : memref<4x!tpu.dma_semaphore, #tpu.memory_space<semaphore_mem>> -> memref<1x!tpu.dma_semaphore, #tpu.memory_space<semaphore_mem>>
    %dma_start3A_991 = tpu.memref_squeeze %dma_start3A_990 : memref<1x!tpu.dma_semaphore, #tpu.memory_space<semaphore_mem>> -> memref<!tpu.dma_semaphore, #tpu.memory_space<semaphore_mem>>
    %dma_start3A_992 = arith.constant 32 : i32
    %dma_start3A_993 = arith.constant 0 : i32
    %dma_start3A_994 = tpu.memref_slice %arg19[%dma_start3A_988, %dma_start3A_992, %dma_start3A_993] : memref<8x64x512xf32, #tpu.memory_space<vmem>> -> memref<1x32x512xf32, #tpu.memory_space<vmem>>
    %dma_start3A_995 = tpu.memref_squeeze %dma_start3A_994 : memref<1x32x512xf32, #tpu.memory_space<vmem>> -> memref<32x512xf32, #tpu.memory_space<vmem>>
    %dma_start3A_996 = arith.constant 0 : i32
    %dma_start3A_997 = arith.constant 0 : i32
    %dma_start3A_998 = tpu.memref_slice %arg8[%dma_start3A_987, %get3A_152, %dma_start3A_996, %dma_start3A_997] : memref<32x64x32x512xf32, #tpu.memory_space<hbm>> -> memref<1x1x32x512xf32, #tpu.memory_space<hbm>>
    %dma_start3A_999 = tpu.memref_squeeze %dma_start3A_998 : memref<1x1x32x512xf32, #tpu.memory_space<hbm>> -> memref<32x512xf32, #tpu.memory_space<hbm>>
    tpu.enqueue_dma source(%dma_start3A_999 : memref<32x512xf32, #tpu.memory_space<hbm>>) target(%dma_start3A_995 : memref<32x512xf32, #tpu.memory_space<vmem>>) target_semaphore(%dma_start3A_991 : memref<!tpu.dma_semaphore, #tpu.memory_space<semaphore_mem>>)
    %dma_start3A_1000 = arith.constant 12 : i32
    %dma_start3A_1001 = arith.constant 4 : i32
    %dma_start3A_1002 = arith.constant 1 : i32
    %dma_start3A_1003 = tpu.memref_slice %arg23[%dma_start3A_1002] : memref<4x!tpu.dma_semaphore, #tpu.memory_space<semaphore_mem>> -> memref<1x!tpu.dma_semaphore, #tpu.memory_space<semaphore_mem>>
    %dma_start3A_1004 = tpu.memref_squeeze %dma_start3A_1003 : memref<1x!tpu.dma_semaphore, #tpu.memory_space<semaphore_mem>> -> memref<!tpu.dma_semaphore, #tpu.memory_space<semaphore_mem>>
    %dma_start3A_1005 = arith.constant 0 : i32
    %dma_start3A_1006 = arith.constant 0 : i32
    %dma_start3A_1007 = tpu.memref_slice %arg19[%dma_start3A_1001, %dma_start3A_1005, %dma_start3A_1006] : memref<8x64x512xf32, #tpu.memory_space<vmem>> -> memref<1x32x512xf32, #tpu.memory_space<vmem>>
    %dma_start3A_1008 = tpu.memref_squeeze %dma_start3A_1007 : memref<1x32x512xf32, #tpu.memory_space<vmem>> -> memref<32x512xf32, #tpu.memory_space<vmem>>
    %dma_start3A_1009 = arith.constant 0 : i32
    %dma_start3A_1010 = arith.constant 0 : i32
    %dma_start3A_1011 = tpu.memref_slice %arg8[%dma_start3A_1000, %get3A_155, %dma_start3A_1009, %dma_start3A_1010] : memref<32x64x32x512xf32, #tpu.memory_space<hbm>> -> memref<1x1x32x512xf32, #tpu.memory_space<hbm>>
    %dma_start3A_1012 = tpu.memref_squeeze %dma_start3A_1011 : memref<1x1x32x512xf32, #tpu.memory_space<hbm>> -> memref<32x512xf32, #tpu.memory_space<hbm>>
    tpu.enqueue_dma source(%dma_start3A_1012 : memref<32x512xf32, #tpu.memory_space<hbm>>) target(%dma_start3A_1008 : memref<32x512xf32, #tpu.memory_space<vmem>>) target_semaphore(%dma_start3A_1004 : memref<!tpu.dma_semaphore, #tpu.memory_space<semaphore_mem>>)
    %dma_start3A_1013 = arith.constant 12 : i32
    %dma_start3A_1014 = arith.constant 4 : i32
    %dma_start3A_1015 = arith.constant 1 : i32
    %dma_start3A_1016 = tpu.memref_slice %arg23[%dma_start3A_1015] : memref<4x!tpu.dma_semaphore, #tpu.memory_space<semaphore_mem>> -> memref<1x!tpu.dma_semaphore, #tpu.memory_space<semaphore_mem>>
    %dma_start3A_1017 = tpu.memref_squeeze %dma_start3A_1016 : memref<1x!tpu.dma_semaphore, #tpu.memory_space<semaphore_mem>> -> memref<!tpu.dma_semaphore, #tpu.memory_space<semaphore_mem>>
    %dma_start3A_1018 = arith.constant 32 : i32
    %dma_start3A_1019 = arith.constant 0 : i32
    %dma_start3A_1020 = tpu.memref_slice %arg19[%dma_start3A_1014, %dma_start3A_1018, %dma_start3A_1019] : memref<8x64x512xf32, #tpu.memory_space<vmem>> -> memref<1x32x512xf32, #tpu.memory_space<vmem>>
    %dma_start3A_1021 = tpu.memref_squeeze %dma_start3A_1020 : memref<1x32x512xf32, #tpu.memory_space<vmem>> -> memref<32x512xf32, #tpu.memory_space<vmem>>
    %dma_start3A_1022 = arith.constant 0 : i32
    %dma_start3A_1023 = arith.constant 0 : i32
    %dma_start3A_1024 = tpu.memref_slice %arg8[%dma_start3A_1013, %get3A_158, %dma_start3A_1022, %dma_start3A_1023] : memref<32x64x32x512xf32, #tpu.memory_space<hbm>> -> memref<1x1x32x512xf32, #tpu.memory_space<hbm>>
    %dma_start3A_1025 = tpu.memref_squeeze %dma_start3A_1024 : memref<1x1x32x512xf32, #tpu.memory_space<hbm>> -> memref<32x512xf32, #tpu.memory_space<hbm>>
    tpu.enqueue_dma source(%dma_start3A_1025 : memref<32x512xf32, #tpu.memory_space<hbm>>) target(%dma_start3A_1021 : memref<32x512xf32, #tpu.memory_space<vmem>>) target_semaphore(%dma_start3A_1017 : memref<!tpu.dma_semaphore, #tpu.memory_space<semaphore_mem>>)
    %dma_start3A_1026 = arith.constant 13 : i32
    %dma_start3A_1027 = arith.constant 5 : i32
    %dma_start3A_1028 = arith.constant 1 : i32
    %dma_start3A_1029 = tpu.memref_slice %arg23[%dma_start3A_1028] : memref<4x!tpu.dma_semaphore, #tpu.memory_space<semaphore_mem>> -> memref<1x!tpu.dma_semaphore, #tpu.memory_space<semaphore_mem>>
    %dma_start3A_1030 = tpu.memref_squeeze %dma_start3A_1029 : memref<1x!tpu.dma_semaphore, #tpu.memory_space<semaphore_mem>> -> memref<!tpu.dma_semaphore, #tpu.memory_space<semaphore_mem>>
    %dma_start3A_1031 = arith.constant 0 : i32
    %dma_start3A_1032 = arith.constant 0 : i32
    %dma_start3A_1033 = tpu.memref_slice %arg19[%dma_start3A_1027, %dma_start3A_1031, %dma_start3A_1032] : memref<8x64x512xf32, #tpu.memory_space<vmem>> -> memref<1x32x512xf32, #tpu.memory_space<vmem>>
    %dma_start3A_1034 = tpu.memref_squeeze %dma_start3A_1033 : memref<1x32x512xf32, #tpu.memory_space<vmem>> -> memref<32x512xf32, #tpu.memory_space<vmem>>
    %dma_start3A_1035 = arith.constant 0 : i32
    %dma_start3A_1036 = arith.constant 0 : i32
    %dma_start3A_1037 = tpu.memref_slice %arg8[%dma_start3A_1026, %get3A_161, %dma_start3A_1035, %dma_start3A_1036] : memref<32x64x32x512xf32, #tpu.memory_space<hbm>> -> memref<1x1x32x512xf32, #tpu.memory_space<hbm>>
    %dma_start3A_1038 = tpu.memref_squeeze %dma_start3A_1037 : memref<1x1x32x512xf32, #tpu.memory_space<hbm>> -> memref<32x512xf32, #tpu.memory_space<hbm>>
    tpu.enqueue_dma source(%dma_start3A_1038 : memref<32x512xf32, #tpu.memory_space<hbm>>) target(%dma_start3A_1034 : memref<32x512xf32, #tpu.memory_space<vmem>>) target_semaphore(%dma_start3A_1030 : memref<!tpu.dma_semaphore, #tpu.memory_space<semaphore_mem>>)
    %dma_start3A_1039 = arith.constant 13 : i32
    %dma_start3A_1040 = arith.constant 5 : i32
    %dma_start3A_1041 = arith.constant 1 : i32
    %dma_start3A_1042 = tpu.memref_slice %arg23[%dma_start3A_1041] : memref<4x!tpu.dma_semaphore, #tpu.memory_space<semaphore_mem>> -> memref<1x!tpu.dma_semaphore, #tpu.memory_space<semaphore_mem>>
    %dma_start3A_1043 = tpu.memref_squeeze %dma_start3A_1042 : memref<1x!tpu.dma_semaphore, #tpu.memory_space<semaphore_mem>> -> memref<!tpu.dma_semaphore, #tpu.memory_space<semaphore_mem>>
    %dma_start3A_1044 = arith.constant 32 : i32
    %dma_start3A_1045 = arith.constant 0 : i32
    %dma_start3A_1046 = tpu.memref_slice %arg19[%dma_start3A_1040, %dma_start3A_1044, %dma_start3A_1045] : memref<8x64x512xf32, #tpu.memory_space<vmem>> -> memref<1x32x512xf32, #tpu.memory_space<vmem>>
    %dma_start3A_1047 = tpu.memref_squeeze %dma_start3A_1046 : memref<1x32x512xf32, #tpu.memory_space<vmem>> -> memref<32x512xf32, #tpu.memory_space<vmem>>
    %dma_start3A_1048 = arith.constant 0 : i32
    %dma_start3A_1049 = arith.constant 0 : i32
    %dma_start3A_1050 = tpu.memref_slice %arg8[%dma_start3A_1039, %get3A_164, %dma_start3A_1048, %dma_start3A_1049] : memref<32x64x32x512xf32, #tpu.memory_space<hbm>> -> memref<1x1x32x512xf32, #tpu.memory_space<hbm>>
    %dma_start3A_1051 = tpu.memref_squeeze %dma_start3A_1050 : memref<1x1x32x512xf32, #tpu.memory_space<hbm>> -> memref<32x512xf32, #tpu.memory_space<hbm>>
    tpu.enqueue_dma source(%dma_start3A_1051 : memref<32x512xf32, #tpu.memory_space<hbm>>) target(%dma_start3A_1047 : memref<32x512xf32, #tpu.memory_space<vmem>>) target_semaphore(%dma_start3A_1043 : memref<!tpu.dma_semaphore, #tpu.memory_space<semaphore_mem>>)
    %dma_start3A_1052 = arith.constant 14 : i32
    %dma_start3A_1053 = arith.constant 6 : i32
    %dma_start3A_1054 = arith.constant 1 : i32
    %dma_start3A_1055 = tpu.memref_slice %arg23[%dma_start3A_1054] : memref<4x!tpu.dma_semaphore, #tpu.memory_space<semaphore_mem>> -> memref<1x!tpu.dma_semaphore, #tpu.memory_space<semaphore_mem>>
    %dma_start3A_1056 = tpu.memref_squeeze %dma_start3A_1055 : memref<1x!tpu.dma_semaphore, #tpu.memory_space<semaphore_mem>> -> memref<!tpu.dma_semaphore, #tpu.memory_space<semaphore_mem>>
    %dma_start3A_1057 = arith.constant 0 : i32
    %dma_start3A_1058 = arith.constant 0 : i32
    %dma_start3A_1059 = tpu.memref_slice %arg19[%dma_start3A_1053, %dma_start3A_1057, %dma_start3A_1058] : memref<8x64x512xf32, #tpu.memory_space<vmem>> -> memref<1x32x512xf32, #tpu.memory_space<vmem>>
    %dma_start3A_1060 = tpu.memref_squeeze %dma_start3A_1059 : memref<1x32x512xf32, #tpu.memory_space<vmem>> -> memref<32x512xf32, #tpu.memory_space<vmem>>
    %dma_start3A_1061 = arith.constant 0 : i32
    %dma_start3A_1062 = arith.constant 0 : i32
    %dma_start3A_1063 = tpu.memref_slice %arg8[%dma_start3A_1052, %get3A_167, %dma_start3A_1061, %dma_start3A_1062] : memref<32x64x32x512xf32, #tpu.memory_space<hbm>> -> memref<1x1x32x512xf32, #tpu.memory_space<hbm>>
    %dma_start3A_1064 = tpu.memref_squeeze %dma_start3A_1063 : memref<1x1x32x512xf32, #tpu.memory_space<hbm>> -> memref<32x512xf32, #tpu.memory_space<hbm>>
    tpu.enqueue_dma source(%dma_start3A_1064 : memref<32x512xf32, #tpu.memory_space<hbm>>) target(%dma_start3A_1060 : memref<32x512xf32, #tpu.memory_space<vmem>>) target_semaphore(%dma_start3A_1056 : memref<!tpu.dma_semaphore, #tpu.memory_space<semaphore_mem>>)
    %dma_start3A_1065 = arith.constant 14 : i32
    %dma_start3A_1066 = arith.constant 6 : i32
    %dma_start3A_1067 = arith.constant 1 : i32
    %dma_start3A_1068 = tpu.memref_slice %arg23[%dma_start3A_1067] : memref<4x!tpu.dma_semaphore, #tpu.memory_space<semaphore_mem>> -> memref<1x!tpu.dma_semaphore, #tpu.memory_space<semaphore_mem>>
    %dma_start3A_1069 = tpu.memref_squeeze %dma_start3A_1068 : memref<1x!tpu.dma_semaphore, #tpu.memory_space<semaphore_mem>> -> memref<!tpu.dma_semaphore, #tpu.memory_space<semaphore_mem>>
    %dma_start3A_1070 = arith.constant 32 : i32
    %dma_start3A_1071 = arith.constant 0 : i32
    %dma_start3A_1072 = tpu.memref_slice %arg19[%dma_start3A_1066, %dma_start3A_1070, %dma_start3A_1071] : memref<8x64x512xf32, #tpu.memory_space<vmem>> -> memref<1x32x512xf32, #tpu.memory_space<vmem>>
    %dma_start3A_1073 = tpu.memref_squeeze %dma_start3A_1072 : memref<1x32x512xf32, #tpu.memory_space<vmem>> -> memref<32x512xf32, #tpu.memory_space<vmem>>
    %dma_start3A_1074 = arith.constant 0 : i32
    %dma_start3A_1075 = arith.constant 0 : i32
    %dma_start3A_1076 = tpu.memref_slice %arg8[%dma_start3A_1065, %get3A_170, %dma_start3A_1074, %dma_start3A_1075] : memref<32x64x32x512xf32, #tpu.memory_space<hbm>> -> memref<1x1x32x512xf32, #tpu.memory_space<hbm>>
    %dma_start3A_1077 = tpu.memref_squeeze %dma_start3A_1076 : memref<1x1x32x512xf32, #tpu.memory_space<hbm>> -> memref<32x512xf32, #tpu.memory_space<hbm>>
    tpu.enqueue_dma source(%dma_start3A_1077 : memref<32x512xf32, #tpu.memory_space<hbm>>) target(%dma_start3A_1073 : memref<32x512xf32, #tpu.memory_space<vmem>>) target_semaphore(%dma_start3A_1069 : memref<!tpu.dma_semaphore, #tpu.memory_space<semaphore_mem>>)
    %dma_start3A_1078 = arith.constant 15 : i32
    %dma_start3A_1079 = arith.constant 7 : i32
    %dma_start3A_1080 = arith.constant 1 : i32
    %dma_start3A_1081 = tpu.memref_slice %arg23[%dma_start3A_1080] : memref<4x!tpu.dma_semaphore, #tpu.memory_space<semaphore_mem>> -> memref<1x!tpu.dma_semaphore, #tpu.memory_space<semaphore_mem>>
    %dma_start3A_1082 = tpu.memref_squeeze %dma_start3A_1081 : memref<1x!tpu.dma_semaphore, #tpu.memory_space<semaphore_mem>> -> memref<!tpu.dma_semaphore, #tpu.memory_space<semaphore_mem>>
    %dma_start3A_1083 = arith.constant 0 : i32
    %dma_start3A_1084 = arith.constant 0 : i32
    %dma_start3A_1085 = tpu.memref_slice %arg19[%dma_start3A_1079, %dma_start3A_1083, %dma_start3A_1084] : memref<8x64x512xf32, #tpu.memory_space<vmem>> -> memref<1x32x512xf32, #tpu.memory_space<vmem>>
    %dma_start3A_1086 = tpu.memref_squeeze %dma_start3A_1085 : memref<1x32x512xf32, #tpu.memory_space<vmem>> -> memref<32x512xf32, #tpu.memory_space<vmem>>
    %dma_start3A_1087 = arith.constant 0 : i32
    %dma_start3A_1088 = arith.constant 0 : i32
    %dma_start3A_1089 = tpu.memref_slice %arg8[%dma_start3A_1078, %get3A_173, %dma_start3A_1087, %dma_start3A_1088] : memref<32x64x32x512xf32, #tpu.memory_space<hbm>> -> memref<1x1x32x512xf32, #tpu.memory_space<hbm>>
    %dma_start3A_1090 = tpu.memref_squeeze %dma_start3A_1089 : memref<1x1x32x512xf32, #tpu.memory_space<hbm>> -> memref<32x512xf32, #tpu.memory_space<hbm>>
    tpu.enqueue_dma source(%dma_start3A_1090 : memref<32x512xf32, #tpu.memory_space<hbm>>) target(%dma_start3A_1086 : memref<32x512xf32, #tpu.memory_space<vmem>>) target_semaphore(%dma_start3A_1082 : memref<!tpu.dma_semaphore, #tpu.memory_space<semaphore_mem>>)
    %dma_start3A_1091 = arith.constant 15 : i32
    %dma_start3A_1092 = arith.constant 7 : i32
    %dma_start3A_1093 = arith.constant 1 : i32
    %dma_start3A_1094 = tpu.memref_slice %arg23[%dma_start3A_1093] : memref<4x!tpu.dma_semaphore, #tpu.memory_space<semaphore_mem>> -> memref<1x!tpu.dma_semaphore, #tpu.memory_space<semaphore_mem>>
    %dma_start3A_1095 = tpu.memref_squeeze %dma_start3A_1094 : memref<1x!tpu.dma_semaphore, #tpu.memory_space<semaphore_mem>> -> memref<!tpu.dma_semaphore, #tpu.memory_space<semaphore_mem>>
    %dma_start3A_1096 = arith.constant 32 : i32
    %dma_start3A_1097 = arith.constant 0 : i32
    %dma_start3A_1098 = tpu.memref_slice %arg19[%dma_start3A_1092, %dma_start3A_1096, %dma_start3A_1097] : memref<8x64x512xf32, #tpu.memory_space<vmem>> -> memref<1x32x512xf32, #tpu.memory_space<vmem>>
    %dma_start3A_1099 = tpu.memref_squeeze %dma_start3A_1098 : memref<1x32x512xf32, #tpu.memory_space<vmem>> -> memref<32x512xf32, #tpu.memory_space<vmem>>
    %dma_start3A_1100 = arith.constant 0 : i32
    %dma_start3A_1101 = arith.constant 0 : i32
    %dma_start3A_1102 = tpu.memref_slice %arg8[%dma_start3A_1091, %get3A_176, %dma_start3A_1100, %dma_start3A_1101] : memref<32x64x32x512xf32, #tpu.memory_space<hbm>> -> memref<1x1x32x512xf32, #tpu.memory_space<hbm>>
    %dma_start3A_1103 = tpu.memref_squeeze %dma_start3A_1102 : memref<1x1x32x512xf32, #tpu.memory_space<hbm>> -> memref<32x512xf32, #tpu.memory_space<hbm>>
    tpu.enqueue_dma source(%dma_start3A_1103 : memref<32x512xf32, #tpu.memory_space<hbm>>) target(%dma_start3A_1099 : memref<32x512xf32, #tpu.memory_space<vmem>>) target_semaphore(%dma_start3A_1095 : memref<!tpu.dma_semaphore, #tpu.memory_space<semaphore_mem>>)
    %dma_start3A_1104 = arith.constant 16 : i32
    %dma_start3A_1105 = arith.constant 0 : i32
    %dma_start3A_1106 = arith.constant 2 : i32
    %dma_start3A_1107 = tpu.memref_slice %arg22[%dma_start3A_1106] : memref<4x!tpu.dma_semaphore, #tpu.memory_space<semaphore_mem>> -> memref<1x!tpu.dma_semaphore, #tpu.memory_space<semaphore_mem>>
    %dma_start3A_1108 = tpu.memref_squeeze %dma_start3A_1107 : memref<1x!tpu.dma_semaphore, #tpu.memory_space<semaphore_mem>> -> memref<!tpu.dma_semaphore, #tpu.memory_space<semaphore_mem>>
    %dma_start3A_1109 = arith.constant 0 : i32
    %dma_start3A_1110 = arith.constant 0 : i32
    %dma_start3A_1111 = tpu.memref_slice %arg16[%dma_start3A_1105, %dma_start3A_1109, %dma_start3A_1110] : memref<8x64x512xf32, #tpu.memory_space<vmem>> -> memref<1x32x512xf32, #tpu.memory_space<vmem>>
    %dma_start3A_1112 = tpu.memref_squeeze %dma_start3A_1111 : memref<1x32x512xf32, #tpu.memory_space<vmem>> -> memref<32x512xf32, #tpu.memory_space<vmem>>
    %dma_start3A_1113 = arith.constant 0 : i32
    %dma_start3A_1114 = arith.constant 0 : i32
    %dma_start3A_1115 = tpu.memref_slice %arg7[%dma_start3A_1104, %get3A_179, %dma_start3A_1113, %dma_start3A_1114] : memref<32x64x32x512xf32, #tpu.memory_space<hbm>> -> memref<1x1x32x512xf32, #tpu.memory_space<hbm>>
    %dma_start3A_1116 = tpu.memref_squeeze %dma_start3A_1115 : memref<1x1x32x512xf32, #tpu.memory_space<hbm>> -> memref<32x512xf32, #tpu.memory_space<hbm>>
    tpu.enqueue_dma source(%dma_start3A_1116 : memref<32x512xf32, #tpu.memory_space<hbm>>) target(%dma_start3A_1112 : memref<32x512xf32, #tpu.memory_space<vmem>>) target_semaphore(%dma_start3A_1108 : memref<!tpu.dma_semaphore, #tpu.memory_space<semaphore_mem>>)
    %dma_start3A_1117 = arith.constant 16 : i32
    %dma_start3A_1118 = arith.constant 0 : i32
    %dma_start3A_1119 = arith.constant 2 : i32
    %dma_start3A_1120 = tpu.memref_slice %arg22[%dma_start3A_1119] : memref<4x!tpu.dma_semaphore, #tpu.memory_space<semaphore_mem>> -> memref<1x!tpu.dma_semaphore, #tpu.memory_space<semaphore_mem>>
    %dma_start3A_1121 = tpu.memref_squeeze %dma_start3A_1120 : memref<1x!tpu.dma_semaphore, #tpu.memory_space<semaphore_mem>> -> memref<!tpu.dma_semaphore, #tpu.memory_space<semaphore_mem>>
    %dma_start3A_1122 = arith.constant 32 : i32
    %dma_start3A_1123 = arith.constant 0 : i32
    %dma_start3A_1124 = tpu.memref_slice %arg16[%dma_start3A_1118, %dma_start3A_1122, %dma_start3A_1123] : memref<8x64x512xf32, #tpu.memory_space<vmem>> -> memref<1x32x512xf32, #tpu.memory_space<vmem>>
    %dma_start3A_1125 = tpu.memref_squeeze %dma_start3A_1124 : memref<1x32x512xf32, #tpu.memory_space<vmem>> -> memref<32x512xf32, #tpu.memory_space<vmem>>
    %dma_start3A_1126 = arith.constant 0 : i32
    %dma_start3A_1127 = arith.constant 0 : i32
    %dma_start3A_1128 = tpu.memref_slice %arg7[%dma_start3A_1117, %get3A_182, %dma_start3A_1126, %dma_start3A_1127] : memref<32x64x32x512xf32, #tpu.memory_space<hbm>> -> memref<1x1x32x512xf32, #tpu.memory_space<hbm>>
    %dma_start3A_1129 = tpu.memref_squeeze %dma_start3A_1128 : memref<1x1x32x512xf32, #tpu.memory_space<hbm>> -> memref<32x512xf32, #tpu.memory_space<hbm>>
    tpu.enqueue_dma source(%dma_start3A_1129 : memref<32x512xf32, #tpu.memory_space<hbm>>) target(%dma_start3A_1125 : memref<32x512xf32, #tpu.memory_space<vmem>>) target_semaphore(%dma_start3A_1121 : memref<!tpu.dma_semaphore, #tpu.memory_space<semaphore_mem>>)
    %dma_start3A_1130 = arith.constant 17 : i32
    %dma_start3A_1131 = arith.constant 1 : i32
    %dma_start3A_1132 = arith.constant 2 : i32
    %dma_start3A_1133 = tpu.memref_slice %arg22[%dma_start3A_1132] : memref<4x!tpu.dma_semaphore, #tpu.memory_space<semaphore_mem>> -> memref<1x!tpu.dma_semaphore, #tpu.memory_space<semaphore_mem>>
    %dma_start3A_1134 = tpu.memref_squeeze %dma_start3A_1133 : memref<1x!tpu.dma_semaphore, #tpu.memory_space<semaphore_mem>> -> memref<!tpu.dma_semaphore, #tpu.memory_space<semaphore_mem>>
    %dma_start3A_1135 = arith.constant 0 : i32
    %dma_start3A_1136 = arith.constant 0 : i32
    %dma_start3A_1137 = tpu.memref_slice %arg16[%dma_start3A_1131, %dma_start3A_1135, %dma_start3A_1136] : memref<8x64x512xf32, #tpu.memory_space<vmem>> -> memref<1x32x512xf32, #tpu.memory_space<vmem>>
    %dma_start3A_1138 = tpu.memref_squeeze %dma_start3A_1137 : memref<1x32x512xf32, #tpu.memory_space<vmem>> -> memref<32x512xf32, #tpu.memory_space<vmem>>
    %dma_start3A_1139 = arith.constant 0 : i32
    %dma_start3A_1140 = arith.constant 0 : i32
    %dma_start3A_1141 = tpu.memref_slice %arg7[%dma_start3A_1130, %get3A_185, %dma_start3A_1139, %dma_start3A_1140] : memref<32x64x32x512xf32, #tpu.memory_space<hbm>> -> memref<1x1x32x512xf32, #tpu.memory_space<hbm>>
    %dma_start3A_1142 = tpu.memref_squeeze %dma_start3A_1141 : memref<1x1x32x512xf32, #tpu.memory_space<hbm>> -> memref<32x512xf32, #tpu.memory_space<hbm>>
    tpu.enqueue_dma source(%dma_start3A_1142 : memref<32x512xf32, #tpu.memory_space<hbm>>) target(%dma_start3A_1138 : memref<32x512xf32, #tpu.memory_space<vmem>>) target_semaphore(%dma_start3A_1134 : memref<!tpu.dma_semaphore, #tpu.memory_space<semaphore_mem>>)
    %dma_start3A_1143 = arith.constant 17 : i32
    %dma_start3A_1144 = arith.constant 1 : i32
    %dma_start3A_1145 = arith.constant 2 : i32
    %dma_start3A_1146 = tpu.memref_slice %arg22[%dma_start3A_1145] : memref<4x!tpu.dma_semaphore, #tpu.memory_space<semaphore_mem>> -> memref<1x!tpu.dma_semaphore, #tpu.memory_space<semaphore_mem>>
    %dma_start3A_1147 = tpu.memref_squeeze %dma_start3A_1146 : memref<1x!tpu.dma_semaphore, #tpu.memory_space<semaphore_mem>> -> memref<!tpu.dma_semaphore, #tpu.memory_space<semaphore_mem>>
    %dma_start3A_1148 = arith.constant 32 : i32
    %dma_start3A_1149 = arith.constant 0 : i32
    %dma_start3A_1150 = tpu.memref_slice %arg16[%dma_start3A_1144, %dma_start3A_1148, %dma_start3A_1149] : memref<8x64x512xf32, #tpu.memory_space<vmem>> -> memref<1x32x512xf32, #tpu.memory_space<vmem>>
    %dma_start3A_1151 = tpu.memref_squeeze %dma_start3A_1150 : memref<1x32x512xf32, #tpu.memory_space<vmem>> -> memref<32x512xf32, #tpu.memory_space<vmem>>
    %dma_start3A_1152 = arith.constant 0 : i32
    %dma_start3A_1153 = arith.constant 0 : i32
    %dma_start3A_1154 = tpu.memref_slice %arg7[%dma_start3A_1143, %get3A_188, %dma_start3A_1152, %dma_start3A_1153] : memref<32x64x32x512xf32, #tpu.memory_space<hbm>> -> memref<1x1x32x512xf32, #tpu.memory_space<hbm>>
    %dma_start3A_1155 = tpu.memref_squeeze %dma_start3A_1154 : memref<1x1x32x512xf32, #tpu.memory_space<hbm>> -> memref<32x512xf32, #tpu.memory_space<hbm>>
    tpu.enqueue_dma source(%dma_start3A_1155 : memref<32x512xf32, #tpu.memory_space<hbm>>) target(%dma_start3A_1151 : memref<32x512xf32, #tpu.memory_space<vmem>>) target_semaphore(%dma_start3A_1147 : memref<!tpu.dma_semaphore, #tpu.memory_space<semaphore_mem>>)
    %dma_start3A_1156 = arith.constant 18 : i32
    %dma_start3A_1157 = arith.constant 2 : i32
    %dma_start3A_1158 = arith.constant 2 : i32
    %dma_start3A_1159 = tpu.memref_slice %arg22[%dma_start3A_1158] : memref<4x!tpu.dma_semaphore, #tpu.memory_space<semaphore_mem>> -> memref<1x!tpu.dma_semaphore, #tpu.memory_space<semaphore_mem>>
    %dma_start3A_1160 = tpu.memref_squeeze %dma_start3A_1159 : memref<1x!tpu.dma_semaphore, #tpu.memory_space<semaphore_mem>> -> memref<!tpu.dma_semaphore, #tpu.memory_space<semaphore_mem>>
    %dma_start3A_1161 = arith.constant 0 : i32
    %dma_start3A_1162 = arith.constant 0 : i32
    %dma_start3A_1163 = tpu.memref_slice %arg16[%dma_start3A_1157, %dma_start3A_1161, %dma_start3A_1162] : memref<8x64x512xf32, #tpu.memory_space<vmem>> -> memref<1x32x512xf32, #tpu.memory_space<vmem>>
    %dma_start3A_1164 = tpu.memref_squeeze %dma_start3A_1163 : memref<1x32x512xf32, #tpu.memory_space<vmem>> -> memref<32x512xf32, #tpu.memory_space<vmem>>
    %dma_start3A_1165 = arith.constant 0 : i32
    %dma_start3A_1166 = arith.constant 0 : i32
    %dma_start3A_1167 = tpu.memref_slice %arg7[%dma_start3A_1156, %get3A_191, %dma_start3A_1165, %dma_start3A_1166] : memref<32x64x32x512xf32, #tpu.memory_space<hbm>> -> memref<1x1x32x512xf32, #tpu.memory_space<hbm>>
    %dma_start3A_1168 = tpu.memref_squeeze %dma_start3A_1167 : memref<1x1x32x512xf32, #tpu.memory_space<hbm>> -> memref<32x512xf32, #tpu.memory_space<hbm>>
    tpu.enqueue_dma source(%dma_start3A_1168 : memref<32x512xf32, #tpu.memory_space<hbm>>) target(%dma_start3A_1164 : memref<32x512xf32, #tpu.memory_space<vmem>>) target_semaphore(%dma_start3A_1160 : memref<!tpu.dma_semaphore, #tpu.memory_space<semaphore_mem>>)
    %dma_start3A_1169 = arith.constant 18 : i32
    %dma_start3A_1170 = arith.constant 2 : i32
    %dma_start3A_1171 = arith.constant 2 : i32
    %dma_start3A_1172 = tpu.memref_slice %arg22[%dma_start3A_1171] : memref<4x!tpu.dma_semaphore, #tpu.memory_space<semaphore_mem>> -> memref<1x!tpu.dma_semaphore, #tpu.memory_space<semaphore_mem>>
    %dma_start3A_1173 = tpu.memref_squeeze %dma_start3A_1172 : memref<1x!tpu.dma_semaphore, #tpu.memory_space<semaphore_mem>> -> memref<!tpu.dma_semaphore, #tpu.memory_space<semaphore_mem>>
    %dma_start3A_1174 = arith.constant 32 : i32
    %dma_start3A_1175 = arith.constant 0 : i32
    %dma_start3A_1176 = tpu.memref_slice %arg16[%dma_start3A_1170, %dma_start3A_1174, %dma_start3A_1175] : memref<8x64x512xf32, #tpu.memory_space<vmem>> -> memref<1x32x512xf32, #tpu.memory_space<vmem>>
    %dma_start3A_1177 = tpu.memref_squeeze %dma_start3A_1176 : memref<1x32x512xf32, #tpu.memory_space<vmem>> -> memref<32x512xf32, #tpu.memory_space<vmem>>
    %dma_start3A_1178 = arith.constant 0 : i32
    %dma_start3A_1179 = arith.constant 0 : i32
    %dma_start3A_1180 = tpu.memref_slice %arg7[%dma_start3A_1169, %get3A_194, %dma_start3A_1178, %dma_start3A_1179] : memref<32x64x32x512xf32, #tpu.memory_space<hbm>> -> memref<1x1x32x512xf32, #tpu.memory_space<hbm>>
    %dma_start3A_1181 = tpu.memref_squeeze %dma_start3A_1180 : memref<1x1x32x512xf32, #tpu.memory_space<hbm>> -> memref<32x512xf32, #tpu.memory_space<hbm>>
    tpu.enqueue_dma source(%dma_start3A_1181 : memref<32x512xf32, #tpu.memory_space<hbm>>) target(%dma_start3A_1177 : memref<32x512xf32, #tpu.memory_space<vmem>>) target_semaphore(%dma_start3A_1173 : memref<!tpu.dma_semaphore, #tpu.memory_space<semaphore_mem>>)
    %dma_start3A_1182 = arith.constant 19 : i32
    %dma_start3A_1183 = arith.constant 3 : i32
    %dma_start3A_1184 = arith.constant 2 : i32
    %dma_start3A_1185 = tpu.memref_slice %arg22[%dma_start3A_1184] : memref<4x!tpu.dma_semaphore, #tpu.memory_space<semaphore_mem>> -> memref<1x!tpu.dma_semaphore, #tpu.memory_space<semaphore_mem>>
    %dma_start3A_1186 = tpu.memref_squeeze %dma_start3A_1185 : memref<1x!tpu.dma_semaphore, #tpu.memory_space<semaphore_mem>> -> memref<!tpu.dma_semaphore, #tpu.memory_space<semaphore_mem>>
    %dma_start3A_1187 = arith.constant 0 : i32
    %dma_start3A_1188 = arith.constant 0 : i32
    %dma_start3A_1189 = tpu.memref_slice %arg16[%dma_start3A_1183, %dma_start3A_1187, %dma_start3A_1188] : memref<8x64x512xf32, #tpu.memory_space<vmem>> -> memref<1x32x512xf32, #tpu.memory_space<vmem>>
    %dma_start3A_1190 = tpu.memref_squeeze %dma_start3A_1189 : memref<1x32x512xf32, #tpu.memory_space<vmem>> -> memref<32x512xf32, #tpu.memory_space<vmem>>
    %dma_start3A_1191 = arith.constant 0 : i32
    %dma_start3A_1192 = arith.constant 0 : i32
    %dma_start3A_1193 = tpu.memref_slice %arg7[%dma_start3A_1182, %get3A_197, %dma_start3A_1191, %dma_start3A_1192] : memref<32x64x32x512xf32, #tpu.memory_space<hbm>> -> memref<1x1x32x512xf32, #tpu.memory_space<hbm>>
    %dma_start3A_1194 = tpu.memref_squeeze %dma_start3A_1193 : memref<1x1x32x512xf32, #tpu.memory_space<hbm>> -> memref<32x512xf32, #tpu.memory_space<hbm>>
    tpu.enqueue_dma source(%dma_start3A_1194 : memref<32x512xf32, #tpu.memory_space<hbm>>) target(%dma_start3A_1190 : memref<32x512xf32, #tpu.memory_space<vmem>>) target_semaphore(%dma_start3A_1186 : memref<!tpu.dma_semaphore, #tpu.memory_space<semaphore_mem>>)
    %dma_start3A_1195 = arith.constant 19 : i32
    %dma_start3A_1196 = arith.constant 3 : i32
    %dma_start3A_1197 = arith.constant 2 : i32
    %dma_start3A_1198 = tpu.memref_slice %arg22[%dma_start3A_1197] : memref<4x!tpu.dma_semaphore, #tpu.memory_space<semaphore_mem>> -> memref<1x!tpu.dma_semaphore, #tpu.memory_space<semaphore_mem>>
    %dma_start3A_1199 = tpu.memref_squeeze %dma_start3A_1198 : memref<1x!tpu.dma_semaphore, #tpu.memory_space<semaphore_mem>> -> memref<!tpu.dma_semaphore, #tpu.memory_space<semaphore_mem>>
    %dma_start3A_1200 = arith.constant 32 : i32
    %dma_start3A_1201 = arith.constant 0 : i32
    %dma_start3A_1202 = tpu.memref_slice %arg16[%dma_start3A_1196, %dma_start3A_1200, %dma_start3A_1201] : memref<8x64x512xf32, #tpu.memory_space<vmem>> -> memref<1x32x512xf32, #tpu.memory_space<vmem>>
    %dma_start3A_1203 = tpu.memref_squeeze %dma_start3A_1202 : memref<1x32x512xf32, #tpu.memory_space<vmem>> -> memref<32x512xf32, #tpu.memory_space<vmem>>
    %dma_start3A_1204 = arith.constant 0 : i32
    %dma_start3A_1205 = arith.constant 0 : i32
    %dma_start3A_1206 = tpu.memref_slice %arg7[%dma_start3A_1195, %get3A_200, %dma_start3A_1204, %dma_start3A_1205] : memref<32x64x32x512xf32, #tpu.memory_space<hbm>> -> memref<1x1x32x512xf32, #tpu.memory_space<hbm>>
    %dma_start3A_1207 = tpu.memref_squeeze %dma_start3A_1206 : memref<1x1x32x512xf32, #tpu.memory_space<hbm>> -> memref<32x512xf32, #tpu.memory_space<hbm>>
    tpu.enqueue_dma source(%dma_start3A_1207 : memref<32x512xf32, #tpu.memory_space<hbm>>) target(%dma_start3A_1203 : memref<32x512xf32, #tpu.memory_space<vmem>>) target_semaphore(%dma_start3A_1199 : memref<!tpu.dma_semaphore, #tpu.memory_space<semaphore_mem>>)
    %dma_start3A_1208 = arith.constant 20 : i32
    %dma_start3A_1209 = arith.constant 4 : i32
    %dma_start3A_1210 = arith.constant 2 : i32
    %dma_start3A_1211 = tpu.memref_slice %arg22[%dma_start3A_1210] : memref<4x!tpu.dma_semaphore, #tpu.memory_space<semaphore_mem>> -> memref<1x!tpu.dma_semaphore, #tpu.memory_space<semaphore_mem>>
    %dma_start3A_1212 = tpu.memref_squeeze %dma_start3A_1211 : memref<1x!tpu.dma_semaphore, #tpu.memory_space<semaphore_mem>> -> memref<!tpu.dma_semaphore, #tpu.memory_space<semaphore_mem>>
    %dma_start3A_1213 = arith.constant 0 : i32
    %dma_start3A_1214 = arith.constant 0 : i32
    %dma_start3A_1215 = tpu.memref_slice %arg16[%dma_start3A_1209, %dma_start3A_1213, %dma_start3A_1214] : memref<8x64x512xf32, #tpu.memory_space<vmem>> -> memref<1x32x512xf32, #tpu.memory_space<vmem>>
    %dma_start3A_1216 = tpu.memref_squeeze %dma_start3A_1215 : memref<1x32x512xf32, #tpu.memory_space<vmem>> -> memref<32x512xf32, #tpu.memory_space<vmem>>
    %dma_start3A_1217 = arith.constant 0 : i32
    %dma_start3A_1218 = arith.constant 0 : i32
    %dma_start3A_1219 = tpu.memref_slice %arg7[%dma_start3A_1208, %get3A_203, %dma_start3A_1217, %dma_start3A_1218] : memref<32x64x32x512xf32, #tpu.memory_space<hbm>> -> memref<1x1x32x512xf32, #tpu.memory_space<hbm>>
    %dma_start3A_1220 = tpu.memref_squeeze %dma_start3A_1219 : memref<1x1x32x512xf32, #tpu.memory_space<hbm>> -> memref<32x512xf32, #tpu.memory_space<hbm>>
    tpu.enqueue_dma source(%dma_start3A_1220 : memref<32x512xf32, #tpu.memory_space<hbm>>) target(%dma_start3A_1216 : memref<32x512xf32, #tpu.memory_space<vmem>>) target_semaphore(%dma_start3A_1212 : memref<!tpu.dma_semaphore, #tpu.memory_space<semaphore_mem>>)
    %dma_start3A_1221 = arith.constant 20 : i32
    %dma_start3A_1222 = arith.constant 4 : i32
    %dma_start3A_1223 = arith.constant 2 : i32
    %dma_start3A_1224 = tpu.memref_slice %arg22[%dma_start3A_1223] : memref<4x!tpu.dma_semaphore, #tpu.memory_space<semaphore_mem>> -> memref<1x!tpu.dma_semaphore, #tpu.memory_space<semaphore_mem>>
    %dma_start3A_1225 = tpu.memref_squeeze %dma_start3A_1224 : memref<1x!tpu.dma_semaphore, #tpu.memory_space<semaphore_mem>> -> memref<!tpu.dma_semaphore, #tpu.memory_space<semaphore_mem>>
    %dma_start3A_1226 = arith.constant 32 : i32
    %dma_start3A_1227 = arith.constant 0 : i32
    %dma_start3A_1228 = tpu.memref_slice %arg16[%dma_start3A_1222, %dma_start3A_1226, %dma_start3A_1227] : memref<8x64x512xf32, #tpu.memory_space<vmem>> -> memref<1x32x512xf32, #tpu.memory_space<vmem>>
    %dma_start3A_1229 = tpu.memref_squeeze %dma_start3A_1228 : memref<1x32x512xf32, #tpu.memory_space<vmem>> -> memref<32x512xf32, #tpu.memory_space<vmem>>
    %dma_start3A_1230 = arith.constant 0 : i32
    %dma_start3A_1231 = arith.constant 0 : i32
    %dma_start3A_1232 = tpu.memref_slice %arg7[%dma_start3A_1221, %get3A_206, %dma_start3A_1230, %dma_start3A_1231] : memref<32x64x32x512xf32, #tpu.memory_space<hbm>> -> memref<1x1x32x512xf32, #tpu.memory_space<hbm>>
    %dma_start3A_1233 = tpu.memref_squeeze %dma_start3A_1232 : memref<1x1x32x512xf32, #tpu.memory_space<hbm>> -> memref<32x512xf32, #tpu.memory_space<hbm>>
    tpu.enqueue_dma source(%dma_start3A_1233 : memref<32x512xf32, #tpu.memory_space<hbm>>) target(%dma_start3A_1229 : memref<32x512xf32, #tpu.memory_space<vmem>>) target_semaphore(%dma_start3A_1225 : memref<!tpu.dma_semaphore, #tpu.memory_space<semaphore_mem>>)
    %dma_start3A_1234 = arith.constant 21 : i32
    %dma_start3A_1235 = arith.constant 5 : i32
    %dma_start3A_1236 = arith.constant 2 : i32
    %dma_start3A_1237 = tpu.memref_slice %arg22[%dma_start3A_1236] : memref<4x!tpu.dma_semaphore, #tpu.memory_space<semaphore_mem>> -> memref<1x!tpu.dma_semaphore, #tpu.memory_space<semaphore_mem>>
    %dma_start3A_1238 = tpu.memref_squeeze %dma_start3A_1237 : memref<1x!tpu.dma_semaphore, #tpu.memory_space<semaphore_mem>> -> memref<!tpu.dma_semaphore, #tpu.memory_space<semaphore_mem>>
    %dma_start3A_1239 = arith.constant 0 : i32
    %dma_start3A_1240 = arith.constant 0 : i32
    %dma_start3A_1241 = tpu.memref_slice %arg16[%dma_start3A_1235, %dma_start3A_1239, %dma_start3A_1240] : memref<8x64x512xf32, #tpu.memory_space<vmem>> -> memref<1x32x512xf32, #tpu.memory_space<vmem>>
    %dma_start3A_1242 = tpu.memref_squeeze %dma_start3A_1241 : memref<1x32x512xf32, #tpu.memory_space<vmem>> -> memref<32x512xf32, #tpu.memory_space<vmem>>
    %dma_start3A_1243 = arith.constant 0 : i32
    %dma_start3A_1244 = arith.constant 0 : i32
    %dma_start3A_1245 = tpu.memref_slice %arg7[%dma_start3A_1234, %get3A_209, %dma_start3A_1243, %dma_start3A_1244] : memref<32x64x32x512xf32, #tpu.memory_space<hbm>> -> memref<1x1x32x512xf32, #tpu.memory_space<hbm>>
    %dma_start3A_1246 = tpu.memref_squeeze %dma_start3A_1245 : memref<1x1x32x512xf32, #tpu.memory_space<hbm>> -> memref<32x512xf32, #tpu.memory_space<hbm>>
    tpu.enqueue_dma source(%dma_start3A_1246 : memref<32x512xf32, #tpu.memory_space<hbm>>) target(%dma_start3A_1242 : memref<32x512xf32, #tpu.memory_space<vmem>>) target_semaphore(%dma_start3A_1238 : memref<!tpu.dma_semaphore, #tpu.memory_space<semaphore_mem>>)
    %dma_start3A_1247 = arith.constant 21 : i32
    %dma_start3A_1248 = arith.constant 5 : i32
    %dma_start3A_1249 = arith.constant 2 : i32
    %dma_start3A_1250 = tpu.memref_slice %arg22[%dma_start3A_1249] : memref<4x!tpu.dma_semaphore, #tpu.memory_space<semaphore_mem>> -> memref<1x!tpu.dma_semaphore, #tpu.memory_space<semaphore_mem>>
    %dma_start3A_1251 = tpu.memref_squeeze %dma_start3A_1250 : memref<1x!tpu.dma_semaphore, #tpu.memory_space<semaphore_mem>> -> memref<!tpu.dma_semaphore, #tpu.memory_space<semaphore_mem>>
    %dma_start3A_1252 = arith.constant 32 : i32
    %dma_start3A_1253 = arith.constant 0 : i32
    %dma_start3A_1254 = tpu.memref_slice %arg16[%dma_start3A_1248, %dma_start3A_1252, %dma_start3A_1253] : memref<8x64x512xf32, #tpu.memory_space<vmem>> -> memref<1x32x512xf32, #tpu.memory_space<vmem>>
    %dma_start3A_1255 = tpu.memref_squeeze %dma_start3A_1254 : memref<1x32x512xf32, #tpu.memory_space<vmem>> -> memref<32x512xf32, #tpu.memory_space<vmem>>
    %dma_start3A_1256 = arith.constant 0 : i32
    %dma_start3A_1257 = arith.constant 0 : i32
    %dma_start3A_1258 = tpu.memref_slice %arg7[%dma_start3A_1247, %get3A_212, %dma_start3A_1256, %dma_start3A_1257] : memref<32x64x32x512xf32, #tpu.memory_space<hbm>> -> memref<1x1x32x512xf32, #tpu.memory_space<hbm>>
    %dma_start3A_1259 = tpu.memref_squeeze %dma_start3A_1258 : memref<1x1x32x512xf32, #tpu.memory_space<hbm>> -> memref<32x512xf32, #tpu.memory_space<hbm>>
    tpu.enqueue_dma source(%dma_start3A_1259 : memref<32x512xf32, #tpu.memory_space<hbm>>) target(%dma_start3A_1255 : memref<32x512xf32, #tpu.memory_space<vmem>>) target_semaphore(%dma_start3A_1251 : memref<!tpu.dma_semaphore, #tpu.memory_space<semaphore_mem>>)
    %dma_start3A_1260 = arith.constant 22 : i32
    %dma_start3A_1261 = arith.constant 6 : i32
    %dma_start3A_1262 = arith.constant 2 : i32
    %dma_start3A_1263 = tpu.memref_slice %arg22[%dma_start3A_1262] : memref<4x!tpu.dma_semaphore, #tpu.memory_space<semaphore_mem>> -> memref<1x!tpu.dma_semaphore, #tpu.memory_space<semaphore_mem>>
    %dma_start3A_1264 = tpu.memref_squeeze %dma_start3A_1263 : memref<1x!tpu.dma_semaphore, #tpu.memory_space<semaphore_mem>> -> memref<!tpu.dma_semaphore, #tpu.memory_space<semaphore_mem>>
    %dma_start3A_1265 = arith.constant 0 : i32
    %dma_start3A_1266 = arith.constant 0 : i32
    %dma_start3A_1267 = tpu.memref_slice %arg16[%dma_start3A_1261, %dma_start3A_1265, %dma_start3A_1266] : memref<8x64x512xf32, #tpu.memory_space<vmem>> -> memref<1x32x512xf32, #tpu.memory_space<vmem>>
    %dma_start3A_1268 = tpu.memref_squeeze %dma_start3A_1267 : memref<1x32x512xf32, #tpu.memory_space<vmem>> -> memref<32x512xf32, #tpu.memory_space<vmem>>
    %dma_start3A_1269 = arith.constant 0 : i32
    %dma_start3A_1270 = arith.constant 0 : i32
    %dma_start3A_1271 = tpu.memref_slice %arg7[%dma_start3A_1260, %get3A_215, %dma_start3A_1269, %dma_start3A_1270] : memref<32x64x32x512xf32, #tpu.memory_space<hbm>> -> memref<1x1x32x512xf32, #tpu.memory_space<hbm>>
    %dma_start3A_1272 = tpu.memref_squeeze %dma_start3A_1271 : memref<1x1x32x512xf32, #tpu.memory_space<hbm>> -> memref<32x512xf32, #tpu.memory_space<hbm>>
    tpu.enqueue_dma source(%dma_start3A_1272 : memref<32x512xf32, #tpu.memory_space<hbm>>) target(%dma_start3A_1268 : memref<32x512xf32, #tpu.memory_space<vmem>>) target_semaphore(%dma_start3A_1264 : memref<!tpu.dma_semaphore, #tpu.memory_space<semaphore_mem>>)
    %dma_start3A_1273 = arith.constant 22 : i32
    %dma_start3A_1274 = arith.constant 6 : i32
    %dma_start3A_1275 = arith.constant 2 : i32
    %dma_start3A_1276 = tpu.memref_slice %arg22[%dma_start3A_1275] : memref<4x!tpu.dma_semaphore, #tpu.memory_space<semaphore_mem>> -> memref<1x!tpu.dma_semaphore, #tpu.memory_space<semaphore_mem>>
    %dma_start3A_1277 = tpu.memref_squeeze %dma_start3A_1276 : memref<1x!tpu.dma_semaphore, #tpu.memory_space<semaphore_mem>> -> memref<!tpu.dma_semaphore, #tpu.memory_space<semaphore_mem>>
    %dma_start3A_1278 = arith.constant 32 : i32
    %dma_start3A_1279 = arith.constant 0 : i32
    %dma_start3A_1280 = tpu.memref_slice %arg16[%dma_start3A_1274, %dma_start3A_1278, %dma_start3A_1279] : memref<8x64x512xf32, #tpu.memory_space<vmem>> -> memref<1x32x512xf32, #tpu.memory_space<vmem>>
    %dma_start3A_1281 = tpu.memref_squeeze %dma_start3A_1280 : memref<1x32x512xf32, #tpu.memory_space<vmem>> -> memref<32x512xf32, #tpu.memory_space<vmem>>
    %dma_start3A_1282 = arith.constant 0 : i32
    %dma_start3A_1283 = arith.constant 0 : i32
    %dma_start3A_1284 = tpu.memref_slice %arg7[%dma_start3A_1273, %get3A_218, %dma_start3A_1282, %dma_start3A_1283] : memref<32x64x32x512xf32, #tpu.memory_space<hbm>> -> memref<1x1x32x512xf32, #tpu.memory_space<hbm>>
    %dma_start3A_1285 = tpu.memref_squeeze %dma_start3A_1284 : memref<1x1x32x512xf32, #tpu.memory_space<hbm>> -> memref<32x512xf32, #tpu.memory_space<hbm>>
    tpu.enqueue_dma source(%dma_start3A_1285 : memref<32x512xf32, #tpu.memory_space<hbm>>) target(%dma_start3A_1281 : memref<32x512xf32, #tpu.memory_space<vmem>>) target_semaphore(%dma_start3A_1277 : memref<!tpu.dma_semaphore, #tpu.memory_space<semaphore_mem>>)
    %dma_start3A_1286 = arith.constant 23 : i32
    %dma_start3A_1287 = arith.constant 7 : i32
    %dma_start3A_1288 = arith.constant 2 : i32
    %dma_start3A_1289 = tpu.memref_slice %arg22[%dma_start3A_1288] : memref<4x!tpu.dma_semaphore, #tpu.memory_space<semaphore_mem>> -> memref<1x!tpu.dma_semaphore, #tpu.memory_space<semaphore_mem>>
    %dma_start3A_1290 = tpu.memref_squeeze %dma_start3A_1289 : memref<1x!tpu.dma_semaphore, #tpu.memory_space<semaphore_mem>> -> memref<!tpu.dma_semaphore, #tpu.memory_space<semaphore_mem>>
    %dma_start3A_1291 = arith.constant 0 : i32
    %dma_start3A_1292 = arith.constant 0 : i32
    %dma_start3A_1293 = tpu.memref_slice %arg16[%dma_start3A_1287, %dma_start3A_1291, %dma_start3A_1292] : memref<8x64x512xf32, #tpu.memory_space<vmem>> -> memref<1x32x512xf32, #tpu.memory_space<vmem>>
    %dma_start3A_1294 = tpu.memref_squeeze %dma_start3A_1293 : memref<1x32x512xf32, #tpu.memory_space<vmem>> -> memref<32x512xf32, #tpu.memory_space<vmem>>
    %dma_start3A_1295 = arith.constant 0 : i32
    %dma_start3A_1296 = arith.constant 0 : i32
    %dma_start3A_1297 = tpu.memref_slice %arg7[%dma_start3A_1286, %get3A_221, %dma_start3A_1295, %dma_start3A_1296] : memref<32x64x32x512xf32, #tpu.memory_space<hbm>> -> memref<1x1x32x512xf32, #tpu.memory_space<hbm>>
    %dma_start3A_1298 = tpu.memref_squeeze %dma_start3A_1297 : memref<1x1x32x512xf32, #tpu.memory_space<hbm>> -> memref<32x512xf32, #tpu.memory_space<hbm>>
    tpu.enqueue_dma source(%dma_start3A_1298 : memref<32x512xf32, #tpu.memory_space<hbm>>) target(%dma_start3A_1294 : memref<32x512xf32, #tpu.memory_space<vmem>>) target_semaphore(%dma_start3A_1290 : memref<!tpu.dma_semaphore, #tpu.memory_space<semaphore_mem>>)
    %dma_start3A_1299 = arith.constant 23 : i32
    %dma_start3A_1300 = arith.constant 7 : i32
    %dma_start3A_1301 = arith.constant 2 : i32
    %dma_start3A_1302 = tpu.memref_slice %arg22[%dma_start3A_1301] : memref<4x!tpu.dma_semaphore, #tpu.memory_space<semaphore_mem>> -> memref<1x!tpu.dma_semaphore, #tpu.memory_space<semaphore_mem>>
    %dma_start3A_1303 = tpu.memref_squeeze %dma_start3A_1302 : memref<1x!tpu.dma_semaphore, #tpu.memory_space<semaphore_mem>> -> memref<!tpu.dma_semaphore, #tpu.memory_space<semaphore_mem>>
    %dma_start3A_1304 = arith.constant 32 : i32
    %dma_start3A_1305 = arith.constant 0 : i32
    %dma_start3A_1306 = tpu.memref_slice %arg16[%dma_start3A_1300, %dma_start3A_1304, %dma_start3A_1305] : memref<8x64x512xf32, #tpu.memory_space<vmem>> -> memref<1x32x512xf32, #tpu.memory_space<vmem>>
    %dma_start3A_1307 = tpu.memref_squeeze %dma_start3A_1306 : memref<1x32x512xf32, #tpu.memory_space<vmem>> -> memref<32x512xf32, #tpu.memory_space<vmem>>
    %dma_start3A_1308 = arith.constant 0 : i32
    %dma_start3A_1309 = arith.constant 0 : i32
    %dma_start3A_1310 = tpu.memref_slice %arg7[%dma_start3A_1299, %get3A_224, %dma_start3A_1308, %dma_start3A_1309] : memref<32x64x32x512xf32, #tpu.memory_space<hbm>> -> memref<1x1x32x512xf32, #tpu.memory_space<hbm>>
    %dma_start3A_1311 = tpu.memref_squeeze %dma_start3A_1310 : memref<1x1x32x512xf32, #tpu.memory_space<hbm>> -> memref<32x512xf32, #tpu.memory_space<hbm>>
    tpu.enqueue_dma source(%dma_start3A_1311 : memref<32x512xf32, #tpu.memory_space<hbm>>) target(%dma_start3A_1307 : memref<32x512xf32, #tpu.memory_space<vmem>>) target_semaphore(%dma_start3A_1303 : memref<!tpu.dma_semaphore, #tpu.memory_space<semaphore_mem>>)
    %dma_start3A_1312 = arith.constant 16 : i32
    %dma_start3A_1313 = arith.constant 0 : i32
    %dma_start3A_1314 = arith.constant 2 : i32
    %dma_start3A_1315 = tpu.memref_slice %arg23[%dma_start3A_1314] : memref<4x!tpu.dma_semaphore, #tpu.memory_space<semaphore_mem>> -> memref<1x!tpu.dma_semaphore, #tpu.memory_space<semaphore_mem>>
    %dma_start3A_1316 = tpu.memref_squeeze %dma_start3A_1315 : memref<1x!tpu.dma_semaphore, #tpu.memory_space<semaphore_mem>> -> memref<!tpu.dma_semaphore, #tpu.memory_space<semaphore_mem>>
    %dma_start3A_1317 = arith.constant 0 : i32
    %dma_start3A_1318 = arith.constant 0 : i32
    %dma_start3A_1319 = tpu.memref_slice %arg20[%dma_start3A_1313, %dma_start3A_1317, %dma_start3A_1318] : memref<8x64x512xf32, #tpu.memory_space<vmem>> -> memref<1x32x512xf32, #tpu.memory_space<vmem>>
    %dma_start3A_1320 = tpu.memref_squeeze %dma_start3A_1319 : memref<1x32x512xf32, #tpu.memory_space<vmem>> -> memref<32x512xf32, #tpu.memory_space<vmem>>
    %dma_start3A_1321 = arith.constant 0 : i32
    %dma_start3A_1322 = arith.constant 0 : i32
    %dma_start3A_1323 = tpu.memref_slice %arg8[%dma_start3A_1312, %get3A_179, %dma_start3A_1321, %dma_start3A_1322] : memref<32x64x32x512xf32, #tpu.memory_space<hbm>> -> memref<1x1x32x512xf32, #tpu.memory_space<hbm>>
    %dma_start3A_1324 = tpu.memref_squeeze %dma_start3A_1323 : memref<1x1x32x512xf32, #tpu.memory_space<hbm>> -> memref<32x512xf32, #tpu.memory_space<hbm>>
    tpu.enqueue_dma source(%dma_start3A_1324 : memref<32x512xf32, #tpu.memory_space<hbm>>) target(%dma_start3A_1320 : memref<32x512xf32, #tpu.memory_space<vmem>>) target_semaphore(%dma_start3A_1316 : memref<!tpu.dma_semaphore, #tpu.memory_space<semaphore_mem>>)
    %dma_start3A_1325 = arith.constant 16 : i32
    %dma_start3A_1326 = arith.constant 0 : i32
    %dma_start3A_1327 = arith.constant 2 : i32
    %dma_start3A_1328 = tpu.memref_slice %arg23[%dma_start3A_1327] : memref<4x!tpu.dma_semaphore, #tpu.memory_space<semaphore_mem>> -> memref<1x!tpu.dma_semaphore, #tpu.memory_space<semaphore_mem>>
    %dma_start3A_1329 = tpu.memref_squeeze %dma_start3A_1328 : memref<1x!tpu.dma_semaphore, #tpu.memory_space<semaphore_mem>> -> memref<!tpu.dma_semaphore, #tpu.memory_space<semaphore_mem>>
    %dma_start3A_1330 = arith.constant 32 : i32
    %dma_start3A_1331 = arith.constant 0 : i32
    %dma_start3A_1332 = tpu.memref_slice %arg20[%dma_start3A_1326, %dma_start3A_1330, %dma_start3A_1331] : memref<8x64x512xf32, #tpu.memory_space<vmem>> -> memref<1x32x512xf32, #tpu.memory_space<vmem>>
    %dma_start3A_1333 = tpu.memref_squeeze %dma_start3A_1332 : memref<1x32x512xf32, #tpu.memory_space<vmem>> -> memref<32x512xf32, #tpu.memory_space<vmem>>
    %dma_start3A_1334 = arith.constant 0 : i32
    %dma_start3A_1335 = arith.constant 0 : i32
    %dma_start3A_1336 = tpu.memref_slice %arg8[%dma_start3A_1325, %get3A_182, %dma_start3A_1334, %dma_start3A_1335] : memref<32x64x32x512xf32, #tpu.memory_space<hbm>> -> memref<1x1x32x512xf32, #tpu.memory_space<hbm>>
    %dma_start3A_1337 = tpu.memref_squeeze %dma_start3A_1336 : memref<1x1x32x512xf32, #tpu.memory_space<hbm>> -> memref<32x512xf32, #tpu.memory_space<hbm>>
    tpu.enqueue_dma source(%dma_start3A_1337 : memref<32x512xf32, #tpu.memory_space<hbm>>) target(%dma_start3A_1333 : memref<32x512xf32, #tpu.memory_space<vmem>>) target_semaphore(%dma_start3A_1329 : memref<!tpu.dma_semaphore, #tpu.memory_space<semaphore_mem>>)
    %dma_start3A_1338 = arith.constant 17 : i32
    %dma_start3A_1339 = arith.constant 1 : i32
    %dma_start3A_1340 = arith.constant 2 : i32
    %dma_start3A_1341 = tpu.memref_slice %arg23[%dma_start3A_1340] : memref<4x!tpu.dma_semaphore, #tpu.memory_space<semaphore_mem>> -> memref<1x!tpu.dma_semaphore, #tpu.memory_space<semaphore_mem>>
    %dma_start3A_1342 = tpu.memref_squeeze %dma_start3A_1341 : memref<1x!tpu.dma_semaphore, #tpu.memory_space<semaphore_mem>> -> memref<!tpu.dma_semaphore, #tpu.memory_space<semaphore_mem>>
    %dma_start3A_1343 = arith.constant 0 : i32
    %dma_start3A_1344 = arith.constant 0 : i32
    %dma_start3A_1345 = tpu.memref_slice %arg20[%dma_start3A_1339, %dma_start3A_1343, %dma_start3A_1344] : memref<8x64x512xf32, #tpu.memory_space<vmem>> -> memref<1x32x512xf32, #tpu.memory_space<vmem>>
    %dma_start3A_1346 = tpu.memref_squeeze %dma_start3A_1345 : memref<1x32x512xf32, #tpu.memory_space<vmem>> -> memref<32x512xf32, #tpu.memory_space<vmem>>
    %dma_start3A_1347 = arith.constant 0 : i32
    %dma_start3A_1348 = arith.constant 0 : i32
    %dma_start3A_1349 = tpu.memref_slice %arg8[%dma_start3A_1338, %get3A_185, %dma_start3A_1347, %dma_start3A_1348] : memref<32x64x32x512xf32, #tpu.memory_space<hbm>> -> memref<1x1x32x512xf32, #tpu.memory_space<hbm>>
    %dma_start3A_1350 = tpu.memref_squeeze %dma_start3A_1349 : memref<1x1x32x512xf32, #tpu.memory_space<hbm>> -> memref<32x512xf32, #tpu.memory_space<hbm>>
    tpu.enqueue_dma source(%dma_start3A_1350 : memref<32x512xf32, #tpu.memory_space<hbm>>) target(%dma_start3A_1346 : memref<32x512xf32, #tpu.memory_space<vmem>>) target_semaphore(%dma_start3A_1342 : memref<!tpu.dma_semaphore, #tpu.memory_space<semaphore_mem>>)
    %dma_start3A_1351 = arith.constant 17 : i32
    %dma_start3A_1352 = arith.constant 1 : i32
    %dma_start3A_1353 = arith.constant 2 : i32
    %dma_start3A_1354 = tpu.memref_slice %arg23[%dma_start3A_1353] : memref<4x!tpu.dma_semaphore, #tpu.memory_space<semaphore_mem>> -> memref<1x!tpu.dma_semaphore, #tpu.memory_space<semaphore_mem>>
    %dma_start3A_1355 = tpu.memref_squeeze %dma_start3A_1354 : memref<1x!tpu.dma_semaphore, #tpu.memory_space<semaphore_mem>> -> memref<!tpu.dma_semaphore, #tpu.memory_space<semaphore_mem>>
    %dma_start3A_1356 = arith.constant 32 : i32
    %dma_start3A_1357 = arith.constant 0 : i32
    %dma_start3A_1358 = tpu.memref_slice %arg20[%dma_start3A_1352, %dma_start3A_1356, %dma_start3A_1357] : memref<8x64x512xf32, #tpu.memory_space<vmem>> -> memref<1x32x512xf32, #tpu.memory_space<vmem>>
    %dma_start3A_1359 = tpu.memref_squeeze %dma_start3A_1358 : memref<1x32x512xf32, #tpu.memory_space<vmem>> -> memref<32x512xf32, #tpu.memory_space<vmem>>
    %dma_start3A_1360 = arith.constant 0 : i32
    %dma_start3A_1361 = arith.constant 0 : i32
    %dma_start3A_1362 = tpu.memref_slice %arg8[%dma_start3A_1351, %get3A_188, %dma_start3A_1360, %dma_start3A_1361] : memref<32x64x32x512xf32, #tpu.memory_space<hbm>> -> memref<1x1x32x512xf32, #tpu.memory_space<hbm>>
    %dma_start3A_1363 = tpu.memref_squeeze %dma_start3A_1362 : memref<1x1x32x512xf32, #tpu.memory_space<hbm>> -> memref<32x512xf32, #tpu.memory_space<hbm>>
    tpu.enqueue_dma source(%dma_start3A_1363 : memref<32x512xf32, #tpu.memory_space<hbm>>) target(%dma_start3A_1359 : memref<32x512xf32, #tpu.memory_space<vmem>>) target_semaphore(%dma_start3A_1355 : memref<!tpu.dma_semaphore, #tpu.memory_space<semaphore_mem>>)
    %dma_start3A_1364 = arith.constant 18 : i32
    %dma_start3A_1365 = arith.constant 2 : i32
    %dma_start3A_1366 = arith.constant 2 : i32
    %dma_start3A_1367 = tpu.memref_slice %arg23[%dma_start3A_1366] : memref<4x!tpu.dma_semaphore, #tpu.memory_space<semaphore_mem>> -> memref<1x!tpu.dma_semaphore, #tpu.memory_space<semaphore_mem>>
    %dma_start3A_1368 = tpu.memref_squeeze %dma_start3A_1367 : memref<1x!tpu.dma_semaphore, #tpu.memory_space<semaphore_mem>> -> memref<!tpu.dma_semaphore, #tpu.memory_space<semaphore_mem>>
    %dma_start3A_1369 = arith.constant 0 : i32
    %dma_start3A_1370 = arith.constant 0 : i32
    %dma_start3A_1371 = tpu.memref_slice %arg20[%dma_start3A_1365, %dma_start3A_1369, %dma_start3A_1370] : memref<8x64x512xf32, #tpu.memory_space<vmem>> -> memref<1x32x512xf32, #tpu.memory_space<vmem>>
    %dma_start3A_1372 = tpu.memref_squeeze %dma_start3A_1371 : memref<1x32x512xf32, #tpu.memory_space<vmem>> -> memref<32x512xf32, #tpu.memory_space<vmem>>
    %dma_start3A_1373 = arith.constant 0 : i32
    %dma_start3A_1374 = arith.constant 0 : i32
    %dma_start3A_1375 = tpu.memref_slice %arg8[%dma_start3A_1364, %get3A_191, %dma_start3A_1373, %dma_start3A_1374] : memref<32x64x32x512xf32, #tpu.memory_space<hbm>> -> memref<1x1x32x512xf32, #tpu.memory_space<hbm>>
    %dma_start3A_1376 = tpu.memref_squeeze %dma_start3A_1375 : memref<1x1x32x512xf32, #tpu.memory_space<hbm>> -> memref<32x512xf32, #tpu.memory_space<hbm>>
    tpu.enqueue_dma source(%dma_start3A_1376 : memref<32x512xf32, #tpu.memory_space<hbm>>) target(%dma_start3A_1372 : memref<32x512xf32, #tpu.memory_space<vmem>>) target_semaphore(%dma_start3A_1368 : memref<!tpu.dma_semaphore, #tpu.memory_space<semaphore_mem>>)
    %dma_start3A_1377 = arith.constant 18 : i32
    %dma_start3A_1378 = arith.constant 2 : i32
    %dma_start3A_1379 = arith.constant 2 : i32
    %dma_start3A_1380 = tpu.memref_slice %arg23[%dma_start3A_1379] : memref<4x!tpu.dma_semaphore, #tpu.memory_space<semaphore_mem>> -> memref<1x!tpu.dma_semaphore, #tpu.memory_space<semaphore_mem>>
    %dma_start3A_1381 = tpu.memref_squeeze %dma_start3A_1380 : memref<1x!tpu.dma_semaphore, #tpu.memory_space<semaphore_mem>> -> memref<!tpu.dma_semaphore, #tpu.memory_space<semaphore_mem>>
    %dma_start3A_1382 = arith.constant 32 : i32
    %dma_start3A_1383 = arith.constant 0 : i32
    %dma_start3A_1384 = tpu.memref_slice %arg20[%dma_start3A_1378, %dma_start3A_1382, %dma_start3A_1383] : memref<8x64x512xf32, #tpu.memory_space<vmem>> -> memref<1x32x512xf32, #tpu.memory_space<vmem>>
    %dma_start3A_1385 = tpu.memref_squeeze %dma_start3A_1384 : memref<1x32x512xf32, #tpu.memory_space<vmem>> -> memref<32x512xf32, #tpu.memory_space<vmem>>
    %dma_start3A_1386 = arith.constant 0 : i32
    %dma_start3A_1387 = arith.constant 0 : i32
    %dma_start3A_1388 = tpu.memref_slice %arg8[%dma_start3A_1377, %get3A_194, %dma_start3A_1386, %dma_start3A_1387] : memref<32x64x32x512xf32, #tpu.memory_space<hbm>> -> memref<1x1x32x512xf32, #tpu.memory_space<hbm>>
    %dma_start3A_1389 = tpu.memref_squeeze %dma_start3A_1388 : memref<1x1x32x512xf32, #tpu.memory_space<hbm>> -> memref<32x512xf32, #tpu.memory_space<hbm>>
    tpu.enqueue_dma source(%dma_start3A_1389 : memref<32x512xf32, #tpu.memory_space<hbm>>) target(%dma_start3A_1385 : memref<32x512xf32, #tpu.memory_space<vmem>>) target_semaphore(%dma_start3A_1381 : memref<!tpu.dma_semaphore, #tpu.memory_space<semaphore_mem>>)
    %dma_start3A_1390 = arith.constant 19 : i32
    %dma_start3A_1391 = arith.constant 3 : i32
    %dma_start3A_1392 = arith.constant 2 : i32
    %dma_start3A_1393 = tpu.memref_slice %arg23[%dma_start3A_1392] : memref<4x!tpu.dma_semaphore, #tpu.memory_space<semaphore_mem>> -> memref<1x!tpu.dma_semaphore, #tpu.memory_space<semaphore_mem>>
    %dma_start3A_1394 = tpu.memref_squeeze %dma_start3A_1393 : memref<1x!tpu.dma_semaphore, #tpu.memory_space<semaphore_mem>> -> memref<!tpu.dma_semaphore, #tpu.memory_space<semaphore_mem>>
    %dma_start3A_1395 = arith.constant 0 : i32
    %dma_start3A_1396 = arith.constant 0 : i32
    %dma_start3A_1397 = tpu.memref_slice %arg20[%dma_start3A_1391, %dma_start3A_1395, %dma_start3A_1396] : memref<8x64x512xf32, #tpu.memory_space<vmem>> -> memref<1x32x512xf32, #tpu.memory_space<vmem>>
    %dma_start3A_1398 = tpu.memref_squeeze %dma_start3A_1397 : memref<1x32x512xf32, #tpu.memory_space<vmem>> -> memref<32x512xf32, #tpu.memory_space<vmem>>
    %dma_start3A_1399 = arith.constant 0 : i32
    %dma_start3A_1400 = arith.constant 0 : i32
    %dma_start3A_1401 = tpu.memref_slice %arg8[%dma_start3A_1390, %get3A_197, %dma_start3A_1399, %dma_start3A_1400] : memref<32x64x32x512xf32, #tpu.memory_space<hbm>> -> memref<1x1x32x512xf32, #tpu.memory_space<hbm>>
    %dma_start3A_1402 = tpu.memref_squeeze %dma_start3A_1401 : memref<1x1x32x512xf32, #tpu.memory_space<hbm>> -> memref<32x512xf32, #tpu.memory_space<hbm>>
    tpu.enqueue_dma source(%dma_start3A_1402 : memref<32x512xf32, #tpu.memory_space<hbm>>) target(%dma_start3A_1398 : memref<32x512xf32, #tpu.memory_space<vmem>>) target_semaphore(%dma_start3A_1394 : memref<!tpu.dma_semaphore, #tpu.memory_space<semaphore_mem>>)
    %dma_start3A_1403 = arith.constant 19 : i32
    %dma_start3A_1404 = arith.constant 3 : i32
    %dma_start3A_1405 = arith.constant 2 : i32
    %dma_start3A_1406 = tpu.memref_slice %arg23[%dma_start3A_1405] : memref<4x!tpu.dma_semaphore, #tpu.memory_space<semaphore_mem>> -> memref<1x!tpu.dma_semaphore, #tpu.memory_space<semaphore_mem>>
    %dma_start3A_1407 = tpu.memref_squeeze %dma_start3A_1406 : memref<1x!tpu.dma_semaphore, #tpu.memory_space<semaphore_mem>> -> memref<!tpu.dma_semaphore, #tpu.memory_space<semaphore_mem>>
    %dma_start3A_1408 = arith.constant 32 : i32
    %dma_start3A_1409 = arith.constant 0 : i32
    %dma_start3A_1410 = tpu.memref_slice %arg20[%dma_start3A_1404, %dma_start3A_1408, %dma_start3A_1409] : memref<8x64x512xf32, #tpu.memory_space<vmem>> -> memref<1x32x512xf32, #tpu.memory_space<vmem>>
    %dma_start3A_1411 = tpu.memref_squeeze %dma_start3A_1410 : memref<1x32x512xf32, #tpu.memory_space<vmem>> -> memref<32x512xf32, #tpu.memory_space<vmem>>
    %dma_start3A_1412 = arith.constant 0 : i32
    %dma_start3A_1413 = arith.constant 0 : i32
    %dma_start3A_1414 = tpu.memref_slice %arg8[%dma_start3A_1403, %get3A_200, %dma_start3A_1412, %dma_start3A_1413] : memref<32x64x32x512xf32, #tpu.memory_space<hbm>> -> memref<1x1x32x512xf32, #tpu.memory_space<hbm>>
    %dma_start3A_1415 = tpu.memref_squeeze %dma_start3A_1414 : memref<1x1x32x512xf32, #tpu.memory_space<hbm>> -> memref<32x512xf32, #tpu.memory_space<hbm>>
    tpu.enqueue_dma source(%dma_start3A_1415 : memref<32x512xf32, #tpu.memory_space<hbm>>) target(%dma_start3A_1411 : memref<32x512xf32, #tpu.memory_space<vmem>>) target_semaphore(%dma_start3A_1407 : memref<!tpu.dma_semaphore, #tpu.memory_space<semaphore_mem>>)
    %dma_start3A_1416 = arith.constant 20 : i32
    %dma_start3A_1417 = arith.constant 4 : i32
    %dma_start3A_1418 = arith.constant 2 : i32
    %dma_start3A_1419 = tpu.memref_slice %arg23[%dma_start3A_1418] : memref<4x!tpu.dma_semaphore, #tpu.memory_space<semaphore_mem>> -> memref<1x!tpu.dma_semaphore, #tpu.memory_space<semaphore_mem>>
    %dma_start3A_1420 = tpu.memref_squeeze %dma_start3A_1419 : memref<1x!tpu.dma_semaphore, #tpu.memory_space<semaphore_mem>> -> memref<!tpu.dma_semaphore, #tpu.memory_space<semaphore_mem>>
    %dma_start3A_1421 = arith.constant 0 : i32
    %dma_start3A_1422 = arith.constant 0 : i32
    %dma_start3A_1423 = tpu.memref_slice %arg20[%dma_start3A_1417, %dma_start3A_1421, %dma_start3A_1422] : memref<8x64x512xf32, #tpu.memory_space<vmem>> -> memref<1x32x512xf32, #tpu.memory_space<vmem>>
    %dma_start3A_1424 = tpu.memref_squeeze %dma_start3A_1423 : memref<1x32x512xf32, #tpu.memory_space<vmem>> -> memref<32x512xf32, #tpu.memory_space<vmem>>
    %dma_start3A_1425 = arith.constant 0 : i32
    %dma_start3A_1426 = arith.constant 0 : i32
    %dma_start3A_1427 = tpu.memref_slice %arg8[%dma_start3A_1416, %get3A_203, %dma_start3A_1425, %dma_start3A_1426] : memref<32x64x32x512xf32, #tpu.memory_space<hbm>> -> memref<1x1x32x512xf32, #tpu.memory_space<hbm>>
    %dma_start3A_1428 = tpu.memref_squeeze %dma_start3A_1427 : memref<1x1x32x512xf32, #tpu.memory_space<hbm>> -> memref<32x512xf32, #tpu.memory_space<hbm>>
    tpu.enqueue_dma source(%dma_start3A_1428 : memref<32x512xf32, #tpu.memory_space<hbm>>) target(%dma_start3A_1424 : memref<32x512xf32, #tpu.memory_space<vmem>>) target_semaphore(%dma_start3A_1420 : memref<!tpu.dma_semaphore, #tpu.memory_space<semaphore_mem>>)
    %dma_start3A_1429 = arith.constant 20 : i32
    %dma_start3A_1430 = arith.constant 4 : i32
    %dma_start3A_1431 = arith.constant 2 : i32
    %dma_start3A_1432 = tpu.memref_slice %arg23[%dma_start3A_1431] : memref<4x!tpu.dma_semaphore, #tpu.memory_space<semaphore_mem>> -> memref<1x!tpu.dma_semaphore, #tpu.memory_space<semaphore_mem>>
    %dma_start3A_1433 = tpu.memref_squeeze %dma_start3A_1432 : memref<1x!tpu.dma_semaphore, #tpu.memory_space<semaphore_mem>> -> memref<!tpu.dma_semaphore, #tpu.memory_space<semaphore_mem>>
    %dma_start3A_1434 = arith.constant 32 : i32
    %dma_start3A_1435 = arith.constant 0 : i32
    %dma_start3A_1436 = tpu.memref_slice %arg20[%dma_start3A_1430, %dma_start3A_1434, %dma_start3A_1435] : memref<8x64x512xf32, #tpu.memory_space<vmem>> -> memref<1x32x512xf32, #tpu.memory_space<vmem>>
    %dma_start3A_1437 = tpu.memref_squeeze %dma_start3A_1436 : memref<1x32x512xf32, #tpu.memory_space<vmem>> -> memref<32x512xf32, #tpu.memory_space<vmem>>
    %dma_start3A_1438 = arith.constant 0 : i32
    %dma_start3A_1439 = arith.constant 0 : i32
    %dma_start3A_1440 = tpu.memref_slice %arg8[%dma_start3A_1429, %get3A_206, %dma_start3A_1438, %dma_start3A_1439] : memref<32x64x32x512xf32, #tpu.memory_space<hbm>> -> memref<1x1x32x512xf32, #tpu.memory_space<hbm>>
    %dma_start3A_1441 = tpu.memref_squeeze %dma_start3A_1440 : memref<1x1x32x512xf32, #tpu.memory_space<hbm>> -> memref<32x512xf32, #tpu.memory_space<hbm>>
    tpu.enqueue_dma source(%dma_start3A_1441 : memref<32x512xf32, #tpu.memory_space<hbm>>) target(%dma_start3A_1437 : memref<32x512xf32, #tpu.memory_space<vmem>>) target_semaphore(%dma_start3A_1433 : memref<!tpu.dma_semaphore, #tpu.memory_space<semaphore_mem>>)
    %dma_start3A_1442 = arith.constant 21 : i32
    %dma_start3A_1443 = arith.constant 5 : i32
    %dma_start3A_1444 = arith.constant 2 : i32
    %dma_start3A_1445 = tpu.memref_slice %arg23[%dma_start3A_1444] : memref<4x!tpu.dma_semaphore, #tpu.memory_space<semaphore_mem>> -> memref<1x!tpu.dma_semaphore, #tpu.memory_space<semaphore_mem>>
    %dma_start3A_1446 = tpu.memref_squeeze %dma_start3A_1445 : memref<1x!tpu.dma_semaphore, #tpu.memory_space<semaphore_mem>> -> memref<!tpu.dma_semaphore, #tpu.memory_space<semaphore_mem>>
    %dma_start3A_1447 = arith.constant 0 : i32
    %dma_start3A_1448 = arith.constant 0 : i32
    %dma_start3A_1449 = tpu.memref_slice %arg20[%dma_start3A_1443, %dma_start3A_1447, %dma_start3A_1448] : memref<8x64x512xf32, #tpu.memory_space<vmem>> -> memref<1x32x512xf32, #tpu.memory_space<vmem>>
    %dma_start3A_1450 = tpu.memref_squeeze %dma_start3A_1449 : memref<1x32x512xf32, #tpu.memory_space<vmem>> -> memref<32x512xf32, #tpu.memory_space<vmem>>
    %dma_start3A_1451 = arith.constant 0 : i32
    %dma_start3A_1452 = arith.constant 0 : i32
    %dma_start3A_1453 = tpu.memref_slice %arg8[%dma_start3A_1442, %get3A_209, %dma_start3A_1451, %dma_start3A_1452] : memref<32x64x32x512xf32, #tpu.memory_space<hbm>> -> memref<1x1x32x512xf32, #tpu.memory_space<hbm>>
    %dma_start3A_1454 = tpu.memref_squeeze %dma_start3A_1453 : memref<1x1x32x512xf32, #tpu.memory_space<hbm>> -> memref<32x512xf32, #tpu.memory_space<hbm>>
    tpu.enqueue_dma source(%dma_start3A_1454 : memref<32x512xf32, #tpu.memory_space<hbm>>) target(%dma_start3A_1450 : memref<32x512xf32, #tpu.memory_space<vmem>>) target_semaphore(%dma_start3A_1446 : memref<!tpu.dma_semaphore, #tpu.memory_space<semaphore_mem>>)
    %dma_start3A_1455 = arith.constant 21 : i32
    %dma_start3A_1456 = arith.constant 5 : i32
    %dma_start3A_1457 = arith.constant 2 : i32
    %dma_start3A_1458 = tpu.memref_slice %arg23[%dma_start3A_1457] : memref<4x!tpu.dma_semaphore, #tpu.memory_space<semaphore_mem>> -> memref<1x!tpu.dma_semaphore, #tpu.memory_space<semaphore_mem>>
    %dma_start3A_1459 = tpu.memref_squeeze %dma_start3A_1458 : memref<1x!tpu.dma_semaphore, #tpu.memory_space<semaphore_mem>> -> memref<!tpu.dma_semaphore, #tpu.memory_space<semaphore_mem>>
    %dma_start3A_1460 = arith.constant 32 : i32
    %dma_start3A_1461 = arith.constant 0 : i32
    %dma_start3A_1462 = tpu.memref_slice %arg20[%dma_start3A_1456, %dma_start3A_1460, %dma_start3A_1461] : memref<8x64x512xf32, #tpu.memory_space<vmem>> -> memref<1x32x512xf32, #tpu.memory_space<vmem>>
    %dma_start3A_1463 = tpu.memref_squeeze %dma_start3A_1462 : memref<1x32x512xf32, #tpu.memory_space<vmem>> -> memref<32x512xf32, #tpu.memory_space<vmem>>
    %dma_start3A_1464 = arith.constant 0 : i32
    %dma_start3A_1465 = arith.constant 0 : i32
    %dma_start3A_1466 = tpu.memref_slice %arg8[%dma_start3A_1455, %get3A_212, %dma_start3A_1464, %dma_start3A_1465] : memref<32x64x32x512xf32, #tpu.memory_space<hbm>> -> memref<1x1x32x512xf32, #tpu.memory_space<hbm>>
    %dma_start3A_1467 = tpu.memref_squeeze %dma_start3A_1466 : memref<1x1x32x512xf32, #tpu.memory_space<hbm>> -> memref<32x512xf32, #tpu.memory_space<hbm>>
    tpu.enqueue_dma source(%dma_start3A_1467 : memref<32x512xf32, #tpu.memory_space<hbm>>) target(%dma_start3A_1463 : memref<32x512xf32, #tpu.memory_space<vmem>>) target_semaphore(%dma_start3A_1459 : memref<!tpu.dma_semaphore, #tpu.memory_space<semaphore_mem>>)
    %dma_start3A_1468 = arith.constant 22 : i32
    %dma_start3A_1469 = arith.constant 6 : i32
    %dma_start3A_1470 = arith.constant 2 : i32
    %dma_start3A_1471 = tpu.memref_slice %arg23[%dma_start3A_1470] : memref<4x!tpu.dma_semaphore, #tpu.memory_space<semaphore_mem>> -> memref<1x!tpu.dma_semaphore, #tpu.memory_space<semaphore_mem>>
    %dma_start3A_1472 = tpu.memref_squeeze %dma_start3A_1471 : memref<1x!tpu.dma_semaphore, #tpu.memory_space<semaphore_mem>> -> memref<!tpu.dma_semaphore, #tpu.memory_space<semaphore_mem>>
    %dma_start3A_1473 = arith.constant 0 : i32
    %dma_start3A_1474 = arith.constant 0 : i32
    %dma_start3A_1475 = tpu.memref_slice %arg20[%dma_start3A_1469, %dma_start3A_1473, %dma_start3A_1474] : memref<8x64x512xf32, #tpu.memory_space<vmem>> -> memref<1x32x512xf32, #tpu.memory_space<vmem>>
    %dma_start3A_1476 = tpu.memref_squeeze %dma_start3A_1475 : memref<1x32x512xf32, #tpu.memory_space<vmem>> -> memref<32x512xf32, #tpu.memory_space<vmem>>
    %dma_start3A_1477 = arith.constant 0 : i32
    %dma_start3A_1478 = arith.constant 0 : i32
    %dma_start3A_1479 = tpu.memref_slice %arg8[%dma_start3A_1468, %get3A_215, %dma_start3A_1477, %dma_start3A_1478] : memref<32x64x32x512xf32, #tpu.memory_space<hbm>> -> memref<1x1x32x512xf32, #tpu.memory_space<hbm>>
    %dma_start3A_1480 = tpu.memref_squeeze %dma_start3A_1479 : memref<1x1x32x512xf32, #tpu.memory_space<hbm>> -> memref<32x512xf32, #tpu.memory_space<hbm>>
    tpu.enqueue_dma source(%dma_start3A_1480 : memref<32x512xf32, #tpu.memory_space<hbm>>) target(%dma_start3A_1476 : memref<32x512xf32, #tpu.memory_space<vmem>>) target_semaphore(%dma_start3A_1472 : memref<!tpu.dma_semaphore, #tpu.memory_space<semaphore_mem>>)
    %dma_start3A_1481 = arith.constant 22 : i32
    %dma_start3A_1482 = arith.constant 6 : i32
    %dma_start3A_1483 = arith.constant 2 : i32
    %dma_start3A_1484 = tpu.memref_slice %arg23[%dma_start3A_1483] : memref<4x!tpu.dma_semaphore, #tpu.memory_space<semaphore_mem>> -> memref<1x!tpu.dma_semaphore, #tpu.memory_space<semaphore_mem>>
    %dma_start3A_1485 = tpu.memref_squeeze %dma_start3A_1484 : memref<1x!tpu.dma_semaphore, #tpu.memory_space<semaphore_mem>> -> memref<!tpu.dma_semaphore, #tpu.memory_space<semaphore_mem>>
    %dma_start3A_1486 = arith.constant 32 : i32
    %dma_start3A_1487 = arith.constant 0 : i32
    %dma_start3A_1488 = tpu.memref_slice %arg20[%dma_start3A_1482, %dma_start3A_1486, %dma_start3A_1487] : memref<8x64x512xf32, #tpu.memory_space<vmem>> -> memref<1x32x512xf32, #tpu.memory_space<vmem>>
    %dma_start3A_1489 = tpu.memref_squeeze %dma_start3A_1488 : memref<1x32x512xf32, #tpu.memory_space<vmem>> -> memref<32x512xf32, #tpu.memory_space<vmem>>
    %dma_start3A_1490 = arith.constant 0 : i32
    %dma_start3A_1491 = arith.constant 0 : i32
    %dma_start3A_1492 = tpu.memref_slice %arg8[%dma_start3A_1481, %get3A_218, %dma_start3A_1490, %dma_start3A_1491] : memref<32x64x32x512xf32, #tpu.memory_space<hbm>> -> memref<1x1x32x512xf32, #tpu.memory_space<hbm>>
    %dma_start3A_1493 = tpu.memref_squeeze %dma_start3A_1492 : memref<1x1x32x512xf32, #tpu.memory_space<hbm>> -> memref<32x512xf32, #tpu.memory_space<hbm>>
    tpu.enqueue_dma source(%dma_start3A_1493 : memref<32x512xf32, #tpu.memory_space<hbm>>) target(%dma_start3A_1489 : memref<32x512xf32, #tpu.memory_space<vmem>>) target_semaphore(%dma_start3A_1485 : memref<!tpu.dma_semaphore, #tpu.memory_space<semaphore_mem>>)
    %dma_start3A_1494 = arith.constant 23 : i32
    %dma_start3A_1495 = arith.constant 7 : i32
    %dma_start3A_1496 = arith.constant 2 : i32
    %dma_start3A_1497 = tpu.memref_slice %arg23[%dma_start3A_1496] : memref<4x!tpu.dma_semaphore, #tpu.memory_space<semaphore_mem>> -> memref<1x!tpu.dma_semaphore, #tpu.memory_space<semaphore_mem>>
    %dma_start3A_1498 = tpu.memref_squeeze %dma_start3A_1497 : memref<1x!tpu.dma_semaphore, #tpu.memory_space<semaphore_mem>> -> memref<!tpu.dma_semaphore, #tpu.memory_space<semaphore_mem>>
    %dma_start3A_1499 = arith.constant 0 : i32
    %dma_start3A_1500 = arith.constant 0 : i32
    %dma_start3A_1501 = tpu.memref_slice %arg20[%dma_start3A_1495, %dma_start3A_1499, %dma_start3A_1500] : memref<8x64x512xf32, #tpu.memory_space<vmem>> -> memref<1x32x512xf32, #tpu.memory_space<vmem>>
    %dma_start3A_1502 = tpu.memref_squeeze %dma_start3A_1501 : memref<1x32x512xf32, #tpu.memory_space<vmem>> -> memref<32x512xf32, #tpu.memory_space<vmem>>
    %dma_start3A_1503 = arith.constant 0 : i32
    %dma_start3A_1504 = arith.constant 0 : i32
    %dma_start3A_1505 = tpu.memref_slice %arg8[%dma_start3A_1494, %get3A_221, %dma_start3A_1503, %dma_start3A_1504] : memref<32x64x32x512xf32, #tpu.memory_space<hbm>> -> memref<1x1x32x512xf32, #tpu.memory_space<hbm>>
    %dma_start3A_1506 = tpu.memref_squeeze %dma_start3A_1505 : memref<1x1x32x512xf32, #tpu.memory_space<hbm>> -> memref<32x512xf32, #tpu.memory_space<hbm>>
    tpu.enqueue_dma source(%dma_start3A_1506 : memref<32x512xf32, #tpu.memory_space<hbm>>) target(%dma_start3A_1502 : memref<32x512xf32, #tpu.memory_space<vmem>>) target_semaphore(%dma_start3A_1498 : memref<!tpu.dma_semaphore, #tpu.memory_space<semaphore_mem>>)
    %dma_start3A_1507 = arith.constant 23 : i32
    %dma_start3A_1508 = arith.constant 7 : i32
    %dma_start3A_1509 = arith.constant 2 : i32
    %dma_start3A_1510 = tpu.memref_slice %arg23[%dma_start3A_1509] : memref<4x!tpu.dma_semaphore, #tpu.memory_space<semaphore_mem>> -> memref<1x!tpu.dma_semaphore, #tpu.memory_space<semaphore_mem>>
    %dma_start3A_1511 = tpu.memref_squeeze %dma_start3A_1510 : memref<1x!tpu.dma_semaphore, #tpu.memory_space<semaphore_mem>> -> memref<!tpu.dma_semaphore, #tpu.memory_space<semaphore_mem>>
    %dma_start3A_1512 = arith.constant 32 : i32
    %dma_start3A_1513 = arith.constant 0 : i32
    %dma_start3A_1514 = tpu.memref_slice %arg20[%dma_start3A_1508, %dma_start3A_1512, %dma_start3A_1513] : memref<8x64x512xf32, #tpu.memory_space<vmem>> -> memref<1x32x512xf32, #tpu.memory_space<vmem>>
    %dma_start3A_1515 = tpu.memref_squeeze %dma_start3A_1514 : memref<1x32x512xf32, #tpu.memory_space<vmem>> -> memref<32x512xf32, #tpu.memory_space<vmem>>
    %dma_start3A_1516 = arith.constant 0 : i32
    %dma_start3A_1517 = arith.constant 0 : i32
    %dma_start3A_1518 = tpu.memref_slice %arg8[%dma_start3A_1507, %get3A_224, %dma_start3A_1516, %dma_start3A_1517] : memref<32x64x32x512xf32, #tpu.memory_space<hbm>> -> memref<1x1x32x512xf32, #tpu.memory_space<hbm>>
    %dma_start3A_1519 = tpu.memref_squeeze %dma_start3A_1518 : memref<1x1x32x512xf32, #tpu.memory_space<hbm>> -> memref<32x512xf32, #tpu.memory_space<hbm>>
    tpu.enqueue_dma source(%dma_start3A_1519 : memref<32x512xf32, #tpu.memory_space<hbm>>) target(%dma_start3A_1515 : memref<32x512xf32, #tpu.memory_space<vmem>>) target_semaphore(%dma_start3A_1511 : memref<!tpu.dma_semaphore, #tpu.memory_space<semaphore_mem>>)
    %dma_start3A_1520 = arith.constant 24 : i32
    %dma_start3A_1521 = arith.constant 0 : i32
    %dma_start3A_1522 = arith.constant 3 : i32
    %dma_start3A_1523 = tpu.memref_slice %arg22[%dma_start3A_1522] : memref<4x!tpu.dma_semaphore, #tpu.memory_space<semaphore_mem>> -> memref<1x!tpu.dma_semaphore, #tpu.memory_space<semaphore_mem>>
    %dma_start3A_1524 = tpu.memref_squeeze %dma_start3A_1523 : memref<1x!tpu.dma_semaphore, #tpu.memory_space<semaphore_mem>> -> memref<!tpu.dma_semaphore, #tpu.memory_space<semaphore_mem>>
    %dma_start3A_1525 = arith.constant 0 : i32
    %dma_start3A_1526 = arith.constant 0 : i32
    %dma_start3A_1527 = tpu.memref_slice %arg17[%dma_start3A_1521, %dma_start3A_1525, %dma_start3A_1526] : memref<8x64x512xf32, #tpu.memory_space<vmem>> -> memref<1x32x512xf32, #tpu.memory_space<vmem>>
    %dma_start3A_1528 = tpu.memref_squeeze %dma_start3A_1527 : memref<1x32x512xf32, #tpu.memory_space<vmem>> -> memref<32x512xf32, #tpu.memory_space<vmem>>
    %dma_start3A_1529 = arith.constant 0 : i32
    %dma_start3A_1530 = arith.constant 0 : i32
    %dma_start3A_1531 = tpu.memref_slice %arg7[%dma_start3A_1520, %get3A_227, %dma_start3A_1529, %dma_start3A_1530] : memref<32x64x32x512xf32, #tpu.memory_space<hbm>> -> memref<1x1x32x512xf32, #tpu.memory_space<hbm>>
    %dma_start3A_1532 = tpu.memref_squeeze %dma_start3A_1531 : memref<1x1x32x512xf32, #tpu.memory_space<hbm>> -> memref<32x512xf32, #tpu.memory_space<hbm>>
    tpu.enqueue_dma source(%dma_start3A_1532 : memref<32x512xf32, #tpu.memory_space<hbm>>) target(%dma_start3A_1528 : memref<32x512xf32, #tpu.memory_space<vmem>>) target_semaphore(%dma_start3A_1524 : memref<!tpu.dma_semaphore, #tpu.memory_space<semaphore_mem>>)
    %dma_start3A_1533 = arith.constant 24 : i32
    %dma_start3A_1534 = arith.constant 0 : i32
    %dma_start3A_1535 = arith.constant 3 : i32
    %dma_start3A_1536 = tpu.memref_slice %arg22[%dma_start3A_1535] : memref<4x!tpu.dma_semaphore, #tpu.memory_space<semaphore_mem>> -> memref<1x!tpu.dma_semaphore, #tpu.memory_space<semaphore_mem>>
    %dma_start3A_1537 = tpu.memref_squeeze %dma_start3A_1536 : memref<1x!tpu.dma_semaphore, #tpu.memory_space<semaphore_mem>> -> memref<!tpu.dma_semaphore, #tpu.memory_space<semaphore_mem>>
    %dma_start3A_1538 = arith.constant 32 : i32
    %dma_start3A_1539 = arith.constant 0 : i32
    %dma_start3A_1540 = tpu.memref_slice %arg17[%dma_start3A_1534, %dma_start3A_1538, %dma_start3A_1539] : memref<8x64x512xf32, #tpu.memory_space<vmem>> -> memref<1x32x512xf32, #tpu.memory_space<vmem>>
    %dma_start3A_1541 = tpu.memref_squeeze %dma_start3A_1540 : memref<1x32x512xf32, #tpu.memory_space<vmem>> -> memref<32x512xf32, #tpu.memory_space<vmem>>
    %dma_start3A_1542 = arith.constant 0 : i32
    %dma_start3A_1543 = arith.constant 0 : i32
    %dma_start3A_1544 = tpu.memref_slice %arg7[%dma_start3A_1533, %get3A_230, %dma_start3A_1542, %dma_start3A_1543] : memref<32x64x32x512xf32, #tpu.memory_space<hbm>> -> memref<1x1x32x512xf32, #tpu.memory_space<hbm>>
    %dma_start3A_1545 = tpu.memref_squeeze %dma_start3A_1544 : memref<1x1x32x512xf32, #tpu.memory_space<hbm>> -> memref<32x512xf32, #tpu.memory_space<hbm>>
    tpu.enqueue_dma source(%dma_start3A_1545 : memref<32x512xf32, #tpu.memory_space<hbm>>) target(%dma_start3A_1541 : memref<32x512xf32, #tpu.memory_space<vmem>>) target_semaphore(%dma_start3A_1537 : memref<!tpu.dma_semaphore, #tpu.memory_space<semaphore_mem>>)
    %dma_start3A_1546 = arith.constant 25 : i32
    %dma_start3A_1547 = arith.constant 1 : i32
    %dma_start3A_1548 = arith.constant 3 : i32
    %dma_start3A_1549 = tpu.memref_slice %arg22[%dma_start3A_1548] : memref<4x!tpu.dma_semaphore, #tpu.memory_space<semaphore_mem>> -> memref<1x!tpu.dma_semaphore, #tpu.memory_space<semaphore_mem>>
    %dma_start3A_1550 = tpu.memref_squeeze %dma_start3A_1549 : memref<1x!tpu.dma_semaphore, #tpu.memory_space<semaphore_mem>> -> memref<!tpu.dma_semaphore, #tpu.memory_space<semaphore_mem>>
    %dma_start3A_1551 = arith.constant 0 : i32
    %dma_start3A_1552 = arith.constant 0 : i32
    %dma_start3A_1553 = tpu.memref_slice %arg17[%dma_start3A_1547, %dma_start3A_1551, %dma_start3A_1552] : memref<8x64x512xf32, #tpu.memory_space<vmem>> -> memref<1x32x512xf32, #tpu.memory_space<vmem>>
    %dma_start3A_1554 = tpu.memref_squeeze %dma_start3A_1553 : memref<1x32x512xf32, #tpu.memory_space<vmem>> -> memref<32x512xf32, #tpu.memory_space<vmem>>
    %dma_start3A_1555 = arith.constant 0 : i32
    %dma_start3A_1556 = arith.constant 0 : i32
    %dma_start3A_1557 = tpu.memref_slice %arg7[%dma_start3A_1546, %get3A_233, %dma_start3A_1555, %dma_start3A_1556] : memref<32x64x32x512xf32, #tpu.memory_space<hbm>> -> memref<1x1x32x512xf32, #tpu.memory_space<hbm>>
    %dma_start3A_1558 = tpu.memref_squeeze %dma_start3A_1557 : memref<1x1x32x512xf32, #tpu.memory_space<hbm>> -> memref<32x512xf32, #tpu.memory_space<hbm>>
    tpu.enqueue_dma source(%dma_start3A_1558 : memref<32x512xf32, #tpu.memory_space<hbm>>) target(%dma_start3A_1554 : memref<32x512xf32, #tpu.memory_space<vmem>>) target_semaphore(%dma_start3A_1550 : memref<!tpu.dma_semaphore, #tpu.memory_space<semaphore_mem>>)
    %dma_start3A_1559 = arith.constant 25 : i32
    %dma_start3A_1560 = arith.constant 1 : i32
    %dma_start3A_1561 = arith.constant 3 : i32
    %dma_start3A_1562 = tpu.memref_slice %arg22[%dma_start3A_1561] : memref<4x!tpu.dma_semaphore, #tpu.memory_space<semaphore_mem>> -> memref<1x!tpu.dma_semaphore, #tpu.memory_space<semaphore_mem>>
    %dma_start3A_1563 = tpu.memref_squeeze %dma_start3A_1562 : memref<1x!tpu.dma_semaphore, #tpu.memory_space<semaphore_mem>> -> memref<!tpu.dma_semaphore, #tpu.memory_space<semaphore_mem>>
    %dma_start3A_1564 = arith.constant 32 : i32
    %dma_start3A_1565 = arith.constant 0 : i32
    %dma_start3A_1566 = tpu.memref_slice %arg17[%dma_start3A_1560, %dma_start3A_1564, %dma_start3A_1565] : memref<8x64x512xf32, #tpu.memory_space<vmem>> -> memref<1x32x512xf32, #tpu.memory_space<vmem>>
    %dma_start3A_1567 = tpu.memref_squeeze %dma_start3A_1566 : memref<1x32x512xf32, #tpu.memory_space<vmem>> -> memref<32x512xf32, #tpu.memory_space<vmem>>
    %dma_start3A_1568 = arith.constant 0 : i32
    %dma_start3A_1569 = arith.constant 0 : i32
    %dma_start3A_1570 = tpu.memref_slice %arg7[%dma_start3A_1559, %get3A_236, %dma_start3A_1568, %dma_start3A_1569] : memref<32x64x32x512xf32, #tpu.memory_space<hbm>> -> memref<1x1x32x512xf32, #tpu.memory_space<hbm>>
    %dma_start3A_1571 = tpu.memref_squeeze %dma_start3A_1570 : memref<1x1x32x512xf32, #tpu.memory_space<hbm>> -> memref<32x512xf32, #tpu.memory_space<hbm>>
    tpu.enqueue_dma source(%dma_start3A_1571 : memref<32x512xf32, #tpu.memory_space<hbm>>) target(%dma_start3A_1567 : memref<32x512xf32, #tpu.memory_space<vmem>>) target_semaphore(%dma_start3A_1563 : memref<!tpu.dma_semaphore, #tpu.memory_space<semaphore_mem>>)
    %dma_start3A_1572 = arith.constant 26 : i32
    %dma_start3A_1573 = arith.constant 2 : i32
    %dma_start3A_1574 = arith.constant 3 : i32
    %dma_start3A_1575 = tpu.memref_slice %arg22[%dma_start3A_1574] : memref<4x!tpu.dma_semaphore, #tpu.memory_space<semaphore_mem>> -> memref<1x!tpu.dma_semaphore, #tpu.memory_space<semaphore_mem>>
    %dma_start3A_1576 = tpu.memref_squeeze %dma_start3A_1575 : memref<1x!tpu.dma_semaphore, #tpu.memory_space<semaphore_mem>> -> memref<!tpu.dma_semaphore, #tpu.memory_space<semaphore_mem>>
    %dma_start3A_1577 = arith.constant 0 : i32
    %dma_start3A_1578 = arith.constant 0 : i32
    %dma_start3A_1579 = tpu.memref_slice %arg17[%dma_start3A_1573, %dma_start3A_1577, %dma_start3A_1578] : memref<8x64x512xf32, #tpu.memory_space<vmem>> -> memref<1x32x512xf32, #tpu.memory_space<vmem>>
    %dma_start3A_1580 = tpu.memref_squeeze %dma_start3A_1579 : memref<1x32x512xf32, #tpu.memory_space<vmem>> -> memref<32x512xf32, #tpu.memory_space<vmem>>
    %dma_start3A_1581 = arith.constant 0 : i32
    %dma_start3A_1582 = arith.constant 0 : i32
    %dma_start3A_1583 = tpu.memref_slice %arg7[%dma_start3A_1572, %get3A_239, %dma_start3A_1581, %dma_start3A_1582] : memref<32x64x32x512xf32, #tpu.memory_space<hbm>> -> memref<1x1x32x512xf32, #tpu.memory_space<hbm>>
    %dma_start3A_1584 = tpu.memref_squeeze %dma_start3A_1583 : memref<1x1x32x512xf32, #tpu.memory_space<hbm>> -> memref<32x512xf32, #tpu.memory_space<hbm>>
    tpu.enqueue_dma source(%dma_start3A_1584 : memref<32x512xf32, #tpu.memory_space<hbm>>) target(%dma_start3A_1580 : memref<32x512xf32, #tpu.memory_space<vmem>>) target_semaphore(%dma_start3A_1576 : memref<!tpu.dma_semaphore, #tpu.memory_space<semaphore_mem>>)
    %dma_start3A_1585 = arith.constant 26 : i32
    %dma_start3A_1586 = arith.constant 2 : i32
    %dma_start3A_1587 = arith.constant 3 : i32
    %dma_start3A_1588 = tpu.memref_slice %arg22[%dma_start3A_1587] : memref<4x!tpu.dma_semaphore, #tpu.memory_space<semaphore_mem>> -> memref<1x!tpu.dma_semaphore, #tpu.memory_space<semaphore_mem>>
    %dma_start3A_1589 = tpu.memref_squeeze %dma_start3A_1588 : memref<1x!tpu.dma_semaphore, #tpu.memory_space<semaphore_mem>> -> memref<!tpu.dma_semaphore, #tpu.memory_space<semaphore_mem>>
    %dma_start3A_1590 = arith.constant 32 : i32
    %dma_start3A_1591 = arith.constant 0 : i32
    %dma_start3A_1592 = tpu.memref_slice %arg17[%dma_start3A_1586, %dma_start3A_1590, %dma_start3A_1591] : memref<8x64x512xf32, #tpu.memory_space<vmem>> -> memref<1x32x512xf32, #tpu.memory_space<vmem>>
    %dma_start3A_1593 = tpu.memref_squeeze %dma_start3A_1592 : memref<1x32x512xf32, #tpu.memory_space<vmem>> -> memref<32x512xf32, #tpu.memory_space<vmem>>
    %dma_start3A_1594 = arith.constant 0 : i32
    %dma_start3A_1595 = arith.constant 0 : i32
    %dma_start3A_1596 = tpu.memref_slice %arg7[%dma_start3A_1585, %get3A_242, %dma_start3A_1594, %dma_start3A_1595] : memref<32x64x32x512xf32, #tpu.memory_space<hbm>> -> memref<1x1x32x512xf32, #tpu.memory_space<hbm>>
    %dma_start3A_1597 = tpu.memref_squeeze %dma_start3A_1596 : memref<1x1x32x512xf32, #tpu.memory_space<hbm>> -> memref<32x512xf32, #tpu.memory_space<hbm>>
    tpu.enqueue_dma source(%dma_start3A_1597 : memref<32x512xf32, #tpu.memory_space<hbm>>) target(%dma_start3A_1593 : memref<32x512xf32, #tpu.memory_space<vmem>>) target_semaphore(%dma_start3A_1589 : memref<!tpu.dma_semaphore, #tpu.memory_space<semaphore_mem>>)
    %dma_start3A_1598 = arith.constant 27 : i32
    %dma_start3A_1599 = arith.constant 3 : i32
    %dma_start3A_1600 = arith.constant 3 : i32
    %dma_start3A_1601 = tpu.memref_slice %arg22[%dma_start3A_1600] : memref<4x!tpu.dma_semaphore, #tpu.memory_space<semaphore_mem>> -> memref<1x!tpu.dma_semaphore, #tpu.memory_space<semaphore_mem>>
    %dma_start3A_1602 = tpu.memref_squeeze %dma_start3A_1601 : memref<1x!tpu.dma_semaphore, #tpu.memory_space<semaphore_mem>> -> memref<!tpu.dma_semaphore, #tpu.memory_space<semaphore_mem>>
    %dma_start3A_1603 = arith.constant 0 : i32
    %dma_start3A_1604 = arith.constant 0 : i32
    %dma_start3A_1605 = tpu.memref_slice %arg17[%dma_start3A_1599, %dma_start3A_1603, %dma_start3A_1604] : memref<8x64x512xf32, #tpu.memory_space<vmem>> -> memref<1x32x512xf32, #tpu.memory_space<vmem>>
    %dma_start3A_1606 = tpu.memref_squeeze %dma_start3A_1605 : memref<1x32x512xf32, #tpu.memory_space<vmem>> -> memref<32x512xf32, #tpu.memory_space<vmem>>
    %dma_start3A_1607 = arith.constant 0 : i32
    %dma_start3A_1608 = arith.constant 0 : i32
    %dma_start3A_1609 = tpu.memref_slice %arg7[%dma_start3A_1598, %get3A_245, %dma_start3A_1607, %dma_start3A_1608] : memref<32x64x32x512xf32, #tpu.memory_space<hbm>> -> memref<1x1x32x512xf32, #tpu.memory_space<hbm>>
    %dma_start3A_1610 = tpu.memref_squeeze %dma_start3A_1609 : memref<1x1x32x512xf32, #tpu.memory_space<hbm>> -> memref<32x512xf32, #tpu.memory_space<hbm>>
    tpu.enqueue_dma source(%dma_start3A_1610 : memref<32x512xf32, #tpu.memory_space<hbm>>) target(%dma_start3A_1606 : memref<32x512xf32, #tpu.memory_space<vmem>>) target_semaphore(%dma_start3A_1602 : memref<!tpu.dma_semaphore, #tpu.memory_space<semaphore_mem>>)
    %dma_start3A_1611 = arith.constant 27 : i32
    %dma_start3A_1612 = arith.constant 3 : i32
    %dma_start3A_1613 = arith.constant 3 : i32
    %dma_start3A_1614 = tpu.memref_slice %arg22[%dma_start3A_1613] : memref<4x!tpu.dma_semaphore, #tpu.memory_space<semaphore_mem>> -> memref<1x!tpu.dma_semaphore, #tpu.memory_space<semaphore_mem>>
    %dma_start3A_1615 = tpu.memref_squeeze %dma_start3A_1614 : memref<1x!tpu.dma_semaphore, #tpu.memory_space<semaphore_mem>> -> memref<!tpu.dma_semaphore, #tpu.memory_space<semaphore_mem>>
    %dma_start3A_1616 = arith.constant 32 : i32
    %dma_start3A_1617 = arith.constant 0 : i32
    %dma_start3A_1618 = tpu.memref_slice %arg17[%dma_start3A_1612, %dma_start3A_1616, %dma_start3A_1617] : memref<8x64x512xf32, #tpu.memory_space<vmem>> -> memref<1x32x512xf32, #tpu.memory_space<vmem>>
    %dma_start3A_1619 = tpu.memref_squeeze %dma_start3A_1618 : memref<1x32x512xf32, #tpu.memory_space<vmem>> -> memref<32x512xf32, #tpu.memory_space<vmem>>
    %dma_start3A_1620 = arith.constant 0 : i32
    %dma_start3A_1621 = arith.constant 0 : i32
    %dma_start3A_1622 = tpu.memref_slice %arg7[%dma_start3A_1611, %get3A_248, %dma_start3A_1620, %dma_start3A_1621] : memref<32x64x32x512xf32, #tpu.memory_space<hbm>> -> memref<1x1x32x512xf32, #tpu.memory_space<hbm>>
    %dma_start3A_1623 = tpu.memref_squeeze %dma_start3A_1622 : memref<1x1x32x512xf32, #tpu.memory_space<hbm>> -> memref<32x512xf32, #tpu.memory_space<hbm>>
    tpu.enqueue_dma source(%dma_start3A_1623 : memref<32x512xf32, #tpu.memory_space<hbm>>) target(%dma_start3A_1619 : memref<32x512xf32, #tpu.memory_space<vmem>>) target_semaphore(%dma_start3A_1615 : memref<!tpu.dma_semaphore, #tpu.memory_space<semaphore_mem>>)
    %dma_start3A_1624 = arith.constant 28 : i32
    %dma_start3A_1625 = arith.constant 4 : i32
    %dma_start3A_1626 = arith.constant 3 : i32
    %dma_start3A_1627 = tpu.memref_slice %arg22[%dma_start3A_1626] : memref<4x!tpu.dma_semaphore, #tpu.memory_space<semaphore_mem>> -> memref<1x!tpu.dma_semaphore, #tpu.memory_space<semaphore_mem>>
    %dma_start3A_1628 = tpu.memref_squeeze %dma_start3A_1627 : memref<1x!tpu.dma_semaphore, #tpu.memory_space<semaphore_mem>> -> memref<!tpu.dma_semaphore, #tpu.memory_space<semaphore_mem>>
    %dma_start3A_1629 = arith.constant 0 : i32
    %dma_start3A_1630 = arith.constant 0 : i32
    %dma_start3A_1631 = tpu.memref_slice %arg17[%dma_start3A_1625, %dma_start3A_1629, %dma_start3A_1630] : memref<8x64x512xf32, #tpu.memory_space<vmem>> -> memref<1x32x512xf32, #tpu.memory_space<vmem>>
    %dma_start3A_1632 = tpu.memref_squeeze %dma_start3A_1631 : memref<1x32x512xf32, #tpu.memory_space<vmem>> -> memref<32x512xf32, #tpu.memory_space<vmem>>
    %dma_start3A_1633 = arith.constant 0 : i32
    %dma_start3A_1634 = arith.constant 0 : i32
    %dma_start3A_1635 = tpu.memref_slice %arg7[%dma_start3A_1624, %get3A_251, %dma_start3A_1633, %dma_start3A_1634] : memref<32x64x32x512xf32, #tpu.memory_space<hbm>> -> memref<1x1x32x512xf32, #tpu.memory_space<hbm>>
    %dma_start3A_1636 = tpu.memref_squeeze %dma_start3A_1635 : memref<1x1x32x512xf32, #tpu.memory_space<hbm>> -> memref<32x512xf32, #tpu.memory_space<hbm>>
    tpu.enqueue_dma source(%dma_start3A_1636 : memref<32x512xf32, #tpu.memory_space<hbm>>) target(%dma_start3A_1632 : memref<32x512xf32, #tpu.memory_space<vmem>>) target_semaphore(%dma_start3A_1628 : memref<!tpu.dma_semaphore, #tpu.memory_space<semaphore_mem>>)
    %dma_start3A_1637 = arith.constant 28 : i32
    %dma_start3A_1638 = arith.constant 4 : i32
    %dma_start3A_1639 = arith.constant 3 : i32
    %dma_start3A_1640 = tpu.memref_slice %arg22[%dma_start3A_1639] : memref<4x!tpu.dma_semaphore, #tpu.memory_space<semaphore_mem>> -> memref<1x!tpu.dma_semaphore, #tpu.memory_space<semaphore_mem>>
    %dma_start3A_1641 = tpu.memref_squeeze %dma_start3A_1640 : memref<1x!tpu.dma_semaphore, #tpu.memory_space<semaphore_mem>> -> memref<!tpu.dma_semaphore, #tpu.memory_space<semaphore_mem>>
    %dma_start3A_1642 = arith.constant 32 : i32
    %dma_start3A_1643 = arith.constant 0 : i32
    %dma_start3A_1644 = tpu.memref_slice %arg17[%dma_start3A_1638, %dma_start3A_1642, %dma_start3A_1643] : memref<8x64x512xf32, #tpu.memory_space<vmem>> -> memref<1x32x512xf32, #tpu.memory_space<vmem>>
    %dma_start3A_1645 = tpu.memref_squeeze %dma_start3A_1644 : memref<1x32x512xf32, #tpu.memory_space<vmem>> -> memref<32x512xf32, #tpu.memory_space<vmem>>
    %dma_start3A_1646 = arith.constant 0 : i32
    %dma_start3A_1647 = arith.constant 0 : i32
    %dma_start3A_1648 = tpu.memref_slice %arg7[%dma_start3A_1637, %get3A_254, %dma_start3A_1646, %dma_start3A_1647] : memref<32x64x32x512xf32, #tpu.memory_space<hbm>> -> memref<1x1x32x512xf32, #tpu.memory_space<hbm>>
    %dma_start3A_1649 = tpu.memref_squeeze %dma_start3A_1648 : memref<1x1x32x512xf32, #tpu.memory_space<hbm>> -> memref<32x512xf32, #tpu.memory_space<hbm>>
    tpu.enqueue_dma source(%dma_start3A_1649 : memref<32x512xf32, #tpu.memory_space<hbm>>) target(%dma_start3A_1645 : memref<32x512xf32, #tpu.memory_space<vmem>>) target_semaphore(%dma_start3A_1641 : memref<!tpu.dma_semaphore, #tpu.memory_space<semaphore_mem>>)
    %dma_start3A_1650 = arith.constant 29 : i32
    %dma_start3A_1651 = arith.constant 5 : i32
    %dma_start3A_1652 = arith.constant 3 : i32
    %dma_start3A_1653 = tpu.memref_slice %arg22[%dma_start3A_1652] : memref<4x!tpu.dma_semaphore, #tpu.memory_space<semaphore_mem>> -> memref<1x!tpu.dma_semaphore, #tpu.memory_space<semaphore_mem>>
    %dma_start3A_1654 = tpu.memref_squeeze %dma_start3A_1653 : memref<1x!tpu.dma_semaphore, #tpu.memory_space<semaphore_mem>> -> memref<!tpu.dma_semaphore, #tpu.memory_space<semaphore_mem>>
    %dma_start3A_1655 = arith.constant 0 : i32
    %dma_start3A_1656 = arith.constant 0 : i32
    %dma_start3A_1657 = tpu.memref_slice %arg17[%dma_start3A_1651, %dma_start3A_1655, %dma_start3A_1656] : memref<8x64x512xf32, #tpu.memory_space<vmem>> -> memref<1x32x512xf32, #tpu.memory_space<vmem>>
    %dma_start3A_1658 = tpu.memref_squeeze %dma_start3A_1657 : memref<1x32x512xf32, #tpu.memory_space<vmem>> -> memref<32x512xf32, #tpu.memory_space<vmem>>
    %dma_start3A_1659 = arith.constant 0 : i32
    %dma_start3A_1660 = arith.constant 0 : i32
    %dma_start3A_1661 = tpu.memref_slice %arg7[%dma_start3A_1650, %get3A_257, %dma_start3A_1659, %dma_start3A_1660] : memref<32x64x32x512xf32, #tpu.memory_space<hbm>> -> memref<1x1x32x512xf32, #tpu.memory_space<hbm>>
    %dma_start3A_1662 = tpu.memref_squeeze %dma_start3A_1661 : memref<1x1x32x512xf32, #tpu.memory_space<hbm>> -> memref<32x512xf32, #tpu.memory_space<hbm>>
    tpu.enqueue_dma source(%dma_start3A_1662 : memref<32x512xf32, #tpu.memory_space<hbm>>) target(%dma_start3A_1658 : memref<32x512xf32, #tpu.memory_space<vmem>>) target_semaphore(%dma_start3A_1654 : memref<!tpu.dma_semaphore, #tpu.memory_space<semaphore_mem>>)
    %dma_start3A_1663 = arith.constant 29 : i32
    %dma_start3A_1664 = arith.constant 5 : i32
    %dma_start3A_1665 = arith.constant 3 : i32
    %dma_start3A_1666 = tpu.memref_slice %arg22[%dma_start3A_1665] : memref<4x!tpu.dma_semaphore, #tpu.memory_space<semaphore_mem>> -> memref<1x!tpu.dma_semaphore, #tpu.memory_space<semaphore_mem>>
    %dma_start3A_1667 = tpu.memref_squeeze %dma_start3A_1666 : memref<1x!tpu.dma_semaphore, #tpu.memory_space<semaphore_mem>> -> memref<!tpu.dma_semaphore, #tpu.memory_space<semaphore_mem>>
    %dma_start3A_1668 = arith.constant 32 : i32
    %dma_start3A_1669 = arith.constant 0 : i32
    %dma_start3A_1670 = tpu.memref_slice %arg17[%dma_start3A_1664, %dma_start3A_1668, %dma_start3A_1669] : memref<8x64x512xf32, #tpu.memory_space<vmem>> -> memref<1x32x512xf32, #tpu.memory_space<vmem>>
    %dma_start3A_1671 = tpu.memref_squeeze %dma_start3A_1670 : memref<1x32x512xf32, #tpu.memory_space<vmem>> -> memref<32x512xf32, #tpu.memory_space<vmem>>
    %dma_start3A_1672 = arith.constant 0 : i32
    %dma_start3A_1673 = arith.constant 0 : i32
    %dma_start3A_1674 = tpu.memref_slice %arg7[%dma_start3A_1663, %get3A_260, %dma_start3A_1672, %dma_start3A_1673] : memref<32x64x32x512xf32, #tpu.memory_space<hbm>> -> memref<1x1x32x512xf32, #tpu.memory_space<hbm>>
    %dma_start3A_1675 = tpu.memref_squeeze %dma_start3A_1674 : memref<1x1x32x512xf32, #tpu.memory_space<hbm>> -> memref<32x512xf32, #tpu.memory_space<hbm>>
    tpu.enqueue_dma source(%dma_start3A_1675 : memref<32x512xf32, #tpu.memory_space<hbm>>) target(%dma_start3A_1671 : memref<32x512xf32, #tpu.memory_space<vmem>>) target_semaphore(%dma_start3A_1667 : memref<!tpu.dma_semaphore, #tpu.memory_space<semaphore_mem>>)
    %dma_start3A_1676 = arith.constant 30 : i32
    %dma_start3A_1677 = arith.constant 6 : i32
    %dma_start3A_1678 = arith.constant 3 : i32
    %dma_start3A_1679 = tpu.memref_slice %arg22[%dma_start3A_1678] : memref<4x!tpu.dma_semaphore, #tpu.memory_space<semaphore_mem>> -> memref<1x!tpu.dma_semaphore, #tpu.memory_space<semaphore_mem>>
    %dma_start3A_1680 = tpu.memref_squeeze %dma_start3A_1679 : memref<1x!tpu.dma_semaphore, #tpu.memory_space<semaphore_mem>> -> memref<!tpu.dma_semaphore, #tpu.memory_space<semaphore_mem>>
    %dma_start3A_1681 = arith.constant 0 : i32
    %dma_start3A_1682 = arith.constant 0 : i32
    %dma_start3A_1683 = tpu.memref_slice %arg17[%dma_start3A_1677, %dma_start3A_1681, %dma_start3A_1682] : memref<8x64x512xf32, #tpu.memory_space<vmem>> -> memref<1x32x512xf32, #tpu.memory_space<vmem>>
    %dma_start3A_1684 = tpu.memref_squeeze %dma_start3A_1683 : memref<1x32x512xf32, #tpu.memory_space<vmem>> -> memref<32x512xf32, #tpu.memory_space<vmem>>
    %dma_start3A_1685 = arith.constant 0 : i32
    %dma_start3A_1686 = arith.constant 0 : i32
    %dma_start3A_1687 = tpu.memref_slice %arg7[%dma_start3A_1676, %get3A_263, %dma_start3A_1685, %dma_start3A_1686] : memref<32x64x32x512xf32, #tpu.memory_space<hbm>> -> memref<1x1x32x512xf32, #tpu.memory_space<hbm>>
    %dma_start3A_1688 = tpu.memref_squeeze %dma_start3A_1687 : memref<1x1x32x512xf32, #tpu.memory_space<hbm>> -> memref<32x512xf32, #tpu.memory_space<hbm>>
    tpu.enqueue_dma source(%dma_start3A_1688 : memref<32x512xf32, #tpu.memory_space<hbm>>) target(%dma_start3A_1684 : memref<32x512xf32, #tpu.memory_space<vmem>>) target_semaphore(%dma_start3A_1680 : memref<!tpu.dma_semaphore, #tpu.memory_space<semaphore_mem>>)
    %dma_start3A_1689 = arith.constant 30 : i32
    %dma_start3A_1690 = arith.constant 6 : i32
    %dma_start3A_1691 = arith.constant 3 : i32
    %dma_start3A_1692 = tpu.memref_slice %arg22[%dma_start3A_1691] : memref<4x!tpu.dma_semaphore, #tpu.memory_space<semaphore_mem>> -> memref<1x!tpu.dma_semaphore, #tpu.memory_space<semaphore_mem>>
    %dma_start3A_1693 = tpu.memref_squeeze %dma_start3A_1692 : memref<1x!tpu.dma_semaphore, #tpu.memory_space<semaphore_mem>> -> memref<!tpu.dma_semaphore, #tpu.memory_space<semaphore_mem>>
    %dma_start3A_1694 = arith.constant 32 : i32
    %dma_start3A_1695 = arith.constant 0 : i32
    %dma_start3A_1696 = tpu.memref_slice %arg17[%dma_start3A_1690, %dma_start3A_1694, %dma_start3A_1695] : memref<8x64x512xf32, #tpu.memory_space<vmem>> -> memref<1x32x512xf32, #tpu.memory_space<vmem>>
    %dma_start3A_1697 = tpu.memref_squeeze %dma_start3A_1696 : memref<1x32x512xf32, #tpu.memory_space<vmem>> -> memref<32x512xf32, #tpu.memory_space<vmem>>
    %dma_start3A_1698 = arith.constant 0 : i32
    %dma_start3A_1699 = arith.constant 0 : i32
    %dma_start3A_1700 = tpu.memref_slice %arg7[%dma_start3A_1689, %get3A_266, %dma_start3A_1698, %dma_start3A_1699] : memref<32x64x32x512xf32, #tpu.memory_space<hbm>> -> memref<1x1x32x512xf32, #tpu.memory_space<hbm>>
    %dma_start3A_1701 = tpu.memref_squeeze %dma_start3A_1700 : memref<1x1x32x512xf32, #tpu.memory_space<hbm>> -> memref<32x512xf32, #tpu.memory_space<hbm>>
    tpu.enqueue_dma source(%dma_start3A_1701 : memref<32x512xf32, #tpu.memory_space<hbm>>) target(%dma_start3A_1697 : memref<32x512xf32, #tpu.memory_space<vmem>>) target_semaphore(%dma_start3A_1693 : memref<!tpu.dma_semaphore, #tpu.memory_space<semaphore_mem>>)
    %dma_start3A_1702 = arith.constant 31 : i32
    %dma_start3A_1703 = arith.constant 7 : i32
    %dma_start3A_1704 = arith.constant 3 : i32
    %dma_start3A_1705 = tpu.memref_slice %arg22[%dma_start3A_1704] : memref<4x!tpu.dma_semaphore, #tpu.memory_space<semaphore_mem>> -> memref<1x!tpu.dma_semaphore, #tpu.memory_space<semaphore_mem>>
    %dma_start3A_1706 = tpu.memref_squeeze %dma_start3A_1705 : memref<1x!tpu.dma_semaphore, #tpu.memory_space<semaphore_mem>> -> memref<!tpu.dma_semaphore, #tpu.memory_space<semaphore_mem>>
    %dma_start3A_1707 = arith.constant 0 : i32
    %dma_start3A_1708 = arith.constant 0 : i32
    %dma_start3A_1709 = tpu.memref_slice %arg17[%dma_start3A_1703, %dma_start3A_1707, %dma_start3A_1708] : memref<8x64x512xf32, #tpu.memory_space<vmem>> -> memref<1x32x512xf32, #tpu.memory_space<vmem>>
    %dma_start3A_1710 = tpu.memref_squeeze %dma_start3A_1709 : memref<1x32x512xf32, #tpu.memory_space<vmem>> -> memref<32x512xf32, #tpu.memory_space<vmem>>
    %dma_start3A_1711 = arith.constant 0 : i32
    %dma_start3A_1712 = arith.constant 0 : i32
    %dma_start3A_1713 = tpu.memref_slice %arg7[%dma_start3A_1702, %get3A_269, %dma_start3A_1711, %dma_start3A_1712] : memref<32x64x32x512xf32, #tpu.memory_space<hbm>> -> memref<1x1x32x512xf32, #tpu.memory_space<hbm>>
    %dma_start3A_1714 = tpu.memref_squeeze %dma_start3A_1713 : memref<1x1x32x512xf32, #tpu.memory_space<hbm>> -> memref<32x512xf32, #tpu.memory_space<hbm>>
    tpu.enqueue_dma source(%dma_start3A_1714 : memref<32x512xf32, #tpu.memory_space<hbm>>) target(%dma_start3A_1710 : memref<32x512xf32, #tpu.memory_space<vmem>>) target_semaphore(%dma_start3A_1706 : memref<!tpu.dma_semaphore, #tpu.memory_space<semaphore_mem>>)
    %dma_start3A_1715 = arith.constant 31 : i32
    %dma_start3A_1716 = arith.constant 7 : i32
    %dma_start3A_1717 = arith.constant 3 : i32
    %dma_start3A_1718 = tpu.memref_slice %arg22[%dma_start3A_1717] : memref<4x!tpu.dma_semaphore, #tpu.memory_space<semaphore_mem>> -> memref<1x!tpu.dma_semaphore, #tpu.memory_space<semaphore_mem>>
    %dma_start3A_1719 = tpu.memref_squeeze %dma_start3A_1718 : memref<1x!tpu.dma_semaphore, #tpu.memory_space<semaphore_mem>> -> memref<!tpu.dma_semaphore, #tpu.memory_space<semaphore_mem>>
    %dma_start3A_1720 = arith.constant 32 : i32
    %dma_start3A_1721 = arith.constant 0 : i32
    %dma_start3A_1722 = tpu.memref_slice %arg17[%dma_start3A_1716, %dma_start3A_1720, %dma_start3A_1721] : memref<8x64x512xf32, #tpu.memory_space<vmem>> -> memref<1x32x512xf32, #tpu.memory_space<vmem>>
    %dma_start3A_1723 = tpu.memref_squeeze %dma_start3A_1722 : memref<1x32x512xf32, #tpu.memory_space<vmem>> -> memref<32x512xf32, #tpu.memory_space<vmem>>
    %dma_start3A_1724 = arith.constant 0 : i32
    %dma_start3A_1725 = arith.constant 0 : i32
    %dma_start3A_1726 = tpu.memref_slice %arg7[%dma_start3A_1715, %get3A_272, %dma_start3A_1724, %dma_start3A_1725] : memref<32x64x32x512xf32, #tpu.memory_space<hbm>> -> memref<1x1x32x512xf32, #tpu.memory_space<hbm>>
    %dma_start3A_1727 = tpu.memref_squeeze %dma_start3A_1726 : memref<1x1x32x512xf32, #tpu.memory_space<hbm>> -> memref<32x512xf32, #tpu.memory_space<hbm>>
    tpu.enqueue_dma source(%dma_start3A_1727 : memref<32x512xf32, #tpu.memory_space<hbm>>) target(%dma_start3A_1723 : memref<32x512xf32, #tpu.memory_space<vmem>>) target_semaphore(%dma_start3A_1719 : memref<!tpu.dma_semaphore, #tpu.memory_space<semaphore_mem>>)
    %dma_start3A_1728 = arith.constant 24 : i32
    %dma_start3A_1729 = arith.constant 0 : i32
    %dma_start3A_1730 = arith.constant 3 : i32
    %dma_start3A_1731 = tpu.memref_slice %arg23[%dma_start3A_1730] : memref<4x!tpu.dma_semaphore, #tpu.memory_space<semaphore_mem>> -> memref<1x!tpu.dma_semaphore, #tpu.memory_space<semaphore_mem>>
    %dma_start3A_1732 = tpu.memref_squeeze %dma_start3A_1731 : memref<1x!tpu.dma_semaphore, #tpu.memory_space<semaphore_mem>> -> memref<!tpu.dma_semaphore, #tpu.memory_space<semaphore_mem>>
    %dma_start3A_1733 = arith.constant 0 : i32
    %dma_start3A_1734 = arith.constant 0 : i32
    %dma_start3A_1735 = tpu.memref_slice %arg21[%dma_start3A_1729, %dma_start3A_1733, %dma_start3A_1734] : memref<8x64x512xf32, #tpu.memory_space<vmem>> -> memref<1x32x512xf32, #tpu.memory_space<vmem>>
    %dma_start3A_1736 = tpu.memref_squeeze %dma_start3A_1735 : memref<1x32x512xf32, #tpu.memory_space<vmem>> -> memref<32x512xf32, #tpu.memory_space<vmem>>
    %dma_start3A_1737 = arith.constant 0 : i32
    %dma_start3A_1738 = arith.constant 0 : i32
    %dma_start3A_1739 = tpu.memref_slice %arg8[%dma_start3A_1728, %get3A_227, %dma_start3A_1737, %dma_start3A_1738] : memref<32x64x32x512xf32, #tpu.memory_space<hbm>> -> memref<1x1x32x512xf32, #tpu.memory_space<hbm>>
    %dma_start3A_1740 = tpu.memref_squeeze %dma_start3A_1739 : memref<1x1x32x512xf32, #tpu.memory_space<hbm>> -> memref<32x512xf32, #tpu.memory_space<hbm>>
    tpu.enqueue_dma source(%dma_start3A_1740 : memref<32x512xf32, #tpu.memory_space<hbm>>) target(%dma_start3A_1736 : memref<32x512xf32, #tpu.memory_space<vmem>>) target_semaphore(%dma_start3A_1732 : memref<!tpu.dma_semaphore, #tpu.memory_space<semaphore_mem>>)
    %dma_start3A_1741 = arith.constant 24 : i32
    %dma_start3A_1742 = arith.constant 0 : i32
    %dma_start3A_1743 = arith.constant 3 : i32
    %dma_start3A_1744 = tpu.memref_slice %arg23[%dma_start3A_1743] : memref<4x!tpu.dma_semaphore, #tpu.memory_space<semaphore_mem>> -> memref<1x!tpu.dma_semaphore, #tpu.memory_space<semaphore_mem>>
    %dma_start3A_1745 = tpu.memref_squeeze %dma_start3A_1744 : memref<1x!tpu.dma_semaphore, #tpu.memory_space<semaphore_mem>> -> memref<!tpu.dma_semaphore, #tpu.memory_space<semaphore_mem>>
    %dma_start3A_1746 = arith.constant 32 : i32
    %dma_start3A_1747 = arith.constant 0 : i32
    %dma_start3A_1748 = tpu.memref_slice %arg21[%dma_start3A_1742, %dma_start3A_1746, %dma_start3A_1747] : memref<8x64x512xf32, #tpu.memory_space<vmem>> -> memref<1x32x512xf32, #tpu.memory_space<vmem>>
    %dma_start3A_1749 = tpu.memref_squeeze %dma_start3A_1748 : memref<1x32x512xf32, #tpu.memory_space<vmem>> -> memref<32x512xf32, #tpu.memory_space<vmem>>
    %dma_start3A_1750 = arith.constant 0 : i32
    %dma_start3A_1751 = arith.constant 0 : i32
    %dma_start3A_1752 = tpu.memref_slice %arg8[%dma_start3A_1741, %get3A_230, %dma_start3A_1750, %dma_start3A_1751] : memref<32x64x32x512xf32, #tpu.memory_space<hbm>> -> memref<1x1x32x512xf32, #tpu.memory_space<hbm>>
    %dma_start3A_1753 = tpu.memref_squeeze %dma_start3A_1752 : memref<1x1x32x512xf32, #tpu.memory_space<hbm>> -> memref<32x512xf32, #tpu.memory_space<hbm>>
    tpu.enqueue_dma source(%dma_start3A_1753 : memref<32x512xf32, #tpu.memory_space<hbm>>) target(%dma_start3A_1749 : memref<32x512xf32, #tpu.memory_space<vmem>>) target_semaphore(%dma_start3A_1745 : memref<!tpu.dma_semaphore, #tpu.memory_space<semaphore_mem>>)
    %dma_start3A_1754 = arith.constant 25 : i32
    %dma_start3A_1755 = arith.constant 1 : i32
    %dma_start3A_1756 = arith.constant 3 : i32
    %dma_start3A_1757 = tpu.memref_slice %arg23[%dma_start3A_1756] : memref<4x!tpu.dma_semaphore, #tpu.memory_space<semaphore_mem>> -> memref<1x!tpu.dma_semaphore, #tpu.memory_space<semaphore_mem>>
    %dma_start3A_1758 = tpu.memref_squeeze %dma_start3A_1757 : memref<1x!tpu.dma_semaphore, #tpu.memory_space<semaphore_mem>> -> memref<!tpu.dma_semaphore, #tpu.memory_space<semaphore_mem>>
    %dma_start3A_1759 = arith.constant 0 : i32
    %dma_start3A_1760 = arith.constant 0 : i32
    %dma_start3A_1761 = tpu.memref_slice %arg21[%dma_start3A_1755, %dma_start3A_1759, %dma_start3A_1760] : memref<8x64x512xf32, #tpu.memory_space<vmem>> -> memref<1x32x512xf32, #tpu.memory_space<vmem>>
    %dma_start3A_1762 = tpu.memref_squeeze %dma_start3A_1761 : memref<1x32x512xf32, #tpu.memory_space<vmem>> -> memref<32x512xf32, #tpu.memory_space<vmem>>
    %dma_start3A_1763 = arith.constant 0 : i32
    %dma_start3A_1764 = arith.constant 0 : i32
    %dma_start3A_1765 = tpu.memref_slice %arg8[%dma_start3A_1754, %get3A_233, %dma_start3A_1763, %dma_start3A_1764] : memref<32x64x32x512xf32, #tpu.memory_space<hbm>> -> memref<1x1x32x512xf32, #tpu.memory_space<hbm>>
    %dma_start3A_1766 = tpu.memref_squeeze %dma_start3A_1765 : memref<1x1x32x512xf32, #tpu.memory_space<hbm>> -> memref<32x512xf32, #tpu.memory_space<hbm>>
    tpu.enqueue_dma source(%dma_start3A_1766 : memref<32x512xf32, #tpu.memory_space<hbm>>) target(%dma_start3A_1762 : memref<32x512xf32, #tpu.memory_space<vmem>>) target_semaphore(%dma_start3A_1758 : memref<!tpu.dma_semaphore, #tpu.memory_space<semaphore_mem>>)
    %dma_start3A_1767 = arith.constant 25 : i32
    %dma_start3A_1768 = arith.constant 1 : i32
    %dma_start3A_1769 = arith.constant 3 : i32
    %dma_start3A_1770 = tpu.memref_slice %arg23[%dma_start3A_1769] : memref<4x!tpu.dma_semaphore, #tpu.memory_space<semaphore_mem>> -> memref<1x!tpu.dma_semaphore, #tpu.memory_space<semaphore_mem>>
    %dma_start3A_1771 = tpu.memref_squeeze %dma_start3A_1770 : memref<1x!tpu.dma_semaphore, #tpu.memory_space<semaphore_mem>> -> memref<!tpu.dma_semaphore, #tpu.memory_space<semaphore_mem>>
    %dma_start3A_1772 = arith.constant 32 : i32
    %dma_start3A_1773 = arith.constant 0 : i32
    %dma_start3A_1774 = tpu.memref_slice %arg21[%dma_start3A_1768, %dma_start3A_1772, %dma_start3A_1773] : memref<8x64x512xf32, #tpu.memory_space<vmem>> -> memref<1x32x512xf32, #tpu.memory_space<vmem>>
    %dma_start3A_1775 = tpu.memref_squeeze %dma_start3A_1774 : memref<1x32x512xf32, #tpu.memory_space<vmem>> -> memref<32x512xf32, #tpu.memory_space<vmem>>
    %dma_start3A_1776 = arith.constant 0 : i32
    %dma_start3A_1777 = arith.constant 0 : i32
    %dma_start3A_1778 = tpu.memref_slice %arg8[%dma_start3A_1767, %get3A_236, %dma_start3A_1776, %dma_start3A_1777] : memref<32x64x32x512xf32, #tpu.memory_space<hbm>> -> memref<1x1x32x512xf32, #tpu.memory_space<hbm>>
    %dma_start3A_1779 = tpu.memref_squeeze %dma_start3A_1778 : memref<1x1x32x512xf32, #tpu.memory_space<hbm>> -> memref<32x512xf32, #tpu.memory_space<hbm>>
    tpu.enqueue_dma source(%dma_start3A_1779 : memref<32x512xf32, #tpu.memory_space<hbm>>) target(%dma_start3A_1775 : memref<32x512xf32, #tpu.memory_space<vmem>>) target_semaphore(%dma_start3A_1771 : memref<!tpu.dma_semaphore, #tpu.memory_space<semaphore_mem>>)
    %dma_start3A_1780 = arith.constant 26 : i32
    %dma_start3A_1781 = arith.constant 2 : i32
    %dma_start3A_1782 = arith.constant 3 : i32
    %dma_start3A_1783 = tpu.memref_slice %arg23[%dma_start3A_1782] : memref<4x!tpu.dma_semaphore, #tpu.memory_space<semaphore_mem>> -> memref<1x!tpu.dma_semaphore, #tpu.memory_space<semaphore_mem>>
    %dma_start3A_1784 = tpu.memref_squeeze %dma_start3A_1783 : memref<1x!tpu.dma_semaphore, #tpu.memory_space<semaphore_mem>> -> memref<!tpu.dma_semaphore, #tpu.memory_space<semaphore_mem>>
    %dma_start3A_1785 = arith.constant 0 : i32
    %dma_start3A_1786 = arith.constant 0 : i32
    %dma_start3A_1787 = tpu.memref_slice %arg21[%dma_start3A_1781, %dma_start3A_1785, %dma_start3A_1786] : memref<8x64x512xf32, #tpu.memory_space<vmem>> -> memref<1x32x512xf32, #tpu.memory_space<vmem>>
    %dma_start3A_1788 = tpu.memref_squeeze %dma_start3A_1787 : memref<1x32x512xf32, #tpu.memory_space<vmem>> -> memref<32x512xf32, #tpu.memory_space<vmem>>
    %dma_start3A_1789 = arith.constant 0 : i32
    %dma_start3A_1790 = arith.constant 0 : i32
    %dma_start3A_1791 = tpu.memref_slice %arg8[%dma_start3A_1780, %get3A_239, %dma_start3A_1789, %dma_start3A_1790] : memref<32x64x32x512xf32, #tpu.memory_space<hbm>> -> memref<1x1x32x512xf32, #tpu.memory_space<hbm>>
    %dma_start3A_1792 = tpu.memref_squeeze %dma_start3A_1791 : memref<1x1x32x512xf32, #tpu.memory_space<hbm>> -> memref<32x512xf32, #tpu.memory_space<hbm>>
    tpu.enqueue_dma source(%dma_start3A_1792 : memref<32x512xf32, #tpu.memory_space<hbm>>) target(%dma_start3A_1788 : memref<32x512xf32, #tpu.memory_space<vmem>>) target_semaphore(%dma_start3A_1784 : memref<!tpu.dma_semaphore, #tpu.memory_space<semaphore_mem>>)
    %dma_start3A_1793 = arith.constant 26 : i32
    %dma_start3A_1794 = arith.constant 2 : i32
    %dma_start3A_1795 = arith.constant 3 : i32
    %dma_start3A_1796 = tpu.memref_slice %arg23[%dma_start3A_1795] : memref<4x!tpu.dma_semaphore, #tpu.memory_space<semaphore_mem>> -> memref<1x!tpu.dma_semaphore, #tpu.memory_space<semaphore_mem>>
    %dma_start3A_1797 = tpu.memref_squeeze %dma_start3A_1796 : memref<1x!tpu.dma_semaphore, #tpu.memory_space<semaphore_mem>> -> memref<!tpu.dma_semaphore, #tpu.memory_space<semaphore_mem>>
    %dma_start3A_1798 = arith.constant 32 : i32
    %dma_start3A_1799 = arith.constant 0 : i32
    %dma_start3A_1800 = tpu.memref_slice %arg21[%dma_start3A_1794, %dma_start3A_1798, %dma_start3A_1799] : memref<8x64x512xf32, #tpu.memory_space<vmem>> -> memref<1x32x512xf32, #tpu.memory_space<vmem>>
    %dma_start3A_1801 = tpu.memref_squeeze %dma_start3A_1800 : memref<1x32x512xf32, #tpu.memory_space<vmem>> -> memref<32x512xf32, #tpu.memory_space<vmem>>
    %dma_start3A_1802 = arith.constant 0 : i32
    %dma_start3A_1803 = arith.constant 0 : i32
    %dma_start3A_1804 = tpu.memref_slice %arg8[%dma_start3A_1793, %get3A_242, %dma_start3A_1802, %dma_start3A_1803] : memref<32x64x32x512xf32, #tpu.memory_space<hbm>> -> memref<1x1x32x512xf32, #tpu.memory_space<hbm>>
    %dma_start3A_1805 = tpu.memref_squeeze %dma_start3A_1804 : memref<1x1x32x512xf32, #tpu.memory_space<hbm>> -> memref<32x512xf32, #tpu.memory_space<hbm>>
    tpu.enqueue_dma source(%dma_start3A_1805 : memref<32x512xf32, #tpu.memory_space<hbm>>) target(%dma_start3A_1801 : memref<32x512xf32, #tpu.memory_space<vmem>>) target_semaphore(%dma_start3A_1797 : memref<!tpu.dma_semaphore, #tpu.memory_space<semaphore_mem>>)
    %dma_start3A_1806 = arith.constant 27 : i32
    %dma_start3A_1807 = arith.constant 3 : i32
    %dma_start3A_1808 = arith.constant 3 : i32
    %dma_start3A_1809 = tpu.memref_slice %arg23[%dma_start3A_1808] : memref<4x!tpu.dma_semaphore, #tpu.memory_space<semaphore_mem>> -> memref<1x!tpu.dma_semaphore, #tpu.memory_space<semaphore_mem>>
    %dma_start3A_1810 = tpu.memref_squeeze %dma_start3A_1809 : memref<1x!tpu.dma_semaphore, #tpu.memory_space<semaphore_mem>> -> memref<!tpu.dma_semaphore, #tpu.memory_space<semaphore_mem>>
    %dma_start3A_1811 = arith.constant 0 : i32
    %dma_start3A_1812 = arith.constant 0 : i32
    %dma_start3A_1813 = tpu.memref_slice %arg21[%dma_start3A_1807, %dma_start3A_1811, %dma_start3A_1812] : memref<8x64x512xf32, #tpu.memory_space<vmem>> -> memref<1x32x512xf32, #tpu.memory_space<vmem>>
    %dma_start3A_1814 = tpu.memref_squeeze %dma_start3A_1813 : memref<1x32x512xf32, #tpu.memory_space<vmem>> -> memref<32x512xf32, #tpu.memory_space<vmem>>
    %dma_start3A_1815 = arith.constant 0 : i32
    %dma_start3A_1816 = arith.constant 0 : i32
    %dma_start3A_1817 = tpu.memref_slice %arg8[%dma_start3A_1806, %get3A_245, %dma_start3A_1815, %dma_start3A_1816] : memref<32x64x32x512xf32, #tpu.memory_space<hbm>> -> memref<1x1x32x512xf32, #tpu.memory_space<hbm>>
    %dma_start3A_1818 = tpu.memref_squeeze %dma_start3A_1817 : memref<1x1x32x512xf32, #tpu.memory_space<hbm>> -> memref<32x512xf32, #tpu.memory_space<hbm>>
    tpu.enqueue_dma source(%dma_start3A_1818 : memref<32x512xf32, #tpu.memory_space<hbm>>) target(%dma_start3A_1814 : memref<32x512xf32, #tpu.memory_space<vmem>>) target_semaphore(%dma_start3A_1810 : memref<!tpu.dma_semaphore, #tpu.memory_space<semaphore_mem>>)
    %dma_start3A_1819 = arith.constant 27 : i32
    %dma_start3A_1820 = arith.constant 3 : i32
    %dma_start3A_1821 = arith.constant 3 : i32
    %dma_start3A_1822 = tpu.memref_slice %arg23[%dma_start3A_1821] : memref<4x!tpu.dma_semaphore, #tpu.memory_space<semaphore_mem>> -> memref<1x!tpu.dma_semaphore, #tpu.memory_space<semaphore_mem>>
    %dma_start3A_1823 = tpu.memref_squeeze %dma_start3A_1822 : memref<1x!tpu.dma_semaphore, #tpu.memory_space<semaphore_mem>> -> memref<!tpu.dma_semaphore, #tpu.memory_space<semaphore_mem>>
    %dma_start3A_1824 = arith.constant 32 : i32
    %dma_start3A_1825 = arith.constant 0 : i32
    %dma_start3A_1826 = tpu.memref_slice %arg21[%dma_start3A_1820, %dma_start3A_1824, %dma_start3A_1825] : memref<8x64x512xf32, #tpu.memory_space<vmem>> -> memref<1x32x512xf32, #tpu.memory_space<vmem>>
    %dma_start3A_1827 = tpu.memref_squeeze %dma_start3A_1826 : memref<1x32x512xf32, #tpu.memory_space<vmem>> -> memref<32x512xf32, #tpu.memory_space<vmem>>
    %dma_start3A_1828 = arith.constant 0 : i32
    %dma_start3A_1829 = arith.constant 0 : i32
    %dma_start3A_1830 = tpu.memref_slice %arg8[%dma_start3A_1819, %get3A_248, %dma_start3A_1828, %dma_start3A_1829] : memref<32x64x32x512xf32, #tpu.memory_space<hbm>> -> memref<1x1x32x512xf32, #tpu.memory_space<hbm>>
    %dma_start3A_1831 = tpu.memref_squeeze %dma_start3A_1830 : memref<1x1x32x512xf32, #tpu.memory_space<hbm>> -> memref<32x512xf32, #tpu.memory_space<hbm>>
    tpu.enqueue_dma source(%dma_start3A_1831 : memref<32x512xf32, #tpu.memory_space<hbm>>) target(%dma_start3A_1827 : memref<32x512xf32, #tpu.memory_space<vmem>>) target_semaphore(%dma_start3A_1823 : memref<!tpu.dma_semaphore, #tpu.memory_space<semaphore_mem>>)
    %dma_start3A_1832 = arith.constant 28 : i32
    %dma_start3A_1833 = arith.constant 4 : i32
    %dma_start3A_1834 = arith.constant 3 : i32
    %dma_start3A_1835 = tpu.memref_slice %arg23[%dma_start3A_1834] : memref<4x!tpu.dma_semaphore, #tpu.memory_space<semaphore_mem>> -> memref<1x!tpu.dma_semaphore, #tpu.memory_space<semaphore_mem>>
    %dma_start3A_1836 = tpu.memref_squeeze %dma_start3A_1835 : memref<1x!tpu.dma_semaphore, #tpu.memory_space<semaphore_mem>> -> memref<!tpu.dma_semaphore, #tpu.memory_space<semaphore_mem>>
    %dma_start3A_1837 = arith.constant 0 : i32
    %dma_start3A_1838 = arith.constant 0 : i32
    %dma_start3A_1839 = tpu.memref_slice %arg21[%dma_start3A_1833, %dma_start3A_1837, %dma_start3A_1838] : memref<8x64x512xf32, #tpu.memory_space<vmem>> -> memref<1x32x512xf32, #tpu.memory_space<vmem>>
    %dma_start3A_1840 = tpu.memref_squeeze %dma_start3A_1839 : memref<1x32x512xf32, #tpu.memory_space<vmem>> -> memref<32x512xf32, #tpu.memory_space<vmem>>
    %dma_start3A_1841 = arith.constant 0 : i32
    %dma_start3A_1842 = arith.constant 0 : i32
    %dma_start3A_1843 = tpu.memref_slice %arg8[%dma_start3A_1832, %get3A_251, %dma_start3A_1841, %dma_start3A_1842] : memref<32x64x32x512xf32, #tpu.memory_space<hbm>> -> memref<1x1x32x512xf32, #tpu.memory_space<hbm>>
    %dma_start3A_1844 = tpu.memref_squeeze %dma_start3A_1843 : memref<1x1x32x512xf32, #tpu.memory_space<hbm>> -> memref<32x512xf32, #tpu.memory_space<hbm>>
    tpu.enqueue_dma source(%dma_start3A_1844 : memref<32x512xf32, #tpu.memory_space<hbm>>) target(%dma_start3A_1840 : memref<32x512xf32, #tpu.memory_space<vmem>>) target_semaphore(%dma_start3A_1836 : memref<!tpu.dma_semaphore, #tpu.memory_space<semaphore_mem>>)
    %dma_start3A_1845 = arith.constant 28 : i32
    %dma_start3A_1846 = arith.constant 4 : i32
    %dma_start3A_1847 = arith.constant 3 : i32
    %dma_start3A_1848 = tpu.memref_slice %arg23[%dma_start3A_1847] : memref<4x!tpu.dma_semaphore, #tpu.memory_space<semaphore_mem>> -> memref<1x!tpu.dma_semaphore, #tpu.memory_space<semaphore_mem>>
    %dma_start3A_1849 = tpu.memref_squeeze %dma_start3A_1848 : memref<1x!tpu.dma_semaphore, #tpu.memory_space<semaphore_mem>> -> memref<!tpu.dma_semaphore, #tpu.memory_space<semaphore_mem>>
    %dma_start3A_1850 = arith.constant 32 : i32
    %dma_start3A_1851 = arith.constant 0 : i32
    %dma_start3A_1852 = tpu.memref_slice %arg21[%dma_start3A_1846, %dma_start3A_1850, %dma_start3A_1851] : memref<8x64x512xf32, #tpu.memory_space<vmem>> -> memref<1x32x512xf32, #tpu.memory_space<vmem>>
    %dma_start3A_1853 = tpu.memref_squeeze %dma_start3A_1852 : memref<1x32x512xf32, #tpu.memory_space<vmem>> -> memref<32x512xf32, #tpu.memory_space<vmem>>
    %dma_start3A_1854 = arith.constant 0 : i32
    %dma_start3A_1855 = arith.constant 0 : i32
    %dma_start3A_1856 = tpu.memref_slice %arg8[%dma_start3A_1845, %get3A_254, %dma_start3A_1854, %dma_start3A_1855] : memref<32x64x32x512xf32, #tpu.memory_space<hbm>> -> memref<1x1x32x512xf32, #tpu.memory_space<hbm>>
    %dma_start3A_1857 = tpu.memref_squeeze %dma_start3A_1856 : memref<1x1x32x512xf32, #tpu.memory_space<hbm>> -> memref<32x512xf32, #tpu.memory_space<hbm>>
    tpu.enqueue_dma source(%dma_start3A_1857 : memref<32x512xf32, #tpu.memory_space<hbm>>) target(%dma_start3A_1853 : memref<32x512xf32, #tpu.memory_space<vmem>>) target_semaphore(%dma_start3A_1849 : memref<!tpu.dma_semaphore, #tpu.memory_space<semaphore_mem>>)
    %dma_start3A_1858 = arith.constant 29 : i32
    %dma_start3A_1859 = arith.constant 5 : i32
    %dma_start3A_1860 = arith.constant 3 : i32
    %dma_start3A_1861 = tpu.memref_slice %arg23[%dma_start3A_1860] : memref<4x!tpu.dma_semaphore, #tpu.memory_space<semaphore_mem>> -> memref<1x!tpu.dma_semaphore, #tpu.memory_space<semaphore_mem>>
    %dma_start3A_1862 = tpu.memref_squeeze %dma_start3A_1861 : memref<1x!tpu.dma_semaphore, #tpu.memory_space<semaphore_mem>> -> memref<!tpu.dma_semaphore, #tpu.memory_space<semaphore_mem>>
    %dma_start3A_1863 = arith.constant 0 : i32
    %dma_start3A_1864 = arith.constant 0 : i32
    %dma_start3A_1865 = tpu.memref_slice %arg21[%dma_start3A_1859, %dma_start3A_1863, %dma_start3A_1864] : memref<8x64x512xf32, #tpu.memory_space<vmem>> -> memref<1x32x512xf32, #tpu.memory_space<vmem>>
    %dma_start3A_1866 = tpu.memref_squeeze %dma_start3A_1865 : memref<1x32x512xf32, #tpu.memory_space<vmem>> -> memref<32x512xf32, #tpu.memory_space<vmem>>
    %dma_start3A_1867 = arith.constant 0 : i32
    %dma_start3A_1868 = arith.constant 0 : i32
    %dma_start3A_1869 = tpu.memref_slice %arg8[%dma_start3A_1858, %get3A_257, %dma_start3A_1867, %dma_start3A_1868] : memref<32x64x32x512xf32, #tpu.memory_space<hbm>> -> memref<1x1x32x512xf32, #tpu.memory_space<hbm>>
    %dma_start3A_1870 = tpu.memref_squeeze %dma_start3A_1869 : memref<1x1x32x512xf32, #tpu.memory_space<hbm>> -> memref<32x512xf32, #tpu.memory_space<hbm>>
    tpu.enqueue_dma source(%dma_start3A_1870 : memref<32x512xf32, #tpu.memory_space<hbm>>) target(%dma_start3A_1866 : memref<32x512xf32, #tpu.memory_space<vmem>>) target_semaphore(%dma_start3A_1862 : memref<!tpu.dma_semaphore, #tpu.memory_space<semaphore_mem>>)
    %dma_start3A_1871 = arith.constant 29 : i32
    %dma_start3A_1872 = arith.constant 5 : i32
    %dma_start3A_1873 = arith.constant 3 : i32
    %dma_start3A_1874 = tpu.memref_slice %arg23[%dma_start3A_1873] : memref<4x!tpu.dma_semaphore, #tpu.memory_space<semaphore_mem>> -> memref<1x!tpu.dma_semaphore, #tpu.memory_space<semaphore_mem>>
    %dma_start3A_1875 = tpu.memref_squeeze %dma_start3A_1874 : memref<1x!tpu.dma_semaphore, #tpu.memory_space<semaphore_mem>> -> memref<!tpu.dma_semaphore, #tpu.memory_space<semaphore_mem>>
    %dma_start3A_1876 = arith.constant 32 : i32
    %dma_start3A_1877 = arith.constant 0 : i32
    %dma_start3A_1878 = tpu.memref_slice %arg21[%dma_start3A_1872, %dma_start3A_1876, %dma_start3A_1877] : memref<8x64x512xf32, #tpu.memory_space<vmem>> -> memref<1x32x512xf32, #tpu.memory_space<vmem>>
    %dma_start3A_1879 = tpu.memref_squeeze %dma_start3A_1878 : memref<1x32x512xf32, #tpu.memory_space<vmem>> -> memref<32x512xf32, #tpu.memory_space<vmem>>
    %dma_start3A_1880 = arith.constant 0 : i32
    %dma_start3A_1881 = arith.constant 0 : i32
    %dma_start3A_1882 = tpu.memref_slice %arg8[%dma_start3A_1871, %get3A_260, %dma_start3A_1880, %dma_start3A_1881] : memref<32x64x32x512xf32, #tpu.memory_space<hbm>> -> memref<1x1x32x512xf32, #tpu.memory_space<hbm>>
    %dma_start3A_1883 = tpu.memref_squeeze %dma_start3A_1882 : memref<1x1x32x512xf32, #tpu.memory_space<hbm>> -> memref<32x512xf32, #tpu.memory_space<hbm>>
    tpu.enqueue_dma source(%dma_start3A_1883 : memref<32x512xf32, #tpu.memory_space<hbm>>) target(%dma_start3A_1879 : memref<32x512xf32, #tpu.memory_space<vmem>>) target_semaphore(%dma_start3A_1875 : memref<!tpu.dma_semaphore, #tpu.memory_space<semaphore_mem>>)
    %dma_start3A_1884 = arith.constant 30 : i32
    %dma_start3A_1885 = arith.constant 6 : i32
    %dma_start3A_1886 = arith.constant 3 : i32
    %dma_start3A_1887 = tpu.memref_slice %arg23[%dma_start3A_1886] : memref<4x!tpu.dma_semaphore, #tpu.memory_space<semaphore_mem>> -> memref<1x!tpu.dma_semaphore, #tpu.memory_space<semaphore_mem>>
    %dma_start3A_1888 = tpu.memref_squeeze %dma_start3A_1887 : memref<1x!tpu.dma_semaphore, #tpu.memory_space<semaphore_mem>> -> memref<!tpu.dma_semaphore, #tpu.memory_space<semaphore_mem>>
    %dma_start3A_1889 = arith.constant 0 : i32
    %dma_start3A_1890 = arith.constant 0 : i32
    %dma_start3A_1891 = tpu.memref_slice %arg21[%dma_start3A_1885, %dma_start3A_1889, %dma_start3A_1890] : memref<8x64x512xf32, #tpu.memory_space<vmem>> -> memref<1x32x512xf32, #tpu.memory_space<vmem>>
    %dma_start3A_1892 = tpu.memref_squeeze %dma_start3A_1891 : memref<1x32x512xf32, #tpu.memory_space<vmem>> -> memref<32x512xf32, #tpu.memory_space<vmem>>
    %dma_start3A_1893 = arith.constant 0 : i32
    %dma_start3A_1894 = arith.constant 0 : i32
    %dma_start3A_1895 = tpu.memref_slice %arg8[%dma_start3A_1884, %get3A_263, %dma_start3A_1893, %dma_start3A_1894] : memref<32x64x32x512xf32, #tpu.memory_space<hbm>> -> memref<1x1x32x512xf32, #tpu.memory_space<hbm>>
    %dma_start3A_1896 = tpu.memref_squeeze %dma_start3A_1895 : memref<1x1x32x512xf32, #tpu.memory_space<hbm>> -> memref<32x512xf32, #tpu.memory_space<hbm>>
    tpu.enqueue_dma source(%dma_start3A_1896 : memref<32x512xf32, #tpu.memory_space<hbm>>) target(%dma_start3A_1892 : memref<32x512xf32, #tpu.memory_space<vmem>>) target_semaphore(%dma_start3A_1888 : memref<!tpu.dma_semaphore, #tpu.memory_space<semaphore_mem>>)
    %dma_start3A_1897 = arith.constant 30 : i32
    %dma_start3A_1898 = arith.constant 6 : i32
    %dma_start3A_1899 = arith.constant 3 : i32
    %dma_start3A_1900 = tpu.memref_slice %arg23[%dma_start3A_1899] : memref<4x!tpu.dma_semaphore, #tpu.memory_space<semaphore_mem>> -> memref<1x!tpu.dma_semaphore, #tpu.memory_space<semaphore_mem>>
    %dma_start3A_1901 = tpu.memref_squeeze %dma_start3A_1900 : memref<1x!tpu.dma_semaphore, #tpu.memory_space<semaphore_mem>> -> memref<!tpu.dma_semaphore, #tpu.memory_space<semaphore_mem>>
    %dma_start3A_1902 = arith.constant 32 : i32
    %dma_start3A_1903 = arith.constant 0 : i32
    %dma_start3A_1904 = tpu.memref_slice %arg21[%dma_start3A_1898, %dma_start3A_1902, %dma_start3A_1903] : memref<8x64x512xf32, #tpu.memory_space<vmem>> -> memref<1x32x512xf32, #tpu.memory_space<vmem>>
    %dma_start3A_1905 = tpu.memref_squeeze %dma_start3A_1904 : memref<1x32x512xf32, #tpu.memory_space<vmem>> -> memref<32x512xf32, #tpu.memory_space<vmem>>
    %dma_start3A_1906 = arith.constant 0 : i32
    %dma_start3A_1907 = arith.constant 0 : i32
    %dma_start3A_1908 = tpu.memref_slice %arg8[%dma_start3A_1897, %get3A_266, %dma_start3A_1906, %dma_start3A_1907] : memref<32x64x32x512xf32, #tpu.memory_space<hbm>> -> memref<1x1x32x512xf32, #tpu.memory_space<hbm>>
    %dma_start3A_1909 = tpu.memref_squeeze %dma_start3A_1908 : memref<1x1x32x512xf32, #tpu.memory_space<hbm>> -> memref<32x512xf32, #tpu.memory_space<hbm>>
    tpu.enqueue_dma source(%dma_start3A_1909 : memref<32x512xf32, #tpu.memory_space<hbm>>) target(%dma_start3A_1905 : memref<32x512xf32, #tpu.memory_space<vmem>>) target_semaphore(%dma_start3A_1901 : memref<!tpu.dma_semaphore, #tpu.memory_space<semaphore_mem>>)
    %dma_start3A_1910 = arith.constant 31 : i32
    %dma_start3A_1911 = arith.constant 7 : i32
    %dma_start3A_1912 = arith.constant 3 : i32
    %dma_start3A_1913 = tpu.memref_slice %arg23[%dma_start3A_1912] : memref<4x!tpu.dma_semaphore, #tpu.memory_space<semaphore_mem>> -> memref<1x!tpu.dma_semaphore, #tpu.memory_space<semaphore_mem>>
    %dma_start3A_1914 = tpu.memref_squeeze %dma_start3A_1913 : memref<1x!tpu.dma_semaphore, #tpu.memory_space<semaphore_mem>> -> memref<!tpu.dma_semaphore, #tpu.memory_space<semaphore_mem>>
    %dma_start3A_1915 = arith.constant 0 : i32
    %dma_start3A_1916 = arith.constant 0 : i32
    %dma_start3A_1917 = tpu.memref_slice %arg21[%dma_start3A_1911, %dma_start3A_1915, %dma_start3A_1916] : memref<8x64x512xf32, #tpu.memory_space<vmem>> -> memref<1x32x512xf32, #tpu.memory_space<vmem>>
    %dma_start3A_1918 = tpu.memref_squeeze %dma_start3A_1917 : memref<1x32x512xf32, #tpu.memory_space<vmem>> -> memref<32x512xf32, #tpu.memory_space<vmem>>
    %dma_start3A_1919 = arith.constant 0 : i32
    %dma_start3A_1920 = arith.constant 0 : i32
    %dma_start3A_1921 = tpu.memref_slice %arg8[%dma_start3A_1910, %get3A_269, %dma_start3A_1919, %dma_start3A_1920] : memref<32x64x32x512xf32, #tpu.memory_space<hbm>> -> memref<1x1x32x512xf32, #tpu.memory_space<hbm>>
    %dma_start3A_1922 = tpu.memref_squeeze %dma_start3A_1921 : memref<1x1x32x512xf32, #tpu.memory_space<hbm>> -> memref<32x512xf32, #tpu.memory_space<hbm>>
    tpu.enqueue_dma source(%dma_start3A_1922 : memref<32x512xf32, #tpu.memory_space<hbm>>) target(%dma_start3A_1918 : memref<32x512xf32, #tpu.memory_space<vmem>>) target_semaphore(%dma_start3A_1914 : memref<!tpu.dma_semaphore, #tpu.memory_space<semaphore_mem>>)
    %dma_start3A_1923 = arith.constant 31 : i32
    %dma_start3A_1924 = arith.constant 7 : i32
    %dma_start3A_1925 = arith.constant 3 : i32
    %dma_start3A_1926 = tpu.memref_slice %arg23[%dma_start3A_1925] : memref<4x!tpu.dma_semaphore, #tpu.memory_space<semaphore_mem>> -> memref<1x!tpu.dma_semaphore, #tpu.memory_space<semaphore_mem>>
    %dma_start3A_1927 = tpu.memref_squeeze %dma_start3A_1926 : memref<1x!tpu.dma_semaphore, #tpu.memory_space<semaphore_mem>> -> memref<!tpu.dma_semaphore, #tpu.memory_space<semaphore_mem>>
    %dma_start3A_1928 = arith.constant 32 : i32
    %dma_start3A_1929 = arith.constant 0 : i32
    %dma_start3A_1930 = tpu.memref_slice %arg21[%dma_start3A_1924, %dma_start3A_1928, %dma_start3A_1929] : memref<8x64x512xf32, #tpu.memory_space<vmem>> -> memref<1x32x512xf32, #tpu.memory_space<vmem>>
    %dma_start3A_1931 = tpu.memref_squeeze %dma_start3A_1930 : memref<1x32x512xf32, #tpu.memory_space<vmem>> -> memref<32x512xf32, #tpu.memory_space<vmem>>
    %dma_start3A_1932 = arith.constant 0 : i32
    %dma_start3A_1933 = arith.constant 0 : i32
    %dma_start3A_1934 = tpu.memref_slice %arg8[%dma_start3A_1923, %get3A_272, %dma_start3A_1932, %dma_start3A_1933] : memref<32x64x32x512xf32, #tpu.memory_space<hbm>> -> memref<1x1x32x512xf32, #tpu.memory_space<hbm>>
    %dma_start3A_1935 = tpu.memref_squeeze %dma_start3A_1934 : memref<1x1x32x512xf32, #tpu.memory_space<hbm>> -> memref<32x512xf32, #tpu.memory_space<hbm>>
    tpu.enqueue_dma source(%dma_start3A_1935 : memref<32x512xf32, #tpu.memory_space<hbm>>) target(%dma_start3A_1931 : memref<32x512xf32, #tpu.memory_space<vmem>>) target_semaphore(%dma_start3A_1927 : memref<!tpu.dma_semaphore, #tpu.memory_space<semaphore_mem>>)
    %get3A_1936 = arith.constant 0 : index
    %get3A_1937 = arith.constant 0 : index
    %get3A_1938 = vector.load %arg2[%get3A_1936, %get3A_1937] : memref<32x512xf32, #tpu.memory_space<vmem>>, vector<32x512xf32>
    %get3A_1939 = arith.constant 0 : index
    %get3A_1940 = arith.constant 0 : index
    %get3A_1941 = vector.load %arg3[%get3A_1939, %get3A_1940] : memref<512x512xf32, #tpu.memory_space<vmem>>, vector<512x512xf32>
    %dot_general3A = arith.constant dense<0.000000e+00> : vector<32x512xf32>
    %dot_general3A_1942 = tpu.matmul %get3A_1938, %get3A_1941, %dot_general3A {dimension_numbers = #tpu.dot_dimension_numbers<[1], [1], [0], [0], [0, 0, 1, 0], [], []>, transpose_lhs_hint = false} : vector<32x512xf32>, vector<512x512xf32>, vector<32x512xf32> -> vector<32x512xf32>
    %get3A_1943 = arith.constant 0 : index
    %get3A_1944 = arith.constant 0 : index
    %get3A_1945 = vector.load %arg4[%get3A_1943, %get3A_1944] : memref<1x512xf32, #tpu.memory_space<vmem>>, vector<1x512xf32>
    %add3A_1946 = vector.broadcast %get3A_1945 : vector<1x512xf32> to vector<32x512xf32>
    %add3A_1947 = arith.addf %dot_general3A_1942, %add3A_1946 : vector<32x512xf32>
    %get3A_1948 = arith.constant 0 : index
    %get3A_1949 = arith.constant 0 : index
    %get3A_1950 = vector.load %arg9[%get3A_1948, %get3A_1949] : memref<32x2048xf32, #tpu.memory_space<vmem>>, vector<32x2048xf32>
    %get3A_1951 = arith.constant 0 : index
    %get3A_1952 = arith.constant 0 : index
    %get3A_1953 = vector.load %arg10[%get3A_1951, %get3A_1952] : memref<32x2048xf32, #tpu.memory_space<vmem>>, vector<32x2048xf32>
    %mul3A = arith.mulf %get3A_1953, %convert_element_type3A_51 : vector<32x2048xf32>
    %dot_general3A_1954 = arith.constant dense<0.000000e+00> : vector<32x32xf32>
    %dot_general3A_1955 = tpu.matmul %mul3A, %convert_element_type3A_80, %dot_general3A_1954 {dimension_numbers = #tpu.dot_dimension_numbers<[1], [1], [0], [0], [0, 0, 1, 0], [], []>, transpose_lhs_hint = false} : vector<32x2048xf32>, vector<32x2048xf32>, vector<32x32xf32> -> vector<32x32xf32>
    %mul3A_1956 = arith.mulf %get3A_1953, %convert_element_type3A_55 : vector<32x2048xf32>
    %dot_general3A_1957 = arith.constant dense<0.000000e+00> : vector<32x32xf32>
    %dot_general3A_1958 = tpu.matmul %mul3A_1956, %convert_element_type3A_80, %dot_general3A_1957 {dimension_numbers = #tpu.dot_dimension_numbers<[1], [1], [0], [0], [0, 0, 1, 0], [], []>, transpose_lhs_hint = false} : vector<32x2048xf32>, vector<32x2048xf32>, vector<32x32xf32> -> vector<32x32xf32>
    %concatenate3A = tpu.concatenate %dot_general3A_1955, %dot_general3A_1958 in 1 : vector<32x32xf32>, vector<32x32xf32> -> vector<32x64xf32>
    %mul3A_1959 = arith.mulf %get3A_1950, %convert_element_type3A_51 : vector<32x2048xf32>
    %dot_general3A_1960 = arith.constant dense<0.000000e+00> : vector<32x32xf32>
    %dot_general3A_1961 = tpu.matmul %mul3A_1959, %convert_element_type3A_80, %dot_general3A_1960 {dimension_numbers = #tpu.dot_dimension_numbers<[1], [1], [0], [0], [0, 0, 1, 0], [], []>, transpose_lhs_hint = false} : vector<32x2048xf32>, vector<32x2048xf32>, vector<32x32xf32> -> vector<32x32xf32>
    %mul3A_1962 = arith.mulf %get3A_1950, %convert_element_type3A_55 : vector<32x2048xf32>
    %dot_general3A_1963 = arith.constant dense<0.000000e+00> : vector<32x32xf32>
    %dot_general3A_1964 = tpu.matmul %mul3A_1962, %convert_element_type3A_80, %dot_general3A_1963 {dimension_numbers = #tpu.dot_dimension_numbers<[1], [1], [0], [0], [0, 0, 1, 0], [], []>, transpose_lhs_hint = false} : vector<32x2048xf32>, vector<32x2048xf32>, vector<32x32xf32> -> vector<32x32xf32>
    %concatenate3A_1965 = tpu.concatenate %dot_general3A_1961, %dot_general3A_1964 in 1 : vector<32x32xf32>, vector<32x32xf32> -> vector<32x64xf32>
    %broadcast_in_dim3A_1966 = vector.shape_cast %broadcast_in_dim3A : vector<32x1xf32> to vector<32x1xf32>
    %broadcast_in_dim3A_1967 = vector.broadcast %broadcast_in_dim3A_1966 : vector<32x1xf32> to vector<32x32xf32>
    %broadcast_in_dim3A_1968 = vector.shape_cast %broadcast_in_dim3A_14 : vector<32x1xf32> to vector<32x1xf32>
    %broadcast_in_dim3A_1969 = vector.broadcast %broadcast_in_dim3A_1968 : vector<32x1xf32> to vector<32x32xf32>
    %concatenate3A_1970 = tpu.concatenate %broadcast_in_dim3A_1967, %broadcast_in_dim3A_1969 in 1 : vector<32x32xf32>, vector<32x32xf32> -> vector<32x64xf32>
    %get3A_1971 = arith.constant 0 : index
    %get3A_1972 = arith.constant 0 : index
    %get3A_1973 = vector.load %arg5[%get3A_1971, %get3A_1972] : memref<1x512xf32, #tpu.memory_space<vmem>>, vector<1x512xf32>
    %get3A_1974 = arith.constant 0 : index
    %get3A_1975 = arith.constant 0 : index
    %get3A_1976 = vector.load %arg6[%get3A_1974, %get3A_1975] : memref<1x512xf32, #tpu.memory_space<vmem>>, vector<1x512xf32>
    %dma_wait3A = arith.constant 0 : i32
    %dma_wait3A_1977 = arith.constant 0 : i32
    %dma_wait3A_1978 = arith.constant 0 : i32
    %dma_wait3A_1979 = tpu.memref_slice %arg22[%dma_wait3A_1978] : memref<4x!tpu.dma_semaphore, #tpu.memory_space<semaphore_mem>> -> memref<1x!tpu.dma_semaphore, #tpu.memory_space<semaphore_mem>>
    %dma_wait3A_1980 = tpu.memref_squeeze %dma_wait3A_1979 : memref<1x!tpu.dma_semaphore, #tpu.memory_space<semaphore_mem>> -> memref<!tpu.dma_semaphore, #tpu.memory_space<semaphore_mem>>
    %dma_wait3A_1981 = arith.constant 0 : i32
    %dma_wait3A_1982 = arith.constant 0 : i32
    %dma_wait3A_1983 = tpu.memref_slice %arg14[%dma_wait3A_1977, %dma_wait3A_1981, %dma_wait3A_1982] : memref<8x64x512xf32, #tpu.memory_space<vmem>> -> memref<1x32x512xf32, #tpu.memory_space<vmem>>
    %dma_wait3A_1984 = tpu.memref_squeeze %dma_wait3A_1983 : memref<1x32x512xf32, #tpu.memory_space<vmem>> -> memref<32x512xf32, #tpu.memory_space<vmem>>
    %dma_wait3A_1985 = arith.constant 0 : i32
    %dma_wait3A_1986 = arith.constant 0 : i32
    %dma_wait3A_1987 = tpu.memref_slice %arg7[%dma_wait3A, %get3A_83, %dma_wait3A_1985, %dma_wait3A_1986] : memref<32x64x32x512xf32, #tpu.memory_space<hbm>> -> memref<1x1x32x512xf32, #tpu.memory_space<hbm>>
    %dma_wait3A_1988 = tpu.memref_squeeze %dma_wait3A_1987 : memref<1x1x32x512xf32, #tpu.memory_space<hbm>> -> memref<32x512xf32, #tpu.memory_space<hbm>>
    tpu.wait_dma2 semaphore(%dma_wait3A_1980 : memref<!tpu.dma_semaphore, #tpu.memory_space<semaphore_mem>>) src(%dma_wait3A_1988 : memref<32x512xf32, #tpu.memory_space<hbm>>) dst(%dma_wait3A_1984 : memref<32x512xf32, #tpu.memory_space<vmem>>)
    %dma_wait3A_1989 = arith.constant 0 : i32
    %dma_wait3A_1990 = arith.constant 0 : i32
    %dma_wait3A_1991 = arith.constant 0 : i32
    %dma_wait3A_1992 = tpu.memref_slice %arg22[%dma_wait3A_1991] : memref<4x!tpu.dma_semaphore, #tpu.memory_space<semaphore_mem>> -> memref<1x!tpu.dma_semaphore, #tpu.memory_space<semaphore_mem>>
    %dma_wait3A_1993 = tpu.memref_squeeze %dma_wait3A_1992 : memref<1x!tpu.dma_semaphore, #tpu.memory_space<semaphore_mem>> -> memref<!tpu.dma_semaphore, #tpu.memory_space<semaphore_mem>>
    %dma_wait3A_1994 = arith.constant 32 : i32
    %dma_wait3A_1995 = arith.constant 0 : i32
    %dma_wait3A_1996 = tpu.memref_slice %arg14[%dma_wait3A_1990, %dma_wait3A_1994, %dma_wait3A_1995] : memref<8x64x512xf32, #tpu.memory_space<vmem>> -> memref<1x32x512xf32, #tpu.memory_space<vmem>>
    %dma_wait3A_1997 = tpu.memref_squeeze %dma_wait3A_1996 : memref<1x32x512xf32, #tpu.memory_space<vmem>> -> memref<32x512xf32, #tpu.memory_space<vmem>>
    %dma_wait3A_1998 = arith.constant 0 : i32
    %dma_wait3A_1999 = arith.constant 0 : i32
    %dma_wait3A_2000 = tpu.memref_slice %arg7[%dma_wait3A_1989, %get3A_86, %dma_wait3A_1998, %dma_wait3A_1999] : memref<32x64x32x512xf32, #tpu.memory_space<hbm>> -> memref<1x1x32x512xf32, #tpu.memory_space<hbm>>
    %dma_wait3A_2001 = tpu.memref_squeeze %dma_wait3A_2000 : memref<1x1x32x512xf32, #tpu.memory_space<hbm>> -> memref<32x512xf32, #tpu.memory_space<hbm>>
    tpu.wait_dma2 semaphore(%dma_wait3A_1993 : memref<!tpu.dma_semaphore, #tpu.memory_space<semaphore_mem>>) src(%dma_wait3A_2001 : memref<32x512xf32, #tpu.memory_space<hbm>>) dst(%dma_wait3A_1997 : memref<32x512xf32, #tpu.memory_space<vmem>>)
    %dma_wait3A_2002 = arith.constant 1 : i32
    %dma_wait3A_2003 = arith.constant 1 : i32
    %dma_wait3A_2004 = arith.constant 0 : i32
    %dma_wait3A_2005 = tpu.memref_slice %arg22[%dma_wait3A_2004] : memref<4x!tpu.dma_semaphore, #tpu.memory_space<semaphore_mem>> -> memref<1x!tpu.dma_semaphore, #tpu.memory_space<semaphore_mem>>
    %dma_wait3A_2006 = tpu.memref_squeeze %dma_wait3A_2005 : memref<1x!tpu.dma_semaphore, #tpu.memory_space<semaphore_mem>> -> memref<!tpu.dma_semaphore, #tpu.memory_space<semaphore_mem>>
    %dma_wait3A_2007 = arith.constant 0 : i32
    %dma_wait3A_2008 = arith.constant 0 : i32
    %dma_wait3A_2009 = tpu.memref_slice %arg14[%dma_wait3A_2003, %dma_wait3A_2007, %dma_wait3A_2008] : memref<8x64x512xf32, #tpu.memory_space<vmem>> -> memref<1x32x512xf32, #tpu.memory_space<vmem>>
    %dma_wait3A_2010 = tpu.memref_squeeze %dma_wait3A_2009 : memref<1x32x512xf32, #tpu.memory_space<vmem>> -> memref<32x512xf32, #tpu.memory_space<vmem>>
    %dma_wait3A_2011 = arith.constant 0 : i32
    %dma_wait3A_2012 = arith.constant 0 : i32
    %dma_wait3A_2013 = tpu.memref_slice %arg7[%dma_wait3A_2002, %get3A_89, %dma_wait3A_2011, %dma_wait3A_2012] : memref<32x64x32x512xf32, #tpu.memory_space<hbm>> -> memref<1x1x32x512xf32, #tpu.memory_space<hbm>>
    %dma_wait3A_2014 = tpu.memref_squeeze %dma_wait3A_2013 : memref<1x1x32x512xf32, #tpu.memory_space<hbm>> -> memref<32x512xf32, #tpu.memory_space<hbm>>
    tpu.wait_dma2 semaphore(%dma_wait3A_2006 : memref<!tpu.dma_semaphore, #tpu.memory_space<semaphore_mem>>) src(%dma_wait3A_2014 : memref<32x512xf32, #tpu.memory_space<hbm>>) dst(%dma_wait3A_2010 : memref<32x512xf32, #tpu.memory_space<vmem>>)
    %dma_wait3A_2015 = arith.constant 1 : i32
    %dma_wait3A_2016 = arith.constant 1 : i32
    %dma_wait3A_2017 = arith.constant 0 : i32
    %dma_wait3A_2018 = tpu.memref_slice %arg22[%dma_wait3A_2017] : memref<4x!tpu.dma_semaphore, #tpu.memory_space<semaphore_mem>> -> memref<1x!tpu.dma_semaphore, #tpu.memory_space<semaphore_mem>>
    %dma_wait3A_2019 = tpu.memref_squeeze %dma_wait3A_2018 : memref<1x!tpu.dma_semaphore, #tpu.memory_space<semaphore_mem>> -> memref<!tpu.dma_semaphore, #tpu.memory_space<semaphore_mem>>
    %dma_wait3A_2020 = arith.constant 32 : i32
    %dma_wait3A_2021 = arith.constant 0 : i32
    %dma_wait3A_2022 = tpu.memref_slice %arg14[%dma_wait3A_2016, %dma_wait3A_2020, %dma_wait3A_2021] : memref<8x64x512xf32, #tpu.memory_space<vmem>> -> memref<1x32x512xf32, #tpu.memory_space<vmem>>
    %dma_wait3A_2023 = tpu.memref_squeeze %dma_wait3A_2022 : memref<1x32x512xf32, #tpu.memory_space<vmem>> -> memref<32x512xf32, #tpu.memory_space<vmem>>
    %dma_wait3A_2024 = arith.constant 0 : i32
    %dma_wait3A_2025 = arith.constant 0 : i32
    %dma_wait3A_2026 = tpu.memref_slice %arg7[%dma_wait3A_2015, %get3A_92, %dma_wait3A_2024, %dma_wait3A_2025] : memref<32x64x32x512xf32, #tpu.memory_space<hbm>> -> memref<1x1x32x512xf32, #tpu.memory_space<hbm>>
    %dma_wait3A_2027 = tpu.memref_squeeze %dma_wait3A_2026 : memref<1x1x32x512xf32, #tpu.memory_space<hbm>> -> memref<32x512xf32, #tpu.memory_space<hbm>>
    tpu.wait_dma2 semaphore(%dma_wait3A_2019 : memref<!tpu.dma_semaphore, #tpu.memory_space<semaphore_mem>>) src(%dma_wait3A_2027 : memref<32x512xf32, #tpu.memory_space<hbm>>) dst(%dma_wait3A_2023 : memref<32x512xf32, #tpu.memory_space<vmem>>)
    %dma_wait3A_2028 = arith.constant 2 : i32
    %dma_wait3A_2029 = arith.constant 2 : i32
    %dma_wait3A_2030 = arith.constant 0 : i32
    %dma_wait3A_2031 = tpu.memref_slice %arg22[%dma_wait3A_2030] : memref<4x!tpu.dma_semaphore, #tpu.memory_space<semaphore_mem>> -> memref<1x!tpu.dma_semaphore, #tpu.memory_space<semaphore_mem>>
    %dma_wait3A_2032 = tpu.memref_squeeze %dma_wait3A_2031 : memref<1x!tpu.dma_semaphore, #tpu.memory_space<semaphore_mem>> -> memref<!tpu.dma_semaphore, #tpu.memory_space<semaphore_mem>>
    %dma_wait3A_2033 = arith.constant 0 : i32
    %dma_wait3A_2034 = arith.constant 0 : i32
    %dma_wait3A_2035 = tpu.memref_slice %arg14[%dma_wait3A_2029, %dma_wait3A_2033, %dma_wait3A_2034] : memref<8x64x512xf32, #tpu.memory_space<vmem>> -> memref<1x32x512xf32, #tpu.memory_space<vmem>>
    %dma_wait3A_2036 = tpu.memref_squeeze %dma_wait3A_2035 : memref<1x32x512xf32, #tpu.memory_space<vmem>> -> memref<32x512xf32, #tpu.memory_space<vmem>>
    %dma_wait3A_2037 = arith.constant 0 : i32
    %dma_wait3A_2038 = arith.constant 0 : i32
    %dma_wait3A_2039 = tpu.memref_slice %arg7[%dma_wait3A_2028, %get3A_95, %dma_wait3A_2037, %dma_wait3A_2038] : memref<32x64x32x512xf32, #tpu.memory_space<hbm>> -> memref<1x1x32x512xf32, #tpu.memory_space<hbm>>
    %dma_wait3A_2040 = tpu.memref_squeeze %dma_wait3A_2039 : memref<1x1x32x512xf32, #tpu.memory_space<hbm>> -> memref<32x512xf32, #tpu.memory_space<hbm>>
    tpu.wait_dma2 semaphore(%dma_wait3A_2032 : memref<!tpu.dma_semaphore, #tpu.memory_space<semaphore_mem>>) src(%dma_wait3A_2040 : memref<32x512xf32, #tpu.memory_space<hbm>>) dst(%dma_wait3A_2036 : memref<32x512xf32, #tpu.memory_space<vmem>>)
    %dma_wait3A_2041 = arith.constant 2 : i32
    %dma_wait3A_2042 = arith.constant 2 : i32
    %dma_wait3A_2043 = arith.constant 0 : i32
    %dma_wait3A_2044 = tpu.memref_slice %arg22[%dma_wait3A_2043] : memref<4x!tpu.dma_semaphore, #tpu.memory_space<semaphore_mem>> -> memref<1x!tpu.dma_semaphore, #tpu.memory_space<semaphore_mem>>
    %dma_wait3A_2045 = tpu.memref_squeeze %dma_wait3A_2044 : memref<1x!tpu.dma_semaphore, #tpu.memory_space<semaphore_mem>> -> memref<!tpu.dma_semaphore, #tpu.memory_space<semaphore_mem>>
    %dma_wait3A_2046 = arith.constant 32 : i32
    %dma_wait3A_2047 = arith.constant 0 : i32
    %dma_wait3A_2048 = tpu.memref_slice %arg14[%dma_wait3A_2042, %dma_wait3A_2046, %dma_wait3A_2047] : memref<8x64x512xf32, #tpu.memory_space<vmem>> -> memref<1x32x512xf32, #tpu.memory_space<vmem>>
    %dma_wait3A_2049 = tpu.memref_squeeze %dma_wait3A_2048 : memref<1x32x512xf32, #tpu.memory_space<vmem>> -> memref<32x512xf32, #tpu.memory_space<vmem>>
    %dma_wait3A_2050 = arith.constant 0 : i32
    %dma_wait3A_2051 = arith.constant 0 : i32
    %dma_wait3A_2052 = tpu.memref_slice %arg7[%dma_wait3A_2041, %get3A_98, %dma_wait3A_2050, %dma_wait3A_2051] : memref<32x64x32x512xf32, #tpu.memory_space<hbm>> -> memref<1x1x32x512xf32, #tpu.memory_space<hbm>>
    %dma_wait3A_2053 = tpu.memref_squeeze %dma_wait3A_2052 : memref<1x1x32x512xf32, #tpu.memory_space<hbm>> -> memref<32x512xf32, #tpu.memory_space<hbm>>
    tpu.wait_dma2 semaphore(%dma_wait3A_2045 : memref<!tpu.dma_semaphore, #tpu.memory_space<semaphore_mem>>) src(%dma_wait3A_2053 : memref<32x512xf32, #tpu.memory_space<hbm>>) dst(%dma_wait3A_2049 : memref<32x512xf32, #tpu.memory_space<vmem>>)
    %dma_wait3A_2054 = arith.constant 3 : i32
    %dma_wait3A_2055 = arith.constant 3 : i32
    %dma_wait3A_2056 = arith.constant 0 : i32
    %dma_wait3A_2057 = tpu.memref_slice %arg22[%dma_wait3A_2056] : memref<4x!tpu.dma_semaphore, #tpu.memory_space<semaphore_mem>> -> memref<1x!tpu.dma_semaphore, #tpu.memory_space<semaphore_mem>>
    %dma_wait3A_2058 = tpu.memref_squeeze %dma_wait3A_2057 : memref<1x!tpu.dma_semaphore, #tpu.memory_space<semaphore_mem>> -> memref<!tpu.dma_semaphore, #tpu.memory_space<semaphore_mem>>
    %dma_wait3A_2059 = arith.constant 0 : i32
    %dma_wait3A_2060 = arith.constant 0 : i32
    %dma_wait3A_2061 = tpu.memref_slice %arg14[%dma_wait3A_2055, %dma_wait3A_2059, %dma_wait3A_2060] : memref<8x64x512xf32, #tpu.memory_space<vmem>> -> memref<1x32x512xf32, #tpu.memory_space<vmem>>
    %dma_wait3A_2062 = tpu.memref_squeeze %dma_wait3A_2061 : memref<1x32x512xf32, #tpu.memory_space<vmem>> -> memref<32x512xf32, #tpu.memory_space<vmem>>
    %dma_wait3A_2063 = arith.constant 0 : i32
    %dma_wait3A_2064 = arith.constant 0 : i32
    %dma_wait3A_2065 = tpu.memref_slice %arg7[%dma_wait3A_2054, %get3A_101, %dma_wait3A_2063, %dma_wait3A_2064] : memref<32x64x32x512xf32, #tpu.memory_space<hbm>> -> memref<1x1x32x512xf32, #tpu.memory_space<hbm>>
    %dma_wait3A_2066 = tpu.memref_squeeze %dma_wait3A_2065 : memref<1x1x32x512xf32, #tpu.memory_space<hbm>> -> memref<32x512xf32, #tpu.memory_space<hbm>>
    tpu.wait_dma2 semaphore(%dma_wait3A_2058 : memref<!tpu.dma_semaphore, #tpu.memory_space<semaphore_mem>>) src(%dma_wait3A_2066 : memref<32x512xf32, #tpu.memory_space<hbm>>) dst(%dma_wait3A_2062 : memref<32x512xf32, #tpu.memory_space<vmem>>)
    %dma_wait3A_2067 = arith.constant 3 : i32
    %dma_wait3A_2068 = arith.constant 3 : i32
    %dma_wait3A_2069 = arith.constant 0 : i32
    %dma_wait3A_2070 = tpu.memref_slice %arg22[%dma_wait3A_2069] : memref<4x!tpu.dma_semaphore, #tpu.memory_space<semaphore_mem>> -> memref<1x!tpu.dma_semaphore, #tpu.memory_space<semaphore_mem>>
    %dma_wait3A_2071 = tpu.memref_squeeze %dma_wait3A_2070 : memref<1x!tpu.dma_semaphore, #tpu.memory_space<semaphore_mem>> -> memref<!tpu.dma_semaphore, #tpu.memory_space<semaphore_mem>>
    %dma_wait3A_2072 = arith.constant 32 : i32
    %dma_wait3A_2073 = arith.constant 0 : i32
    %dma_wait3A_2074 = tpu.memref_slice %arg14[%dma_wait3A_2068, %dma_wait3A_2072, %dma_wait3A_2073] : memref<8x64x512xf32, #tpu.memory_space<vmem>> -> memref<1x32x512xf32, #tpu.memory_space<vmem>>
    %dma_wait3A_2075 = tpu.memref_squeeze %dma_wait3A_2074 : memref<1x32x512xf32, #tpu.memory_space<vmem>> -> memref<32x512xf32, #tpu.memory_space<vmem>>
    %dma_wait3A_2076 = arith.constant 0 : i32
    %dma_wait3A_2077 = arith.constant 0 : i32
    %dma_wait3A_2078 = tpu.memref_slice %arg7[%dma_wait3A_2067, %get3A_104, %dma_wait3A_2076, %dma_wait3A_2077] : memref<32x64x32x512xf32, #tpu.memory_space<hbm>> -> memref<1x1x32x512xf32, #tpu.memory_space<hbm>>
    %dma_wait3A_2079 = tpu.memref_squeeze %dma_wait3A_2078 : memref<1x1x32x512xf32, #tpu.memory_space<hbm>> -> memref<32x512xf32, #tpu.memory_space<hbm>>
    tpu.wait_dma2 semaphore(%dma_wait3A_2071 : memref<!tpu.dma_semaphore, #tpu.memory_space<semaphore_mem>>) src(%dma_wait3A_2079 : memref<32x512xf32, #tpu.memory_space<hbm>>) dst(%dma_wait3A_2075 : memref<32x512xf32, #tpu.memory_space<vmem>>)
    %dma_wait3A_2080 = arith.constant 4 : i32
    %dma_wait3A_2081 = arith.constant 4 : i32
    %dma_wait3A_2082 = arith.constant 0 : i32
    %dma_wait3A_2083 = tpu.memref_slice %arg22[%dma_wait3A_2082] : memref<4x!tpu.dma_semaphore, #tpu.memory_space<semaphore_mem>> -> memref<1x!tpu.dma_semaphore, #tpu.memory_space<semaphore_mem>>
    %dma_wait3A_2084 = tpu.memref_squeeze %dma_wait3A_2083 : memref<1x!tpu.dma_semaphore, #tpu.memory_space<semaphore_mem>> -> memref<!tpu.dma_semaphore, #tpu.memory_space<semaphore_mem>>
    %dma_wait3A_2085 = arith.constant 0 : i32
    %dma_wait3A_2086 = arith.constant 0 : i32
    %dma_wait3A_2087 = tpu.memref_slice %arg14[%dma_wait3A_2081, %dma_wait3A_2085, %dma_wait3A_2086] : memref<8x64x512xf32, #tpu.memory_space<vmem>> -> memref<1x32x512xf32, #tpu.memory_space<vmem>>
    %dma_wait3A_2088 = tpu.memref_squeeze %dma_wait3A_2087 : memref<1x32x512xf32, #tpu.memory_space<vmem>> -> memref<32x512xf32, #tpu.memory_space<vmem>>
    %dma_wait3A_2089 = arith.constant 0 : i32
    %dma_wait3A_2090 = arith.constant 0 : i32
    %dma_wait3A_2091 = tpu.memref_slice %arg7[%dma_wait3A_2080, %get3A_107, %dma_wait3A_2089, %dma_wait3A_2090] : memref<32x64x32x512xf32, #tpu.memory_space<hbm>> -> memref<1x1x32x512xf32, #tpu.memory_space<hbm>>
    %dma_wait3A_2092 = tpu.memref_squeeze %dma_wait3A_2091 : memref<1x1x32x512xf32, #tpu.memory_space<hbm>> -> memref<32x512xf32, #tpu.memory_space<hbm>>
    tpu.wait_dma2 semaphore(%dma_wait3A_2084 : memref<!tpu.dma_semaphore, #tpu.memory_space<semaphore_mem>>) src(%dma_wait3A_2092 : memref<32x512xf32, #tpu.memory_space<hbm>>) dst(%dma_wait3A_2088 : memref<32x512xf32, #tpu.memory_space<vmem>>)
    %dma_wait3A_2093 = arith.constant 4 : i32
    %dma_wait3A_2094 = arith.constant 4 : i32
    %dma_wait3A_2095 = arith.constant 0 : i32
    %dma_wait3A_2096 = tpu.memref_slice %arg22[%dma_wait3A_2095] : memref<4x!tpu.dma_semaphore, #tpu.memory_space<semaphore_mem>> -> memref<1x!tpu.dma_semaphore, #tpu.memory_space<semaphore_mem>>
    %dma_wait3A_2097 = tpu.memref_squeeze %dma_wait3A_2096 : memref<1x!tpu.dma_semaphore, #tpu.memory_space<semaphore_mem>> -> memref<!tpu.dma_semaphore, #tpu.memory_space<semaphore_mem>>
    %dma_wait3A_2098 = arith.constant 32 : i32
    %dma_wait3A_2099 = arith.constant 0 : i32
    %dma_wait3A_2100 = tpu.memref_slice %arg14[%dma_wait3A_2094, %dma_wait3A_2098, %dma_wait3A_2099] : memref<8x64x512xf32, #tpu.memory_space<vmem>> -> memref<1x32x512xf32, #tpu.memory_space<vmem>>
    %dma_wait3A_2101 = tpu.memref_squeeze %dma_wait3A_2100 : memref<1x32x512xf32, #tpu.memory_space<vmem>> -> memref<32x512xf32, #tpu.memory_space<vmem>>
    %dma_wait3A_2102 = arith.constant 0 : i32
    %dma_wait3A_2103 = arith.constant 0 : i32
    %dma_wait3A_2104 = tpu.memref_slice %arg7[%dma_wait3A_2093, %get3A_110, %dma_wait3A_2102, %dma_wait3A_2103] : memref<32x64x32x512xf32, #tpu.memory_space<hbm>> -> memref<1x1x32x512xf32, #tpu.memory_space<hbm>>
    %dma_wait3A_2105 = tpu.memref_squeeze %dma_wait3A_2104 : memref<1x1x32x512xf32, #tpu.memory_space<hbm>> -> memref<32x512xf32, #tpu.memory_space<hbm>>
    tpu.wait_dma2 semaphore(%dma_wait3A_2097 : memref<!tpu.dma_semaphore, #tpu.memory_space<semaphore_mem>>) src(%dma_wait3A_2105 : memref<32x512xf32, #tpu.memory_space<hbm>>) dst(%dma_wait3A_2101 : memref<32x512xf32, #tpu.memory_space<vmem>>)
    %dma_wait3A_2106 = arith.constant 5 : i32
    %dma_wait3A_2107 = arith.constant 5 : i32
    %dma_wait3A_2108 = arith.constant 0 : i32
    %dma_wait3A_2109 = tpu.memref_slice %arg22[%dma_wait3A_2108] : memref<4x!tpu.dma_semaphore, #tpu.memory_space<semaphore_mem>> -> memref<1x!tpu.dma_semaphore, #tpu.memory_space<semaphore_mem>>
    %dma_wait3A_2110 = tpu.memref_squeeze %dma_wait3A_2109 : memref<1x!tpu.dma_semaphore, #tpu.memory_space<semaphore_mem>> -> memref<!tpu.dma_semaphore, #tpu.memory_space<semaphore_mem>>
    %dma_wait3A_2111 = arith.constant 0 : i32
    %dma_wait3A_2112 = arith.constant 0 : i32
    %dma_wait3A_2113 = tpu.memref_slice %arg14[%dma_wait3A_2107, %dma_wait3A_2111, %dma_wait3A_2112] : memref<8x64x512xf32, #tpu.memory_space<vmem>> -> memref<1x32x512xf32, #tpu.memory_space<vmem>>
    %dma_wait3A_2114 = tpu.memref_squeeze %dma_wait3A_2113 : memref<1x32x512xf32, #tpu.memory_space<vmem>> -> memref<32x512xf32, #tpu.memory_space<vmem>>
    %dma_wait3A_2115 = arith.constant 0 : i32
    %dma_wait3A_2116 = arith.constant 0 : i32
    %dma_wait3A_2117 = tpu.memref_slice %arg7[%dma_wait3A_2106, %get3A_113, %dma_wait3A_2115, %dma_wait3A_2116] : memref<32x64x32x512xf32, #tpu.memory_space<hbm>> -> memref<1x1x32x512xf32, #tpu.memory_space<hbm>>
    %dma_wait3A_2118 = tpu.memref_squeeze %dma_wait3A_2117 : memref<1x1x32x512xf32, #tpu.memory_space<hbm>> -> memref<32x512xf32, #tpu.memory_space<hbm>>
    tpu.wait_dma2 semaphore(%dma_wait3A_2110 : memref<!tpu.dma_semaphore, #tpu.memory_space<semaphore_mem>>) src(%dma_wait3A_2118 : memref<32x512xf32, #tpu.memory_space<hbm>>) dst(%dma_wait3A_2114 : memref<32x512xf32, #tpu.memory_space<vmem>>)
    %dma_wait3A_2119 = arith.constant 5 : i32
    %dma_wait3A_2120 = arith.constant 5 : i32
    %dma_wait3A_2121 = arith.constant 0 : i32
    %dma_wait3A_2122 = tpu.memref_slice %arg22[%dma_wait3A_2121] : memref<4x!tpu.dma_semaphore, #tpu.memory_space<semaphore_mem>> -> memref<1x!tpu.dma_semaphore, #tpu.memory_space<semaphore_mem>>
    %dma_wait3A_2123 = tpu.memref_squeeze %dma_wait3A_2122 : memref<1x!tpu.dma_semaphore, #tpu.memory_space<semaphore_mem>> -> memref<!tpu.dma_semaphore, #tpu.memory_space<semaphore_mem>>
    %dma_wait3A_2124 = arith.constant 32 : i32
    %dma_wait3A_2125 = arith.constant 0 : i32
    %dma_wait3A_2126 = tpu.memref_slice %arg14[%dma_wait3A_2120, %dma_wait3A_2124, %dma_wait3A_2125] : memref<8x64x512xf32, #tpu.memory_space<vmem>> -> memref<1x32x512xf32, #tpu.memory_space<vmem>>
    %dma_wait3A_2127 = tpu.memref_squeeze %dma_wait3A_2126 : memref<1x32x512xf32, #tpu.memory_space<vmem>> -> memref<32x512xf32, #tpu.memory_space<vmem>>
    %dma_wait3A_2128 = arith.constant 0 : i32
    %dma_wait3A_2129 = arith.constant 0 : i32
    %dma_wait3A_2130 = tpu.memref_slice %arg7[%dma_wait3A_2119, %get3A_116, %dma_wait3A_2128, %dma_wait3A_2129] : memref<32x64x32x512xf32, #tpu.memory_space<hbm>> -> memref<1x1x32x512xf32, #tpu.memory_space<hbm>>
    %dma_wait3A_2131 = tpu.memref_squeeze %dma_wait3A_2130 : memref<1x1x32x512xf32, #tpu.memory_space<hbm>> -> memref<32x512xf32, #tpu.memory_space<hbm>>
    tpu.wait_dma2 semaphore(%dma_wait3A_2123 : memref<!tpu.dma_semaphore, #tpu.memory_space<semaphore_mem>>) src(%dma_wait3A_2131 : memref<32x512xf32, #tpu.memory_space<hbm>>) dst(%dma_wait3A_2127 : memref<32x512xf32, #tpu.memory_space<vmem>>)
    %dma_wait3A_2132 = arith.constant 6 : i32
    %dma_wait3A_2133 = arith.constant 6 : i32
    %dma_wait3A_2134 = arith.constant 0 : i32
    %dma_wait3A_2135 = tpu.memref_slice %arg22[%dma_wait3A_2134] : memref<4x!tpu.dma_semaphore, #tpu.memory_space<semaphore_mem>> -> memref<1x!tpu.dma_semaphore, #tpu.memory_space<semaphore_mem>>
    %dma_wait3A_2136 = tpu.memref_squeeze %dma_wait3A_2135 : memref<1x!tpu.dma_semaphore, #tpu.memory_space<semaphore_mem>> -> memref<!tpu.dma_semaphore, #tpu.memory_space<semaphore_mem>>
    %dma_wait3A_2137 = arith.constant 0 : i32
    %dma_wait3A_2138 = arith.constant 0 : i32
    %dma_wait3A_2139 = tpu.memref_slice %arg14[%dma_wait3A_2133, %dma_wait3A_2137, %dma_wait3A_2138] : memref<8x64x512xf32, #tpu.memory_space<vmem>> -> memref<1x32x512xf32, #tpu.memory_space<vmem>>
    %dma_wait3A_2140 = tpu.memref_squeeze %dma_wait3A_2139 : memref<1x32x512xf32, #tpu.memory_space<vmem>> -> memref<32x512xf32, #tpu.memory_space<vmem>>
    %dma_wait3A_2141 = arith.constant 0 : i32
    %dma_wait3A_2142 = arith.constant 0 : i32
    %dma_wait3A_2143 = tpu.memref_slice %arg7[%dma_wait3A_2132, %get3A_119, %dma_wait3A_2141, %dma_wait3A_2142] : memref<32x64x32x512xf32, #tpu.memory_space<hbm>> -> memref<1x1x32x512xf32, #tpu.memory_space<hbm>>
    %dma_wait3A_2144 = tpu.memref_squeeze %dma_wait3A_2143 : memref<1x1x32x512xf32, #tpu.memory_space<hbm>> -> memref<32x512xf32, #tpu.memory_space<hbm>>
    tpu.wait_dma2 semaphore(%dma_wait3A_2136 : memref<!tpu.dma_semaphore, #tpu.memory_space<semaphore_mem>>) src(%dma_wait3A_2144 : memref<32x512xf32, #tpu.memory_space<hbm>>) dst(%dma_wait3A_2140 : memref<32x512xf32, #tpu.memory_space<vmem>>)
    %dma_wait3A_2145 = arith.constant 6 : i32
    %dma_wait3A_2146 = arith.constant 6 : i32
    %dma_wait3A_2147 = arith.constant 0 : i32
    %dma_wait3A_2148 = tpu.memref_slice %arg22[%dma_wait3A_2147] : memref<4x!tpu.dma_semaphore, #tpu.memory_space<semaphore_mem>> -> memref<1x!tpu.dma_semaphore, #tpu.memory_space<semaphore_mem>>
    %dma_wait3A_2149 = tpu.memref_squeeze %dma_wait3A_2148 : memref<1x!tpu.dma_semaphore, #tpu.memory_space<semaphore_mem>> -> memref<!tpu.dma_semaphore, #tpu.memory_space<semaphore_mem>>
    %dma_wait3A_2150 = arith.constant 32 : i32
    %dma_wait3A_2151 = arith.constant 0 : i32
    %dma_wait3A_2152 = tpu.memref_slice %arg14[%dma_wait3A_2146, %dma_wait3A_2150, %dma_wait3A_2151] : memref<8x64x512xf32, #tpu.memory_space<vmem>> -> memref<1x32x512xf32, #tpu.memory_space<vmem>>
    %dma_wait3A_2153 = tpu.memref_squeeze %dma_wait3A_2152 : memref<1x32x512xf32, #tpu.memory_space<vmem>> -> memref<32x512xf32, #tpu.memory_space<vmem>>
    %dma_wait3A_2154 = arith.constant 0 : i32
    %dma_wait3A_2155 = arith.constant 0 : i32
    %dma_wait3A_2156 = tpu.memref_slice %arg7[%dma_wait3A_2145, %get3A_122, %dma_wait3A_2154, %dma_wait3A_2155] : memref<32x64x32x512xf32, #tpu.memory_space<hbm>> -> memref<1x1x32x512xf32, #tpu.memory_space<hbm>>
    %dma_wait3A_2157 = tpu.memref_squeeze %dma_wait3A_2156 : memref<1x1x32x512xf32, #tpu.memory_space<hbm>> -> memref<32x512xf32, #tpu.memory_space<hbm>>
    tpu.wait_dma2 semaphore(%dma_wait3A_2149 : memref<!tpu.dma_semaphore, #tpu.memory_space<semaphore_mem>>) src(%dma_wait3A_2157 : memref<32x512xf32, #tpu.memory_space<hbm>>) dst(%dma_wait3A_2153 : memref<32x512xf32, #tpu.memory_space<vmem>>)
    %dma_wait3A_2158 = arith.constant 7 : i32
    %dma_wait3A_2159 = arith.constant 7 : i32
    %dma_wait3A_2160 = arith.constant 0 : i32
    %dma_wait3A_2161 = tpu.memref_slice %arg22[%dma_wait3A_2160] : memref<4x!tpu.dma_semaphore, #tpu.memory_space<semaphore_mem>> -> memref<1x!tpu.dma_semaphore, #tpu.memory_space<semaphore_mem>>
    %dma_wait3A_2162 = tpu.memref_squeeze %dma_wait3A_2161 : memref<1x!tpu.dma_semaphore, #tpu.memory_space<semaphore_mem>> -> memref<!tpu.dma_semaphore, #tpu.memory_space<semaphore_mem>>
    %dma_wait3A_2163 = arith.constant 0 : i32
    %dma_wait3A_2164 = arith.constant 0 : i32
    %dma_wait3A_2165 = tpu.memref_slice %arg14[%dma_wait3A_2159, %dma_wait3A_2163, %dma_wait3A_2164] : memref<8x64x512xf32, #tpu.memory_space<vmem>> -> memref<1x32x512xf32, #tpu.memory_space<vmem>>
    %dma_wait3A_2166 = tpu.memref_squeeze %dma_wait3A_2165 : memref<1x32x512xf32, #tpu.memory_space<vmem>> -> memref<32x512xf32, #tpu.memory_space<vmem>>
    %dma_wait3A_2167 = arith.constant 0 : i32
    %dma_wait3A_2168 = arith.constant 0 : i32
    %dma_wait3A_2169 = tpu.memref_slice %arg7[%dma_wait3A_2158, %get3A_125, %dma_wait3A_2167, %dma_wait3A_2168] : memref<32x64x32x512xf32, #tpu.memory_space<hbm>> -> memref<1x1x32x512xf32, #tpu.memory_space<hbm>>
    %dma_wait3A_2170 = tpu.memref_squeeze %dma_wait3A_2169 : memref<1x1x32x512xf32, #tpu.memory_space<hbm>> -> memref<32x512xf32, #tpu.memory_space<hbm>>
    tpu.wait_dma2 semaphore(%dma_wait3A_2162 : memref<!tpu.dma_semaphore, #tpu.memory_space<semaphore_mem>>) src(%dma_wait3A_2170 : memref<32x512xf32, #tpu.memory_space<hbm>>) dst(%dma_wait3A_2166 : memref<32x512xf32, #tpu.memory_space<vmem>>)
    %dma_wait3A_2171 = arith.constant 7 : i32
    %dma_wait3A_2172 = arith.constant 7 : i32
    %dma_wait3A_2173 = arith.constant 0 : i32
    %dma_wait3A_2174 = tpu.memref_slice %arg22[%dma_wait3A_2173] : memref<4x!tpu.dma_semaphore, #tpu.memory_space<semaphore_mem>> -> memref<1x!tpu.dma_semaphore, #tpu.memory_space<semaphore_mem>>
    %dma_wait3A_2175 = tpu.memref_squeeze %dma_wait3A_2174 : memref<1x!tpu.dma_semaphore, #tpu.memory_space<semaphore_mem>> -> memref<!tpu.dma_semaphore, #tpu.memory_space<semaphore_mem>>
    %dma_wait3A_2176 = arith.constant 32 : i32
    %dma_wait3A_2177 = arith.constant 0 : i32
    %dma_wait3A_2178 = tpu.memref_slice %arg14[%dma_wait3A_2172, %dma_wait3A_2176, %dma_wait3A_2177] : memref<8x64x512xf32, #tpu.memory_space<vmem>> -> memref<1x32x512xf32, #tpu.memory_space<vmem>>
    %dma_wait3A_2179 = tpu.memref_squeeze %dma_wait3A_2178 : memref<1x32x512xf32, #tpu.memory_space<vmem>> -> memref<32x512xf32, #tpu.memory_space<vmem>>
    %dma_wait3A_2180 = arith.constant 0 : i32
    %dma_wait3A_2181 = arith.constant 0 : i32
    %dma_wait3A_2182 = tpu.memref_slice %arg7[%dma_wait3A_2171, %get3A_128, %dma_wait3A_2180, %dma_wait3A_2181] : memref<32x64x32x512xf32, #tpu.memory_space<hbm>> -> memref<1x1x32x512xf32, #tpu.memory_space<hbm>>
    %dma_wait3A_2183 = tpu.memref_squeeze %dma_wait3A_2182 : memref<1x1x32x512xf32, #tpu.memory_space<hbm>> -> memref<32x512xf32, #tpu.memory_space<hbm>>
    tpu.wait_dma2 semaphore(%dma_wait3A_2175 : memref<!tpu.dma_semaphore, #tpu.memory_space<semaphore_mem>>) src(%dma_wait3A_2183 : memref<32x512xf32, #tpu.memory_space<hbm>>) dst(%dma_wait3A_2179 : memref<32x512xf32, #tpu.memory_space<vmem>>)
    %get3A_2184 = arith.constant 0 : index
    %get3A_2185 = arith.constant 0 : index
    %get3A_2186 = arith.constant 0 : index
    %get3A_2187 = vector.load %arg14[%get3A_2184, %get3A_2185, %get3A_2186] : memref<8x64x512xf32, #tpu.memory_space<vmem>>, vector<8x64x512xf32>
    %slice3A = vector.extract_strided_slice %add3A_1947 {offsets = [0, 0], sizes = [8, 512], strides = [1, 1]} : vector<32x512xf32> to vector<8x512xf32>
    %broadcast_in_dim3A_2188 = vector.shape_cast %slice3A : vector<8x512xf32> to vector<8x1x512xf32>
    %add3A_2189 = vector.broadcast %broadcast_in_dim3A_2188 : vector<8x1x512xf32> to vector<8x64x512xf32>
    %add3A_2190 = arith.addf %get3A_2187, %add3A_2189 : vector<8x64x512xf32>
    %slice3A_2191 = vector.extract_strided_slice %concatenate3A_1965 {offsets = [0, 0], sizes = [8, 64], strides = [1, 1]} : vector<32x64xf32> to vector<8x64xf32>
    %broadcast_in_dim3A_2192 = vector.shape_cast %slice3A_2191 : vector<8x64xf32> to vector<8x64x1xf32>
    %broadcast_in_dim3A_2193 = vector.shape_cast %get3A_1976 : vector<1x512xf32> to vector<1x1x512xf32>
    %mul3A_2194 = vector.broadcast %broadcast_in_dim3A_2192 : vector<8x64x1xf32> to vector<8x64x512xf32>
    %mul3A_2195 = vector.broadcast %broadcast_in_dim3A_2193 : vector<1x1x512xf32> to vector<8x64x512xf32>
    %mul3A_2196 = arith.mulf %mul3A_2194, %mul3A_2195 : vector<8x64x512xf32>
    %add3A_2197 = arith.addf %add3A_2190, %mul3A_2196 : vector<8x64x512xf32>
    %tanh3A = math.tanh %add3A_2197 : vector<8x64x512xf32>
    %broadcast_in_dim3A_2198 = vector.shape_cast %get3A_1973 : vector<1x512xf32> to vector<1x1x512xf32>
    %mul3A_2199 = vector.broadcast %broadcast_in_dim3A_2198 : vector<1x1x512xf32> to vector<8x64x512xf32>
    %mul3A_2200 = arith.mulf %tanh3A, %mul3A_2199 : vector<8x64x512xf32>
    %reduce_sum3A = arith.constant dense<0.000000e+00> : vector<8x64xf32>
    %reduce_sum3A_2201 = vector.multi_reduction <add>, %mul3A_2200, %reduce_sum3A [2] : vector<8x64x512xf32> to vector<8x64xf32>
    %reduce_max3A_2202 = arith.constant dense<0xFF800000> : vector<8xf32>
    %reduce_max3A_2203 = vector.multi_reduction <maximumf>, %reduce_sum3A_2201, %reduce_max3A_2202 [1] : vector<8x64xf32> to vector<8xf32>
    %broadcast_in_dim3A_2204 = vector.shape_cast %reduce_max3A_2203 : vector<8xf32> to vector<8x1xf32>
    %sub3A_2205 = vector.broadcast %broadcast_in_dim3A_2204 : vector<8x1xf32> to vector<8x64xf32>
    %sub3A_2206 = arith.subf %reduce_sum3A_2201, %sub3A_2205 : vector<8x64xf32>
    %exp3A = math.exp %sub3A_2206 : vector<8x64xf32>
    %slice3A_2207 = vector.extract_strided_slice %concatenate3A {offsets = [0, 0], sizes = [8, 64], strides = [1, 1]} : vector<32x64xf32> to vector<8x64xf32>
    %mul3A_2208 = arith.mulf %exp3A, %slice3A_2207 : vector<8x64xf32>
    %slice3A_2209 = vector.extract_strided_slice %concatenate3A_1970 {offsets = [0, 0], sizes = [8, 64], strides = [1, 1]} : vector<32x64xf32> to vector<8x64xf32>
    %mul3A_2210 = arith.mulf %mul3A_2208, %slice3A_2209 : vector<8x64xf32>
    %reduce_sum3A_2211 = arith.constant dense<0.000000e+00> : vector<8xf32>
    %reduce_sum3A_2212 = vector.multi_reduction <add>, %mul3A_2210, %reduce_sum3A_2211 [1] : vector<8x64xf32> to vector<8xf32>
    %broadcast_in_dim3A_2213 = vector.shape_cast %reduce_sum3A_2212 : vector<8xf32> to vector<8x1xf32>
    %div3A_2214 = vector.broadcast %broadcast_in_dim3A_2213 : vector<8x1xf32> to vector<8x64xf32>
    %div3A_2215 = arith.divf %mul3A_2210, %div3A_2214 : vector<8x64xf32>
    %dma_wait3A_2216 = arith.constant 0 : i32
    %dma_wait3A_2217 = arith.constant 0 : i32
    %dma_wait3A_2218 = arith.constant 0 : i32
    %dma_wait3A_2219 = tpu.memref_slice %arg23[%dma_wait3A_2218] : memref<4x!tpu.dma_semaphore, #tpu.memory_space<semaphore_mem>> -> memref<1x!tpu.dma_semaphore, #tpu.memory_space<semaphore_mem>>
    %dma_wait3A_2220 = tpu.memref_squeeze %dma_wait3A_2219 : memref<1x!tpu.dma_semaphore, #tpu.memory_space<semaphore_mem>> -> memref<!tpu.dma_semaphore, #tpu.memory_space<semaphore_mem>>
    %dma_wait3A_2221 = arith.constant 0 : i32
    %dma_wait3A_2222 = arith.constant 0 : i32
    %dma_wait3A_2223 = tpu.memref_slice %arg18[%dma_wait3A_2217, %dma_wait3A_2221, %dma_wait3A_2222] : memref<8x64x512xf32, #tpu.memory_space<vmem>> -> memref<1x32x512xf32, #tpu.memory_space<vmem>>
    %dma_wait3A_2224 = tpu.memref_squeeze %dma_wait3A_2223 : memref<1x32x512xf32, #tpu.memory_space<vmem>> -> memref<32x512xf32, #tpu.memory_space<vmem>>
    %dma_wait3A_2225 = arith.constant 0 : i32
    %dma_wait3A_2226 = arith.constant 0 : i32
    %dma_wait3A_2227 = tpu.memref_slice %arg8[%dma_wait3A_2216, %get3A_83, %dma_wait3A_2225, %dma_wait3A_2226] : memref<32x64x32x512xf32, #tpu.memory_space<hbm>> -> memref<1x1x32x512xf32, #tpu.memory_space<hbm>>
    %dma_wait3A_2228 = tpu.memref_squeeze %dma_wait3A_2227 : memref<1x1x32x512xf32, #tpu.memory_space<hbm>> -> memref<32x512xf32, #tpu.memory_space<hbm>>
    tpu.wait_dma2 semaphore(%dma_wait3A_2220 : memref<!tpu.dma_semaphore, #tpu.memory_space<semaphore_mem>>) src(%dma_wait3A_2228 : memref<32x512xf32, #tpu.memory_space<hbm>>) dst(%dma_wait3A_2224 : memref<32x512xf32, #tpu.memory_space<vmem>>)
    %dma_wait3A_2229 = arith.constant 0 : i32
    %dma_wait3A_2230 = arith.constant 0 : i32
    %dma_wait3A_2231 = arith.constant 0 : i32
    %dma_wait3A_2232 = tpu.memref_slice %arg23[%dma_wait3A_2231] : memref<4x!tpu.dma_semaphore, #tpu.memory_space<semaphore_mem>> -> memref<1x!tpu.dma_semaphore, #tpu.memory_space<semaphore_mem>>
    %dma_wait3A_2233 = tpu.memref_squeeze %dma_wait3A_2232 : memref<1x!tpu.dma_semaphore, #tpu.memory_space<semaphore_mem>> -> memref<!tpu.dma_semaphore, #tpu.memory_space<semaphore_mem>>
    %dma_wait3A_2234 = arith.constant 32 : i32
    %dma_wait3A_2235 = arith.constant 0 : i32
    %dma_wait3A_2236 = tpu.memref_slice %arg18[%dma_wait3A_2230, %dma_wait3A_2234, %dma_wait3A_2235] : memref<8x64x512xf32, #tpu.memory_space<vmem>> -> memref<1x32x512xf32, #tpu.memory_space<vmem>>
    %dma_wait3A_2237 = tpu.memref_squeeze %dma_wait3A_2236 : memref<1x32x512xf32, #tpu.memory_space<vmem>> -> memref<32x512xf32, #tpu.memory_space<vmem>>
    %dma_wait3A_2238 = arith.constant 0 : i32
    %dma_wait3A_2239 = arith.constant 0 : i32
    %dma_wait3A_2240 = tpu.memref_slice %arg8[%dma_wait3A_2229, %get3A_86, %dma_wait3A_2238, %dma_wait3A_2239] : memref<32x64x32x512xf32, #tpu.memory_space<hbm>> -> memref<1x1x32x512xf32, #tpu.memory_space<hbm>>
    %dma_wait3A_2241 = tpu.memref_squeeze %dma_wait3A_2240 : memref<1x1x32x512xf32, #tpu.memory_space<hbm>> -> memref<32x512xf32, #tpu.memory_space<hbm>>
    tpu.wait_dma2 semaphore(%dma_wait3A_2233 : memref<!tpu.dma_semaphore, #tpu.memory_space<semaphore_mem>>) src(%dma_wait3A_2241 : memref<32x512xf32, #tpu.memory_space<hbm>>) dst(%dma_wait3A_2237 : memref<32x512xf32, #tpu.memory_space<vmem>>)
    %dma_wait3A_2242 = arith.constant 1 : i32
    %dma_wait3A_2243 = arith.constant 1 : i32
    %dma_wait3A_2244 = arith.constant 0 : i32
    %dma_wait3A_2245 = tpu.memref_slice %arg23[%dma_wait3A_2244] : memref<4x!tpu.dma_semaphore, #tpu.memory_space<semaphore_mem>> -> memref<1x!tpu.dma_semaphore, #tpu.memory_space<semaphore_mem>>
    %dma_wait3A_2246 = tpu.memref_squeeze %dma_wait3A_2245 : memref<1x!tpu.dma_semaphore, #tpu.memory_space<semaphore_mem>> -> memref<!tpu.dma_semaphore, #tpu.memory_space<semaphore_mem>>
    %dma_wait3A_2247 = arith.constant 0 : i32
    %dma_wait3A_2248 = arith.constant 0 : i32
    %dma_wait3A_2249 = tpu.memref_slice %arg18[%dma_wait3A_2243, %dma_wait3A_2247, %dma_wait3A_2248] : memref<8x64x512xf32, #tpu.memory_space<vmem>> -> memref<1x32x512xf32, #tpu.memory_space<vmem>>
    %dma_wait3A_2250 = tpu.memref_squeeze %dma_wait3A_2249 : memref<1x32x512xf32, #tpu.memory_space<vmem>> -> memref<32x512xf32, #tpu.memory_space<vmem>>
    %dma_wait3A_2251 = arith.constant 0 : i32
    %dma_wait3A_2252 = arith.constant 0 : i32
    %dma_wait3A_2253 = tpu.memref_slice %arg8[%dma_wait3A_2242, %get3A_89, %dma_wait3A_2251, %dma_wait3A_2252] : memref<32x64x32x512xf32, #tpu.memory_space<hbm>> -> memref<1x1x32x512xf32, #tpu.memory_space<hbm>>
    %dma_wait3A_2254 = tpu.memref_squeeze %dma_wait3A_2253 : memref<1x1x32x512xf32, #tpu.memory_space<hbm>> -> memref<32x512xf32, #tpu.memory_space<hbm>>
    tpu.wait_dma2 semaphore(%dma_wait3A_2246 : memref<!tpu.dma_semaphore, #tpu.memory_space<semaphore_mem>>) src(%dma_wait3A_2254 : memref<32x512xf32, #tpu.memory_space<hbm>>) dst(%dma_wait3A_2250 : memref<32x512xf32, #tpu.memory_space<vmem>>)
    %dma_wait3A_2255 = arith.constant 1 : i32
    %dma_wait3A_2256 = arith.constant 1 : i32
    %dma_wait3A_2257 = arith.constant 0 : i32
    %dma_wait3A_2258 = tpu.memref_slice %arg23[%dma_wait3A_2257] : memref<4x!tpu.dma_semaphore, #tpu.memory_space<semaphore_mem>> -> memref<1x!tpu.dma_semaphore, #tpu.memory_space<semaphore_mem>>
    %dma_wait3A_2259 = tpu.memref_squeeze %dma_wait3A_2258 : memref<1x!tpu.dma_semaphore, #tpu.memory_space<semaphore_mem>> -> memref<!tpu.dma_semaphore, #tpu.memory_space<semaphore_mem>>
    %dma_wait3A_2260 = arith.constant 32 : i32
    %dma_wait3A_2261 = arith.constant 0 : i32
    %dma_wait3A_2262 = tpu.memref_slice %arg18[%dma_wait3A_2256, %dma_wait3A_2260, %dma_wait3A_2261] : memref<8x64x512xf32, #tpu.memory_space<vmem>> -> memref<1x32x512xf32, #tpu.memory_space<vmem>>
    %dma_wait3A_2263 = tpu.memref_squeeze %dma_wait3A_2262 : memref<1x32x512xf32, #tpu.memory_space<vmem>> -> memref<32x512xf32, #tpu.memory_space<vmem>>
    %dma_wait3A_2264 = arith.constant 0 : i32
    %dma_wait3A_2265 = arith.constant 0 : i32
    %dma_wait3A_2266 = tpu.memref_slice %arg8[%dma_wait3A_2255, %get3A_92, %dma_wait3A_2264, %dma_wait3A_2265] : memref<32x64x32x512xf32, #tpu.memory_space<hbm>> -> memref<1x1x32x512xf32, #tpu.memory_space<hbm>>
    %dma_wait3A_2267 = tpu.memref_squeeze %dma_wait3A_2266 : memref<1x1x32x512xf32, #tpu.memory_space<hbm>> -> memref<32x512xf32, #tpu.memory_space<hbm>>
    tpu.wait_dma2 semaphore(%dma_wait3A_2259 : memref<!tpu.dma_semaphore, #tpu.memory_space<semaphore_mem>>) src(%dma_wait3A_2267 : memref<32x512xf32, #tpu.memory_space<hbm>>) dst(%dma_wait3A_2263 : memref<32x512xf32, #tpu.memory_space<vmem>>)
    %dma_wait3A_2268 = arith.constant 2 : i32
    %dma_wait3A_2269 = arith.constant 2 : i32
    %dma_wait3A_2270 = arith.constant 0 : i32
    %dma_wait3A_2271 = tpu.memref_slice %arg23[%dma_wait3A_2270] : memref<4x!tpu.dma_semaphore, #tpu.memory_space<semaphore_mem>> -> memref<1x!tpu.dma_semaphore, #tpu.memory_space<semaphore_mem>>
    %dma_wait3A_2272 = tpu.memref_squeeze %dma_wait3A_2271 : memref<1x!tpu.dma_semaphore, #tpu.memory_space<semaphore_mem>> -> memref<!tpu.dma_semaphore, #tpu.memory_space<semaphore_mem>>
    %dma_wait3A_2273 = arith.constant 0 : i32
    %dma_wait3A_2274 = arith.constant 0 : i32
    %dma_wait3A_2275 = tpu.memref_slice %arg18[%dma_wait3A_2269, %dma_wait3A_2273, %dma_wait3A_2274] : memref<8x64x512xf32, #tpu.memory_space<vmem>> -> memref<1x32x512xf32, #tpu.memory_space<vmem>>
    %dma_wait3A_2276 = tpu.memref_squeeze %dma_wait3A_2275 : memref<1x32x512xf32, #tpu.memory_space<vmem>> -> memref<32x512xf32, #tpu.memory_space<vmem>>
    %dma_wait3A_2277 = arith.constant 0 : i32
    %dma_wait3A_2278 = arith.constant 0 : i32
    %dma_wait3A_2279 = tpu.memref_slice %arg8[%dma_wait3A_2268, %get3A_95, %dma_wait3A_2277, %dma_wait3A_2278] : memref<32x64x32x512xf32, #tpu.memory_space<hbm>> -> memref<1x1x32x512xf32, #tpu.memory_space<hbm>>
    %dma_wait3A_2280 = tpu.memref_squeeze %dma_wait3A_2279 : memref<1x1x32x512xf32, #tpu.memory_space<hbm>> -> memref<32x512xf32, #tpu.memory_space<hbm>>
    tpu.wait_dma2 semaphore(%dma_wait3A_2272 : memref<!tpu.dma_semaphore, #tpu.memory_space<semaphore_mem>>) src(%dma_wait3A_2280 : memref<32x512xf32, #tpu.memory_space<hbm>>) dst(%dma_wait3A_2276 : memref<32x512xf32, #tpu.memory_space<vmem>>)
    %dma_wait3A_2281 = arith.constant 2 : i32
    %dma_wait3A_2282 = arith.constant 2 : i32
    %dma_wait3A_2283 = arith.constant 0 : i32
    %dma_wait3A_2284 = tpu.memref_slice %arg23[%dma_wait3A_2283] : memref<4x!tpu.dma_semaphore, #tpu.memory_space<semaphore_mem>> -> memref<1x!tpu.dma_semaphore, #tpu.memory_space<semaphore_mem>>
    %dma_wait3A_2285 = tpu.memref_squeeze %dma_wait3A_2284 : memref<1x!tpu.dma_semaphore, #tpu.memory_space<semaphore_mem>> -> memref<!tpu.dma_semaphore, #tpu.memory_space<semaphore_mem>>
    %dma_wait3A_2286 = arith.constant 32 : i32
    %dma_wait3A_2287 = arith.constant 0 : i32
    %dma_wait3A_2288 = tpu.memref_slice %arg18[%dma_wait3A_2282, %dma_wait3A_2286, %dma_wait3A_2287] : memref<8x64x512xf32, #tpu.memory_space<vmem>> -> memref<1x32x512xf32, #tpu.memory_space<vmem>>
    %dma_wait3A_2289 = tpu.memref_squeeze %dma_wait3A_2288 : memref<1x32x512xf32, #tpu.memory_space<vmem>> -> memref<32x512xf32, #tpu.memory_space<vmem>>
    %dma_wait3A_2290 = arith.constant 0 : i32
    %dma_wait3A_2291 = arith.constant 0 : i32
    %dma_wait3A_2292 = tpu.memref_slice %arg8[%dma_wait3A_2281, %get3A_98, %dma_wait3A_2290, %dma_wait3A_2291] : memref<32x64x32x512xf32, #tpu.memory_space<hbm>> -> memref<1x1x32x512xf32, #tpu.memory_space<hbm>>
    %dma_wait3A_2293 = tpu.memref_squeeze %dma_wait3A_2292 : memref<1x1x32x512xf32, #tpu.memory_space<hbm>> -> memref<32x512xf32, #tpu.memory_space<hbm>>
    tpu.wait_dma2 semaphore(%dma_wait3A_2285 : memref<!tpu.dma_semaphore, #tpu.memory_space<semaphore_mem>>) src(%dma_wait3A_2293 : memref<32x512xf32, #tpu.memory_space<hbm>>) dst(%dma_wait3A_2289 : memref<32x512xf32, #tpu.memory_space<vmem>>)
    %dma_wait3A_2294 = arith.constant 3 : i32
    %dma_wait3A_2295 = arith.constant 3 : i32
    %dma_wait3A_2296 = arith.constant 0 : i32
    %dma_wait3A_2297 = tpu.memref_slice %arg23[%dma_wait3A_2296] : memref<4x!tpu.dma_semaphore, #tpu.memory_space<semaphore_mem>> -> memref<1x!tpu.dma_semaphore, #tpu.memory_space<semaphore_mem>>
    %dma_wait3A_2298 = tpu.memref_squeeze %dma_wait3A_2297 : memref<1x!tpu.dma_semaphore, #tpu.memory_space<semaphore_mem>> -> memref<!tpu.dma_semaphore, #tpu.memory_space<semaphore_mem>>
    %dma_wait3A_2299 = arith.constant 0 : i32
    %dma_wait3A_2300 = arith.constant 0 : i32
    %dma_wait3A_2301 = tpu.memref_slice %arg18[%dma_wait3A_2295, %dma_wait3A_2299, %dma_wait3A_2300] : memref<8x64x512xf32, #tpu.memory_space<vmem>> -> memref<1x32x512xf32, #tpu.memory_space<vmem>>
    %dma_wait3A_2302 = tpu.memref_squeeze %dma_wait3A_2301 : memref<1x32x512xf32, #tpu.memory_space<vmem>> -> memref<32x512xf32, #tpu.memory_space<vmem>>
    %dma_wait3A_2303 = arith.constant 0 : i32
    %dma_wait3A_2304 = arith.constant 0 : i32
    %dma_wait3A_2305 = tpu.memref_slice %arg8[%dma_wait3A_2294, %get3A_101, %dma_wait3A_2303, %dma_wait3A_2304] : memref<32x64x32x512xf32, #tpu.memory_space<hbm>> -> memref<1x1x32x512xf32, #tpu.memory_space<hbm>>
    %dma_wait3A_2306 = tpu.memref_squeeze %dma_wait3A_2305 : memref<1x1x32x512xf32, #tpu.memory_space<hbm>> -> memref<32x512xf32, #tpu.memory_space<hbm>>
    tpu.wait_dma2 semaphore(%dma_wait3A_2298 : memref<!tpu.dma_semaphore, #tpu.memory_space<semaphore_mem>>) src(%dma_wait3A_2306 : memref<32x512xf32, #tpu.memory_space<hbm>>) dst(%dma_wait3A_2302 : memref<32x512xf32, #tpu.memory_space<vmem>>)
    %dma_wait3A_2307 = arith.constant 3 : i32
    %dma_wait3A_2308 = arith.constant 3 : i32
    %dma_wait3A_2309 = arith.constant 0 : i32
    %dma_wait3A_2310 = tpu.memref_slice %arg23[%dma_wait3A_2309] : memref<4x!tpu.dma_semaphore, #tpu.memory_space<semaphore_mem>> -> memref<1x!tpu.dma_semaphore, #tpu.memory_space<semaphore_mem>>
    %dma_wait3A_2311 = tpu.memref_squeeze %dma_wait3A_2310 : memref<1x!tpu.dma_semaphore, #tpu.memory_space<semaphore_mem>> -> memref<!tpu.dma_semaphore, #tpu.memory_space<semaphore_mem>>
    %dma_wait3A_2312 = arith.constant 32 : i32
    %dma_wait3A_2313 = arith.constant 0 : i32
    %dma_wait3A_2314 = tpu.memref_slice %arg18[%dma_wait3A_2308, %dma_wait3A_2312, %dma_wait3A_2313] : memref<8x64x512xf32, #tpu.memory_space<vmem>> -> memref<1x32x512xf32, #tpu.memory_space<vmem>>
    %dma_wait3A_2315 = tpu.memref_squeeze %dma_wait3A_2314 : memref<1x32x512xf32, #tpu.memory_space<vmem>> -> memref<32x512xf32, #tpu.memory_space<vmem>>
    %dma_wait3A_2316 = arith.constant 0 : i32
    %dma_wait3A_2317 = arith.constant 0 : i32
    %dma_wait3A_2318 = tpu.memref_slice %arg8[%dma_wait3A_2307, %get3A_104, %dma_wait3A_2316, %dma_wait3A_2317] : memref<32x64x32x512xf32, #tpu.memory_space<hbm>> -> memref<1x1x32x512xf32, #tpu.memory_space<hbm>>
    %dma_wait3A_2319 = tpu.memref_squeeze %dma_wait3A_2318 : memref<1x1x32x512xf32, #tpu.memory_space<hbm>> -> memref<32x512xf32, #tpu.memory_space<hbm>>
    tpu.wait_dma2 semaphore(%dma_wait3A_2311 : memref<!tpu.dma_semaphore, #tpu.memory_space<semaphore_mem>>) src(%dma_wait3A_2319 : memref<32x512xf32, #tpu.memory_space<hbm>>) dst(%dma_wait3A_2315 : memref<32x512xf32, #tpu.memory_space<vmem>>)
    %dma_wait3A_2320 = arith.constant 4 : i32
    %dma_wait3A_2321 = arith.constant 4 : i32
    %dma_wait3A_2322 = arith.constant 0 : i32
    %dma_wait3A_2323 = tpu.memref_slice %arg23[%dma_wait3A_2322] : memref<4x!tpu.dma_semaphore, #tpu.memory_space<semaphore_mem>> -> memref<1x!tpu.dma_semaphore, #tpu.memory_space<semaphore_mem>>
    %dma_wait3A_2324 = tpu.memref_squeeze %dma_wait3A_2323 : memref<1x!tpu.dma_semaphore, #tpu.memory_space<semaphore_mem>> -> memref<!tpu.dma_semaphore, #tpu.memory_space<semaphore_mem>>
    %dma_wait3A_2325 = arith.constant 0 : i32
    %dma_wait3A_2326 = arith.constant 0 : i32
    %dma_wait3A_2327 = tpu.memref_slice %arg18[%dma_wait3A_2321, %dma_wait3A_2325, %dma_wait3A_2326] : memref<8x64x512xf32, #tpu.memory_space<vmem>> -> memref<1x32x512xf32, #tpu.memory_space<vmem>>
    %dma_wait3A_2328 = tpu.memref_squeeze %dma_wait3A_2327 : memref<1x32x512xf32, #tpu.memory_space<vmem>> -> memref<32x512xf32, #tpu.memory_space<vmem>>
    %dma_wait3A_2329 = arith.constant 0 : i32
    %dma_wait3A_2330 = arith.constant 0 : i32
    %dma_wait3A_2331 = tpu.memref_slice %arg8[%dma_wait3A_2320, %get3A_107, %dma_wait3A_2329, %dma_wait3A_2330] : memref<32x64x32x512xf32, #tpu.memory_space<hbm>> -> memref<1x1x32x512xf32, #tpu.memory_space<hbm>>
    %dma_wait3A_2332 = tpu.memref_squeeze %dma_wait3A_2331 : memref<1x1x32x512xf32, #tpu.memory_space<hbm>> -> memref<32x512xf32, #tpu.memory_space<hbm>>
    tpu.wait_dma2 semaphore(%dma_wait3A_2324 : memref<!tpu.dma_semaphore, #tpu.memory_space<semaphore_mem>>) src(%dma_wait3A_2332 : memref<32x512xf32, #tpu.memory_space<hbm>>) dst(%dma_wait3A_2328 : memref<32x512xf32, #tpu.memory_space<vmem>>)
    %dma_wait3A_2333 = arith.constant 4 : i32
    %dma_wait3A_2334 = arith.constant 4 : i32
    %dma_wait3A_2335 = arith.constant 0 : i32
    %dma_wait3A_2336 = tpu.memref_slice %arg23[%dma_wait3A_2335] : memref<4x!tpu.dma_semaphore, #tpu.memory_space<semaphore_mem>> -> memref<1x!tpu.dma_semaphore, #tpu.memory_space<semaphore_mem>>
    %dma_wait3A_2337 = tpu.memref_squeeze %dma_wait3A_2336 : memref<1x!tpu.dma_semaphore, #tpu.memory_space<semaphore_mem>> -> memref<!tpu.dma_semaphore, #tpu.memory_space<semaphore_mem>>
    %dma_wait3A_2338 = arith.constant 32 : i32
    %dma_wait3A_2339 = arith.constant 0 : i32
    %dma_wait3A_2340 = tpu.memref_slice %arg18[%dma_wait3A_2334, %dma_wait3A_2338, %dma_wait3A_2339] : memref<8x64x512xf32, #tpu.memory_space<vmem>> -> memref<1x32x512xf32, #tpu.memory_space<vmem>>
    %dma_wait3A_2341 = tpu.memref_squeeze %dma_wait3A_2340 : memref<1x32x512xf32, #tpu.memory_space<vmem>> -> memref<32x512xf32, #tpu.memory_space<vmem>>
    %dma_wait3A_2342 = arith.constant 0 : i32
    %dma_wait3A_2343 = arith.constant 0 : i32
    %dma_wait3A_2344 = tpu.memref_slice %arg8[%dma_wait3A_2333, %get3A_110, %dma_wait3A_2342, %dma_wait3A_2343] : memref<32x64x32x512xf32, #tpu.memory_space<hbm>> -> memref<1x1x32x512xf32, #tpu.memory_space<hbm>>
    %dma_wait3A_2345 = tpu.memref_squeeze %dma_wait3A_2344 : memref<1x1x32x512xf32, #tpu.memory_space<hbm>> -> memref<32x512xf32, #tpu.memory_space<hbm>>
    tpu.wait_dma2 semaphore(%dma_wait3A_2337 : memref<!tpu.dma_semaphore, #tpu.memory_space<semaphore_mem>>) src(%dma_wait3A_2345 : memref<32x512xf32, #tpu.memory_space<hbm>>) dst(%dma_wait3A_2341 : memref<32x512xf32, #tpu.memory_space<vmem>>)
    %dma_wait3A_2346 = arith.constant 5 : i32
    %dma_wait3A_2347 = arith.constant 5 : i32
    %dma_wait3A_2348 = arith.constant 0 : i32
    %dma_wait3A_2349 = tpu.memref_slice %arg23[%dma_wait3A_2348] : memref<4x!tpu.dma_semaphore, #tpu.memory_space<semaphore_mem>> -> memref<1x!tpu.dma_semaphore, #tpu.memory_space<semaphore_mem>>
    %dma_wait3A_2350 = tpu.memref_squeeze %dma_wait3A_2349 : memref<1x!tpu.dma_semaphore, #tpu.memory_space<semaphore_mem>> -> memref<!tpu.dma_semaphore, #tpu.memory_space<semaphore_mem>>
    %dma_wait3A_2351 = arith.constant 0 : i32
    %dma_wait3A_2352 = arith.constant 0 : i32
    %dma_wait3A_2353 = tpu.memref_slice %arg18[%dma_wait3A_2347, %dma_wait3A_2351, %dma_wait3A_2352] : memref<8x64x512xf32, #tpu.memory_space<vmem>> -> memref<1x32x512xf32, #tpu.memory_space<vmem>>
    %dma_wait3A_2354 = tpu.memref_squeeze %dma_wait3A_2353 : memref<1x32x512xf32, #tpu.memory_space<vmem>> -> memref<32x512xf32, #tpu.memory_space<vmem>>
    %dma_wait3A_2355 = arith.constant 0 : i32
    %dma_wait3A_2356 = arith.constant 0 : i32
    %dma_wait3A_2357 = tpu.memref_slice %arg8[%dma_wait3A_2346, %get3A_113, %dma_wait3A_2355, %dma_wait3A_2356] : memref<32x64x32x512xf32, #tpu.memory_space<hbm>> -> memref<1x1x32x512xf32, #tpu.memory_space<hbm>>
    %dma_wait3A_2358 = tpu.memref_squeeze %dma_wait3A_2357 : memref<1x1x32x512xf32, #tpu.memory_space<hbm>> -> memref<32x512xf32, #tpu.memory_space<hbm>>
    tpu.wait_dma2 semaphore(%dma_wait3A_2350 : memref<!tpu.dma_semaphore, #tpu.memory_space<semaphore_mem>>) src(%dma_wait3A_2358 : memref<32x512xf32, #tpu.memory_space<hbm>>) dst(%dma_wait3A_2354 : memref<32x512xf32, #tpu.memory_space<vmem>>)
    %dma_wait3A_2359 = arith.constant 5 : i32
    %dma_wait3A_2360 = arith.constant 5 : i32
    %dma_wait3A_2361 = arith.constant 0 : i32
    %dma_wait3A_2362 = tpu.memref_slice %arg23[%dma_wait3A_2361] : memref<4x!tpu.dma_semaphore, #tpu.memory_space<semaphore_mem>> -> memref<1x!tpu.dma_semaphore, #tpu.memory_space<semaphore_mem>>
    %dma_wait3A_2363 = tpu.memref_squeeze %dma_wait3A_2362 : memref<1x!tpu.dma_semaphore, #tpu.memory_space<semaphore_mem>> -> memref<!tpu.dma_semaphore, #tpu.memory_space<semaphore_mem>>
    %dma_wait3A_2364 = arith.constant 32 : i32
    %dma_wait3A_2365 = arith.constant 0 : i32
    %dma_wait3A_2366 = tpu.memref_slice %arg18[%dma_wait3A_2360, %dma_wait3A_2364, %dma_wait3A_2365] : memref<8x64x512xf32, #tpu.memory_space<vmem>> -> memref<1x32x512xf32, #tpu.memory_space<vmem>>
    %dma_wait3A_2367 = tpu.memref_squeeze %dma_wait3A_2366 : memref<1x32x512xf32, #tpu.memory_space<vmem>> -> memref<32x512xf32, #tpu.memory_space<vmem>>
    %dma_wait3A_2368 = arith.constant 0 : i32
    %dma_wait3A_2369 = arith.constant 0 : i32
    %dma_wait3A_2370 = tpu.memref_slice %arg8[%dma_wait3A_2359, %get3A_116, %dma_wait3A_2368, %dma_wait3A_2369] : memref<32x64x32x512xf32, #tpu.memory_space<hbm>> -> memref<1x1x32x512xf32, #tpu.memory_space<hbm>>
    %dma_wait3A_2371 = tpu.memref_squeeze %dma_wait3A_2370 : memref<1x1x32x512xf32, #tpu.memory_space<hbm>> -> memref<32x512xf32, #tpu.memory_space<hbm>>
    tpu.wait_dma2 semaphore(%dma_wait3A_2363 : memref<!tpu.dma_semaphore, #tpu.memory_space<semaphore_mem>>) src(%dma_wait3A_2371 : memref<32x512xf32, #tpu.memory_space<hbm>>) dst(%dma_wait3A_2367 : memref<32x512xf32, #tpu.memory_space<vmem>>)
    %dma_wait3A_2372 = arith.constant 6 : i32
    %dma_wait3A_2373 = arith.constant 6 : i32
    %dma_wait3A_2374 = arith.constant 0 : i32
    %dma_wait3A_2375 = tpu.memref_slice %arg23[%dma_wait3A_2374] : memref<4x!tpu.dma_semaphore, #tpu.memory_space<semaphore_mem>> -> memref<1x!tpu.dma_semaphore, #tpu.memory_space<semaphore_mem>>
    %dma_wait3A_2376 = tpu.memref_squeeze %dma_wait3A_2375 : memref<1x!tpu.dma_semaphore, #tpu.memory_space<semaphore_mem>> -> memref<!tpu.dma_semaphore, #tpu.memory_space<semaphore_mem>>
    %dma_wait3A_2377 = arith.constant 0 : i32
    %dma_wait3A_2378 = arith.constant 0 : i32
    %dma_wait3A_2379 = tpu.memref_slice %arg18[%dma_wait3A_2373, %dma_wait3A_2377, %dma_wait3A_2378] : memref<8x64x512xf32, #tpu.memory_space<vmem>> -> memref<1x32x512xf32, #tpu.memory_space<vmem>>
    %dma_wait3A_2380 = tpu.memref_squeeze %dma_wait3A_2379 : memref<1x32x512xf32, #tpu.memory_space<vmem>> -> memref<32x512xf32, #tpu.memory_space<vmem>>
    %dma_wait3A_2381 = arith.constant 0 : i32
    %dma_wait3A_2382 = arith.constant 0 : i32
    %dma_wait3A_2383 = tpu.memref_slice %arg8[%dma_wait3A_2372, %get3A_119, %dma_wait3A_2381, %dma_wait3A_2382] : memref<32x64x32x512xf32, #tpu.memory_space<hbm>> -> memref<1x1x32x512xf32, #tpu.memory_space<hbm>>
    %dma_wait3A_2384 = tpu.memref_squeeze %dma_wait3A_2383 : memref<1x1x32x512xf32, #tpu.memory_space<hbm>> -> memref<32x512xf32, #tpu.memory_space<hbm>>
    tpu.wait_dma2 semaphore(%dma_wait3A_2376 : memref<!tpu.dma_semaphore, #tpu.memory_space<semaphore_mem>>) src(%dma_wait3A_2384 : memref<32x512xf32, #tpu.memory_space<hbm>>) dst(%dma_wait3A_2380 : memref<32x512xf32, #tpu.memory_space<vmem>>)
    %dma_wait3A_2385 = arith.constant 6 : i32
    %dma_wait3A_2386 = arith.constant 6 : i32
    %dma_wait3A_2387 = arith.constant 0 : i32
    %dma_wait3A_2388 = tpu.memref_slice %arg23[%dma_wait3A_2387] : memref<4x!tpu.dma_semaphore, #tpu.memory_space<semaphore_mem>> -> memref<1x!tpu.dma_semaphore, #tpu.memory_space<semaphore_mem>>
    %dma_wait3A_2389 = tpu.memref_squeeze %dma_wait3A_2388 : memref<1x!tpu.dma_semaphore, #tpu.memory_space<semaphore_mem>> -> memref<!tpu.dma_semaphore, #tpu.memory_space<semaphore_mem>>
    %dma_wait3A_2390 = arith.constant 32 : i32
    %dma_wait3A_2391 = arith.constant 0 : i32
    %dma_wait3A_2392 = tpu.memref_slice %arg18[%dma_wait3A_2386, %dma_wait3A_2390, %dma_wait3A_2391] : memref<8x64x512xf32, #tpu.memory_space<vmem>> -> memref<1x32x512xf32, #tpu.memory_space<vmem>>
    %dma_wait3A_2393 = tpu.memref_squeeze %dma_wait3A_2392 : memref<1x32x512xf32, #tpu.memory_space<vmem>> -> memref<32x512xf32, #tpu.memory_space<vmem>>
    %dma_wait3A_2394 = arith.constant 0 : i32
    %dma_wait3A_2395 = arith.constant 0 : i32
    %dma_wait3A_2396 = tpu.memref_slice %arg8[%dma_wait3A_2385, %get3A_122, %dma_wait3A_2394, %dma_wait3A_2395] : memref<32x64x32x512xf32, #tpu.memory_space<hbm>> -> memref<1x1x32x512xf32, #tpu.memory_space<hbm>>
    %dma_wait3A_2397 = tpu.memref_squeeze %dma_wait3A_2396 : memref<1x1x32x512xf32, #tpu.memory_space<hbm>> -> memref<32x512xf32, #tpu.memory_space<hbm>>
    tpu.wait_dma2 semaphore(%dma_wait3A_2389 : memref<!tpu.dma_semaphore, #tpu.memory_space<semaphore_mem>>) src(%dma_wait3A_2397 : memref<32x512xf32, #tpu.memory_space<hbm>>) dst(%dma_wait3A_2393 : memref<32x512xf32, #tpu.memory_space<vmem>>)
    %dma_wait3A_2398 = arith.constant 7 : i32
    %dma_wait3A_2399 = arith.constant 7 : i32
    %dma_wait3A_2400 = arith.constant 0 : i32
    %dma_wait3A_2401 = tpu.memref_slice %arg23[%dma_wait3A_2400] : memref<4x!tpu.dma_semaphore, #tpu.memory_space<semaphore_mem>> -> memref<1x!tpu.dma_semaphore, #tpu.memory_space<semaphore_mem>>
    %dma_wait3A_2402 = tpu.memref_squeeze %dma_wait3A_2401 : memref<1x!tpu.dma_semaphore, #tpu.memory_space<semaphore_mem>> -> memref<!tpu.dma_semaphore, #tpu.memory_space<semaphore_mem>>
    %dma_wait3A_2403 = arith.constant 0 : i32
    %dma_wait3A_2404 = arith.constant 0 : i32
    %dma_wait3A_2405 = tpu.memref_slice %arg18[%dma_wait3A_2399, %dma_wait3A_2403, %dma_wait3A_2404] : memref<8x64x512xf32, #tpu.memory_space<vmem>> -> memref<1x32x512xf32, #tpu.memory_space<vmem>>
    %dma_wait3A_2406 = tpu.memref_squeeze %dma_wait3A_2405 : memref<1x32x512xf32, #tpu.memory_space<vmem>> -> memref<32x512xf32, #tpu.memory_space<vmem>>
    %dma_wait3A_2407 = arith.constant 0 : i32
    %dma_wait3A_2408 = arith.constant 0 : i32
    %dma_wait3A_2409 = tpu.memref_slice %arg8[%dma_wait3A_2398, %get3A_125, %dma_wait3A_2407, %dma_wait3A_2408] : memref<32x64x32x512xf32, #tpu.memory_space<hbm>> -> memref<1x1x32x512xf32, #tpu.memory_space<hbm>>
    %dma_wait3A_2410 = tpu.memref_squeeze %dma_wait3A_2409 : memref<1x1x32x512xf32, #tpu.memory_space<hbm>> -> memref<32x512xf32, #tpu.memory_space<hbm>>
    tpu.wait_dma2 semaphore(%dma_wait3A_2402 : memref<!tpu.dma_semaphore, #tpu.memory_space<semaphore_mem>>) src(%dma_wait3A_2410 : memref<32x512xf32, #tpu.memory_space<hbm>>) dst(%dma_wait3A_2406 : memref<32x512xf32, #tpu.memory_space<vmem>>)
    %dma_wait3A_2411 = arith.constant 7 : i32
    %dma_wait3A_2412 = arith.constant 7 : i32
    %dma_wait3A_2413 = arith.constant 0 : i32
    %dma_wait3A_2414 = tpu.memref_slice %arg23[%dma_wait3A_2413] : memref<4x!tpu.dma_semaphore, #tpu.memory_space<semaphore_mem>> -> memref<1x!tpu.dma_semaphore, #tpu.memory_space<semaphore_mem>>
    %dma_wait3A_2415 = tpu.memref_squeeze %dma_wait3A_2414 : memref<1x!tpu.dma_semaphore, #tpu.memory_space<semaphore_mem>> -> memref<!tpu.dma_semaphore, #tpu.memory_space<semaphore_mem>>
    %dma_wait3A_2416 = arith.constant 32 : i32
    %dma_wait3A_2417 = arith.constant 0 : i32
    %dma_wait3A_2418 = tpu.memref_slice %arg18[%dma_wait3A_2412, %dma_wait3A_2416, %dma_wait3A_2417] : memref<8x64x512xf32, #tpu.memory_space<vmem>> -> memref<1x32x512xf32, #tpu.memory_space<vmem>>
    %dma_wait3A_2419 = tpu.memref_squeeze %dma_wait3A_2418 : memref<1x32x512xf32, #tpu.memory_space<vmem>> -> memref<32x512xf32, #tpu.memory_space<vmem>>
    %dma_wait3A_2420 = arith.constant 0 : i32
    %dma_wait3A_2421 = arith.constant 0 : i32
    %dma_wait3A_2422 = tpu.memref_slice %arg8[%dma_wait3A_2411, %get3A_128, %dma_wait3A_2420, %dma_wait3A_2421] : memref<32x64x32x512xf32, #tpu.memory_space<hbm>> -> memref<1x1x32x512xf32, #tpu.memory_space<hbm>>
    %dma_wait3A_2423 = tpu.memref_squeeze %dma_wait3A_2422 : memref<1x1x32x512xf32, #tpu.memory_space<hbm>> -> memref<32x512xf32, #tpu.memory_space<hbm>>
    tpu.wait_dma2 semaphore(%dma_wait3A_2415 : memref<!tpu.dma_semaphore, #tpu.memory_space<semaphore_mem>>) src(%dma_wait3A_2423 : memref<32x512xf32, #tpu.memory_space<hbm>>) dst(%dma_wait3A_2419 : memref<32x512xf32, #tpu.memory_space<vmem>>)
    %broadcast_in_dim3A_2424 = vector.shape_cast %div3A_2215 : vector<8x64xf32> to vector<8x64x1xf32>
    %get3A_2425 = arith.constant 0 : index
    %get3A_2426 = arith.constant 0 : index
    %get3A_2427 = arith.constant 0 : index
    %get3A_2428 = vector.load %arg18[%get3A_2425, %get3A_2426, %get3A_2427] : memref<8x64x512xf32, #tpu.memory_space<vmem>>, vector<8x64x512xf32>
    %mul3A_2429 = vector.broadcast %broadcast_in_dim3A_2424 : vector<8x64x1xf32> to vector<8x64x512xf32>
    %mul3A_2430 = arith.mulf %mul3A_2429, %get3A_2428 : vector<8x64x512xf32>
    %reduce_sum3A_2431 = arith.constant dense<0.000000e+00> : vector<8x512xf32>
    %reduce_sum3A_2432 = vector.multi_reduction <add>, %mul3A_2430, %reduce_sum3A_2431 [1] : vector<8x64x512xf32> to vector<8x512xf32>
    %swap3A = arith.constant 0 : index
    %swap3A_2433 = arith.constant 0 : index
    %swap3A_2434 = vector.load %arg11[%swap3A, %swap3A_2433] : memref<32x512xf32, #tpu.memory_space<vmem>>, vector<8x512xf32>
    tpu.vector_store %arg11[%swap3A, %swap3A_2433], %reduce_sum3A_2432 {strides = array<i32>} : memref<32x512xf32, #tpu.memory_space<vmem>>, vector<8x512xf32>,
    %slice3A_2435 = vector.extract_strided_slice %div3A_2215 {offsets = [0, 0], sizes = [8, 32], strides = [1, 1]} : vector<8x64xf32> to vector<8x32xf32>
    %dot_general3A_2436 = arith.constant dense<0.000000e+00> : vector<8x2048xf32>
    %dot_general3A_2437 = tpu.matmul %slice3A_2435, %convert_element_type3A_80, %dot_general3A_2436 {dimension_numbers = #tpu.dot_dimension_numbers<[1], [0], [0], [1], [0, 0, 1, 1], [], []>, transpose_lhs_hint = false} : vector<8x32xf32>, vector<32x2048xf32>, vector<8x2048xf32> -> vector<8x2048xf32>
    %slice3A_2438 = vector.extract_strided_slice %div3A_2215 {offsets = [0, 32], sizes = [8, 32], strides = [1, 1]} : vector<8x64xf32> to vector<8x32xf32>
    %dot_general3A_2439 = arith.constant dense<0.000000e+00> : vector<8x2048xf32>
    %dot_general3A_2440 = tpu.matmul %slice3A_2438, %convert_element_type3A_80, %dot_general3A_2439 {dimension_numbers = #tpu.dot_dimension_numbers<[1], [0], [0], [1], [0, 0, 1, 1], [], []>, transpose_lhs_hint = false} : vector<8x32xf32>, vector<32x2048xf32>, vector<8x2048xf32> -> vector<8x2048xf32>
    %slice3A_2441 = vector.extract_strided_slice %convert_element_type3A_51 {offsets = [0, 0], sizes = [8, 2048], strides = [1, 1]} : vector<32x2048xf32> to vector<8x2048xf32>
    %mul3A_2442 = arith.mulf %slice3A_2441, %dot_general3A_2437 : vector<8x2048xf32>
    %slice3A_2443 = vector.extract_strided_slice %convert_element_type3A_55 {offsets = [0, 0], sizes = [8, 2048], strides = [1, 1]} : vector<32x2048xf32> to vector<8x2048xf32>
    %mul3A_2444 = arith.mulf %slice3A_2443, %dot_general3A_2440 : vector<8x2048xf32>
    %add3A_2445 = arith.addf %mul3A_2442, %mul3A_2444 : vector<8x2048xf32>
    %swap3A_2446 = arith.constant 0 : index
    %swap3A_2447 = arith.constant 0 : index
    %swap3A_2448 = vector.load %arg12[%swap3A_2446, %swap3A_2447] : memref<32x2048xf32, #tpu.memory_space<vmem>>, vector<8x2048xf32>
    tpu.vector_store %arg12[%swap3A_2446, %swap3A_2447], %add3A_2445 {strides = array<i32>} : memref<32x2048xf32, #tpu.memory_space<vmem>>, vector<8x2048xf32>,
    %slice3A_2449 = vector.extract_strided_slice %get3A_1950 {offsets = [0, 0], sizes = [8, 2048], strides = [1, 1]} : vector<32x2048xf32> to vector<8x2048xf32>
    %add3A_2450 = arith.addf %slice3A_2449, %add3A_2445 : vector<8x2048xf32>
    %swap3A_2451 = arith.constant 0 : index
    %swap3A_2452 = arith.constant 0 : index
    %swap3A_2453 = vector.load %arg13[%swap3A_2451, %swap3A_2452] : memref<32x2048xf32, #tpu.memory_space<vmem>>, vector<8x2048xf32>
    tpu.vector_store %arg13[%swap3A_2451, %swap3A_2452], %add3A_2450 {strides = array<i32>} : memref<32x2048xf32, #tpu.memory_space<vmem>>, vector<8x2048xf32>,
    %dma_wait3A_2454 = arith.constant 8 : i32
    %dma_wait3A_2455 = arith.constant 0 : i32
    %dma_wait3A_2456 = arith.constant 1 : i32
    %dma_wait3A_2457 = tpu.memref_slice %arg22[%dma_wait3A_2456] : memref<4x!tpu.dma_semaphore, #tpu.memory_space<semaphore_mem>> -> memref<1x!tpu.dma_semaphore, #tpu.memory_space<semaphore_mem>>
    %dma_wait3A_2458 = tpu.memref_squeeze %dma_wait3A_2457 : memref<1x!tpu.dma_semaphore, #tpu.memory_space<semaphore_mem>> -> memref<!tpu.dma_semaphore, #tpu.memory_space<semaphore_mem>>
    %dma_wait3A_2459 = arith.constant 0 : i32
    %dma_wait3A_2460 = arith.constant 0 : i32
    %dma_wait3A_2461 = tpu.memref_slice %arg15[%dma_wait3A_2455, %dma_wait3A_2459, %dma_wait3A_2460] : memref<8x64x512xf32, #tpu.memory_space<vmem>> -> memref<1x32x512xf32, #tpu.memory_space<vmem>>
    %dma_wait3A_2462 = tpu.memref_squeeze %dma_wait3A_2461 : memref<1x32x512xf32, #tpu.memory_space<vmem>> -> memref<32x512xf32, #tpu.memory_space<vmem>>
    %dma_wait3A_2463 = arith.constant 0 : i32
    %dma_wait3A_2464 = arith.constant 0 : i32
    %dma_wait3A_2465 = tpu.memref_slice %arg7[%dma_wait3A_2454, %get3A_131, %dma_wait3A_2463, %dma_wait3A_2464] : memref<32x64x32x512xf32, #tpu.memory_space<hbm>> -> memref<1x1x32x512xf32, #tpu.memory_space<hbm>>
    %dma_wait3A_2466 = tpu.memref_squeeze %dma_wait3A_2465 : memref<1x1x32x512xf32, #tpu.memory_space<hbm>> -> memref<32x512xf32, #tpu.memory_space<hbm>>
    tpu.wait_dma2 semaphore(%dma_wait3A_2458 : memref<!tpu.dma_semaphore, #tpu.memory_space<semaphore_mem>>) src(%dma_wait3A_2466 : memref<32x512xf32, #tpu.memory_space<hbm>>) dst(%dma_wait3A_2462 : memref<32x512xf32, #tpu.memory_space<vmem>>)
    %dma_wait3A_2467 = arith.constant 8 : i32
    %dma_wait3A_2468 = arith.constant 0 : i32
    %dma_wait3A_2469 = arith.constant 1 : i32
    %dma_wait3A_2470 = tpu.memref_slice %arg22[%dma_wait3A_2469] : memref<4x!tpu.dma_semaphore, #tpu.memory_space<semaphore_mem>> -> memref<1x!tpu.dma_semaphore, #tpu.memory_space<semaphore_mem>>
    %dma_wait3A_2471 = tpu.memref_squeeze %dma_wait3A_2470 : memref<1x!tpu.dma_semaphore, #tpu.memory_space<semaphore_mem>> -> memref<!tpu.dma_semaphore, #tpu.memory_space<semaphore_mem>>
    %dma_wait3A_2472 = arith.constant 32 : i32
    %dma_wait3A_2473 = arith.constant 0 : i32
    %dma_wait3A_2474 = tpu.memref_slice %arg15[%dma_wait3A_2468, %dma_wait3A_2472, %dma_wait3A_2473] : memref<8x64x512xf32, #tpu.memory_space<vmem>> -> memref<1x32x512xf32, #tpu.memory_space<vmem>>
    %dma_wait3A_2475 = tpu.memref_squeeze %dma_wait3A_2474 : memref<1x32x512xf32, #tpu.memory_space<vmem>> -> memref<32x512xf32, #tpu.memory_space<vmem>>
    %dma_wait3A_2476 = arith.constant 0 : i32
    %dma_wait3A_2477 = arith.constant 0 : i32
    %dma_wait3A_2478 = tpu.memref_slice %arg7[%dma_wait3A_2467, %get3A_134, %dma_wait3A_2476, %dma_wait3A_2477] : memref<32x64x32x512xf32, #tpu.memory_space<hbm>> -> memref<1x1x32x512xf32, #tpu.memory_space<hbm>>
    %dma_wait3A_2479 = tpu.memref_squeeze %dma_wait3A_2478 : memref<1x1x32x512xf32, #tpu.memory_space<hbm>> -> memref<32x512xf32, #tpu.memory_space<hbm>>
    tpu.wait_dma2 semaphore(%dma_wait3A_2471 : memref<!tpu.dma_semaphore, #tpu.memory_space<semaphore_mem>>) src(%dma_wait3A_2479 : memref<32x512xf32, #tpu.memory_space<hbm>>) dst(%dma_wait3A_2475 : memref<32x512xf32, #tpu.memory_space<vmem>>)
    %dma_wait3A_2480 = arith.constant 9 : i32
    %dma_wait3A_2481 = arith.constant 1 : i32
    %dma_wait3A_2482 = arith.constant 1 : i32
    %dma_wait3A_2483 = tpu.memref_slice %arg22[%dma_wait3A_2482] : memref<4x!tpu.dma_semaphore, #tpu.memory_space<semaphore_mem>> -> memref<1x!tpu.dma_semaphore, #tpu.memory_space<semaphore_mem>>
    %dma_wait3A_2484 = tpu.memref_squeeze %dma_wait3A_2483 : memref<1x!tpu.dma_semaphore, #tpu.memory_space<semaphore_mem>> -> memref<!tpu.dma_semaphore, #tpu.memory_space<semaphore_mem>>
    %dma_wait3A_2485 = arith.constant 0 : i32
    %dma_wait3A_2486 = arith.constant 0 : i32
    %dma_wait3A_2487 = tpu.memref_slice %arg15[%dma_wait3A_2481, %dma_wait3A_2485, %dma_wait3A_2486] : memref<8x64x512xf32, #tpu.memory_space<vmem>> -> memref<1x32x512xf32, #tpu.memory_space<vmem>>
    %dma_wait3A_2488 = tpu.memref_squeeze %dma_wait3A_2487 : memref<1x32x512xf32, #tpu.memory_space<vmem>> -> memref<32x512xf32, #tpu.memory_space<vmem>>
    %dma_wait3A_2489 = arith.constant 0 : i32
    %dma_wait3A_2490 = arith.constant 0 : i32
    %dma_wait3A_2491 = tpu.memref_slice %arg7[%dma_wait3A_2480, %get3A_137, %dma_wait3A_2489, %dma_wait3A_2490] : memref<32x64x32x512xf32, #tpu.memory_space<hbm>> -> memref<1x1x32x512xf32, #tpu.memory_space<hbm>>
    %dma_wait3A_2492 = tpu.memref_squeeze %dma_wait3A_2491 : memref<1x1x32x512xf32, #tpu.memory_space<hbm>> -> memref<32x512xf32, #tpu.memory_space<hbm>>
    tpu.wait_dma2 semaphore(%dma_wait3A_2484 : memref<!tpu.dma_semaphore, #tpu.memory_space<semaphore_mem>>) src(%dma_wait3A_2492 : memref<32x512xf32, #tpu.memory_space<hbm>>) dst(%dma_wait3A_2488 : memref<32x512xf32, #tpu.memory_space<vmem>>)
    %dma_wait3A_2493 = arith.constant 9 : i32
    %dma_wait3A_2494 = arith.constant 1 : i32
    %dma_wait3A_2495 = arith.constant 1 : i32
    %dma_wait3A_2496 = tpu.memref_slice %arg22[%dma_wait3A_2495] : memref<4x!tpu.dma_semaphore, #tpu.memory_space<semaphore_mem>> -> memref<1x!tpu.dma_semaphore, #tpu.memory_space<semaphore_mem>>
    %dma_wait3A_2497 = tpu.memref_squeeze %dma_wait3A_2496 : memref<1x!tpu.dma_semaphore, #tpu.memory_space<semaphore_mem>> -> memref<!tpu.dma_semaphore, #tpu.memory_space<semaphore_mem>>
    %dma_wait3A_2498 = arith.constant 32 : i32
    %dma_wait3A_2499 = arith.constant 0 : i32
    %dma_wait3A_2500 = tpu.memref_slice %arg15[%dma_wait3A_2494, %dma_wait3A_2498, %dma_wait3A_2499] : memref<8x64x512xf32, #tpu.memory_space<vmem>> -> memref<1x32x512xf32, #tpu.memory_space<vmem>>
    %dma_wait3A_2501 = tpu.memref_squeeze %dma_wait3A_2500 : memref<1x32x512xf32, #tpu.memory_space<vmem>> -> memref<32x512xf32, #tpu.memory_space<vmem>>
    %dma_wait3A_2502 = arith.constant 0 : i32
    %dma_wait3A_2503 = arith.constant 0 : i32
    %dma_wait3A_2504 = tpu.memref_slice %arg7[%dma_wait3A_2493, %get3A_140, %dma_wait3A_2502, %dma_wait3A_2503] : memref<32x64x32x512xf32, #tpu.memory_space<hbm>> -> memref<1x1x32x512xf32, #tpu.memory_space<hbm>>
    %dma_wait3A_2505 = tpu.memref_squeeze %dma_wait3A_2504 : memref<1x1x32x512xf32, #tpu.memory_space<hbm>> -> memref<32x512xf32, #tpu.memory_space<hbm>>
    tpu.wait_dma2 semaphore(%dma_wait3A_2497 : memref<!tpu.dma_semaphore, #tpu.memory_space<semaphore_mem>>) src(%dma_wait3A_2505 : memref<32x512xf32, #tpu.memory_space<hbm>>) dst(%dma_wait3A_2501 : memref<32x512xf32, #tpu.memory_space<vmem>>)
    %dma_wait3A_2506 = arith.constant 10 : i32
    %dma_wait3A_2507 = arith.constant 2 : i32
    %dma_wait3A_2508 = arith.constant 1 : i32
    %dma_wait3A_2509 = tpu.memref_slice %arg22[%dma_wait3A_2508] : memref<4x!tpu.dma_semaphore, #tpu.memory_space<semaphore_mem>> -> memref<1x!tpu.dma_semaphore, #tpu.memory_space<semaphore_mem>>
    %dma_wait3A_2510 = tpu.memref_squeeze %dma_wait3A_2509 : memref<1x!tpu.dma_semaphore, #tpu.memory_space<semaphore_mem>> -> memref<!tpu.dma_semaphore, #tpu.memory_space<semaphore_mem>>
    %dma_wait3A_2511 = arith.constant 0 : i32
    %dma_wait3A_2512 = arith.constant 0 : i32
    %dma_wait3A_2513 = tpu.memref_slice %arg15[%dma_wait3A_2507, %dma_wait3A_2511, %dma_wait3A_2512] : memref<8x64x512xf32, #tpu.memory_space<vmem>> -> memref<1x32x512xf32, #tpu.memory_space<vmem>>
    %dma_wait3A_2514 = tpu.memref_squeeze %dma_wait3A_2513 : memref<1x32x512xf32, #tpu.memory_space<vmem>> -> memref<32x512xf32, #tpu.memory_space<vmem>>
    %dma_wait3A_2515 = arith.constant 0 : i32
    %dma_wait3A_2516 = arith.constant 0 : i32
    %dma_wait3A_2517 = tpu.memref_slice %arg7[%dma_wait3A_2506, %get3A_143, %dma_wait3A_2515, %dma_wait3A_2516] : memref<32x64x32x512xf32, #tpu.memory_space<hbm>> -> memref<1x1x32x512xf32, #tpu.memory_space<hbm>>
    %dma_wait3A_2518 = tpu.memref_squeeze %dma_wait3A_2517 : memref<1x1x32x512xf32, #tpu.memory_space<hbm>> -> memref<32x512xf32, #tpu.memory_space<hbm>>
    tpu.wait_dma2 semaphore(%dma_wait3A_2510 : memref<!tpu.dma_semaphore, #tpu.memory_space<semaphore_mem>>) src(%dma_wait3A_2518 : memref<32x512xf32, #tpu.memory_space<hbm>>) dst(%dma_wait3A_2514 : memref<32x512xf32, #tpu.memory_space<vmem>>)
    %dma_wait3A_2519 = arith.constant 10 : i32
    %dma_wait3A_2520 = arith.constant 2 : i32
    %dma_wait3A_2521 = arith.constant 1 : i32
    %dma_wait3A_2522 = tpu.memref_slice %arg22[%dma_wait3A_2521] : memref<4x!tpu.dma_semaphore, #tpu.memory_space<semaphore_mem>> -> memref<1x!tpu.dma_semaphore, #tpu.memory_space<semaphore_mem>>
    %dma_wait3A_2523 = tpu.memref_squeeze %dma_wait3A_2522 : memref<1x!tpu.dma_semaphore, #tpu.memory_space<semaphore_mem>> -> memref<!tpu.dma_semaphore, #tpu.memory_space<semaphore_mem>>
    %dma_wait3A_2524 = arith.constant 32 : i32
    %dma_wait3A_2525 = arith.constant 0 : i32
    %dma_wait3A_2526 = tpu.memref_slice %arg15[%dma_wait3A_2520, %dma_wait3A_2524, %dma_wait3A_2525] : memref<8x64x512xf32, #tpu.memory_space<vmem>> -> memref<1x32x512xf32, #tpu.memory_space<vmem>>
    %dma_wait3A_2527 = tpu.memref_squeeze %dma_wait3A_2526 : memref<1x32x512xf32, #tpu.memory_space<vmem>> -> memref<32x512xf32, #tpu.memory_space<vmem>>
    %dma_wait3A_2528 = arith.constant 0 : i32
    %dma_wait3A_2529 = arith.constant 0 : i32
    %dma_wait3A_2530 = tpu.memref_slice %arg7[%dma_wait3A_2519, %get3A_146, %dma_wait3A_2528, %dma_wait3A_2529] : memref<32x64x32x512xf32, #tpu.memory_space<hbm>> -> memref<1x1x32x512xf32, #tpu.memory_space<hbm>>
    %dma_wait3A_2531 = tpu.memref_squeeze %dma_wait3A_2530 : memref<1x1x32x512xf32, #tpu.memory_space<hbm>> -> memref<32x512xf32, #tpu.memory_space<hbm>>
    tpu.wait_dma2 semaphore(%dma_wait3A_2523 : memref<!tpu.dma_semaphore, #tpu.memory_space<semaphore_mem>>) src(%dma_wait3A_2531 : memref<32x512xf32, #tpu.memory_space<hbm>>) dst(%dma_wait3A_2527 : memref<32x512xf32, #tpu.memory_space<vmem>>)
    %dma_wait3A_2532 = arith.constant 11 : i32
    %dma_wait3A_2533 = arith.constant 3 : i32
    %dma_wait3A_2534 = arith.constant 1 : i32
    %dma_wait3A_2535 = tpu.memref_slice %arg22[%dma_wait3A_2534] : memref<4x!tpu.dma_semaphore, #tpu.memory_space<semaphore_mem>> -> memref<1x!tpu.dma_semaphore, #tpu.memory_space<semaphore_mem>>
    %dma_wait3A_2536 = tpu.memref_squeeze %dma_wait3A_2535 : memref<1x!tpu.dma_semaphore, #tpu.memory_space<semaphore_mem>> -> memref<!tpu.dma_semaphore, #tpu.memory_space<semaphore_mem>>
    %dma_wait3A_2537 = arith.constant 0 : i32
    %dma_wait3A_2538 = arith.constant 0 : i32
    %dma_wait3A_2539 = tpu.memref_slice %arg15[%dma_wait3A_2533, %dma_wait3A_2537, %dma_wait3A_2538] : memref<8x64x512xf32, #tpu.memory_space<vmem>> -> memref<1x32x512xf32, #tpu.memory_space<vmem>>
    %dma_wait3A_2540 = tpu.memref_squeeze %dma_wait3A_2539 : memref<1x32x512xf32, #tpu.memory_space<vmem>> -> memref<32x512xf32, #tpu.memory_space<vmem>>
    %dma_wait3A_2541 = arith.constant 0 : i32
    %dma_wait3A_2542 = arith.constant 0 : i32
    %dma_wait3A_2543 = tpu.memref_slice %arg7[%dma_wait3A_2532, %get3A_149, %dma_wait3A_2541, %dma_wait3A_2542] : memref<32x64x32x512xf32, #tpu.memory_space<hbm>> -> memref<1x1x32x512xf32, #tpu.memory_space<hbm>>
    %dma_wait3A_2544 = tpu.memref_squeeze %dma_wait3A_2543 : memref<1x1x32x512xf32, #tpu.memory_space<hbm>> -> memref<32x512xf32, #tpu.memory_space<hbm>>
    tpu.wait_dma2 semaphore(%dma_wait3A_2536 : memref<!tpu.dma_semaphore, #tpu.memory_space<semaphore_mem>>) src(%dma_wait3A_2544 : memref<32x512xf32, #tpu.memory_space<hbm>>) dst(%dma_wait3A_2540 : memref<32x512xf32, #tpu.memory_space<vmem>>)
    %dma_wait3A_2545 = arith.constant 11 : i32
    %dma_wait3A_2546 = arith.constant 3 : i32
    %dma_wait3A_2547 = arith.constant 1 : i32
    %dma_wait3A_2548 = tpu.memref_slice %arg22[%dma_wait3A_2547] : memref<4x!tpu.dma_semaphore, #tpu.memory_space<semaphore_mem>> -> memref<1x!tpu.dma_semaphore, #tpu.memory_space<semaphore_mem>>
    %dma_wait3A_2549 = tpu.memref_squeeze %dma_wait3A_2548 : memref<1x!tpu.dma_semaphore, #tpu.memory_space<semaphore_mem>> -> memref<!tpu.dma_semaphore, #tpu.memory_space<semaphore_mem>>
    %dma_wait3A_2550 = arith.constant 32 : i32
    %dma_wait3A_2551 = arith.constant 0 : i32
    %dma_wait3A_2552 = tpu.memref_slice %arg15[%dma_wait3A_2546, %dma_wait3A_2550, %dma_wait3A_2551] : memref<8x64x512xf32, #tpu.memory_space<vmem>> -> memref<1x32x512xf32, #tpu.memory_space<vmem>>
    %dma_wait3A_2553 = tpu.memref_squeeze %dma_wait3A_2552 : memref<1x32x512xf32, #tpu.memory_space<vmem>> -> memref<32x512xf32, #tpu.memory_space<vmem>>
    %dma_wait3A_2554 = arith.constant 0 : i32
    %dma_wait3A_2555 = arith.constant 0 : i32
    %dma_wait3A_2556 = tpu.memref_slice %arg7[%dma_wait3A_2545, %get3A_152, %dma_wait3A_2554, %dma_wait3A_2555] : memref<32x64x32x512xf32, #tpu.memory_space<hbm>> -> memref<1x1x32x512xf32, #tpu.memory_space<hbm>>
    %dma_wait3A_2557 = tpu.memref_squeeze %dma_wait3A_2556 : memref<1x1x32x512xf32, #tpu.memory_space<hbm>> -> memref<32x512xf32, #tpu.memory_space<hbm>>
    tpu.wait_dma2 semaphore(%dma_wait3A_2549 : memref<!tpu.dma_semaphore, #tpu.memory_space<semaphore_mem>>) src(%dma_wait3A_2557 : memref<32x512xf32, #tpu.memory_space<hbm>>) dst(%dma_wait3A_2553 : memref<32x512xf32, #tpu.memory_space<vmem>>)
    %dma_wait3A_2558 = arith.constant 12 : i32
    %dma_wait3A_2559 = arith.constant 4 : i32
    %dma_wait3A_2560 = arith.constant 1 : i32
    %dma_wait3A_2561 = tpu.memref_slice %arg22[%dma_wait3A_2560] : memref<4x!tpu.dma_semaphore, #tpu.memory_space<semaphore_mem>> -> memref<1x!tpu.dma_semaphore, #tpu.memory_space<semaphore_mem>>
    %dma_wait3A_2562 = tpu.memref_squeeze %dma_wait3A_2561 : memref<1x!tpu.dma_semaphore, #tpu.memory_space<semaphore_mem>> -> memref<!tpu.dma_semaphore, #tpu.memory_space<semaphore_mem>>
    %dma_wait3A_2563 = arith.constant 0 : i32
    %dma_wait3A_2564 = arith.constant 0 : i32
    %dma_wait3A_2565 = tpu.memref_slice %arg15[%dma_wait3A_2559, %dma_wait3A_2563, %dma_wait3A_2564] : memref<8x64x512xf32, #tpu.memory_space<vmem>> -> memref<1x32x512xf32, #tpu.memory_space<vmem>>
    %dma_wait3A_2566 = tpu.memref_squeeze %dma_wait3A_2565 : memref<1x32x512xf32, #tpu.memory_space<vmem>> -> memref<32x512xf32, #tpu.memory_space<vmem>>
    %dma_wait3A_2567 = arith.constant 0 : i32
    %dma_wait3A_2568 = arith.constant 0 : i32
    %dma_wait3A_2569 = tpu.memref_slice %arg7[%dma_wait3A_2558, %get3A_155, %dma_wait3A_2567, %dma_wait3A_2568] : memref<32x64x32x512xf32, #tpu.memory_space<hbm>> -> memref<1x1x32x512xf32, #tpu.memory_space<hbm>>
    %dma_wait3A_2570 = tpu.memref_squeeze %dma_wait3A_2569 : memref<1x1x32x512xf32, #tpu.memory_space<hbm>> -> memref<32x512xf32, #tpu.memory_space<hbm>>
    tpu.wait_dma2 semaphore(%dma_wait3A_2562 : memref<!tpu.dma_semaphore, #tpu.memory_space<semaphore_mem>>) src(%dma_wait3A_2570 : memref<32x512xf32, #tpu.memory_space<hbm>>) dst(%dma_wait3A_2566 : memref<32x512xf32, #tpu.memory_space<vmem>>)
    %dma_wait3A_2571 = arith.constant 12 : i32
    %dma_wait3A_2572 = arith.constant 4 : i32
    %dma_wait3A_2573 = arith.constant 1 : i32
    %dma_wait3A_2574 = tpu.memref_slice %arg22[%dma_wait3A_2573] : memref<4x!tpu.dma_semaphore, #tpu.memory_space<semaphore_mem>> -> memref<1x!tpu.dma_semaphore, #tpu.memory_space<semaphore_mem>>
    %dma_wait3A_2575 = tpu.memref_squeeze %dma_wait3A_2574 : memref<1x!tpu.dma_semaphore, #tpu.memory_space<semaphore_mem>> -> memref<!tpu.dma_semaphore, #tpu.memory_space<semaphore_mem>>
    %dma_wait3A_2576 = arith.constant 32 : i32
    %dma_wait3A_2577 = arith.constant 0 : i32
    %dma_wait3A_2578 = tpu.memref_slice %arg15[%dma_wait3A_2572, %dma_wait3A_2576, %dma_wait3A_2577] : memref<8x64x512xf32, #tpu.memory_space<vmem>> -> memref<1x32x512xf32, #tpu.memory_space<vmem>>
    %dma_wait3A_2579 = tpu.memref_squeeze %dma_wait3A_2578 : memref<1x32x512xf32, #tpu.memory_space<vmem>> -> memref<32x512xf32, #tpu.memory_space<vmem>>
    %dma_wait3A_2580 = arith.constant 0 : i32
    %dma_wait3A_2581 = arith.constant 0 : i32
    %dma_wait3A_2582 = tpu.memref_slice %arg7[%dma_wait3A_2571, %get3A_158, %dma_wait3A_2580, %dma_wait3A_2581] : memref<32x64x32x512xf32, #tpu.memory_space<hbm>> -> memref<1x1x32x512xf32, #tpu.memory_space<hbm>>
    %dma_wait3A_2583 = tpu.memref_squeeze %dma_wait3A_2582 : memref<1x1x32x512xf32, #tpu.memory_space<hbm>> -> memref<32x512xf32, #tpu.memory_space<hbm>>
    tpu.wait_dma2 semaphore(%dma_wait3A_2575 : memref<!tpu.dma_semaphore, #tpu.memory_space<semaphore_mem>>) src(%dma_wait3A_2583 : memref<32x512xf32, #tpu.memory_space<hbm>>) dst(%dma_wait3A_2579 : memref<32x512xf32, #tpu.memory_space<vmem>>)
    %dma_wait3A_2584 = arith.constant 13 : i32
    %dma_wait3A_2585 = arith.constant 5 : i32
    %dma_wait3A_2586 = arith.constant 1 : i32
    %dma_wait3A_2587 = tpu.memref_slice %arg22[%dma_wait3A_2586] : memref<4x!tpu.dma_semaphore, #tpu.memory_space<semaphore_mem>> -> memref<1x!tpu.dma_semaphore, #tpu.memory_space<semaphore_mem>>
    %dma_wait3A_2588 = tpu.memref_squeeze %dma_wait3A_2587 : memref<1x!tpu.dma_semaphore, #tpu.memory_space<semaphore_mem>> -> memref<!tpu.dma_semaphore, #tpu.memory_space<semaphore_mem>>
    %dma_wait3A_2589 = arith.constant 0 : i32
    %dma_wait3A_2590 = arith.constant 0 : i32
    %dma_wait3A_2591 = tpu.memref_slice %arg15[%dma_wait3A_2585, %dma_wait3A_2589, %dma_wait3A_2590] : memref<8x64x512xf32, #tpu.memory_space<vmem>> -> memref<1x32x512xf32, #tpu.memory_space<vmem>>
    %dma_wait3A_2592 = tpu.memref_squeeze %dma_wait3A_2591 : memref<1x32x512xf32, #tpu.memory_space<vmem>> -> memref<32x512xf32, #tpu.memory_space<vmem>>
    %dma_wait3A_2593 = arith.constant 0 : i32
    %dma_wait3A_2594 = arith.constant 0 : i32
    %dma_wait3A_2595 = tpu.memref_slice %arg7[%dma_wait3A_2584, %get3A_161, %dma_wait3A_2593, %dma_wait3A_2594] : memref<32x64x32x512xf32, #tpu.memory_space<hbm>> -> memref<1x1x32x512xf32, #tpu.memory_space<hbm>>
    %dma_wait3A_2596 = tpu.memref_squeeze %dma_wait3A_2595 : memref<1x1x32x512xf32, #tpu.memory_space<hbm>> -> memref<32x512xf32, #tpu.memory_space<hbm>>
    tpu.wait_dma2 semaphore(%dma_wait3A_2588 : memref<!tpu.dma_semaphore, #tpu.memory_space<semaphore_mem>>) src(%dma_wait3A_2596 : memref<32x512xf32, #tpu.memory_space<hbm>>) dst(%dma_wait3A_2592 : memref<32x512xf32, #tpu.memory_space<vmem>>)
    %dma_wait3A_2597 = arith.constant 13 : i32
    %dma_wait3A_2598 = arith.constant 5 : i32
    %dma_wait3A_2599 = arith.constant 1 : i32
    %dma_wait3A_2600 = tpu.memref_slice %arg22[%dma_wait3A_2599] : memref<4x!tpu.dma_semaphore, #tpu.memory_space<semaphore_mem>> -> memref<1x!tpu.dma_semaphore, #tpu.memory_space<semaphore_mem>>
    %dma_wait3A_2601 = tpu.memref_squeeze %dma_wait3A_2600 : memref<1x!tpu.dma_semaphore, #tpu.memory_space<semaphore_mem>> -> memref<!tpu.dma_semaphore, #tpu.memory_space<semaphore_mem>>
    %dma_wait3A_2602 = arith.constant 32 : i32
    %dma_wait3A_2603 = arith.constant 0 : i32
    %dma_wait3A_2604 = tpu.memref_slice %arg15[%dma_wait3A_2598, %dma_wait3A_2602, %dma_wait3A_2603] : memref<8x64x512xf32, #tpu.memory_space<vmem>> -> memref<1x32x512xf32, #tpu.memory_space<vmem>>
    %dma_wait3A_2605 = tpu.memref_squeeze %dma_wait3A_2604 : memref<1x32x512xf32, #tpu.memory_space<vmem>> -> memref<32x512xf32, #tpu.memory_space<vmem>>
    %dma_wait3A_2606 = arith.constant 0 : i32
    %dma_wait3A_2607 = arith.constant 0 : i32
    %dma_wait3A_2608 = tpu.memref_slice %arg7[%dma_wait3A_2597, %get3A_164, %dma_wait3A_2606, %dma_wait3A_2607] : memref<32x64x32x512xf32, #tpu.memory_space<hbm>> -> memref<1x1x32x512xf32, #tpu.memory_space<hbm>>
    %dma_wait3A_2609 = tpu.memref_squeeze %dma_wait3A_2608 : memref<1x1x32x512xf32, #tpu.memory_space<hbm>> -> memref<32x512xf32, #tpu.memory_space<hbm>>
    tpu.wait_dma2 semaphore(%dma_wait3A_2601 : memref<!tpu.dma_semaphore, #tpu.memory_space<semaphore_mem>>) src(%dma_wait3A_2609 : memref<32x512xf32, #tpu.memory_space<hbm>>) dst(%dma_wait3A_2605 : memref<32x512xf32, #tpu.memory_space<vmem>>)
    %dma_wait3A_2610 = arith.constant 14 : i32
    %dma_wait3A_2611 = arith.constant 6 : i32
    %dma_wait3A_2612 = arith.constant 1 : i32
    %dma_wait3A_2613 = tpu.memref_slice %arg22[%dma_wait3A_2612] : memref<4x!tpu.dma_semaphore, #tpu.memory_space<semaphore_mem>> -> memref<1x!tpu.dma_semaphore, #tpu.memory_space<semaphore_mem>>
    %dma_wait3A_2614 = tpu.memref_squeeze %dma_wait3A_2613 : memref<1x!tpu.dma_semaphore, #tpu.memory_space<semaphore_mem>> -> memref<!tpu.dma_semaphore, #tpu.memory_space<semaphore_mem>>
    %dma_wait3A_2615 = arith.constant 0 : i32
    %dma_wait3A_2616 = arith.constant 0 : i32
    %dma_wait3A_2617 = tpu.memref_slice %arg15[%dma_wait3A_2611, %dma_wait3A_2615, %dma_wait3A_2616] : memref<8x64x512xf32, #tpu.memory_space<vmem>> -> memref<1x32x512xf32, #tpu.memory_space<vmem>>
    %dma_wait3A_2618 = tpu.memref_squeeze %dma_wait3A_2617 : memref<1x32x512xf32, #tpu.memory_space<vmem>> -> memref<32x512xf32, #tpu.memory_space<vmem>>
    %dma_wait3A_2619 = arith.constant 0 : i32
    %dma_wait3A_2620 = arith.constant 0 : i32
    %dma_wait3A_2621 = tpu.memref_slice %arg7[%dma_wait3A_2610, %get3A_167, %dma_wait3A_2619, %dma_wait3A_2620] : memref<32x64x32x512xf32, #tpu.memory_space<hbm>> -> memref<1x1x32x512xf32, #tpu.memory_space<hbm>>
    %dma_wait3A_2622 = tpu.memref_squeeze %dma_wait3A_2621 : memref<1x1x32x512xf32, #tpu.memory_space<hbm>> -> memref<32x512xf32, #tpu.memory_space<hbm>>
    tpu.wait_dma2 semaphore(%dma_wait3A_2614 : memref<!tpu.dma_semaphore, #tpu.memory_space<semaphore_mem>>) src(%dma_wait3A_2622 : memref<32x512xf32, #tpu.memory_space<hbm>>) dst(%dma_wait3A_2618 : memref<32x512xf32, #tpu.memory_space<vmem>>)
    %dma_wait3A_2623 = arith.constant 14 : i32
    %dma_wait3A_2624 = arith.constant 6 : i32
    %dma_wait3A_2625 = arith.constant 1 : i32
    %dma_wait3A_2626 = tpu.memref_slice %arg22[%dma_wait3A_2625] : memref<4x!tpu.dma_semaphore, #tpu.memory_space<semaphore_mem>> -> memref<1x!tpu.dma_semaphore, #tpu.memory_space<semaphore_mem>>
    %dma_wait3A_2627 = tpu.memref_squeeze %dma_wait3A_2626 : memref<1x!tpu.dma_semaphore, #tpu.memory_space<semaphore_mem>> -> memref<!tpu.dma_semaphore, #tpu.memory_space<semaphore_mem>>
    %dma_wait3A_2628 = arith.constant 32 : i32
    %dma_wait3A_2629 = arith.constant 0 : i32
    %dma_wait3A_2630 = tpu.memref_slice %arg15[%dma_wait3A_2624, %dma_wait3A_2628, %dma_wait3A_2629] : memref<8x64x512xf32, #tpu.memory_space<vmem>> -> memref<1x32x512xf32, #tpu.memory_space<vmem>>
    %dma_wait3A_2631 = tpu.memref_squeeze %dma_wait3A_2630 : memref<1x32x512xf32, #tpu.memory_space<vmem>> -> memref<32x512xf32, #tpu.memory_space<vmem>>
    %dma_wait3A_2632 = arith.constant 0 : i32
    %dma_wait3A_2633 = arith.constant 0 : i32
    %dma_wait3A_2634 = tpu.memref_slice %arg7[%dma_wait3A_2623, %get3A_170, %dma_wait3A_2632, %dma_wait3A_2633] : memref<32x64x32x512xf32, #tpu.memory_space<hbm>> -> memref<1x1x32x512xf32, #tpu.memory_space<hbm>>
    %dma_wait3A_2635 = tpu.memref_squeeze %dma_wait3A_2634 : memref<1x1x32x512xf32, #tpu.memory_space<hbm>> -> memref<32x512xf32, #tpu.memory_space<hbm>>
    tpu.wait_dma2 semaphore(%dma_wait3A_2627 : memref<!tpu.dma_semaphore, #tpu.memory_space<semaphore_mem>>) src(%dma_wait3A_2635 : memref<32x512xf32, #tpu.memory_space<hbm>>) dst(%dma_wait3A_2631 : memref<32x512xf32, #tpu.memory_space<vmem>>)
    %dma_wait3A_2636 = arith.constant 15 : i32
    %dma_wait3A_2637 = arith.constant 7 : i32
    %dma_wait3A_2638 = arith.constant 1 : i32
    %dma_wait3A_2639 = tpu.memref_slice %arg22[%dma_wait3A_2638] : memref<4x!tpu.dma_semaphore, #tpu.memory_space<semaphore_mem>> -> memref<1x!tpu.dma_semaphore, #tpu.memory_space<semaphore_mem>>
    %dma_wait3A_2640 = tpu.memref_squeeze %dma_wait3A_2639 : memref<1x!tpu.dma_semaphore, #tpu.memory_space<semaphore_mem>> -> memref<!tpu.dma_semaphore, #tpu.memory_space<semaphore_mem>>
    %dma_wait3A_2641 = arith.constant 0 : i32
    %dma_wait3A_2642 = arith.constant 0 : i32
    %dma_wait3A_2643 = tpu.memref_slice %arg15[%dma_wait3A_2637, %dma_wait3A_2641, %dma_wait3A_2642] : memref<8x64x512xf32, #tpu.memory_space<vmem>> -> memref<1x32x512xf32, #tpu.memory_space<vmem>>
    %dma_wait3A_2644 = tpu.memref_squeeze %dma_wait3A_2643 : memref<1x32x512xf32, #tpu.memory_space<vmem>> -> memref<32x512xf32, #tpu.memory_space<vmem>>
    %dma_wait3A_2645 = arith.constant 0 : i32
    %dma_wait3A_2646 = arith.constant 0 : i32
    %dma_wait3A_2647 = tpu.memref_slice %arg7[%dma_wait3A_2636, %get3A_173, %dma_wait3A_2645, %dma_wait3A_2646] : memref<32x64x32x512xf32, #tpu.memory_space<hbm>> -> memref<1x1x32x512xf32, #tpu.memory_space<hbm>>
    %dma_wait3A_2648 = tpu.memref_squeeze %dma_wait3A_2647 : memref<1x1x32x512xf32, #tpu.memory_space<hbm>> -> memref<32x512xf32, #tpu.memory_space<hbm>>
    tpu.wait_dma2 semaphore(%dma_wait3A_2640 : memref<!tpu.dma_semaphore, #tpu.memory_space<semaphore_mem>>) src(%dma_wait3A_2648 : memref<32x512xf32, #tpu.memory_space<hbm>>) dst(%dma_wait3A_2644 : memref<32x512xf32, #tpu.memory_space<vmem>>)
    %dma_wait3A_2649 = arith.constant 15 : i32
    %dma_wait3A_2650 = arith.constant 7 : i32
    %dma_wait3A_2651 = arith.constant 1 : i32
    %dma_wait3A_2652 = tpu.memref_slice %arg22[%dma_wait3A_2651] : memref<4x!tpu.dma_semaphore, #tpu.memory_space<semaphore_mem>> -> memref<1x!tpu.dma_semaphore, #tpu.memory_space<semaphore_mem>>
    %dma_wait3A_2653 = tpu.memref_squeeze %dma_wait3A_2652 : memref<1x!tpu.dma_semaphore, #tpu.memory_space<semaphore_mem>> -> memref<!tpu.dma_semaphore, #tpu.memory_space<semaphore_mem>>
    %dma_wait3A_2654 = arith.constant 32 : i32
    %dma_wait3A_2655 = arith.constant 0 : i32
    %dma_wait3A_2656 = tpu.memref_slice %arg15[%dma_wait3A_2650, %dma_wait3A_2654, %dma_wait3A_2655] : memref<8x64x512xf32, #tpu.memory_space<vmem>> -> memref<1x32x512xf32, #tpu.memory_space<vmem>>
    %dma_wait3A_2657 = tpu.memref_squeeze %dma_wait3A_2656 : memref<1x32x512xf32, #tpu.memory_space<vmem>> -> memref<32x512xf32, #tpu.memory_space<vmem>>
    %dma_wait3A_2658 = arith.constant 0 : i32
    %dma_wait3A_2659 = arith.constant 0 : i32
    %dma_wait3A_2660 = tpu.memref_slice %arg7[%dma_wait3A_2649, %get3A_176, %dma_wait3A_2658, %dma_wait3A_2659] : memref<32x64x32x512xf32, #tpu.memory_space<hbm>> -> memref<1x1x32x512xf32, #tpu.memory_space<hbm>>
    %dma_wait3A_2661 = tpu.memref_squeeze %dma_wait3A_2660 : memref<1x1x32x512xf32, #tpu.memory_space<hbm>> -> memref<32x512xf32, #tpu.memory_space<hbm>>
    tpu.wait_dma2 semaphore(%dma_wait3A_2653 : memref<!tpu.dma_semaphore, #tpu.memory_space<semaphore_mem>>) src(%dma_wait3A_2661 : memref<32x512xf32, #tpu.memory_space<hbm>>) dst(%dma_wait3A_2657 : memref<32x512xf32, #tpu.memory_space<vmem>>)
    %get3A_2662 = arith.constant 0 : index
    %get3A_2663 = arith.constant 0 : index
    %get3A_2664 = arith.constant 0 : index
    %get3A_2665 = vector.load %arg15[%get3A_2662, %get3A_2663, %get3A_2664] : memref<8x64x512xf32, #tpu.memory_space<vmem>>, vector<8x64x512xf32>
    %slice3A_2666 = vector.extract_strided_slice %add3A_1947 {offsets = [8, 0], sizes = [8, 512], strides = [1, 1]} : vector<32x512xf32> to vector<8x512xf32>
    %broadcast_in_dim3A_2667 = vector.shape_cast %slice3A_2666 : vector<8x512xf32> to vector<8x1x512xf32>
    %add3A_2668 = vector.broadcast %broadcast_in_dim3A_2667 : vector<8x1x512xf32> to vector<8x64x512xf32>
    %add3A_2669 = arith.addf %get3A_2665, %add3A_2668 : vector<8x64x512xf32>
    %slice3A_2670 = vector.extract_strided_slice %concatenate3A_1965 {offsets = [8, 0], sizes = [8, 64], strides = [1, 1]} : vector<32x64xf32> to vector<8x64xf32>
    %broadcast_in_dim3A_2671 = vector.shape_cast %slice3A_2670 : vector<8x64xf32> to vector<8x64x1xf32>
    %broadcast_in_dim3A_2672 = vector.shape_cast %get3A_1976 : vector<1x512xf32> to vector<1x1x512xf32>
    %mul3A_2673 = vector.broadcast %broadcast_in_dim3A_2671 : vector<8x64x1xf32> to vector<8x64x512xf32>
    %mul3A_2674 = vector.broadcast %broadcast_in_dim3A_2672 : vector<1x1x512xf32> to vector<8x64x512xf32>
    %mul3A_2675 = arith.mulf %mul3A_2673, %mul3A_2674 : vector<8x64x512xf32>
    %add3A_2676 = arith.addf %add3A_2669, %mul3A_2675 : vector<8x64x512xf32>
    %tanh3A_2677 = math.tanh %add3A_2676 : vector<8x64x512xf32>
    %broadcast_in_dim3A_2678 = vector.shape_cast %get3A_1973 : vector<1x512xf32> to vector<1x1x512xf32>
    %mul3A_2679 = vector.broadcast %broadcast_in_dim3A_2678 : vector<1x1x512xf32> to vector<8x64x512xf32>
    %mul3A_2680 = arith.mulf %tanh3A_2677, %mul3A_2679 : vector<8x64x512xf32>
    %reduce_sum3A_2681 = arith.constant dense<0.000000e+00> : vector<8x64xf32>
    %reduce_sum3A_2682 = vector.multi_reduction <add>, %mul3A_2680, %reduce_sum3A_2681 [2] : vector<8x64x512xf32> to vector<8x64xf32>
    %reduce_max3A_2683 = arith.constant dense<0xFF800000> : vector<8xf32>
    %reduce_max3A_2684 = vector.multi_reduction <maximumf>, %reduce_sum3A_2682, %reduce_max3A_2683 [1] : vector<8x64xf32> to vector<8xf32>
    %broadcast_in_dim3A_2685 = vector.shape_cast %reduce_max3A_2684 : vector<8xf32> to vector<8x1xf32>
    %sub3A_2686 = vector.broadcast %broadcast_in_dim3A_2685 : vector<8x1xf32> to vector<8x64xf32>
    %sub3A_2687 = arith.subf %reduce_sum3A_2682, %sub3A_2686 : vector<8x64xf32>
    %exp3A_2688 = math.exp %sub3A_2687 : vector<8x64xf32>
    %slice3A_2689 = vector.extract_strided_slice %concatenate3A {offsets = [8, 0], sizes = [8, 64], strides = [1, 1]} : vector<32x64xf32> to vector<8x64xf32>
    %mul3A_2690 = arith.mulf %exp3A_2688, %slice3A_2689 : vector<8x64xf32>
    %slice3A_2691 = vector.extract_strided_slice %concatenate3A_1970 {offsets = [8, 0], sizes = [8, 64], strides = [1, 1]} : vector<32x64xf32> to vector<8x64xf32>
    %mul3A_2692 = arith.mulf %mul3A_2690, %slice3A_2691 : vector<8x64xf32>
    %reduce_sum3A_2693 = arith.constant dense<0.000000e+00> : vector<8xf32>
    %reduce_sum3A_2694 = vector.multi_reduction <add>, %mul3A_2692, %reduce_sum3A_2693 [1] : vector<8x64xf32> to vector<8xf32>
    %broadcast_in_dim3A_2695 = vector.shape_cast %reduce_sum3A_2694 : vector<8xf32> to vector<8x1xf32>
    %div3A_2696 = vector.broadcast %broadcast_in_dim3A_2695 : vector<8x1xf32> to vector<8x64xf32>
    %div3A_2697 = arith.divf %mul3A_2692, %div3A_2696 : vector<8x64xf32>
    %dma_wait3A_2698 = arith.constant 8 : i32
    %dma_wait3A_2699 = arith.constant 0 : i32
    %dma_wait3A_2700 = arith.constant 1 : i32
    %dma_wait3A_2701 = tpu.memref_slice %arg23[%dma_wait3A_2700] : memref<4x!tpu.dma_semaphore, #tpu.memory_space<semaphore_mem>> -> memref<1x!tpu.dma_semaphore, #tpu.memory_space<semaphore_mem>>
    %dma_wait3A_2702 = tpu.memref_squeeze %dma_wait3A_2701 : memref<1x!tpu.dma_semaphore, #tpu.memory_space<semaphore_mem>> -> memref<!tpu.dma_semaphore, #tpu.memory_space<semaphore_mem>>
    %dma_wait3A_2703 = arith.constant 0 : i32
    %dma_wait3A_2704 = arith.constant 0 : i32
    %dma_wait3A_2705 = tpu.memref_slice %arg19[%dma_wait3A_2699, %dma_wait3A_2703, %dma_wait3A_2704] : memref<8x64x512xf32, #tpu.memory_space<vmem>> -> memref<1x32x512xf32, #tpu.memory_space<vmem>>
    %dma_wait3A_2706 = tpu.memref_squeeze %dma_wait3A_2705 : memref<1x32x512xf32, #tpu.memory_space<vmem>> -> memref<32x512xf32, #tpu.memory_space<vmem>>
    %dma_wait3A_2707 = arith.constant 0 : i32
    %dma_wait3A_2708 = arith.constant 0 : i32
    %dma_wait3A_2709 = tpu.memref_slice %arg8[%dma_wait3A_2698, %get3A_131, %dma_wait3A_2707, %dma_wait3A_2708] : memref<32x64x32x512xf32, #tpu.memory_space<hbm>> -> memref<1x1x32x512xf32, #tpu.memory_space<hbm>>
    %dma_wait3A_2710 = tpu.memref_squeeze %dma_wait3A_2709 : memref<1x1x32x512xf32, #tpu.memory_space<hbm>> -> memref<32x512xf32, #tpu.memory_space<hbm>>
    tpu.wait_dma2 semaphore(%dma_wait3A_2702 : memref<!tpu.dma_semaphore, #tpu.memory_space<semaphore_mem>>) src(%dma_wait3A_2710 : memref<32x512xf32, #tpu.memory_space<hbm>>) dst(%dma_wait3A_2706 : memref<32x512xf32, #tpu.memory_space<vmem>>)
    %dma_wait3A_2711 = arith.constant 8 : i32
    %dma_wait3A_2712 = arith.constant 0 : i32
    %dma_wait3A_2713 = arith.constant 1 : i32
    %dma_wait3A_2714 = tpu.memref_slice %arg23[%dma_wait3A_2713] : memref<4x!tpu.dma_semaphore, #tpu.memory_space<semaphore_mem>> -> memref<1x!tpu.dma_semaphore, #tpu.memory_space<semaphore_mem>>
    %dma_wait3A_2715 = tpu.memref_squeeze %dma_wait3A_2714 : memref<1x!tpu.dma_semaphore, #tpu.memory_space<semaphore_mem>> -> memref<!tpu.dma_semaphore, #tpu.memory_space<semaphore_mem>>
    %dma_wait3A_2716 = arith.constant 32 : i32
    %dma_wait3A_2717 = arith.constant 0 : i32
    %dma_wait3A_2718 = tpu.memref_slice %arg19[%dma_wait3A_2712, %dma_wait3A_2716, %dma_wait3A_2717] : memref<8x64x512xf32, #tpu.memory_space<vmem>> -> memref<1x32x512xf32, #tpu.memory_space<vmem>>
    %dma_wait3A_2719 = tpu.memref_squeeze %dma_wait3A_2718 : memref<1x32x512xf32, #tpu.memory_space<vmem>> -> memref<32x512xf32, #tpu.memory_space<vmem>>
    %dma_wait3A_2720 = arith.constant 0 : i32
    %dma_wait3A_2721 = arith.constant 0 : i32
    %dma_wait3A_2722 = tpu.memref_slice %arg8[%dma_wait3A_2711, %get3A_134, %dma_wait3A_2720, %dma_wait3A_2721] : memref<32x64x32x512xf32, #tpu.memory_space<hbm>> -> memref<1x1x32x512xf32, #tpu.memory_space<hbm>>
    %dma_wait3A_2723 = tpu.memref_squeeze %dma_wait3A_2722 : memref<1x1x32x512xf32, #tpu.memory_space<hbm>> -> memref<32x512xf32, #tpu.memory_space<hbm>>
    tpu.wait_dma2 semaphore(%dma_wait3A_2715 : memref<!tpu.dma_semaphore, #tpu.memory_space<semaphore_mem>>) src(%dma_wait3A_2723 : memref<32x512xf32, #tpu.memory_space<hbm>>) dst(%dma_wait3A_2719 : memref<32x512xf32, #tpu.memory_space<vmem>>)
    %dma_wait3A_2724 = arith.constant 9 : i32
    %dma_wait3A_2725 = arith.constant 1 : i32
    %dma_wait3A_2726 = arith.constant 1 : i32
    %dma_wait3A_2727 = tpu.memref_slice %arg23[%dma_wait3A_2726] : memref<4x!tpu.dma_semaphore, #tpu.memory_space<semaphore_mem>> -> memref<1x!tpu.dma_semaphore, #tpu.memory_space<semaphore_mem>>
    %dma_wait3A_2728 = tpu.memref_squeeze %dma_wait3A_2727 : memref<1x!tpu.dma_semaphore, #tpu.memory_space<semaphore_mem>> -> memref<!tpu.dma_semaphore, #tpu.memory_space<semaphore_mem>>
    %dma_wait3A_2729 = arith.constant 0 : i32
    %dma_wait3A_2730 = arith.constant 0 : i32
    %dma_wait3A_2731 = tpu.memref_slice %arg19[%dma_wait3A_2725, %dma_wait3A_2729, %dma_wait3A_2730] : memref<8x64x512xf32, #tpu.memory_space<vmem>> -> memref<1x32x512xf32, #tpu.memory_space<vmem>>
    %dma_wait3A_2732 = tpu.memref_squeeze %dma_wait3A_2731 : memref<1x32x512xf32, #tpu.memory_space<vmem>> -> memref<32x512xf32, #tpu.memory_space<vmem>>
    %dma_wait3A_2733 = arith.constant 0 : i32
    %dma_wait3A_2734 = arith.constant 0 : i32
    %dma_wait3A_2735 = tpu.memref_slice %arg8[%dma_wait3A_2724, %get3A_137, %dma_wait3A_2733, %dma_wait3A_2734] : memref<32x64x32x512xf32, #tpu.memory_space<hbm>> -> memref<1x1x32x512xf32, #tpu.memory_space<hbm>>
    %dma_wait3A_2736 = tpu.memref_squeeze %dma_wait3A_2735 : memref<1x1x32x512xf32, #tpu.memory_space<hbm>> -> memref<32x512xf32, #tpu.memory_space<hbm>>
    tpu.wait_dma2 semaphore(%dma_wait3A_2728 : memref<!tpu.dma_semaphore, #tpu.memory_space<semaphore_mem>>) src(%dma_wait3A_2736 : memref<32x512xf32, #tpu.memory_space<hbm>>) dst(%dma_wait3A_2732 : memref<32x512xf32, #tpu.memory_space<vmem>>)
    %dma_wait3A_2737 = arith.constant 9 : i32
    %dma_wait3A_2738 = arith.constant 1 : i32
    %dma_wait3A_2739 = arith.constant 1 : i32
    %dma_wait3A_2740 = tpu.memref_slice %arg23[%dma_wait3A_2739] : memref<4x!tpu.dma_semaphore, #tpu.memory_space<semaphore_mem>> -> memref<1x!tpu.dma_semaphore, #tpu.memory_space<semaphore_mem>>
    %dma_wait3A_2741 = tpu.memref_squeeze %dma_wait3A_2740 : memref<1x!tpu.dma_semaphore, #tpu.memory_space<semaphore_mem>> -> memref<!tpu.dma_semaphore, #tpu.memory_space<semaphore_mem>>
    %dma_wait3A_2742 = arith.constant 32 : i32
    %dma_wait3A_2743 = arith.constant 0 : i32
    %dma_wait3A_2744 = tpu.memref_slice %arg19[%dma_wait3A_2738, %dma_wait3A_2742, %dma_wait3A_2743] : memref<8x64x512xf32, #tpu.memory_space<vmem>> -> memref<1x32x512xf32, #tpu.memory_space<vmem>>
    %dma_wait3A_2745 = tpu.memref_squeeze %dma_wait3A_2744 : memref<1x32x512xf32, #tpu.memory_space<vmem>> -> memref<32x512xf32, #tpu.memory_space<vmem>>
    %dma_wait3A_2746 = arith.constant 0 : i32
    %dma_wait3A_2747 = arith.constant 0 : i32
    %dma_wait3A_2748 = tpu.memref_slice %arg8[%dma_wait3A_2737, %get3A_140, %dma_wait3A_2746, %dma_wait3A_2747] : memref<32x64x32x512xf32, #tpu.memory_space<hbm>> -> memref<1x1x32x512xf32, #tpu.memory_space<hbm>>
    %dma_wait3A_2749 = tpu.memref_squeeze %dma_wait3A_2748 : memref<1x1x32x512xf32, #tpu.memory_space<hbm>> -> memref<32x512xf32, #tpu.memory_space<hbm>>
    tpu.wait_dma2 semaphore(%dma_wait3A_2741 : memref<!tpu.dma_semaphore, #tpu.memory_space<semaphore_mem>>) src(%dma_wait3A_2749 : memref<32x512xf32, #tpu.memory_space<hbm>>) dst(%dma_wait3A_2745 : memref<32x512xf32, #tpu.memory_space<vmem>>)
    %dma_wait3A_2750 = arith.constant 10 : i32
    %dma_wait3A_2751 = arith.constant 2 : i32
    %dma_wait3A_2752 = arith.constant 1 : i32
    %dma_wait3A_2753 = tpu.memref_slice %arg23[%dma_wait3A_2752] : memref<4x!tpu.dma_semaphore, #tpu.memory_space<semaphore_mem>> -> memref<1x!tpu.dma_semaphore, #tpu.memory_space<semaphore_mem>>
    %dma_wait3A_2754 = tpu.memref_squeeze %dma_wait3A_2753 : memref<1x!tpu.dma_semaphore, #tpu.memory_space<semaphore_mem>> -> memref<!tpu.dma_semaphore, #tpu.memory_space<semaphore_mem>>
    %dma_wait3A_2755 = arith.constant 0 : i32
    %dma_wait3A_2756 = arith.constant 0 : i32
    %dma_wait3A_2757 = tpu.memref_slice %arg19[%dma_wait3A_2751, %dma_wait3A_2755, %dma_wait3A_2756] : memref<8x64x512xf32, #tpu.memory_space<vmem>> -> memref<1x32x512xf32, #tpu.memory_space<vmem>>
    %dma_wait3A_2758 = tpu.memref_squeeze %dma_wait3A_2757 : memref<1x32x512xf32, #tpu.memory_space<vmem>> -> memref<32x512xf32, #tpu.memory_space<vmem>>
    %dma_wait3A_2759 = arith.constant 0 : i32
    %dma_wait3A_2760 = arith.constant 0 : i32
    %dma_wait3A_2761 = tpu.memref_slice %arg8[%dma_wait3A_2750, %get3A_143, %dma_wait3A_2759, %dma_wait3A_2760] : memref<32x64x32x512xf32, #tpu.memory_space<hbm>> -> memref<1x1x32x512xf32, #tpu.memory_space<hbm>>
    %dma_wait3A_2762 = tpu.memref_squeeze %dma_wait3A_2761 : memref<1x1x32x512xf32, #tpu.memory_space<hbm>> -> memref<32x512xf32, #tpu.memory_space<hbm>>
    tpu.wait_dma2 semaphore(%dma_wait3A_2754 : memref<!tpu.dma_semaphore, #tpu.memory_space<semaphore_mem>>) src(%dma_wait3A_2762 : memref<32x512xf32, #tpu.memory_space<hbm>>) dst(%dma_wait3A_2758 : memref<32x512xf32, #tpu.memory_space<vmem>>)
    %dma_wait3A_2763 = arith.constant 10 : i32
    %dma_wait3A_2764 = arith.constant 2 : i32
    %dma_wait3A_2765 = arith.constant 1 : i32
    %dma_wait3A_2766 = tpu.memref_slice %arg23[%dma_wait3A_2765] : memref<4x!tpu.dma_semaphore, #tpu.memory_space<semaphore_mem>> -> memref<1x!tpu.dma_semaphore, #tpu.memory_space<semaphore_mem>>
    %dma_wait3A_2767 = tpu.memref_squeeze %dma_wait3A_2766 : memref<1x!tpu.dma_semaphore, #tpu.memory_space<semaphore_mem>> -> memref<!tpu.dma_semaphore, #tpu.memory_space<semaphore_mem>>
    %dma_wait3A_2768 = arith.constant 32 : i32
    %dma_wait3A_2769 = arith.constant 0 : i32
    %dma_wait3A_2770 = tpu.memref_slice %arg19[%dma_wait3A_2764, %dma_wait3A_2768, %dma_wait3A_2769] : memref<8x64x512xf32, #tpu.memory_space<vmem>> -> memref<1x32x512xf32, #tpu.memory_space<vmem>>
    %dma_wait3A_2771 = tpu.memref_squeeze %dma_wait3A_2770 : memref<1x32x512xf32, #tpu.memory_space<vmem>> -> memref<32x512xf32, #tpu.memory_space<vmem>>
    %dma_wait3A_2772 = arith.constant 0 : i32
    %dma_wait3A_2773 = arith.constant 0 : i32
    %dma_wait3A_2774 = tpu.memref_slice %arg8[%dma_wait3A_2763, %get3A_146, %dma_wait3A_2772, %dma_wait3A_2773] : memref<32x64x32x512xf32, #tpu.memory_space<hbm>> -> memref<1x1x32x512xf32, #tpu.memory_space<hbm>>
    %dma_wait3A_2775 = tpu.memref_squeeze %dma_wait3A_2774 : memref<1x1x32x512xf32, #tpu.memory_space<hbm>> -> memref<32x512xf32, #tpu.memory_space<hbm>>
    tpu.wait_dma2 semaphore(%dma_wait3A_2767 : memref<!tpu.dma_semaphore, #tpu.memory_space<semaphore_mem>>) src(%dma_wait3A_2775 : memref<32x512xf32, #tpu.memory_space<hbm>>) dst(%dma_wait3A_2771 : memref<32x512xf32, #tpu.memory_space<vmem>>)
    %dma_wait3A_2776 = arith.constant 11 : i32
    %dma_wait3A_2777 = arith.constant 3 : i32
    %dma_wait3A_2778 = arith.constant 1 : i32
    %dma_wait3A_2779 = tpu.memref_slice %arg23[%dma_wait3A_2778] : memref<4x!tpu.dma_semaphore, #tpu.memory_space<semaphore_mem>> -> memref<1x!tpu.dma_semaphore, #tpu.memory_space<semaphore_mem>>
    %dma_wait3A_2780 = tpu.memref_squeeze %dma_wait3A_2779 : memref<1x!tpu.dma_semaphore, #tpu.memory_space<semaphore_mem>> -> memref<!tpu.dma_semaphore, #tpu.memory_space<semaphore_mem>>
    %dma_wait3A_2781 = arith.constant 0 : i32
    %dma_wait3A_2782 = arith.constant 0 : i32
    %dma_wait3A_2783 = tpu.memref_slice %arg19[%dma_wait3A_2777, %dma_wait3A_2781, %dma_wait3A_2782] : memref<8x64x512xf32, #tpu.memory_space<vmem>> -> memref<1x32x512xf32, #tpu.memory_space<vmem>>
    %dma_wait3A_2784 = tpu.memref_squeeze %dma_wait3A_2783 : memref<1x32x512xf32, #tpu.memory_space<vmem>> -> memref<32x512xf32, #tpu.memory_space<vmem>>
    %dma_wait3A_2785 = arith.constant 0 : i32
    %dma_wait3A_2786 = arith.constant 0 : i32
    %dma_wait3A_2787 = tpu.memref_slice %arg8[%dma_wait3A_2776, %get3A_149, %dma_wait3A_2785, %dma_wait3A_2786] : memref<32x64x32x512xf32, #tpu.memory_space<hbm>> -> memref<1x1x32x512xf32, #tpu.memory_space<hbm>>
    %dma_wait3A_2788 = tpu.memref_squeeze %dma_wait3A_2787 : memref<1x1x32x512xf32, #tpu.memory_space<hbm>> -> memref<32x512xf32, #tpu.memory_space<hbm>>
    tpu.wait_dma2 semaphore(%dma_wait3A_2780 : memref<!tpu.dma_semaphore, #tpu.memory_space<semaphore_mem>>) src(%dma_wait3A_2788 : memref<32x512xf32, #tpu.memory_space<hbm>>) dst(%dma_wait3A_2784 : memref<32x512xf32, #tpu.memory_space<vmem>>)
    %dma_wait3A_2789 = arith.constant 11 : i32
    %dma_wait3A_2790 = arith.constant 3 : i32
    %dma_wait3A_2791 = arith.constant 1 : i32
    %dma_wait3A_2792 = tpu.memref_slice %arg23[%dma_wait3A_2791] : memref<4x!tpu.dma_semaphore, #tpu.memory_space<semaphore_mem>> -> memref<1x!tpu.dma_semaphore, #tpu.memory_space<semaphore_mem>>
    %dma_wait3A_2793 = tpu.memref_squeeze %dma_wait3A_2792 : memref<1x!tpu.dma_semaphore, #tpu.memory_space<semaphore_mem>> -> memref<!tpu.dma_semaphore, #tpu.memory_space<semaphore_mem>>
    %dma_wait3A_2794 = arith.constant 32 : i32
    %dma_wait3A_2795 = arith.constant 0 : i32
    %dma_wait3A_2796 = tpu.memref_slice %arg19[%dma_wait3A_2790, %dma_wait3A_2794, %dma_wait3A_2795] : memref<8x64x512xf32, #tpu.memory_space<vmem>> -> memref<1x32x512xf32, #tpu.memory_space<vmem>>
    %dma_wait3A_2797 = tpu.memref_squeeze %dma_wait3A_2796 : memref<1x32x512xf32, #tpu.memory_space<vmem>> -> memref<32x512xf32, #tpu.memory_space<vmem>>
    %dma_wait3A_2798 = arith.constant 0 : i32
    %dma_wait3A_2799 = arith.constant 0 : i32
    %dma_wait3A_2800 = tpu.memref_slice %arg8[%dma_wait3A_2789, %get3A_152, %dma_wait3A_2798, %dma_wait3A_2799] : memref<32x64x32x512xf32, #tpu.memory_space<hbm>> -> memref<1x1x32x512xf32, #tpu.memory_space<hbm>>
    %dma_wait3A_2801 = tpu.memref_squeeze %dma_wait3A_2800 : memref<1x1x32x512xf32, #tpu.memory_space<hbm>> -> memref<32x512xf32, #tpu.memory_space<hbm>>
    tpu.wait_dma2 semaphore(%dma_wait3A_2793 : memref<!tpu.dma_semaphore, #tpu.memory_space<semaphore_mem>>) src(%dma_wait3A_2801 : memref<32x512xf32, #tpu.memory_space<hbm>>) dst(%dma_wait3A_2797 : memref<32x512xf32, #tpu.memory_space<vmem>>)
    %dma_wait3A_2802 = arith.constant 12 : i32
    %dma_wait3A_2803 = arith.constant 4 : i32
    %dma_wait3A_2804 = arith.constant 1 : i32
    %dma_wait3A_2805 = tpu.memref_slice %arg23[%dma_wait3A_2804] : memref<4x!tpu.dma_semaphore, #tpu.memory_space<semaphore_mem>> -> memref<1x!tpu.dma_semaphore, #tpu.memory_space<semaphore_mem>>
    %dma_wait3A_2806 = tpu.memref_squeeze %dma_wait3A_2805 : memref<1x!tpu.dma_semaphore, #tpu.memory_space<semaphore_mem>> -> memref<!tpu.dma_semaphore, #tpu.memory_space<semaphore_mem>>
    %dma_wait3A_2807 = arith.constant 0 : i32
    %dma_wait3A_2808 = arith.constant 0 : i32
    %dma_wait3A_2809 = tpu.memref_slice %arg19[%dma_wait3A_2803, %dma_wait3A_2807, %dma_wait3A_2808] : memref<8x64x512xf32, #tpu.memory_space<vmem>> -> memref<1x32x512xf32, #tpu.memory_space<vmem>>
    %dma_wait3A_2810 = tpu.memref_squeeze %dma_wait3A_2809 : memref<1x32x512xf32, #tpu.memory_space<vmem>> -> memref<32x512xf32, #tpu.memory_space<vmem>>
    %dma_wait3A_2811 = arith.constant 0 : i32
    %dma_wait3A_2812 = arith.constant 0 : i32
    %dma_wait3A_2813 = tpu.memref_slice %arg8[%dma_wait3A_2802, %get3A_155, %dma_wait3A_2811, %dma_wait3A_2812] : memref<32x64x32x512xf32, #tpu.memory_space<hbm>> -> memref<1x1x32x512xf32, #tpu.memory_space<hbm>>
    %dma_wait3A_2814 = tpu.memref_squeeze %dma_wait3A_2813 : memref<1x1x32x512xf32, #tpu.memory_space<hbm>> -> memref<32x512xf32, #tpu.memory_space<hbm>>
    tpu.wait_dma2 semaphore(%dma_wait3A_2806 : memref<!tpu.dma_semaphore, #tpu.memory_space<semaphore_mem>>) src(%dma_wait3A_2814 : memref<32x512xf32, #tpu.memory_space<hbm>>) dst(%dma_wait3A_2810 : memref<32x512xf32, #tpu.memory_space<vmem>>)
    %dma_wait3A_2815 = arith.constant 12 : i32
    %dma_wait3A_2816 = arith.constant 4 : i32
    %dma_wait3A_2817 = arith.constant 1 : i32
    %dma_wait3A_2818 = tpu.memref_slice %arg23[%dma_wait3A_2817] : memref<4x!tpu.dma_semaphore, #tpu.memory_space<semaphore_mem>> -> memref<1x!tpu.dma_semaphore, #tpu.memory_space<semaphore_mem>>
    %dma_wait3A_2819 = tpu.memref_squeeze %dma_wait3A_2818 : memref<1x!tpu.dma_semaphore, #tpu.memory_space<semaphore_mem>> -> memref<!tpu.dma_semaphore, #tpu.memory_space<semaphore_mem>>
    %dma_wait3A_2820 = arith.constant 32 : i32
    %dma_wait3A_2821 = arith.constant 0 : i32
    %dma_wait3A_2822 = tpu.memref_slice %arg19[%dma_wait3A_2816, %dma_wait3A_2820, %dma_wait3A_2821] : memref<8x64x512xf32, #tpu.memory_space<vmem>> -> memref<1x32x512xf32, #tpu.memory_space<vmem>>
    %dma_wait3A_2823 = tpu.memref_squeeze %dma_wait3A_2822 : memref<1x32x512xf32, #tpu.memory_space<vmem>> -> memref<32x512xf32, #tpu.memory_space<vmem>>
    %dma_wait3A_2824 = arith.constant 0 : i32
    %dma_wait3A_2825 = arith.constant 0 : i32
    %dma_wait3A_2826 = tpu.memref_slice %arg8[%dma_wait3A_2815, %get3A_158, %dma_wait3A_2824, %dma_wait3A_2825] : memref<32x64x32x512xf32, #tpu.memory_space<hbm>> -> memref<1x1x32x512xf32, #tpu.memory_space<hbm>>
    %dma_wait3A_2827 = tpu.memref_squeeze %dma_wait3A_2826 : memref<1x1x32x512xf32, #tpu.memory_space<hbm>> -> memref<32x512xf32, #tpu.memory_space<hbm>>
    tpu.wait_dma2 semaphore(%dma_wait3A_2819 : memref<!tpu.dma_semaphore, #tpu.memory_space<semaphore_mem>>) src(%dma_wait3A_2827 : memref<32x512xf32, #tpu.memory_space<hbm>>) dst(%dma_wait3A_2823 : memref<32x512xf32, #tpu.memory_space<vmem>>)
    %dma_wait3A_2828 = arith.constant 13 : i32
    %dma_wait3A_2829 = arith.constant 5 : i32
    %dma_wait3A_2830 = arith.constant 1 : i32
    %dma_wait3A_2831 = tpu.memref_slice %arg23[%dma_wait3A_2830] : memref<4x!tpu.dma_semaphore, #tpu.memory_space<semaphore_mem>> -> memref<1x!tpu.dma_semaphore, #tpu.memory_space<semaphore_mem>>
    %dma_wait3A_2832 = tpu.memref_squeeze %dma_wait3A_2831 : memref<1x!tpu.dma_semaphore, #tpu.memory_space<semaphore_mem>> -> memref<!tpu.dma_semaphore, #tpu.memory_space<semaphore_mem>>
    %dma_wait3A_2833 = arith.constant 0 : i32
    %dma_wait3A_2834 = arith.constant 0 : i32
    %dma_wait3A_2835 = tpu.memref_slice %arg19[%dma_wait3A_2829, %dma_wait3A_2833, %dma_wait3A_2834] : memref<8x64x512xf32, #tpu.memory_space<vmem>> -> memref<1x32x512xf32, #tpu.memory_space<vmem>>
    %dma_wait3A_2836 = tpu.memref_squeeze %dma_wait3A_2835 : memref<1x32x512xf32, #tpu.memory_space<vmem>> -> memref<32x512xf32, #tpu.memory_space<vmem>>
    %dma_wait3A_2837 = arith.constant 0 : i32
    %dma_wait3A_2838 = arith.constant 0 : i32
    %dma_wait3A_2839 = tpu.memref_slice %arg8[%dma_wait3A_2828, %get3A_161, %dma_wait3A_2837, %dma_wait3A_2838] : memref<32x64x32x512xf32, #tpu.memory_space<hbm>> -> memref<1x1x32x512xf32, #tpu.memory_space<hbm>>
    %dma_wait3A_2840 = tpu.memref_squeeze %dma_wait3A_2839 : memref<1x1x32x512xf32, #tpu.memory_space<hbm>> -> memref<32x512xf32, #tpu.memory_space<hbm>>
    tpu.wait_dma2 semaphore(%dma_wait3A_2832 : memref<!tpu.dma_semaphore, #tpu.memory_space<semaphore_mem>>) src(%dma_wait3A_2840 : memref<32x512xf32, #tpu.memory_space<hbm>>) dst(%dma_wait3A_2836 : memref<32x512xf32, #tpu.memory_space<vmem>>)
    %dma_wait3A_2841 = arith.constant 13 : i32
    %dma_wait3A_2842 = arith.constant 5 : i32
    %dma_wait3A_2843 = arith.constant 1 : i32
    %dma_wait3A_2844 = tpu.memref_slice %arg23[%dma_wait3A_2843] : memref<4x!tpu.dma_semaphore, #tpu.memory_space<semaphore_mem>> -> memref<1x!tpu.dma_semaphore, #tpu.memory_space<semaphore_mem>>
    %dma_wait3A_2845 = tpu.memref_squeeze %dma_wait3A_2844 : memref<1x!tpu.dma_semaphore, #tpu.memory_space<semaphore_mem>> -> memref<!tpu.dma_semaphore, #tpu.memory_space<semaphore_mem>>
    %dma_wait3A_2846 = arith.constant 32 : i32
    %dma_wait3A_2847 = arith.constant 0 : i32
    %dma_wait3A_2848 = tpu.memref_slice %arg19[%dma_wait3A_2842, %dma_wait3A_2846, %dma_wait3A_2847] : memref<8x64x512xf32, #tpu.memory_space<vmem>> -> memref<1x32x512xf32, #tpu.memory_space<vmem>>
    %dma_wait3A_2849 = tpu.memref_squeeze %dma_wait3A_2848 : memref<1x32x512xf32, #tpu.memory_space<vmem>> -> memref<32x512xf32, #tpu.memory_space<vmem>>
    %dma_wait3A_2850 = arith.constant 0 : i32
    %dma_wait3A_2851 = arith.constant 0 : i32
    %dma_wait3A_2852 = tpu.memref_slice %arg8[%dma_wait3A_2841, %get3A_164, %dma_wait3A_2850, %dma_wait3A_2851] : memref<32x64x32x512xf32, #tpu.memory_space<hbm>> -> memref<1x1x32x512xf32, #tpu.memory_space<hbm>>
    %dma_wait3A_2853 = tpu.memref_squeeze %dma_wait3A_2852 : memref<1x1x32x512xf32, #tpu.memory_space<hbm>> -> memref<32x512xf32, #tpu.memory_space<hbm>>
    tpu.wait_dma2 semaphore(%dma_wait3A_2845 : memref<!tpu.dma_semaphore, #tpu.memory_space<semaphore_mem>>) src(%dma_wait3A_2853 : memref<32x512xf32, #tpu.memory_space<hbm>>) dst(%dma_wait3A_2849 : memref<32x512xf32, #tpu.memory_space<vmem>>)
    %dma_wait3A_2854 = arith.constant 14 : i32
    %dma_wait3A_2855 = arith.constant 6 : i32
    %dma_wait3A_2856 = arith.constant 1 : i32
    %dma_wait3A_2857 = tpu.memref_slice %arg23[%dma_wait3A_2856] : memref<4x!tpu.dma_semaphore, #tpu.memory_space<semaphore_mem>> -> memref<1x!tpu.dma_semaphore, #tpu.memory_space<semaphore_mem>>
    %dma_wait3A_2858 = tpu.memref_squeeze %dma_wait3A_2857 : memref<1x!tpu.dma_semaphore, #tpu.memory_space<semaphore_mem>> -> memref<!tpu.dma_semaphore, #tpu.memory_space<semaphore_mem>>
    %dma_wait3A_2859 = arith.constant 0 : i32
    %dma_wait3A_2860 = arith.constant 0 : i32
    %dma_wait3A_2861 = tpu.memref_slice %arg19[%dma_wait3A_2855, %dma_wait3A_2859, %dma_wait3A_2860] : memref<8x64x512xf32, #tpu.memory_space<vmem>> -> memref<1x32x512xf32, #tpu.memory_space<vmem>>
    %dma_wait3A_2862 = tpu.memref_squeeze %dma_wait3A_2861 : memref<1x32x512xf32, #tpu.memory_space<vmem>> -> memref<32x512xf32, #tpu.memory_space<vmem>>
    %dma_wait3A_2863 = arith.constant 0 : i32
    %dma_wait3A_2864 = arith.constant 0 : i32
    %dma_wait3A_2865 = tpu.memref_slice %arg8[%dma_wait3A_2854, %get3A_167, %dma_wait3A_2863, %dma_wait3A_2864] : memref<32x64x32x512xf32, #tpu.memory_space<hbm>> -> memref<1x1x32x512xf32, #tpu.memory_space<hbm>>
    %dma_wait3A_2866 = tpu.memref_squeeze %dma_wait3A_2865 : memref<1x1x32x512xf32, #tpu.memory_space<hbm>> -> memref<32x512xf32, #tpu.memory_space<hbm>>
    tpu.wait_dma2 semaphore(%dma_wait3A_2858 : memref<!tpu.dma_semaphore, #tpu.memory_space<semaphore_mem>>) src(%dma_wait3A_2866 : memref<32x512xf32, #tpu.memory_space<hbm>>) dst(%dma_wait3A_2862 : memref<32x512xf32, #tpu.memory_space<vmem>>)
    %dma_wait3A_2867 = arith.constant 14 : i32
    %dma_wait3A_2868 = arith.constant 6 : i32
    %dma_wait3A_2869 = arith.constant 1 : i32
    %dma_wait3A_2870 = tpu.memref_slice %arg23[%dma_wait3A_2869] : memref<4x!tpu.dma_semaphore, #tpu.memory_space<semaphore_mem>> -> memref<1x!tpu.dma_semaphore, #tpu.memory_space<semaphore_mem>>
    %dma_wait3A_2871 = tpu.memref_squeeze %dma_wait3A_2870 : memref<1x!tpu.dma_semaphore, #tpu.memory_space<semaphore_mem>> -> memref<!tpu.dma_semaphore, #tpu.memory_space<semaphore_mem>>
    %dma_wait3A_2872 = arith.constant 32 : i32
    %dma_wait3A_2873 = arith.constant 0 : i32
    %dma_wait3A_2874 = tpu.memref_slice %arg19[%dma_wait3A_2868, %dma_wait3A_2872, %dma_wait3A_2873] : memref<8x64x512xf32, #tpu.memory_space<vmem>> -> memref<1x32x512xf32, #tpu.memory_space<vmem>>
    %dma_wait3A_2875 = tpu.memref_squeeze %dma_wait3A_2874 : memref<1x32x512xf32, #tpu.memory_space<vmem>> -> memref<32x512xf32, #tpu.memory_space<vmem>>
    %dma_wait3A_2876 = arith.constant 0 : i32
    %dma_wait3A_2877 = arith.constant 0 : i32
    %dma_wait3A_2878 = tpu.memref_slice %arg8[%dma_wait3A_2867, %get3A_170, %dma_wait3A_2876, %dma_wait3A_2877] : memref<32x64x32x512xf32, #tpu.memory_space<hbm>> -> memref<1x1x32x512xf32, #tpu.memory_space<hbm>>
    %dma_wait3A_2879 = tpu.memref_squeeze %dma_wait3A_2878 : memref<1x1x32x512xf32, #tpu.memory_space<hbm>> -> memref<32x512xf32, #tpu.memory_space<hbm>>
    tpu.wait_dma2 semaphore(%dma_wait3A_2871 : memref<!tpu.dma_semaphore, #tpu.memory_space<semaphore_mem>>) src(%dma_wait3A_2879 : memref<32x512xf32, #tpu.memory_space<hbm>>) dst(%dma_wait3A_2875 : memref<32x512xf32, #tpu.memory_space<vmem>>)
    %dma_wait3A_2880 = arith.constant 15 : i32
    %dma_wait3A_2881 = arith.constant 7 : i32
    %dma_wait3A_2882 = arith.constant 1 : i32
    %dma_wait3A_2883 = tpu.memref_slice %arg23[%dma_wait3A_2882] : memref<4x!tpu.dma_semaphore, #tpu.memory_space<semaphore_mem>> -> memref<1x!tpu.dma_semaphore, #tpu.memory_space<semaphore_mem>>
    %dma_wait3A_2884 = tpu.memref_squeeze %dma_wait3A_2883 : memref<1x!tpu.dma_semaphore, #tpu.memory_space<semaphore_mem>> -> memref<!tpu.dma_semaphore, #tpu.memory_space<semaphore_mem>>
    %dma_wait3A_2885 = arith.constant 0 : i32
    %dma_wait3A_2886 = arith.constant 0 : i32
    %dma_wait3A_2887 = tpu.memref_slice %arg19[%dma_wait3A_2881, %dma_wait3A_2885, %dma_wait3A_2886] : memref<8x64x512xf32, #tpu.memory_space<vmem>> -> memref<1x32x512xf32, #tpu.memory_space<vmem>>
    %dma_wait3A_2888 = tpu.memref_squeeze %dma_wait3A_2887 : memref<1x32x512xf32, #tpu.memory_space<vmem>> -> memref<32x512xf32, #tpu.memory_space<vmem>>
    %dma_wait3A_2889 = arith.constant 0 : i32
    %dma_wait3A_2890 = arith.constant 0 : i32
    %dma_wait3A_2891 = tpu.memref_slice %arg8[%dma_wait3A_2880, %get3A_173, %dma_wait3A_2889, %dma_wait3A_2890] : memref<32x64x32x512xf32, #tpu.memory_space<hbm>> -> memref<1x1x32x512xf32, #tpu.memory_space<hbm>>
    %dma_wait3A_2892 = tpu.memref_squeeze %dma_wait3A_2891 : memref<1x1x32x512xf32, #tpu.memory_space<hbm>> -> memref<32x512xf32, #tpu.memory_space<hbm>>
    tpu.wait_dma2 semaphore(%dma_wait3A_2884 : memref<!tpu.dma_semaphore, #tpu.memory_space<semaphore_mem>>) src(%dma_wait3A_2892 : memref<32x512xf32, #tpu.memory_space<hbm>>) dst(%dma_wait3A_2888 : memref<32x512xf32, #tpu.memory_space<vmem>>)
    %dma_wait3A_2893 = arith.constant 15 : i32
    %dma_wait3A_2894 = arith.constant 7 : i32
    %dma_wait3A_2895 = arith.constant 1 : i32
    %dma_wait3A_2896 = tpu.memref_slice %arg23[%dma_wait3A_2895] : memref<4x!tpu.dma_semaphore, #tpu.memory_space<semaphore_mem>> -> memref<1x!tpu.dma_semaphore, #tpu.memory_space<semaphore_mem>>
    %dma_wait3A_2897 = tpu.memref_squeeze %dma_wait3A_2896 : memref<1x!tpu.dma_semaphore, #tpu.memory_space<semaphore_mem>> -> memref<!tpu.dma_semaphore, #tpu.memory_space<semaphore_mem>>
    %dma_wait3A_2898 = arith.constant 32 : i32
    %dma_wait3A_2899 = arith.constant 0 : i32
    %dma_wait3A_2900 = tpu.memref_slice %arg19[%dma_wait3A_2894, %dma_wait3A_2898, %dma_wait3A_2899] : memref<8x64x512xf32, #tpu.memory_space<vmem>> -> memref<1x32x512xf32, #tpu.memory_space<vmem>>
    %dma_wait3A_2901 = tpu.memref_squeeze %dma_wait3A_2900 : memref<1x32x512xf32, #tpu.memory_space<vmem>> -> memref<32x512xf32, #tpu.memory_space<vmem>>
    %dma_wait3A_2902 = arith.constant 0 : i32
    %dma_wait3A_2903 = arith.constant 0 : i32
    %dma_wait3A_2904 = tpu.memref_slice %arg8[%dma_wait3A_2893, %get3A_176, %dma_wait3A_2902, %dma_wait3A_2903] : memref<32x64x32x512xf32, #tpu.memory_space<hbm>> -> memref<1x1x32x512xf32, #tpu.memory_space<hbm>>
    %dma_wait3A_2905 = tpu.memref_squeeze %dma_wait3A_2904 : memref<1x1x32x512xf32, #tpu.memory_space<hbm>> -> memref<32x512xf32, #tpu.memory_space<hbm>>
    tpu.wait_dma2 semaphore(%dma_wait3A_2897 : memref<!tpu.dma_semaphore, #tpu.memory_space<semaphore_mem>>) src(%dma_wait3A_2905 : memref<32x512xf32, #tpu.memory_space<hbm>>) dst(%dma_wait3A_2901 : memref<32x512xf32, #tpu.memory_space<vmem>>)
    %broadcast_in_dim3A_2906 = vector.shape_cast %div3A_2697 : vector<8x64xf32> to vector<8x64x1xf32>
    %get3A_2907 = arith.constant 0 : index
    %get3A_2908 = arith.constant 0 : index
    %get3A_2909 = arith.constant 0 : index
    %get3A_2910 = vector.load %arg19[%get3A_2907, %get3A_2908, %get3A_2909] : memref<8x64x512xf32, #tpu.memory_space<vmem>>, vector<8x64x512xf32>
    %mul3A_2911 = vector.broadcast %broadcast_in_dim3A_2906 : vector<8x64x1xf32> to vector<8x64x512xf32>
    %mul3A_2912 = arith.mulf %mul3A_2911, %get3A_2910 : vector<8x64x512xf32>
    %reduce_sum3A_2913 = arith.constant dense<0.000000e+00> : vector<8x512xf32>
    %reduce_sum3A_2914 = vector.multi_reduction <add>, %mul3A_2912, %reduce_sum3A_2913 [1] : vector<8x64x512xf32> to vector<8x512xf32>
    %swap3A_2915 = arith.constant 8 : index
    %swap3A_2916 = arith.constant 0 : index
    %swap3A_2917 = vector.load %arg11[%swap3A_2915, %swap3A_2916] : memref<32x512xf32, #tpu.memory_space<vmem>>, vector<8x512xf32>
    tpu.vector_store %arg11[%swap3A_2915, %swap3A_2916], %reduce_sum3A_2914 {strides = array<i32>} : memref<32x512xf32, #tpu.memory_space<vmem>>, vector<8x512xf32>,
    %slice3A_2918 = vector.extract_strided_slice %div3A_2697 {offsets = [0, 0], sizes = [8, 32], strides = [1, 1]} : vector<8x64xf32> to vector<8x32xf32>
    %dot_general3A_2919 = arith.constant dense<0.000000e+00> : vector<8x2048xf32>
    %dot_general3A_2920 = tpu.matmul %slice3A_2918, %convert_element_type3A_80, %dot_general3A_2919 {dimension_numbers = #tpu.dot_dimension_numbers<[1], [0], [0], [1], [0, 0, 1, 1], [], []>, transpose_lhs_hint = false} : vector<8x32xf32>, vector<32x2048xf32>, vector<8x2048xf32> -> vector<8x2048xf32>
    %slice3A_2921 = vector.extract_strided_slice %div3A_2697 {offsets = [0, 32], sizes = [8, 32], strides = [1, 1]} : vector<8x64xf32> to vector<8x32xf32>
    %dot_general3A_2922 = arith.constant dense<0.000000e+00> : vector<8x2048xf32>
    %dot_general3A_2923 = tpu.matmul %slice3A_2921, %convert_element_type3A_80, %dot_general3A_2922 {dimension_numbers = #tpu.dot_dimension_numbers<[1], [0], [0], [1], [0, 0, 1, 1], [], []>, transpose_lhs_hint = false} : vector<8x32xf32>, vector<32x2048xf32>, vector<8x2048xf32> -> vector<8x2048xf32>
    %slice3A_2924 = vector.extract_strided_slice %convert_element_type3A_51 {offsets = [8, 0], sizes = [8, 2048], strides = [1, 1]} : vector<32x2048xf32> to vector<8x2048xf32>
    %mul3A_2925 = arith.mulf %slice3A_2924, %dot_general3A_2920 : vector<8x2048xf32>
    %slice3A_2926 = vector.extract_strided_slice %convert_element_type3A_55 {offsets = [8, 0], sizes = [8, 2048], strides = [1, 1]} : vector<32x2048xf32> to vector<8x2048xf32>
    %mul3A_2927 = arith.mulf %slice3A_2926, %dot_general3A_2923 : vector<8x2048xf32>
    %add3A_2928 = arith.addf %mul3A_2925, %mul3A_2927 : vector<8x2048xf32>
    %swap3A_2929 = arith.constant 8 : index
    %swap3A_2930 = arith.constant 0 : index
    %swap3A_2931 = vector.load %arg12[%swap3A_2929, %swap3A_2930] : memref<32x2048xf32, #tpu.memory_space<vmem>>, vector<8x2048xf32>
    tpu.vector_store %arg12[%swap3A_2929, %swap3A_2930], %add3A_2928 {strides = array<i32>} : memref<32x2048xf32, #tpu.memory_space<vmem>>, vector<8x2048xf32>,
    %slice3A_2932 = vector.extract_strided_slice %get3A_1950 {offsets = [8, 0], sizes = [8, 2048], strides = [1, 1]} : vector<32x2048xf32> to vector<8x2048xf32>
    %add3A_2933 = arith.addf %slice3A_2932, %add3A_2928 : vector<8x2048xf32>
    %swap3A_2934 = arith.constant 8 : index
    %swap3A_2935 = arith.constant 0 : index
    %swap3A_2936 = vector.load %arg13[%swap3A_2934, %swap3A_2935] : memref<32x2048xf32, #tpu.memory_space<vmem>>, vector<8x2048xf32>
    tpu.vector_store %arg13[%swap3A_2934, %swap3A_2935], %add3A_2933 {strides = array<i32>} : memref<32x2048xf32, #tpu.memory_space<vmem>>, vector<8x2048xf32>,
    %dma_wait3A_2937 = arith.constant 16 : i32
    %dma_wait3A_2938 = arith.constant 0 : i32
    %dma_wait3A_2939 = arith.constant 2 : i32
    %dma_wait3A_2940 = tpu.memref_slice %arg22[%dma_wait3A_2939] : memref<4x!tpu.dma_semaphore, #tpu.memory_space<semaphore_mem>> -> memref<1x!tpu.dma_semaphore, #tpu.memory_space<semaphore_mem>>
    %dma_wait3A_2941 = tpu.memref_squeeze %dma_wait3A_2940 : memref<1x!tpu.dma_semaphore, #tpu.memory_space<semaphore_mem>> -> memref<!tpu.dma_semaphore, #tpu.memory_space<semaphore_mem>>
    %dma_wait3A_2942 = arith.constant 0 : i32
    %dma_wait3A_2943 = arith.constant 0 : i32
    %dma_wait3A_2944 = tpu.memref_slice %arg16[%dma_wait3A_2938, %dma_wait3A_2942, %dma_wait3A_2943] : memref<8x64x512xf32, #tpu.memory_space<vmem>> -> memref<1x32x512xf32, #tpu.memory_space<vmem>>
    %dma_wait3A_2945 = tpu.memref_squeeze %dma_wait3A_2944 : memref<1x32x512xf32, #tpu.memory_space<vmem>> -> memref<32x512xf32, #tpu.memory_space<vmem>>
    %dma_wait3A_2946 = arith.constant 0 : i32
    %dma_wait3A_2947 = arith.constant 0 : i32
    %dma_wait3A_2948 = tpu.memref_slice %arg7[%dma_wait3A_2937, %get3A_179, %dma_wait3A_2946, %dma_wait3A_2947] : memref<32x64x32x512xf32, #tpu.memory_space<hbm>> -> memref<1x1x32x512xf32, #tpu.memory_space<hbm>>
    %dma_wait3A_2949 = tpu.memref_squeeze %dma_wait3A_2948 : memref<1x1x32x512xf32, #tpu.memory_space<hbm>> -> memref<32x512xf32, #tpu.memory_space<hbm>>
    tpu.wait_dma2 semaphore(%dma_wait3A_2941 : memref<!tpu.dma_semaphore, #tpu.memory_space<semaphore_mem>>) src(%dma_wait3A_2949 : memref<32x512xf32, #tpu.memory_space<hbm>>) dst(%dma_wait3A_2945 : memref<32x512xf32, #tpu.memory_space<vmem>>)
    %dma_wait3A_2950 = arith.constant 16 : i32
    %dma_wait3A_2951 = arith.constant 0 : i32
    %dma_wait3A_2952 = arith.constant 2 : i32
    %dma_wait3A_2953 = tpu.memref_slice %arg22[%dma_wait3A_2952] : memref<4x!tpu.dma_semaphore, #tpu.memory_space<semaphore_mem>> -> memref<1x!tpu.dma_semaphore, #tpu.memory_space<semaphore_mem>>
    %dma_wait3A_2954 = tpu.memref_squeeze %dma_wait3A_2953 : memref<1x!tpu.dma_semaphore, #tpu.memory_space<semaphore_mem>> -> memref<!tpu.dma_semaphore, #tpu.memory_space<semaphore_mem>>
    %dma_wait3A_2955 = arith.constant 32 : i32
    %dma_wait3A_2956 = arith.constant 0 : i32
    %dma_wait3A_2957 = tpu.memref_slice %arg16[%dma_wait3A_2951, %dma_wait3A_2955, %dma_wait3A_2956] : memref<8x64x512xf32, #tpu.memory_space<vmem>> -> memref<1x32x512xf32, #tpu.memory_space<vmem>>
    %dma_wait3A_2958 = tpu.memref_squeeze %dma_wait3A_2957 : memref<1x32x512xf32, #tpu.memory_space<vmem>> -> memref<32x512xf32, #tpu.memory_space<vmem>>
    %dma_wait3A_2959 = arith.constant 0 : i32
    %dma_wait3A_2960 = arith.constant 0 : i32
    %dma_wait3A_2961 = tpu.memref_slice %arg7[%dma_wait3A_2950, %get3A_182, %dma_wait3A_2959, %dma_wait3A_2960] : memref<32x64x32x512xf32, #tpu.memory_space<hbm>> -> memref<1x1x32x512xf32, #tpu.memory_space<hbm>>
    %dma_wait3A_2962 = tpu.memref_squeeze %dma_wait3A_2961 : memref<1x1x32x512xf32, #tpu.memory_space<hbm>> -> memref<32x512xf32, #tpu.memory_space<hbm>>
    tpu.wait_dma2 semaphore(%dma_wait3A_2954 : memref<!tpu.dma_semaphore, #tpu.memory_space<semaphore_mem>>) src(%dma_wait3A_2962 : memref<32x512xf32, #tpu.memory_space<hbm>>) dst(%dma_wait3A_2958 : memref<32x512xf32, #tpu.memory_space<vmem>>)
    %dma_wait3A_2963 = arith.constant 17 : i32
    %dma_wait3A_2964 = arith.constant 1 : i32
    %dma_wait3A_2965 = arith.constant 2 : i32
    %dma_wait3A_2966 = tpu.memref_slice %arg22[%dma_wait3A_2965] : memref<4x!tpu.dma_semaphore, #tpu.memory_space<semaphore_mem>> -> memref<1x!tpu.dma_semaphore, #tpu.memory_space<semaphore_mem>>
    %dma_wait3A_2967 = tpu.memref_squeeze %dma_wait3A_2966 : memref<1x!tpu.dma_semaphore, #tpu.memory_space<semaphore_mem>> -> memref<!tpu.dma_semaphore, #tpu.memory_space<semaphore_mem>>
    %dma_wait3A_2968 = arith.constant 0 : i32
    %dma_wait3A_2969 = arith.constant 0 : i32
    %dma_wait3A_2970 = tpu.memref_slice %arg16[%dma_wait3A_2964, %dma_wait3A_2968, %dma_wait3A_2969] : memref<8x64x512xf32, #tpu.memory_space<vmem>> -> memref<1x32x512xf32, #tpu.memory_space<vmem>>
    %dma_wait3A_2971 = tpu.memref_squeeze %dma_wait3A_2970 : memref<1x32x512xf32, #tpu.memory_space<vmem>> -> memref<32x512xf32, #tpu.memory_space<vmem>>
    %dma_wait3A_2972 = arith.constant 0 : i32
    %dma_wait3A_2973 = arith.constant 0 : i32
    %dma_wait3A_2974 = tpu.memref_slice %arg7[%dma_wait3A_2963, %get3A_185, %dma_wait3A_2972, %dma_wait3A_2973] : memref<32x64x32x512xf32, #tpu.memory_space<hbm>> -> memref<1x1x32x512xf32, #tpu.memory_space<hbm>>
    %dma_wait3A_2975 = tpu.memref_squeeze %dma_wait3A_2974 : memref<1x1x32x512xf32, #tpu.memory_space<hbm>> -> memref<32x512xf32, #tpu.memory_space<hbm>>
    tpu.wait_dma2 semaphore(%dma_wait3A_2967 : memref<!tpu.dma_semaphore, #tpu.memory_space<semaphore_mem>>) src(%dma_wait3A_2975 : memref<32x512xf32, #tpu.memory_space<hbm>>) dst(%dma_wait3A_2971 : memref<32x512xf32, #tpu.memory_space<vmem>>)
    %dma_wait3A_2976 = arith.constant 17 : i32
    %dma_wait3A_2977 = arith.constant 1 : i32
    %dma_wait3A_2978 = arith.constant 2 : i32
    %dma_wait3A_2979 = tpu.memref_slice %arg22[%dma_wait3A_2978] : memref<4x!tpu.dma_semaphore, #tpu.memory_space<semaphore_mem>> -> memref<1x!tpu.dma_semaphore, #tpu.memory_space<semaphore_mem>>
    %dma_wait3A_2980 = tpu.memref_squeeze %dma_wait3A_2979 : memref<1x!tpu.dma_semaphore, #tpu.memory_space<semaphore_mem>> -> memref<!tpu.dma_semaphore, #tpu.memory_space<semaphore_mem>>
    %dma_wait3A_2981 = arith.constant 32 : i32
    %dma_wait3A_2982 = arith.constant 0 : i32
    %dma_wait3A_2983 = tpu.memref_slice %arg16[%dma_wait3A_2977, %dma_wait3A_2981, %dma_wait3A_2982] : memref<8x64x512xf32, #tpu.memory_space<vmem>> -> memref<1x32x512xf32, #tpu.memory_space<vmem>>
    %dma_wait3A_2984 = tpu.memref_squeeze %dma_wait3A_2983 : memref<1x32x512xf32, #tpu.memory_space<vmem>> -> memref<32x512xf32, #tpu.memory_space<vmem>>
    %dma_wait3A_2985 = arith.constant 0 : i32
    %dma_wait3A_2986 = arith.constant 0 : i32
    %dma_wait3A_2987 = tpu.memref_slice %arg7[%dma_wait3A_2976, %get3A_188, %dma_wait3A_2985, %dma_wait3A_2986] : memref<32x64x32x512xf32, #tpu.memory_space<hbm>> -> memref<1x1x32x512xf32, #tpu.memory_space<hbm>>
    %dma_wait3A_2988 = tpu.memref_squeeze %dma_wait3A_2987 : memref<1x1x32x512xf32, #tpu.memory_space<hbm>> -> memref<32x512xf32, #tpu.memory_space<hbm>>
    tpu.wait_dma2 semaphore(%dma_wait3A_2980 : memref<!tpu.dma_semaphore, #tpu.memory_space<semaphore_mem>>) src(%dma_wait3A_2988 : memref<32x512xf32, #tpu.memory_space<hbm>>) dst(%dma_wait3A_2984 : memref<32x512xf32, #tpu.memory_space<vmem>>)
    %dma_wait3A_2989 = arith.constant 18 : i32
    %dma_wait3A_2990 = arith.constant 2 : i32
    %dma_wait3A_2991 = arith.constant 2 : i32
    %dma_wait3A_2992 = tpu.memref_slice %arg22[%dma_wait3A_2991] : memref<4x!tpu.dma_semaphore, #tpu.memory_space<semaphore_mem>> -> memref<1x!tpu.dma_semaphore, #tpu.memory_space<semaphore_mem>>
    %dma_wait3A_2993 = tpu.memref_squeeze %dma_wait3A_2992 : memref<1x!tpu.dma_semaphore, #tpu.memory_space<semaphore_mem>> -> memref<!tpu.dma_semaphore, #tpu.memory_space<semaphore_mem>>
    %dma_wait3A_2994 = arith.constant 0 : i32
    %dma_wait3A_2995 = arith.constant 0 : i32
    %dma_wait3A_2996 = tpu.memref_slice %arg16[%dma_wait3A_2990, %dma_wait3A_2994, %dma_wait3A_2995] : memref<8x64x512xf32, #tpu.memory_space<vmem>> -> memref<1x32x512xf32, #tpu.memory_space<vmem>>
    %dma_wait3A_2997 = tpu.memref_squeeze %dma_wait3A_2996 : memref<1x32x512xf32, #tpu.memory_space<vmem>> -> memref<32x512xf32, #tpu.memory_space<vmem>>
    %dma_wait3A_2998 = arith.constant 0 : i32
    %dma_wait3A_2999 = arith.constant 0 : i32
    %dma_wait3A_3000 = tpu.memref_slice %arg7[%dma_wait3A_2989, %get3A_191, %dma_wait3A_2998, %dma_wait3A_2999] : memref<32x64x32x512xf32, #tpu.memory_space<hbm>> -> memref<1x1x32x512xf32, #tpu.memory_space<hbm>>
    %dma_wait3A_3001 = tpu.memref_squeeze %dma_wait3A_3000 : memref<1x1x32x512xf32, #tpu.memory_space<hbm>> -> memref<32x512xf32, #tpu.memory_space<hbm>>
    tpu.wait_dma2 semaphore(%dma_wait3A_2993 : memref<!tpu.dma_semaphore, #tpu.memory_space<semaphore_mem>>) src(%dma_wait3A_3001 : memref<32x512xf32, #tpu.memory_space<hbm>>) dst(%dma_wait3A_2997 : memref<32x512xf32, #tpu.memory_space<vmem>>)
    %dma_wait3A_3002 = arith.constant 18 : i32
    %dma_wait3A_3003 = arith.constant 2 : i32
    %dma_wait3A_3004 = arith.constant 2 : i32
    %dma_wait3A_3005 = tpu.memref_slice %arg22[%dma_wait3A_3004] : memref<4x!tpu.dma_semaphore, #tpu.memory_space<semaphore_mem>> -> memref<1x!tpu.dma_semaphore, #tpu.memory_space<semaphore_mem>>
    %dma_wait3A_3006 = tpu.memref_squeeze %dma_wait3A_3005 : memref<1x!tpu.dma_semaphore, #tpu.memory_space<semaphore_mem>> -> memref<!tpu.dma_semaphore, #tpu.memory_space<semaphore_mem>>
    %dma_wait3A_3007 = arith.constant 32 : i32
    %dma_wait3A_3008 = arith.constant 0 : i32
    %dma_wait3A_3009 = tpu.memref_slice %arg16[%dma_wait3A_3003, %dma_wait3A_3007, %dma_wait3A_3008] : memref<8x64x512xf32, #tpu.memory_space<vmem>> -> memref<1x32x512xf32, #tpu.memory_space<vmem>>
    %dma_wait3A_3010 = tpu.memref_squeeze %dma_wait3A_3009 : memref<1x32x512xf32, #tpu.memory_space<vmem>> -> memref<32x512xf32, #tpu.memory_space<vmem>>
    %dma_wait3A_3011 = arith.constant 0 : i32
    %dma_wait3A_3012 = arith.constant 0 : i32
    %dma_wait3A_3013 = tpu.memref_slice %arg7[%dma_wait3A_3002, %get3A_194, %dma_wait3A_3011, %dma_wait3A_3012] : memref<32x64x32x512xf32, #tpu.memory_space<hbm>> -> memref<1x1x32x512xf32, #tpu.memory_space<hbm>>
    %dma_wait3A_3014 = tpu.memref_squeeze %dma_wait3A_3013 : memref<1x1x32x512xf32, #tpu.memory_space<hbm>> -> memref<32x512xf32, #tpu.memory_space<hbm>>
    tpu.wait_dma2 semaphore(%dma_wait3A_3006 : memref<!tpu.dma_semaphore, #tpu.memory_space<semaphore_mem>>) src(%dma_wait3A_3014 : memref<32x512xf32, #tpu.memory_space<hbm>>) dst(%dma_wait3A_3010 : memref<32x512xf32, #tpu.memory_space<vmem>>)
    %dma_wait3A_3015 = arith.constant 19 : i32
    %dma_wait3A_3016 = arith.constant 3 : i32
    %dma_wait3A_3017 = arith.constant 2 : i32
    %dma_wait3A_3018 = tpu.memref_slice %arg22[%dma_wait3A_3017] : memref<4x!tpu.dma_semaphore, #tpu.memory_space<semaphore_mem>> -> memref<1x!tpu.dma_semaphore, #tpu.memory_space<semaphore_mem>>
    %dma_wait3A_3019 = tpu.memref_squeeze %dma_wait3A_3018 : memref<1x!tpu.dma_semaphore, #tpu.memory_space<semaphore_mem>> -> memref<!tpu.dma_semaphore, #tpu.memory_space<semaphore_mem>>
    %dma_wait3A_3020 = arith.constant 0 : i32
    %dma_wait3A_3021 = arith.constant 0 : i32
    %dma_wait3A_3022 = tpu.memref_slice %arg16[%dma_wait3A_3016, %dma_wait3A_3020, %dma_wait3A_3021] : memref<8x64x512xf32, #tpu.memory_space<vmem>> -> memref<1x32x512xf32, #tpu.memory_space<vmem>>
    %dma_wait3A_3023 = tpu.memref_squeeze %dma_wait3A_3022 : memref<1x32x512xf32, #tpu.memory_space<vmem>> -> memref<32x512xf32, #tpu.memory_space<vmem>>
    %dma_wait3A_3024 = arith.constant 0 : i32
    %dma_wait3A_3025 = arith.constant 0 : i32
    %dma_wait3A_3026 = tpu.memref_slice %arg7[%dma_wait3A_3015, %get3A_197, %dma_wait3A_3024, %dma_wait3A_3025] : memref<32x64x32x512xf32, #tpu.memory_space<hbm>> -> memref<1x1x32x512xf32, #tpu.memory_space<hbm>>
    %dma_wait3A_3027 = tpu.memref_squeeze %dma_wait3A_3026 : memref<1x1x32x512xf32, #tpu.memory_space<hbm>> -> memref<32x512xf32, #tpu.memory_space<hbm>>
    tpu.wait_dma2 semaphore(%dma_wait3A_3019 : memref<!tpu.dma_semaphore, #tpu.memory_space<semaphore_mem>>) src(%dma_wait3A_3027 : memref<32x512xf32, #tpu.memory_space<hbm>>) dst(%dma_wait3A_3023 : memref<32x512xf32, #tpu.memory_space<vmem>>)
    %dma_wait3A_3028 = arith.constant 19 : i32
    %dma_wait3A_3029 = arith.constant 3 : i32
    %dma_wait3A_3030 = arith.constant 2 : i32
    %dma_wait3A_3031 = tpu.memref_slice %arg22[%dma_wait3A_3030] : memref<4x!tpu.dma_semaphore, #tpu.memory_space<semaphore_mem>> -> memref<1x!tpu.dma_semaphore, #tpu.memory_space<semaphore_mem>>
    %dma_wait3A_3032 = tpu.memref_squeeze %dma_wait3A_3031 : memref<1x!tpu.dma_semaphore, #tpu.memory_space<semaphore_mem>> -> memref<!tpu.dma_semaphore, #tpu.memory_space<semaphore_mem>>
    %dma_wait3A_3033 = arith.constant 32 : i32
    %dma_wait3A_3034 = arith.constant 0 : i32
    %dma_wait3A_3035 = tpu.memref_slice %arg16[%dma_wait3A_3029, %dma_wait3A_3033, %dma_wait3A_3034] : memref<8x64x512xf32, #tpu.memory_space<vmem>> -> memref<1x32x512xf32, #tpu.memory_space<vmem>>
    %dma_wait3A_3036 = tpu.memref_squeeze %dma_wait3A_3035 : memref<1x32x512xf32, #tpu.memory_space<vmem>> -> memref<32x512xf32, #tpu.memory_space<vmem>>
    %dma_wait3A_3037 = arith.constant 0 : i32
    %dma_wait3A_3038 = arith.constant 0 : i32
    %dma_wait3A_3039 = tpu.memref_slice %arg7[%dma_wait3A_3028, %get3A_200, %dma_wait3A_3037, %dma_wait3A_3038] : memref<32x64x32x512xf32, #tpu.memory_space<hbm>> -> memref<1x1x32x512xf32, #tpu.memory_space<hbm>>
    %dma_wait3A_3040 = tpu.memref_squeeze %dma_wait3A_3039 : memref<1x1x32x512xf32, #tpu.memory_space<hbm>> -> memref<32x512xf32, #tpu.memory_space<hbm>>
    tpu.wait_dma2 semaphore(%dma_wait3A_3032 : memref<!tpu.dma_semaphore, #tpu.memory_space<semaphore_mem>>) src(%dma_wait3A_3040 : memref<32x512xf32, #tpu.memory_space<hbm>>) dst(%dma_wait3A_3036 : memref<32x512xf32, #tpu.memory_space<vmem>>)
    %dma_wait3A_3041 = arith.constant 20 : i32
    %dma_wait3A_3042 = arith.constant 4 : i32
    %dma_wait3A_3043 = arith.constant 2 : i32
    %dma_wait3A_3044 = tpu.memref_slice %arg22[%dma_wait3A_3043] : memref<4x!tpu.dma_semaphore, #tpu.memory_space<semaphore_mem>> -> memref<1x!tpu.dma_semaphore, #tpu.memory_space<semaphore_mem>>
    %dma_wait3A_3045 = tpu.memref_squeeze %dma_wait3A_3044 : memref<1x!tpu.dma_semaphore, #tpu.memory_space<semaphore_mem>> -> memref<!tpu.dma_semaphore, #tpu.memory_space<semaphore_mem>>
    %dma_wait3A_3046 = arith.constant 0 : i32
    %dma_wait3A_3047 = arith.constant 0 : i32
    %dma_wait3A_3048 = tpu.memref_slice %arg16[%dma_wait3A_3042, %dma_wait3A_3046, %dma_wait3A_3047] : memref<8x64x512xf32, #tpu.memory_space<vmem>> -> memref<1x32x512xf32, #tpu.memory_space<vmem>>
    %dma_wait3A_3049 = tpu.memref_squeeze %dma_wait3A_3048 : memref<1x32x512xf32, #tpu.memory_space<vmem>> -> memref<32x512xf32, #tpu.memory_space<vmem>>
    %dma_wait3A_3050 = arith.constant 0 : i32
    %dma_wait3A_3051 = arith.constant 0 : i32
    %dma_wait3A_3052 = tpu.memref_slice %arg7[%dma_wait3A_3041, %get3A_203, %dma_wait3A_3050, %dma_wait3A_3051] : memref<32x64x32x512xf32, #tpu.memory_space<hbm>> -> memref<1x1x32x512xf32, #tpu.memory_space<hbm>>
    %dma_wait3A_3053 = tpu.memref_squeeze %dma_wait3A_3052 : memref<1x1x32x512xf32, #tpu.memory_space<hbm>> -> memref<32x512xf32, #tpu.memory_space<hbm>>
    tpu.wait_dma2 semaphore(%dma_wait3A_3045 : memref<!tpu.dma_semaphore, #tpu.memory_space<semaphore_mem>>) src(%dma_wait3A_3053 : memref<32x512xf32, #tpu.memory_space<hbm>>) dst(%dma_wait3A_3049 : memref<32x512xf32, #tpu.memory_space<vmem>>)
    %dma_wait3A_3054 = arith.constant 20 : i32
    %dma_wait3A_3055 = arith.constant 4 : i32
    %dma_wait3A_3056 = arith.constant 2 : i32
    %dma_wait3A_3057 = tpu.memref_slice %arg22[%dma_wait3A_3056] : memref<4x!tpu.dma_semaphore, #tpu.memory_space<semaphore_mem>> -> memref<1x!tpu.dma_semaphore, #tpu.memory_space<semaphore_mem>>
    %dma_wait3A_3058 = tpu.memref_squeeze %dma_wait3A_3057 : memref<1x!tpu.dma_semaphore, #tpu.memory_space<semaphore_mem>> -> memref<!tpu.dma_semaphore, #tpu.memory_space<semaphore_mem>>
    %dma_wait3A_3059 = arith.constant 32 : i32
    %dma_wait3A_3060 = arith.constant 0 : i32
    %dma_wait3A_3061 = tpu.memref_slice %arg16[%dma_wait3A_3055, %dma_wait3A_3059, %dma_wait3A_3060] : memref<8x64x512xf32, #tpu.memory_space<vmem>> -> memref<1x32x512xf32, #tpu.memory_space<vmem>>
    %dma_wait3A_3062 = tpu.memref_squeeze %dma_wait3A_3061 : memref<1x32x512xf32, #tpu.memory_space<vmem>> -> memref<32x512xf32, #tpu.memory_space<vmem>>
    %dma_wait3A_3063 = arith.constant 0 : i32
    %dma_wait3A_3064 = arith.constant 0 : i32
    %dma_wait3A_3065 = tpu.memref_slice %arg7[%dma_wait3A_3054, %get3A_206, %dma_wait3A_3063, %dma_wait3A_3064] : memref<32x64x32x512xf32, #tpu.memory_space<hbm>> -> memref<1x1x32x512xf32, #tpu.memory_space<hbm>>
    %dma_wait3A_3066 = tpu.memref_squeeze %dma_wait3A_3065 : memref<1x1x32x512xf32, #tpu.memory_space<hbm>> -> memref<32x512xf32, #tpu.memory_space<hbm>>
    tpu.wait_dma2 semaphore(%dma_wait3A_3058 : memref<!tpu.dma_semaphore, #tpu.memory_space<semaphore_mem>>) src(%dma_wait3A_3066 : memref<32x512xf32, #tpu.memory_space<hbm>>) dst(%dma_wait3A_3062 : memref<32x512xf32, #tpu.memory_space<vmem>>)
    %dma_wait3A_3067 = arith.constant 21 : i32
    %dma_wait3A_3068 = arith.constant 5 : i32
    %dma_wait3A_3069 = arith.constant 2 : i32
    %dma_wait3A_3070 = tpu.memref_slice %arg22[%dma_wait3A_3069] : memref<4x!tpu.dma_semaphore, #tpu.memory_space<semaphore_mem>> -> memref<1x!tpu.dma_semaphore, #tpu.memory_space<semaphore_mem>>
    %dma_wait3A_3071 = tpu.memref_squeeze %dma_wait3A_3070 : memref<1x!tpu.dma_semaphore, #tpu.memory_space<semaphore_mem>> -> memref<!tpu.dma_semaphore, #tpu.memory_space<semaphore_mem>>
    %dma_wait3A_3072 = arith.constant 0 : i32
    %dma_wait3A_3073 = arith.constant 0 : i32
    %dma_wait3A_3074 = tpu.memref_slice %arg16[%dma_wait3A_3068, %dma_wait3A_3072, %dma_wait3A_3073] : memref<8x64x512xf32, #tpu.memory_space<vmem>> -> memref<1x32x512xf32, #tpu.memory_space<vmem>>
    %dma_wait3A_3075 = tpu.memref_squeeze %dma_wait3A_3074 : memref<1x32x512xf32, #tpu.memory_space<vmem>> -> memref<32x512xf32, #tpu.memory_space<vmem>>
    %dma_wait3A_3076 = arith.constant 0 : i32
    %dma_wait3A_3077 = arith.constant 0 : i32
    %dma_wait3A_3078 = tpu.memref_slice %arg7[%dma_wait3A_3067, %get3A_209, %dma_wait3A_3076, %dma_wait3A_3077] : memref<32x64x32x512xf32, #tpu.memory_space<hbm>> -> memref<1x1x32x512xf32, #tpu.memory_space<hbm>>
    %dma_wait3A_3079 = tpu.memref_squeeze %dma_wait3A_3078 : memref<1x1x32x512xf32, #tpu.memory_space<hbm>> -> memref<32x512xf32, #tpu.memory_space<hbm>>
    tpu.wait_dma2 semaphore(%dma_wait3A_3071 : memref<!tpu.dma_semaphore, #tpu.memory_space<semaphore_mem>>) src(%dma_wait3A_3079 : memref<32x512xf32, #tpu.memory_space<hbm>>) dst(%dma_wait3A_3075 : memref<32x512xf32, #tpu.memory_space<vmem>>)
    %dma_wait3A_3080 = arith.constant 21 : i32
    %dma_wait3A_3081 = arith.constant 5 : i32
    %dma_wait3A_3082 = arith.constant 2 : i32
    %dma_wait3A_3083 = tpu.memref_slice %arg22[%dma_wait3A_3082] : memref<4x!tpu.dma_semaphore, #tpu.memory_space<semaphore_mem>> -> memref<1x!tpu.dma_semaphore, #tpu.memory_space<semaphore_mem>>
    %dma_wait3A_3084 = tpu.memref_squeeze %dma_wait3A_3083 : memref<1x!tpu.dma_semaphore, #tpu.memory_space<semaphore_mem>> -> memref<!tpu.dma_semaphore, #tpu.memory_space<semaphore_mem>>
    %dma_wait3A_3085 = arith.constant 32 : i32
    %dma_wait3A_3086 = arith.constant 0 : i32
    %dma_wait3A_3087 = tpu.memref_slice %arg16[%dma_wait3A_3081, %dma_wait3A_3085, %dma_wait3A_3086] : memref<8x64x512xf32, #tpu.memory_space<vmem>> -> memref<1x32x512xf32, #tpu.memory_space<vmem>>
    %dma_wait3A_3088 = tpu.memref_squeeze %dma_wait3A_3087 : memref<1x32x512xf32, #tpu.memory_space<vmem>> -> memref<32x512xf32, #tpu.memory_space<vmem>>
    %dma_wait3A_3089 = arith.constant 0 : i32
    %dma_wait3A_3090 = arith.constant 0 : i32
    %dma_wait3A_3091 = tpu.memref_slice %arg7[%dma_wait3A_3080, %get3A_212, %dma_wait3A_3089, %dma_wait3A_3090] : memref<32x64x32x512xf32, #tpu.memory_space<hbm>> -> memref<1x1x32x512xf32, #tpu.memory_space<hbm>>
    %dma_wait3A_3092 = tpu.memref_squeeze %dma_wait3A_3091 : memref<1x1x32x512xf32, #tpu.memory_space<hbm>> -> memref<32x512xf32, #tpu.memory_space<hbm>>
    tpu.wait_dma2 semaphore(%dma_wait3A_3084 : memref<!tpu.dma_semaphore, #tpu.memory_space<semaphore_mem>>) src(%dma_wait3A_3092 : memref<32x512xf32, #tpu.memory_space<hbm>>) dst(%dma_wait3A_3088 : memref<32x512xf32, #tpu.memory_space<vmem>>)
    %dma_wait3A_3093 = arith.constant 22 : i32
    %dma_wait3A_3094 = arith.constant 6 : i32
    %dma_wait3A_3095 = arith.constant 2 : i32
    %dma_wait3A_3096 = tpu.memref_slice %arg22[%dma_wait3A_3095] : memref<4x!tpu.dma_semaphore, #tpu.memory_space<semaphore_mem>> -> memref<1x!tpu.dma_semaphore, #tpu.memory_space<semaphore_mem>>
    %dma_wait3A_3097 = tpu.memref_squeeze %dma_wait3A_3096 : memref<1x!tpu.dma_semaphore, #tpu.memory_space<semaphore_mem>> -> memref<!tpu.dma_semaphore, #tpu.memory_space<semaphore_mem>>
    %dma_wait3A_3098 = arith.constant 0 : i32
    %dma_wait3A_3099 = arith.constant 0 : i32
    %dma_wait3A_3100 = tpu.memref_slice %arg16[%dma_wait3A_3094, %dma_wait3A_3098, %dma_wait3A_3099] : memref<8x64x512xf32, #tpu.memory_space<vmem>> -> memref<1x32x512xf32, #tpu.memory_space<vmem>>
    %dma_wait3A_3101 = tpu.memref_squeeze %dma_wait3A_3100 : memref<1x32x512xf32, #tpu.memory_space<vmem>> -> memref<32x512xf32, #tpu.memory_space<vmem>>
    %dma_wait3A_3102 = arith.constant 0 : i32
    %dma_wait3A_3103 = arith.constant 0 : i32
    %dma_wait3A_3104 = tpu.memref_slice %arg7[%dma_wait3A_3093, %get3A_215, %dma_wait3A_3102, %dma_wait3A_3103] : memref<32x64x32x512xf32, #tpu.memory_space<hbm>> -> memref<1x1x32x512xf32, #tpu.memory_space<hbm>>
    %dma_wait3A_3105 = tpu.memref_squeeze %dma_wait3A_3104 : memref<1x1x32x512xf32, #tpu.memory_space<hbm>> -> memref<32x512xf32, #tpu.memory_space<hbm>>
    tpu.wait_dma2 semaphore(%dma_wait3A_3097 : memref<!tpu.dma_semaphore, #tpu.memory_space<semaphore_mem>>) src(%dma_wait3A_3105 : memref<32x512xf32, #tpu.memory_space<hbm>>) dst(%dma_wait3A_3101 : memref<32x512xf32, #tpu.memory_space<vmem>>)
    %dma_wait3A_3106 = arith.constant 22 : i32
    %dma_wait3A_3107 = arith.constant 6 : i32
    %dma_wait3A_3108 = arith.constant 2 : i32
    %dma_wait3A_3109 = tpu.memref_slice %arg22[%dma_wait3A_3108] : memref<4x!tpu.dma_semaphore, #tpu.memory_space<semaphore_mem>> -> memref<1x!tpu.dma_semaphore, #tpu.memory_space<semaphore_mem>>
    %dma_wait3A_3110 = tpu.memref_squeeze %dma_wait3A_3109 : memref<1x!tpu.dma_semaphore, #tpu.memory_space<semaphore_mem>> -> memref<!tpu.dma_semaphore, #tpu.memory_space<semaphore_mem>>
    %dma_wait3A_3111 = arith.constant 32 : i32
    %dma_wait3A_3112 = arith.constant 0 : i32
    %dma_wait3A_3113 = tpu.memref_slice %arg16[%dma_wait3A_3107, %dma_wait3A_3111, %dma_wait3A_3112] : memref<8x64x512xf32, #tpu.memory_space<vmem>> -> memref<1x32x512xf32, #tpu.memory_space<vmem>>
    %dma_wait3A_3114 = tpu.memref_squeeze %dma_wait3A_3113 : memref<1x32x512xf32, #tpu.memory_space<vmem>> -> memref<32x512xf32, #tpu.memory_space<vmem>>
    %dma_wait3A_3115 = arith.constant 0 : i32
    %dma_wait3A_3116 = arith.constant 0 : i32
    %dma_wait3A_3117 = tpu.memref_slice %arg7[%dma_wait3A_3106, %get3A_218, %dma_wait3A_3115, %dma_wait3A_3116] : memref<32x64x32x512xf32, #tpu.memory_space<hbm>> -> memref<1x1x32x512xf32, #tpu.memory_space<hbm>>
    %dma_wait3A_3118 = tpu.memref_squeeze %dma_wait3A_3117 : memref<1x1x32x512xf32, #tpu.memory_space<hbm>> -> memref<32x512xf32, #tpu.memory_space<hbm>>
    tpu.wait_dma2 semaphore(%dma_wait3A_3110 : memref<!tpu.dma_semaphore, #tpu.memory_space<semaphore_mem>>) src(%dma_wait3A_3118 : memref<32x512xf32, #tpu.memory_space<hbm>>) dst(%dma_wait3A_3114 : memref<32x512xf32, #tpu.memory_space<vmem>>)
    %dma_wait3A_3119 = arith.constant 23 : i32
    %dma_wait3A_3120 = arith.constant 7 : i32
    %dma_wait3A_3121 = arith.constant 2 : i32
    %dma_wait3A_3122 = tpu.memref_slice %arg22[%dma_wait3A_3121] : memref<4x!tpu.dma_semaphore, #tpu.memory_space<semaphore_mem>> -> memref<1x!tpu.dma_semaphore, #tpu.memory_space<semaphore_mem>>
    %dma_wait3A_3123 = tpu.memref_squeeze %dma_wait3A_3122 : memref<1x!tpu.dma_semaphore, #tpu.memory_space<semaphore_mem>> -> memref<!tpu.dma_semaphore, #tpu.memory_space<semaphore_mem>>
    %dma_wait3A_3124 = arith.constant 0 : i32
    %dma_wait3A_3125 = arith.constant 0 : i32
    %dma_wait3A_3126 = tpu.memref_slice %arg16[%dma_wait3A_3120, %dma_wait3A_3124, %dma_wait3A_3125] : memref<8x64x512xf32, #tpu.memory_space<vmem>> -> memref<1x32x512xf32, #tpu.memory_space<vmem>>
    %dma_wait3A_3127 = tpu.memref_squeeze %dma_wait3A_3126 : memref<1x32x512xf32, #tpu.memory_space<vmem>> -> memref<32x512xf32, #tpu.memory_space<vmem>>
    %dma_wait3A_3128 = arith.constant 0 : i32
    %dma_wait3A_3129 = arith.constant 0 : i32
    %dma_wait3A_3130 = tpu.memref_slice %arg7[%dma_wait3A_3119, %get3A_221, %dma_wait3A_3128, %dma_wait3A_3129] : memref<32x64x32x512xf32, #tpu.memory_space<hbm>> -> memref<1x1x32x512xf32, #tpu.memory_space<hbm>>
    %dma_wait3A_3131 = tpu.memref_squeeze %dma_wait3A_3130 : memref<1x1x32x512xf32, #tpu.memory_space<hbm>> -> memref<32x512xf32, #tpu.memory_space<hbm>>
    tpu.wait_dma2 semaphore(%dma_wait3A_3123 : memref<!tpu.dma_semaphore, #tpu.memory_space<semaphore_mem>>) src(%dma_wait3A_3131 : memref<32x512xf32, #tpu.memory_space<hbm>>) dst(%dma_wait3A_3127 : memref<32x512xf32, #tpu.memory_space<vmem>>)
    %dma_wait3A_3132 = arith.constant 23 : i32
    %dma_wait3A_3133 = arith.constant 7 : i32
    %dma_wait3A_3134 = arith.constant 2 : i32
    %dma_wait3A_3135 = tpu.memref_slice %arg22[%dma_wait3A_3134] : memref<4x!tpu.dma_semaphore, #tpu.memory_space<semaphore_mem>> -> memref<1x!tpu.dma_semaphore, #tpu.memory_space<semaphore_mem>>
    %dma_wait3A_3136 = tpu.memref_squeeze %dma_wait3A_3135 : memref<1x!tpu.dma_semaphore, #tpu.memory_space<semaphore_mem>> -> memref<!tpu.dma_semaphore, #tpu.memory_space<semaphore_mem>>
    %dma_wait3A_3137 = arith.constant 32 : i32
    %dma_wait3A_3138 = arith.constant 0 : i32
    %dma_wait3A_3139 = tpu.memref_slice %arg16[%dma_wait3A_3133, %dma_wait3A_3137, %dma_wait3A_3138] : memref<8x64x512xf32, #tpu.memory_space<vmem>> -> memref<1x32x512xf32, #tpu.memory_space<vmem>>
    %dma_wait3A_3140 = tpu.memref_squeeze %dma_wait3A_3139 : memref<1x32x512xf32, #tpu.memory_space<vmem>> -> memref<32x512xf32, #tpu.memory_space<vmem>>
    %dma_wait3A_3141 = arith.constant 0 : i32
    %dma_wait3A_3142 = arith.constant 0 : i32
    %dma_wait3A_3143 = tpu.memref_slice %arg7[%dma_wait3A_3132, %get3A_224, %dma_wait3A_3141, %dma_wait3A_3142] : memref<32x64x32x512xf32, #tpu.memory_space<hbm>> -> memref<1x1x32x512xf32, #tpu.memory_space<hbm>>
    %dma_wait3A_3144 = tpu.memref_squeeze %dma_wait3A_3143 : memref<1x1x32x512xf32, #tpu.memory_space<hbm>> -> memref<32x512xf32, #tpu.memory_space<hbm>>
    tpu.wait_dma2 semaphore(%dma_wait3A_3136 : memref<!tpu.dma_semaphore, #tpu.memory_space<semaphore_mem>>) src(%dma_wait3A_3144 : memref<32x512xf32, #tpu.memory_space<hbm>>) dst(%dma_wait3A_3140 : memref<32x512xf32, #tpu.memory_space<vmem>>)
    %get3A_3145 = arith.constant 0 : index
    %get3A_3146 = arith.constant 0 : index
    %get3A_3147 = arith.constant 0 : index
    %get3A_3148 = vector.load %arg16[%get3A_3145, %get3A_3146, %get3A_3147] : memref<8x64x512xf32, #tpu.memory_space<vmem>>, vector<8x64x512xf32>
    %slice3A_3149 = vector.extract_strided_slice %add3A_1947 {offsets = [16, 0], sizes = [8, 512], strides = [1, 1]} : vector<32x512xf32> to vector<8x512xf32>
    %broadcast_in_dim3A_3150 = vector.shape_cast %slice3A_3149 : vector<8x512xf32> to vector<8x1x512xf32>
    %add3A_3151 = vector.broadcast %broadcast_in_dim3A_3150 : vector<8x1x512xf32> to vector<8x64x512xf32>
    %add3A_3152 = arith.addf %get3A_3148, %add3A_3151 : vector<8x64x512xf32>
    %slice3A_3153 = vector.extract_strided_slice %concatenate3A_1965 {offsets = [16, 0], sizes = [8, 64], strides = [1, 1]} : vector<32x64xf32> to vector<8x64xf32>
    %broadcast_in_dim3A_3154 = vector.shape_cast %slice3A_3153 : vector<8x64xf32> to vector<8x64x1xf32>
    %broadcast_in_dim3A_3155 = vector.shape_cast %get3A_1976 : vector<1x512xf32> to vector<1x1x512xf32>
    %mul3A_3156 = vector.broadcast %broadcast_in_dim3A_3154 : vector<8x64x1xf32> to vector<8x64x512xf32>
    %mul3A_3157 = vector.broadcast %broadcast_in_dim3A_3155 : vector<1x1x512xf32> to vector<8x64x512xf32>
    %mul3A_3158 = arith.mulf %mul3A_3156, %mul3A_3157 : vector<8x64x512xf32>
    %add3A_3159 = arith.addf %add3A_3152, %mul3A_3158 : vector<8x64x512xf32>
    %tanh3A_3160 = math.tanh %add3A_3159 : vector<8x64x512xf32>
    %broadcast_in_dim3A_3161 = vector.shape_cast %get3A_1973 : vector<1x512xf32> to vector<1x1x512xf32>
    %mul3A_3162 = vector.broadcast %broadcast_in_dim3A_3161 : vector<1x1x512xf32> to vector<8x64x512xf32>
    %mul3A_3163 = arith.mulf %tanh3A_3160, %mul3A_3162 : vector<8x64x512xf32>
    %reduce_sum3A_3164 = arith.constant dense<0.000000e+00> : vector<8x64xf32>
    %reduce_sum3A_3165 = vector.multi_reduction <add>, %mul3A_3163, %reduce_sum3A_3164 [2] : vector<8x64x512xf32> to vector<8x64xf32>
    %reduce_max3A_3166 = arith.constant dense<0xFF800000> : vector<8xf32>
    %reduce_max3A_3167 = vector.multi_reduction <maximumf>, %reduce_sum3A_3165, %reduce_max3A_3166 [1] : vector<8x64xf32> to vector<8xf32>
    %broadcast_in_dim3A_3168 = vector.shape_cast %reduce_max3A_3167 : vector<8xf32> to vector<8x1xf32>
    %sub3A_3169 = vector.broadcast %broadcast_in_dim3A_3168 : vector<8x1xf32> to vector<8x64xf32>
    %sub3A_3170 = arith.subf %reduce_sum3A_3165, %sub3A_3169 : vector<8x64xf32>
    %exp3A_3171 = math.exp %sub3A_3170 : vector<8x64xf32>
    %slice3A_3172 = vector.extract_strided_slice %concatenate3A {offsets = [16, 0], sizes = [8, 64], strides = [1, 1]} : vector<32x64xf32> to vector<8x64xf32>
    %mul3A_3173 = arith.mulf %exp3A_3171, %slice3A_3172 : vector<8x64xf32>
    %slice3A_3174 = vector.extract_strided_slice %concatenate3A_1970 {offsets = [16, 0], sizes = [8, 64], strides = [1, 1]} : vector<32x64xf32> to vector<8x64xf32>
    %mul3A_3175 = arith.mulf %mul3A_3173, %slice3A_3174 : vector<8x64xf32>
    %reduce_sum3A_3176 = arith.constant dense<0.000000e+00> : vector<8xf32>
    %reduce_sum3A_3177 = vector.multi_reduction <add>, %mul3A_3175, %reduce_sum3A_3176 [1] : vector<8x64xf32> to vector<8xf32>
    %broadcast_in_dim3A_3178 = vector.shape_cast %reduce_sum3A_3177 : vector<8xf32> to vector<8x1xf32>
    %div3A_3179 = vector.broadcast %broadcast_in_dim3A_3178 : vector<8x1xf32> to vector<8x64xf32>
    %div3A_3180 = arith.divf %mul3A_3175, %div3A_3179 : vector<8x64xf32>
    %dma_wait3A_3181 = arith.constant 16 : i32
    %dma_wait3A_3182 = arith.constant 0 : i32
    %dma_wait3A_3183 = arith.constant 2 : i32
    %dma_wait3A_3184 = tpu.memref_slice %arg23[%dma_wait3A_3183] : memref<4x!tpu.dma_semaphore, #tpu.memory_space<semaphore_mem>> -> memref<1x!tpu.dma_semaphore, #tpu.memory_space<semaphore_mem>>
    %dma_wait3A_3185 = tpu.memref_squeeze %dma_wait3A_3184 : memref<1x!tpu.dma_semaphore, #tpu.memory_space<semaphore_mem>> -> memref<!tpu.dma_semaphore, #tpu.memory_space<semaphore_mem>>
    %dma_wait3A_3186 = arith.constant 0 : i32
    %dma_wait3A_3187 = arith.constant 0 : i32
    %dma_wait3A_3188 = tpu.memref_slice %arg20[%dma_wait3A_3182, %dma_wait3A_3186, %dma_wait3A_3187] : memref<8x64x512xf32, #tpu.memory_space<vmem>> -> memref<1x32x512xf32, #tpu.memory_space<vmem>>
    %dma_wait3A_3189 = tpu.memref_squeeze %dma_wait3A_3188 : memref<1x32x512xf32, #tpu.memory_space<vmem>> -> memref<32x512xf32, #tpu.memory_space<vmem>>
    %dma_wait3A_3190 = arith.constant 0 : i32
    %dma_wait3A_3191 = arith.constant 0 : i32
    %dma_wait3A_3192 = tpu.memref_slice %arg8[%dma_wait3A_3181, %get3A_179, %dma_wait3A_3190, %dma_wait3A_3191] : memref<32x64x32x512xf32, #tpu.memory_space<hbm>> -> memref<1x1x32x512xf32, #tpu.memory_space<hbm>>
    %dma_wait3A_3193 = tpu.memref_squeeze %dma_wait3A_3192 : memref<1x1x32x512xf32, #tpu.memory_space<hbm>> -> memref<32x512xf32, #tpu.memory_space<hbm>>
    tpu.wait_dma2 semaphore(%dma_wait3A_3185 : memref<!tpu.dma_semaphore, #tpu.memory_space<semaphore_mem>>) src(%dma_wait3A_3193 : memref<32x512xf32, #tpu.memory_space<hbm>>) dst(%dma_wait3A_3189 : memref<32x512xf32, #tpu.memory_space<vmem>>)
    %dma_wait3A_3194 = arith.constant 16 : i32
    %dma_wait3A_3195 = arith.constant 0 : i32
    %dma_wait3A_3196 = arith.constant 2 : i32
    %dma_wait3A_3197 = tpu.memref_slice %arg23[%dma_wait3A_3196] : memref<4x!tpu.dma_semaphore, #tpu.memory_space<semaphore_mem>> -> memref<1x!tpu.dma_semaphore, #tpu.memory_space<semaphore_mem>>
    %dma_wait3A_3198 = tpu.memref_squeeze %dma_wait3A_3197 : memref<1x!tpu.dma_semaphore, #tpu.memory_space<semaphore_mem>> -> memref<!tpu.dma_semaphore, #tpu.memory_space<semaphore_mem>>
    %dma_wait3A_3199 = arith.constant 32 : i32
    %dma_wait3A_3200 = arith.constant 0 : i32
    %dma_wait3A_3201 = tpu.memref_slice %arg20[%dma_wait3A_3195, %dma_wait3A_3199, %dma_wait3A_3200] : memref<8x64x512xf32, #tpu.memory_space<vmem>> -> memref<1x32x512xf32, #tpu.memory_space<vmem>>
    %dma_wait3A_3202 = tpu.memref_squeeze %dma_wait3A_3201 : memref<1x32x512xf32, #tpu.memory_space<vmem>> -> memref<32x512xf32, #tpu.memory_space<vmem>>
    %dma_wait3A_3203 = arith.constant 0 : i32
    %dma_wait3A_3204 = arith.constant 0 : i32
    %dma_wait3A_3205 = tpu.memref_slice %arg8[%dma_wait3A_3194, %get3A_182, %dma_wait3A_3203, %dma_wait3A_3204] : memref<32x64x32x512xf32, #tpu.memory_space<hbm>> -> memref<1x1x32x512xf32, #tpu.memory_space<hbm>>
    %dma_wait3A_3206 = tpu.memref_squeeze %dma_wait3A_3205 : memref<1x1x32x512xf32, #tpu.memory_space<hbm>> -> memref<32x512xf32, #tpu.memory_space<hbm>>
    tpu.wait_dma2 semaphore(%dma_wait3A_3198 : memref<!tpu.dma_semaphore, #tpu.memory_space<semaphore_mem>>) src(%dma_wait3A_3206 : memref<32x512xf32, #tpu.memory_space<hbm>>) dst(%dma_wait3A_3202 : memref<32x512xf32, #tpu.memory_space<vmem>>)
    %dma_wait3A_3207 = arith.constant 17 : i32
    %dma_wait3A_3208 = arith.constant 1 : i32
    %dma_wait3A_3209 = arith.constant 2 : i32
    %dma_wait3A_3210 = tpu.memref_slice %arg23[%dma_wait3A_3209] : memref<4x!tpu.dma_semaphore, #tpu.memory_space<semaphore_mem>> -> memref<1x!tpu.dma_semaphore, #tpu.memory_space<semaphore_mem>>
    %dma_wait3A_3211 = tpu.memref_squeeze %dma_wait3A_3210 : memref<1x!tpu.dma_semaphore, #tpu.memory_space<semaphore_mem>> -> memref<!tpu.dma_semaphore, #tpu.memory_space<semaphore_mem>>
    %dma_wait3A_3212 = arith.constant 0 : i32
    %dma_wait3A_3213 = arith.constant 0 : i32
    %dma_wait3A_3214 = tpu.memref_slice %arg20[%dma_wait3A_3208, %dma_wait3A_3212, %dma_wait3A_3213] : memref<8x64x512xf32, #tpu.memory_space<vmem>> -> memref<1x32x512xf32, #tpu.memory_space<vmem>>
    %dma_wait3A_3215 = tpu.memref_squeeze %dma_wait3A_3214 : memref<1x32x512xf32, #tpu.memory_space<vmem>> -> memref<32x512xf32, #tpu.memory_space<vmem>>
    %dma_wait3A_3216 = arith.constant 0 : i32
    %dma_wait3A_3217 = arith.constant 0 : i32
    %dma_wait3A_3218 = tpu.memref_slice %arg8[%dma_wait3A_3207, %get3A_185, %dma_wait3A_3216, %dma_wait3A_3217] : memref<32x64x32x512xf32, #tpu.memory_space<hbm>> -> memref<1x1x32x512xf32, #tpu.memory_space<hbm>>
    %dma_wait3A_3219 = tpu.memref_squeeze %dma_wait3A_3218 : memref<1x1x32x512xf32, #tpu.memory_space<hbm>> -> memref<32x512xf32, #tpu.memory_space<hbm>>
    tpu.wait_dma2 semaphore(%dma_wait3A_3211 : memref<!tpu.dma_semaphore, #tpu.memory_space<semaphore_mem>>) src(%dma_wait3A_3219 : memref<32x512xf32, #tpu.memory_space<hbm>>) dst(%dma_wait3A_3215 : memref<32x512xf32, #tpu.memory_space<vmem>>)
    %dma_wait3A_3220 = arith.constant 17 : i32
    %dma_wait3A_3221 = arith.constant 1 : i32
    %dma_wait3A_3222 = arith.constant 2 : i32
    %dma_wait3A_3223 = tpu.memref_slice %arg23[%dma_wait3A_3222] : memref<4x!tpu.dma_semaphore, #tpu.memory_space<semaphore_mem>> -> memref<1x!tpu.dma_semaphore, #tpu.memory_space<semaphore_mem>>
    %dma_wait3A_3224 = tpu.memref_squeeze %dma_wait3A_3223 : memref<1x!tpu.dma_semaphore, #tpu.memory_space<semaphore_mem>> -> memref<!tpu.dma_semaphore, #tpu.memory_space<semaphore_mem>>
    %dma_wait3A_3225 = arith.constant 32 : i32
    %dma_wait3A_3226 = arith.constant 0 : i32
    %dma_wait3A_3227 = tpu.memref_slice %arg20[%dma_wait3A_3221, %dma_wait3A_3225, %dma_wait3A_3226] : memref<8x64x512xf32, #tpu.memory_space<vmem>> -> memref<1x32x512xf32, #tpu.memory_space<vmem>>
    %dma_wait3A_3228 = tpu.memref_squeeze %dma_wait3A_3227 : memref<1x32x512xf32, #tpu.memory_space<vmem>> -> memref<32x512xf32, #tpu.memory_space<vmem>>
    %dma_wait3A_3229 = arith.constant 0 : i32
    %dma_wait3A_3230 = arith.constant 0 : i32
    %dma_wait3A_3231 = tpu.memref_slice %arg8[%dma_wait3A_3220, %get3A_188, %dma_wait3A_3229, %dma_wait3A_3230] : memref<32x64x32x512xf32, #tpu.memory_space<hbm>> -> memref<1x1x32x512xf32, #tpu.memory_space<hbm>>
    %dma_wait3A_3232 = tpu.memref_squeeze %dma_wait3A_3231 : memref<1x1x32x512xf32, #tpu.memory_space<hbm>> -> memref<32x512xf32, #tpu.memory_space<hbm>>
    tpu.wait_dma2 semaphore(%dma_wait3A_3224 : memref<!tpu.dma_semaphore, #tpu.memory_space<semaphore_mem>>) src(%dma_wait3A_3232 : memref<32x512xf32, #tpu.memory_space<hbm>>) dst(%dma_wait3A_3228 : memref<32x512xf32, #tpu.memory_space<vmem>>)
    %dma_wait3A_3233 = arith.constant 18 : i32
    %dma_wait3A_3234 = arith.constant 2 : i32
    %dma_wait3A_3235 = arith.constant 2 : i32
    %dma_wait3A_3236 = tpu.memref_slice %arg23[%dma_wait3A_3235] : memref<4x!tpu.dma_semaphore, #tpu.memory_space<semaphore_mem>> -> memref<1x!tpu.dma_semaphore, #tpu.memory_space<semaphore_mem>>
    %dma_wait3A_3237 = tpu.memref_squeeze %dma_wait3A_3236 : memref<1x!tpu.dma_semaphore, #tpu.memory_space<semaphore_mem>> -> memref<!tpu.dma_semaphore, #tpu.memory_space<semaphore_mem>>
    %dma_wait3A_3238 = arith.constant 0 : i32
    %dma_wait3A_3239 = arith.constant 0 : i32
    %dma_wait3A_3240 = tpu.memref_slice %arg20[%dma_wait3A_3234, %dma_wait3A_3238, %dma_wait3A_3239] : memref<8x64x512xf32, #tpu.memory_space<vmem>> -> memref<1x32x512xf32, #tpu.memory_space<vmem>>
    %dma_wait3A_3241 = tpu.memref_squeeze %dma_wait3A_3240 : memref<1x32x512xf32, #tpu.memory_space<vmem>> -> memref<32x512xf32, #tpu.memory_space<vmem>>
    %dma_wait3A_3242 = arith.constant 0 : i32
    %dma_wait3A_3243 = arith.constant 0 : i32
    %dma_wait3A_3244 = tpu.memref_slice %arg8[%dma_wait3A_3233, %get3A_191, %dma_wait3A_3242, %dma_wait3A_3243] : memref<32x64x32x512xf32, #tpu.memory_space<hbm>> -> memref<1x1x32x512xf32, #tpu.memory_space<hbm>>
    %dma_wait3A_3245 = tpu.memref_squeeze %dma_wait3A_3244 : memref<1x1x32x512xf32, #tpu.memory_space<hbm>> -> memref<32x512xf32, #tpu.memory_space<hbm>>
    tpu.wait_dma2 semaphore(%dma_wait3A_3237 : memref<!tpu.dma_semaphore, #tpu.memory_space<semaphore_mem>>) src(%dma_wait3A_3245 : memref<32x512xf32, #tpu.memory_space<hbm>>) dst(%dma_wait3A_3241 : memref<32x512xf32, #tpu.memory_space<vmem>>)
    %dma_wait3A_3246 = arith.constant 18 : i32
    %dma_wait3A_3247 = arith.constant 2 : i32
    %dma_wait3A_3248 = arith.constant 2 : i32
    %dma_wait3A_3249 = tpu.memref_slice %arg23[%dma_wait3A_3248] : memref<4x!tpu.dma_semaphore, #tpu.memory_space<semaphore_mem>> -> memref<1x!tpu.dma_semaphore, #tpu.memory_space<semaphore_mem>>
    %dma_wait3A_3250 = tpu.memref_squeeze %dma_wait3A_3249 : memref<1x!tpu.dma_semaphore, #tpu.memory_space<semaphore_mem>> -> memref<!tpu.dma_semaphore, #tpu.memory_space<semaphore_mem>>
    %dma_wait3A_3251 = arith.constant 32 : i32
    %dma_wait3A_3252 = arith.constant 0 : i32
    %dma_wait3A_3253 = tpu.memref_slice %arg20[%dma_wait3A_3247, %dma_wait3A_3251, %dma_wait3A_3252] : memref<8x64x512xf32, #tpu.memory_space<vmem>> -> memref<1x32x512xf32, #tpu.memory_space<vmem>>
    %dma_wait3A_3254 = tpu.memref_squeeze %dma_wait3A_3253 : memref<1x32x512xf32, #tpu.memory_space<vmem>> -> memref<32x512xf32, #tpu.memory_space<vmem>>
    %dma_wait3A_3255 = arith.constant 0 : i32
    %dma_wait3A_3256 = arith.constant 0 : i32
    %dma_wait3A_3257 = tpu.memref_slice %arg8[%dma_wait3A_3246, %get3A_194, %dma_wait3A_3255, %dma_wait3A_3256] : memref<32x64x32x512xf32, #tpu.memory_space<hbm>> -> memref<1x1x32x512xf32, #tpu.memory_space<hbm>>
    %dma_wait3A_3258 = tpu.memref_squeeze %dma_wait3A_3257 : memref<1x1x32x512xf32, #tpu.memory_space<hbm>> -> memref<32x512xf32, #tpu.memory_space<hbm>>
    tpu.wait_dma2 semaphore(%dma_wait3A_3250 : memref<!tpu.dma_semaphore, #tpu.memory_space<semaphore_mem>>) src(%dma_wait3A_3258 : memref<32x512xf32, #tpu.memory_space<hbm>>) dst(%dma_wait3A_3254 : memref<32x512xf32, #tpu.memory_space<vmem>>)
    %dma_wait3A_3259 = arith.constant 19 : i32
    %dma_wait3A_3260 = arith.constant 3 : i32
    %dma_wait3A_3261 = arith.constant 2 : i32
    %dma_wait3A_3262 = tpu.memref_slice %arg23[%dma_wait3A_3261] : memref<4x!tpu.dma_semaphore, #tpu.memory_space<semaphore_mem>> -> memref<1x!tpu.dma_semaphore, #tpu.memory_space<semaphore_mem>>
    %dma_wait3A_3263 = tpu.memref_squeeze %dma_wait3A_3262 : memref<1x!tpu.dma_semaphore, #tpu.memory_space<semaphore_mem>> -> memref<!tpu.dma_semaphore, #tpu.memory_space<semaphore_mem>>
    %dma_wait3A_3264 = arith.constant 0 : i32
    %dma_wait3A_3265 = arith.constant 0 : i32
    %dma_wait3A_3266 = tpu.memref_slice %arg20[%dma_wait3A_3260, %dma_wait3A_3264, %dma_wait3A_3265] : memref<8x64x512xf32, #tpu.memory_space<vmem>> -> memref<1x32x512xf32, #tpu.memory_space<vmem>>
    %dma_wait3A_3267 = tpu.memref_squeeze %dma_wait3A_3266 : memref<1x32x512xf32, #tpu.memory_space<vmem>> -> memref<32x512xf32, #tpu.memory_space<vmem>>
    %dma_wait3A_3268 = arith.constant 0 : i32
    %dma_wait3A_3269 = arith.constant 0 : i32
    %dma_wait3A_3270 = tpu.memref_slice %arg8[%dma_wait3A_3259, %get3A_197, %dma_wait3A_3268, %dma_wait3A_3269] : memref<32x64x32x512xf32, #tpu.memory_space<hbm>> -> memref<1x1x32x512xf32, #tpu.memory_space<hbm>>
    %dma_wait3A_3271 = tpu.memref_squeeze %dma_wait3A_3270 : memref<1x1x32x512xf32, #tpu.memory_space<hbm>> -> memref<32x512xf32, #tpu.memory_space<hbm>>
    tpu.wait_dma2 semaphore(%dma_wait3A_3263 : memref<!tpu.dma_semaphore, #tpu.memory_space<semaphore_mem>>) src(%dma_wait3A_3271 : memref<32x512xf32, #tpu.memory_space<hbm>>) dst(%dma_wait3A_3267 : memref<32x512xf32, #tpu.memory_space<vmem>>)
    %dma_wait3A_3272 = arith.constant 19 : i32
    %dma_wait3A_3273 = arith.constant 3 : i32
    %dma_wait3A_3274 = arith.constant 2 : i32
    %dma_wait3A_3275 = tpu.memref_slice %arg23[%dma_wait3A_3274] : memref<4x!tpu.dma_semaphore, #tpu.memory_space<semaphore_mem>> -> memref<1x!tpu.dma_semaphore, #tpu.memory_space<semaphore_mem>>
    %dma_wait3A_3276 = tpu.memref_squeeze %dma_wait3A_3275 : memref<1x!tpu.dma_semaphore, #tpu.memory_space<semaphore_mem>> -> memref<!tpu.dma_semaphore, #tpu.memory_space<semaphore_mem>>
    %dma_wait3A_3277 = arith.constant 32 : i32
    %dma_wait3A_3278 = arith.constant 0 : i32
    %dma_wait3A_3279 = tpu.memref_slice %arg20[%dma_wait3A_3273, %dma_wait3A_3277, %dma_wait3A_3278] : memref<8x64x512xf32, #tpu.memory_space<vmem>> -> memref<1x32x512xf32, #tpu.memory_space<vmem>>
    %dma_wait3A_3280 = tpu.memref_squeeze %dma_wait3A_3279 : memref<1x32x512xf32, #tpu.memory_space<vmem>> -> memref<32x512xf32, #tpu.memory_space<vmem>>
    %dma_wait3A_3281 = arith.constant 0 : i32
    %dma_wait3A_3282 = arith.constant 0 : i32
    %dma_wait3A_3283 = tpu.memref_slice %arg8[%dma_wait3A_3272, %get3A_200, %dma_wait3A_3281, %dma_wait3A_3282] : memref<32x64x32x512xf32, #tpu.memory_space<hbm>> -> memref<1x1x32x512xf32, #tpu.memory_space<hbm>>
    %dma_wait3A_3284 = tpu.memref_squeeze %dma_wait3A_3283 : memref<1x1x32x512xf32, #tpu.memory_space<hbm>> -> memref<32x512xf32, #tpu.memory_space<hbm>>
    tpu.wait_dma2 semaphore(%dma_wait3A_3276 : memref<!tpu.dma_semaphore, #tpu.memory_space<semaphore_mem>>) src(%dma_wait3A_3284 : memref<32x512xf32, #tpu.memory_space<hbm>>) dst(%dma_wait3A_3280 : memref<32x512xf32, #tpu.memory_space<vmem>>)
    %dma_wait3A_3285 = arith.constant 20 : i32
    %dma_wait3A_3286 = arith.constant 4 : i32
    %dma_wait3A_3287 = arith.constant 2 : i32
    %dma_wait3A_3288 = tpu.memref_slice %arg23[%dma_wait3A_3287] : memref<4x!tpu.dma_semaphore, #tpu.memory_space<semaphore_mem>> -> memref<1x!tpu.dma_semaphore, #tpu.memory_space<semaphore_mem>>
    %dma_wait3A_3289 = tpu.memref_squeeze %dma_wait3A_3288 : memref<1x!tpu.dma_semaphore, #tpu.memory_space<semaphore_mem>> -> memref<!tpu.dma_semaphore, #tpu.memory_space<semaphore_mem>>
    %dma_wait3A_3290 = arith.constant 0 : i32
    %dma_wait3A_3291 = arith.constant 0 : i32
    %dma_wait3A_3292 = tpu.memref_slice %arg20[%dma_wait3A_3286, %dma_wait3A_3290, %dma_wait3A_3291] : memref<8x64x512xf32, #tpu.memory_space<vmem>> -> memref<1x32x512xf32, #tpu.memory_space<vmem>>
    %dma_wait3A_3293 = tpu.memref_squeeze %dma_wait3A_3292 : memref<1x32x512xf32, #tpu.memory_space<vmem>> -> memref<32x512xf32, #tpu.memory_space<vmem>>
    %dma_wait3A_3294 = arith.constant 0 : i32
    %dma_wait3A_3295 = arith.constant 0 : i32
    %dma_wait3A_3296 = tpu.memref_slice %arg8[%dma_wait3A_3285, %get3A_203, %dma_wait3A_3294, %dma_wait3A_3295] : memref<32x64x32x512xf32, #tpu.memory_space<hbm>> -> memref<1x1x32x512xf32, #tpu.memory_space<hbm>>
    %dma_wait3A_3297 = tpu.memref_squeeze %dma_wait3A_3296 : memref<1x1x32x512xf32, #tpu.memory_space<hbm>> -> memref<32x512xf32, #tpu.memory_space<hbm>>
    tpu.wait_dma2 semaphore(%dma_wait3A_3289 : memref<!tpu.dma_semaphore, #tpu.memory_space<semaphore_mem>>) src(%dma_wait3A_3297 : memref<32x512xf32, #tpu.memory_space<hbm>>) dst(%dma_wait3A_3293 : memref<32x512xf32, #tpu.memory_space<vmem>>)
    %dma_wait3A_3298 = arith.constant 20 : i32
    %dma_wait3A_3299 = arith.constant 4 : i32
    %dma_wait3A_3300 = arith.constant 2 : i32
    %dma_wait3A_3301 = tpu.memref_slice %arg23[%dma_wait3A_3300] : memref<4x!tpu.dma_semaphore, #tpu.memory_space<semaphore_mem>> -> memref<1x!tpu.dma_semaphore, #tpu.memory_space<semaphore_mem>>
    %dma_wait3A_3302 = tpu.memref_squeeze %dma_wait3A_3301 : memref<1x!tpu.dma_semaphore, #tpu.memory_space<semaphore_mem>> -> memref<!tpu.dma_semaphore, #tpu.memory_space<semaphore_mem>>
    %dma_wait3A_3303 = arith.constant 32 : i32
    %dma_wait3A_3304 = arith.constant 0 : i32
    %dma_wait3A_3305 = tpu.memref_slice %arg20[%dma_wait3A_3299, %dma_wait3A_3303, %dma_wait3A_3304] : memref<8x64x512xf32, #tpu.memory_space<vmem>> -> memref<1x32x512xf32, #tpu.memory_space<vmem>>
    %dma_wait3A_3306 = tpu.memref_squeeze %dma_wait3A_3305 : memref<1x32x512xf32, #tpu.memory_space<vmem>> -> memref<32x512xf32, #tpu.memory_space<vmem>>
    %dma_wait3A_3307 = arith.constant 0 : i32
    %dma_wait3A_3308 = arith.constant 0 : i32
    %dma_wait3A_3309 = tpu.memref_slice %arg8[%dma_wait3A_3298, %get3A_206, %dma_wait3A_3307, %dma_wait3A_3308] : memref<32x64x32x512xf32, #tpu.memory_space<hbm>> -> memref<1x1x32x512xf32, #tpu.memory_space<hbm>>
    %dma_wait3A_3310 = tpu.memref_squeeze %dma_wait3A_3309 : memref<1x1x32x512xf32, #tpu.memory_space<hbm>> -> memref<32x512xf32, #tpu.memory_space<hbm>>
    tpu.wait_dma2 semaphore(%dma_wait3A_3302 : memref<!tpu.dma_semaphore, #tpu.memory_space<semaphore_mem>>) src(%dma_wait3A_3310 : memref<32x512xf32, #tpu.memory_space<hbm>>) dst(%dma_wait3A_3306 : memref<32x512xf32, #tpu.memory_space<vmem>>)
    %dma_wait3A_3311 = arith.constant 21 : i32
    %dma_wait3A_3312 = arith.constant 5 : i32
    %dma_wait3A_3313 = arith.constant 2 : i32
    %dma_wait3A_3314 = tpu.memref_slice %arg23[%dma_wait3A_3313] : memref<4x!tpu.dma_semaphore, #tpu.memory_space<semaphore_mem>> -> memref<1x!tpu.dma_semaphore, #tpu.memory_space<semaphore_mem>>
    %dma_wait3A_3315 = tpu.memref_squeeze %dma_wait3A_3314 : memref<1x!tpu.dma_semaphore, #tpu.memory_space<semaphore_mem>> -> memref<!tpu.dma_semaphore, #tpu.memory_space<semaphore_mem>>
    %dma_wait3A_3316 = arith.constant 0 : i32
    %dma_wait3A_3317 = arith.constant 0 : i32
    %dma_wait3A_3318 = tpu.memref_slice %arg20[%dma_wait3A_3312, %dma_wait3A_3316, %dma_wait3A_3317] : memref<8x64x512xf32, #tpu.memory_space<vmem>> -> memref<1x32x512xf32, #tpu.memory_space<vmem>>
    %dma_wait3A_3319 = tpu.memref_squeeze %dma_wait3A_3318 : memref<1x32x512xf32, #tpu.memory_space<vmem>> -> memref<32x512xf32, #tpu.memory_space<vmem>>
    %dma_wait3A_3320 = arith.constant 0 : i32
    %dma_wait3A_3321 = arith.constant 0 : i32
    %dma_wait3A_3322 = tpu.memref_slice %arg8[%dma_wait3A_3311, %get3A_209, %dma_wait3A_3320, %dma_wait3A_3321] : memref<32x64x32x512xf32, #tpu.memory_space<hbm>> -> memref<1x1x32x512xf32, #tpu.memory_space<hbm>>
    %dma_wait3A_3323 = tpu.memref_squeeze %dma_wait3A_3322 : memref<1x1x32x512xf32, #tpu.memory_space<hbm>> -> memref<32x512xf32, #tpu.memory_space<hbm>>
    tpu.wait_dma2 semaphore(%dma_wait3A_3315 : memref<!tpu.dma_semaphore, #tpu.memory_space<semaphore_mem>>) src(%dma_wait3A_3323 : memref<32x512xf32, #tpu.memory_space<hbm>>) dst(%dma_wait3A_3319 : memref<32x512xf32, #tpu.memory_space<vmem>>)
    %dma_wait3A_3324 = arith.constant 21 : i32
    %dma_wait3A_3325 = arith.constant 5 : i32
    %dma_wait3A_3326 = arith.constant 2 : i32
    %dma_wait3A_3327 = tpu.memref_slice %arg23[%dma_wait3A_3326] : memref<4x!tpu.dma_semaphore, #tpu.memory_space<semaphore_mem>> -> memref<1x!tpu.dma_semaphore, #tpu.memory_space<semaphore_mem>>
    %dma_wait3A_3328 = tpu.memref_squeeze %dma_wait3A_3327 : memref<1x!tpu.dma_semaphore, #tpu.memory_space<semaphore_mem>> -> memref<!tpu.dma_semaphore, #tpu.memory_space<semaphore_mem>>
    %dma_wait3A_3329 = arith.constant 32 : i32
    %dma_wait3A_3330 = arith.constant 0 : i32
    %dma_wait3A_3331 = tpu.memref_slice %arg20[%dma_wait3A_3325, %dma_wait3A_3329, %dma_wait3A_3330] : memref<8x64x512xf32, #tpu.memory_space<vmem>> -> memref<1x32x512xf32, #tpu.memory_space<vmem>>
    %dma_wait3A_3332 = tpu.memref_squeeze %dma_wait3A_3331 : memref<1x32x512xf32, #tpu.memory_space<vmem>> -> memref<32x512xf32, #tpu.memory_space<vmem>>
    %dma_wait3A_3333 = arith.constant 0 : i32
    %dma_wait3A_3334 = arith.constant 0 : i32
    %dma_wait3A_3335 = tpu.memref_slice %arg8[%dma_wait3A_3324, %get3A_212, %dma_wait3A_3333, %dma_wait3A_3334] : memref<32x64x32x512xf32, #tpu.memory_space<hbm>> -> memref<1x1x32x512xf32, #tpu.memory_space<hbm>>
    %dma_wait3A_3336 = tpu.memref_squeeze %dma_wait3A_3335 : memref<1x1x32x512xf32, #tpu.memory_space<hbm>> -> memref<32x512xf32, #tpu.memory_space<hbm>>
    tpu.wait_dma2 semaphore(%dma_wait3A_3328 : memref<!tpu.dma_semaphore, #tpu.memory_space<semaphore_mem>>) src(%dma_wait3A_3336 : memref<32x512xf32, #tpu.memory_space<hbm>>) dst(%dma_wait3A_3332 : memref<32x512xf32, #tpu.memory_space<vmem>>)
    %dma_wait3A_3337 = arith.constant 22 : i32
    %dma_wait3A_3338 = arith.constant 6 : i32
    %dma_wait3A_3339 = arith.constant 2 : i32
    %dma_wait3A_3340 = tpu.memref_slice %arg23[%dma_wait3A_3339] : memref<4x!tpu.dma_semaphore, #tpu.memory_space<semaphore_mem>> -> memref<1x!tpu.dma_semaphore, #tpu.memory_space<semaphore_mem>>
    %dma_wait3A_3341 = tpu.memref_squeeze %dma_wait3A_3340 : memref<1x!tpu.dma_semaphore, #tpu.memory_space<semaphore_mem>> -> memref<!tpu.dma_semaphore, #tpu.memory_space<semaphore_mem>>
    %dma_wait3A_3342 = arith.constant 0 : i32
    %dma_wait3A_3343 = arith.constant 0 : i32
    %dma_wait3A_3344 = tpu.memref_slice %arg20[%dma_wait3A_3338, %dma_wait3A_3342, %dma_wait3A_3343] : memref<8x64x512xf32, #tpu.memory_space<vmem>> -> memref<1x32x512xf32, #tpu.memory_space<vmem>>
    %dma_wait3A_3345 = tpu.memref_squeeze %dma_wait3A_3344 : memref<1x32x512xf32, #tpu.memory_space<vmem>> -> memref<32x512xf32, #tpu.memory_space<vmem>>
    %dma_wait3A_3346 = arith.constant 0 : i32
    %dma_wait3A_3347 = arith.constant 0 : i32
    %dma_wait3A_3348 = tpu.memref_slice %arg8[%dma_wait3A_3337, %get3A_215, %dma_wait3A_3346, %dma_wait3A_3347] : memref<32x64x32x512xf32, #tpu.memory_space<hbm>> -> memref<1x1x32x512xf32, #tpu.memory_space<hbm>>
    %dma_wait3A_3349 = tpu.memref_squeeze %dma_wait3A_3348 : memref<1x1x32x512xf32, #tpu.memory_space<hbm>> -> memref<32x512xf32, #tpu.memory_space<hbm>>
    tpu.wait_dma2 semaphore(%dma_wait3A_3341 : memref<!tpu.dma_semaphore, #tpu.memory_space<semaphore_mem>>) src(%dma_wait3A_3349 : memref<32x512xf32, #tpu.memory_space<hbm>>) dst(%dma_wait3A_3345 : memref<32x512xf32, #tpu.memory_space<vmem>>)
    %dma_wait3A_3350 = arith.constant 22 : i32
    %dma_wait3A_3351 = arith.constant 6 : i32
    %dma_wait3A_3352 = arith.constant 2 : i32
    %dma_wait3A_3353 = tpu.memref_slice %arg23[%dma_wait3A_3352] : memref<4x!tpu.dma_semaphore, #tpu.memory_space<semaphore_mem>> -> memref<1x!tpu.dma_semaphore, #tpu.memory_space<semaphore_mem>>
    %dma_wait3A_3354 = tpu.memref_squeeze %dma_wait3A_3353 : memref<1x!tpu.dma_semaphore, #tpu.memory_space<semaphore_mem>> -> memref<!tpu.dma_semaphore, #tpu.memory_space<semaphore_mem>>
    %dma_wait3A_3355 = arith.constant 32 : i32
    %dma_wait3A_3356 = arith.constant 0 : i32
    %dma_wait3A_3357 = tpu.memref_slice %arg20[%dma_wait3A_3351, %dma_wait3A_3355, %dma_wait3A_3356] : memref<8x64x512xf32, #tpu.memory_space<vmem>> -> memref<1x32x512xf32, #tpu.memory_space<vmem>>
    %dma_wait3A_3358 = tpu.memref_squeeze %dma_wait3A_3357 : memref<1x32x512xf32, #tpu.memory_space<vmem>> -> memref<32x512xf32, #tpu.memory_space<vmem>>
    %dma_wait3A_3359 = arith.constant 0 : i32
    %dma_wait3A_3360 = arith.constant 0 : i32
    %dma_wait3A_3361 = tpu.memref_slice %arg8[%dma_wait3A_3350, %get3A_218, %dma_wait3A_3359, %dma_wait3A_3360] : memref<32x64x32x512xf32, #tpu.memory_space<hbm>> -> memref<1x1x32x512xf32, #tpu.memory_space<hbm>>
    %dma_wait3A_3362 = tpu.memref_squeeze %dma_wait3A_3361 : memref<1x1x32x512xf32, #tpu.memory_space<hbm>> -> memref<32x512xf32, #tpu.memory_space<hbm>>
    tpu.wait_dma2 semaphore(%dma_wait3A_3354 : memref<!tpu.dma_semaphore, #tpu.memory_space<semaphore_mem>>) src(%dma_wait3A_3362 : memref<32x512xf32, #tpu.memory_space<hbm>>) dst(%dma_wait3A_3358 : memref<32x512xf32, #tpu.memory_space<vmem>>)
    %dma_wait3A_3363 = arith.constant 23 : i32
    %dma_wait3A_3364 = arith.constant 7 : i32
    %dma_wait3A_3365 = arith.constant 2 : i32
    %dma_wait3A_3366 = tpu.memref_slice %arg23[%dma_wait3A_3365] : memref<4x!tpu.dma_semaphore, #tpu.memory_space<semaphore_mem>> -> memref<1x!tpu.dma_semaphore, #tpu.memory_space<semaphore_mem>>
    %dma_wait3A_3367 = tpu.memref_squeeze %dma_wait3A_3366 : memref<1x!tpu.dma_semaphore, #tpu.memory_space<semaphore_mem>> -> memref<!tpu.dma_semaphore, #tpu.memory_space<semaphore_mem>>
    %dma_wait3A_3368 = arith.constant 0 : i32
    %dma_wait3A_3369 = arith.constant 0 : i32
    %dma_wait3A_3370 = tpu.memref_slice %arg20[%dma_wait3A_3364, %dma_wait3A_3368, %dma_wait3A_3369] : memref<8x64x512xf32, #tpu.memory_space<vmem>> -> memref<1x32x512xf32, #tpu.memory_space<vmem>>
    %dma_wait3A_3371 = tpu.memref_squeeze %dma_wait3A_3370 : memref<1x32x512xf32, #tpu.memory_space<vmem>> -> memref<32x512xf32, #tpu.memory_space<vmem>>
    %dma_wait3A_3372 = arith.constant 0 : i32
    %dma_wait3A_3373 = arith.constant 0 : i32
    %dma_wait3A_3374 = tpu.memref_slice %arg8[%dma_wait3A_3363, %get3A_221, %dma_wait3A_3372, %dma_wait3A_3373] : memref<32x64x32x512xf32, #tpu.memory_space<hbm>> -> memref<1x1x32x512xf32, #tpu.memory_space<hbm>>
    %dma_wait3A_3375 = tpu.memref_squeeze %dma_wait3A_3374 : memref<1x1x32x512xf32, #tpu.memory_space<hbm>> -> memref<32x512xf32, #tpu.memory_space<hbm>>
    tpu.wait_dma2 semaphore(%dma_wait3A_3367 : memref<!tpu.dma_semaphore, #tpu.memory_space<semaphore_mem>>) src(%dma_wait3A_3375 : memref<32x512xf32, #tpu.memory_space<hbm>>) dst(%dma_wait3A_3371 : memref<32x512xf32, #tpu.memory_space<vmem>>)
    %dma_wait3A_3376 = arith.constant 23 : i32
    %dma_wait3A_3377 = arith.constant 7 : i32
    %dma_wait3A_3378 = arith.constant 2 : i32
    %dma_wait3A_3379 = tpu.memref_slice %arg23[%dma_wait3A_3378] : memref<4x!tpu.dma_semaphore, #tpu.memory_space<semaphore_mem>> -> memref<1x!tpu.dma_semaphore, #tpu.memory_space<semaphore_mem>>
    %dma_wait3A_3380 = tpu.memref_squeeze %dma_wait3A_3379 : memref<1x!tpu.dma_semaphore, #tpu.memory_space<semaphore_mem>> -> memref<!tpu.dma_semaphore, #tpu.memory_space<semaphore_mem>>
    %dma_wait3A_3381 = arith.constant 32 : i32
    %dma_wait3A_3382 = arith.constant 0 : i32
    %dma_wait3A_3383 = tpu.memref_slice %arg20[%dma_wait3A_3377, %dma_wait3A_3381, %dma_wait3A_3382] : memref<8x64x512xf32, #tpu.memory_space<vmem>> -> memref<1x32x512xf32, #tpu.memory_space<vmem>>
    %dma_wait3A_3384 = tpu.memref_squeeze %dma_wait3A_3383 : memref<1x32x512xf32, #tpu.memory_space<vmem>> -> memref<32x512xf32, #tpu.memory_space<vmem>>
    %dma_wait3A_3385 = arith.constant 0 : i32
    %dma_wait3A_3386 = arith.constant 0 : i32
    %dma_wait3A_3387 = tpu.memref_slice %arg8[%dma_wait3A_3376, %get3A_224, %dma_wait3A_3385, %dma_wait3A_3386] : memref<32x64x32x512xf32, #tpu.memory_space<hbm>> -> memref<1x1x32x512xf32, #tpu.memory_space<hbm>>
    %dma_wait3A_3388 = tpu.memref_squeeze %dma_wait3A_3387 : memref<1x1x32x512xf32, #tpu.memory_space<hbm>> -> memref<32x512xf32, #tpu.memory_space<hbm>>
    tpu.wait_dma2 semaphore(%dma_wait3A_3380 : memref<!tpu.dma_semaphore, #tpu.memory_space<semaphore_mem>>) src(%dma_wait3A_3388 : memref<32x512xf32, #tpu.memory_space<hbm>>) dst(%dma_wait3A_3384 : memref<32x512xf32, #tpu.memory_space<vmem>>)
    %broadcast_in_dim3A_3389 = vector.shape_cast %div3A_3180 : vector<8x64xf32> to vector<8x64x1xf32>
    %get3A_3390 = arith.constant 0 : index
    %get3A_3391 = arith.constant 0 : index
    %get3A_3392 = arith.constant 0 : index
    %get3A_3393 = vector.load %arg20[%get3A_3390, %get3A_3391, %get3A_3392] : memref<8x64x512xf32, #tpu.memory_space<vmem>>, vector<8x64x512xf32>
    %mul3A_3394 = vector.broadcast %broadcast_in_dim3A_3389 : vector<8x64x1xf32> to vector<8x64x512xf32>
    %mul3A_3395 = arith.mulf %mul3A_3394, %get3A_3393 : vector<8x64x512xf32>
    %reduce_sum3A_3396 = arith.constant dense<0.000000e+00> : vector<8x512xf32>
    %reduce_sum3A_3397 = vector.multi_reduction <add>, %mul3A_3395, %reduce_sum3A_3396 [1] : vector<8x64x512xf32> to vector<8x512xf32>
    %swap3A_3398 = arith.constant 16 : index
    %swap3A_3399 = arith.constant 0 : index
    %swap3A_3400 = vector.load %arg11[%swap3A_3398, %swap3A_3399] : memref<32x512xf32, #tpu.memory_space<vmem>>, vector<8x512xf32>
    tpu.vector_store %arg11[%swap3A_3398, %swap3A_3399], %reduce_sum3A_3397 {strides = array<i32>} : memref<32x512xf32, #tpu.memory_space<vmem>>, vector<8x512xf32>,
    %slice3A_3401 = vector.extract_strided_slice %div3A_3180 {offsets = [0, 0], sizes = [8, 32], strides = [1, 1]} : vector<8x64xf32> to vector<8x32xf32>
    %dot_general3A_3402 = arith.constant dense<0.000000e+00> : vector<8x2048xf32>
    %dot_general3A_3403 = tpu.matmul %slice3A_3401, %convert_element_type3A_80, %dot_general3A_3402 {dimension_numbers = #tpu.dot_dimension_numbers<[1], [0], [0], [1], [0, 0, 1, 1], [], []>, transpose_lhs_hint = false} : vector<8x32xf32>, vector<32x2048xf32>, vector<8x2048xf32> -> vector<8x2048xf32>
    %slice3A_3404 = vector.extract_strided_slice %div3A_3180 {offsets = [0, 32], sizes = [8, 32], strides = [1, 1]} : vector<8x64xf32> to vector<8x32xf32>
    %dot_general3A_3405 = arith.constant dense<0.000000e+00> : vector<8x2048xf32>
    %dot_general3A_3406 = tpu.matmul %slice3A_3404, %convert_element_type3A_80, %dot_general3A_3405 {dimension_numbers = #tpu.dot_dimension_numbers<[1], [0], [0], [1], [0, 0, 1, 1], [], []>, transpose_lhs_hint = false} : vector<8x32xf32>, vector<32x2048xf32>, vector<8x2048xf32> -> vector<8x2048xf32>
    %slice3A_3407 = vector.extract_strided_slice %convert_element_type3A_51 {offsets = [16, 0], sizes = [8, 2048], strides = [1, 1]} : vector<32x2048xf32> to vector<8x2048xf32>
    %mul3A_3408 = arith.mulf %slice3A_3407, %dot_general3A_3403 : vector<8x2048xf32>
    %slice3A_3409 = vector.extract_strided_slice %convert_element_type3A_55 {offsets = [16, 0], sizes = [8, 2048], strides = [1, 1]} : vector<32x2048xf32> to vector<8x2048xf32>
    %mul3A_3410 = arith.mulf %slice3A_3409, %dot_general3A_3406 : vector<8x2048xf32>
    %add3A_3411 = arith.addf %mul3A_3408, %mul3A_3410 : vector<8x2048xf32>
    %swap3A_3412 = arith.constant 16 : index
    %swap3A_3413 = arith.constant 0 : index
    %swap3A_3414 = vector.load %arg12[%swap3A_3412, %swap3A_3413] : memref<32x2048xf32, #tpu.memory_space<vmem>>, vector<8x2048xf32>
    tpu.vector_store %arg12[%swap3A_3412, %swap3A_3413], %add3A_3411 {strides = array<i32>} : memref<32x2048xf32, #tpu.memory_space<vmem>>, vector<8x2048xf32>,
    %slice3A_3415 = vector.extract_strided_slice %get3A_1950 {offsets = [16, 0], sizes = [8, 2048], strides = [1, 1]} : vector<32x2048xf32> to vector<8x2048xf32>
    %add3A_3416 = arith.addf %slice3A_3415, %add3A_3411 : vector<8x2048xf32>
    %swap3A_3417 = arith.constant 16 : index
    %swap3A_3418 = arith.constant 0 : index
    %swap3A_3419 = vector.load %arg13[%swap3A_3417, %swap3A_3418] : memref<32x2048xf32, #tpu.memory_space<vmem>>, vector<8x2048xf32>
    tpu.vector_store %arg13[%swap3A_3417, %swap3A_3418], %add3A_3416 {strides = array<i32>} : memref<32x2048xf32, #tpu.memory_space<vmem>>, vector<8x2048xf32>,
    %dma_wait3A_3420 = arith.constant 24 : i32
    %dma_wait3A_3421 = arith.constant 0 : i32
    %dma_wait3A_3422 = arith.constant 3 : i32
    %dma_wait3A_3423 = tpu.memref_slice %arg22[%dma_wait3A_3422] : memref<4x!tpu.dma_semaphore, #tpu.memory_space<semaphore_mem>> -> memref<1x!tpu.dma_semaphore, #tpu.memory_space<semaphore_mem>>
    %dma_wait3A_3424 = tpu.memref_squeeze %dma_wait3A_3423 : memref<1x!tpu.dma_semaphore, #tpu.memory_space<semaphore_mem>> -> memref<!tpu.dma_semaphore, #tpu.memory_space<semaphore_mem>>
    %dma_wait3A_3425 = arith.constant 0 : i32
    %dma_wait3A_3426 = arith.constant 0 : i32
    %dma_wait3A_3427 = tpu.memref_slice %arg17[%dma_wait3A_3421, %dma_wait3A_3425, %dma_wait3A_3426] : memref<8x64x512xf32, #tpu.memory_space<vmem>> -> memref<1x32x512xf32, #tpu.memory_space<vmem>>
    %dma_wait3A_3428 = tpu.memref_squeeze %dma_wait3A_3427 : memref<1x32x512xf32, #tpu.memory_space<vmem>> -> memref<32x512xf32, #tpu.memory_space<vmem>>
    %dma_wait3A_3429 = arith.constant 0 : i32
    %dma_wait3A_3430 = arith.constant 0 : i32
    %dma_wait3A_3431 = tpu.memref_slice %arg7[%dma_wait3A_3420, %get3A_227, %dma_wait3A_3429, %dma_wait3A_3430] : memref<32x64x32x512xf32, #tpu.memory_space<hbm>> -> memref<1x1x32x512xf32, #tpu.memory_space<hbm>>
    %dma_wait3A_3432 = tpu.memref_squeeze %dma_wait3A_3431 : memref<1x1x32x512xf32, #tpu.memory_space<hbm>> -> memref<32x512xf32, #tpu.memory_space<hbm>>
    tpu.wait_dma2 semaphore(%dma_wait3A_3424 : memref<!tpu.dma_semaphore, #tpu.memory_space<semaphore_mem>>) src(%dma_wait3A_3432 : memref<32x512xf32, #tpu.memory_space<hbm>>) dst(%dma_wait3A_3428 : memref<32x512xf32, #tpu.memory_space<vmem>>)
    %dma_wait3A_3433 = arith.constant 24 : i32
    %dma_wait3A_3434 = arith.constant 0 : i32
    %dma_wait3A_3435 = arith.constant 3 : i32
    %dma_wait3A_3436 = tpu.memref_slice %arg22[%dma_wait3A_3435] : memref<4x!tpu.dma_semaphore, #tpu.memory_space<semaphore_mem>> -> memref<1x!tpu.dma_semaphore, #tpu.memory_space<semaphore_mem>>
    %dma_wait3A_3437 = tpu.memref_squeeze %dma_wait3A_3436 : memref<1x!tpu.dma_semaphore, #tpu.memory_space<semaphore_mem>> -> memref<!tpu.dma_semaphore, #tpu.memory_space<semaphore_mem>>
    %dma_wait3A_3438 = arith.constant 32 : i32
    %dma_wait3A_3439 = arith.constant 0 : i32
    %dma_wait3A_3440 = tpu.memref_slice %arg17[%dma_wait3A_3434, %dma_wait3A_3438, %dma_wait3A_3439] : memref<8x64x512xf32, #tpu.memory_space<vmem>> -> memref<1x32x512xf32, #tpu.memory_space<vmem>>
    %dma_wait3A_3441 = tpu.memref_squeeze %dma_wait3A_3440 : memref<1x32x512xf32, #tpu.memory_space<vmem>> -> memref<32x512xf32, #tpu.memory_space<vmem>>
    %dma_wait3A_3442 = arith.constant 0 : i32
    %dma_wait3A_3443 = arith.constant 0 : i32
    %dma_wait3A_3444 = tpu.memref_slice %arg7[%dma_wait3A_3433, %get3A_230, %dma_wait3A_3442, %dma_wait3A_3443] : memref<32x64x32x512xf32, #tpu.memory_space<hbm>> -> memref<1x1x32x512xf32, #tpu.memory_space<hbm>>
    %dma_wait3A_3445 = tpu.memref_squeeze %dma_wait3A_3444 : memref<1x1x32x512xf32, #tpu.memory_space<hbm>> -> memref<32x512xf32, #tpu.memory_space<hbm>>
    tpu.wait_dma2 semaphore(%dma_wait3A_3437 : memref<!tpu.dma_semaphore, #tpu.memory_space<semaphore_mem>>) src(%dma_wait3A_3445 : memref<32x512xf32, #tpu.memory_space<hbm>>) dst(%dma_wait3A_3441 : memref<32x512xf32, #tpu.memory_space<vmem>>)
    %dma_wait3A_3446 = arith.constant 25 : i32
    %dma_wait3A_3447 = arith.constant 1 : i32
    %dma_wait3A_3448 = arith.constant 3 : i32
    %dma_wait3A_3449 = tpu.memref_slice %arg22[%dma_wait3A_3448] : memref<4x!tpu.dma_semaphore, #tpu.memory_space<semaphore_mem>> -> memref<1x!tpu.dma_semaphore, #tpu.memory_space<semaphore_mem>>
    %dma_wait3A_3450 = tpu.memref_squeeze %dma_wait3A_3449 : memref<1x!tpu.dma_semaphore, #tpu.memory_space<semaphore_mem>> -> memref<!tpu.dma_semaphore, #tpu.memory_space<semaphore_mem>>
    %dma_wait3A_3451 = arith.constant 0 : i32
    %dma_wait3A_3452 = arith.constant 0 : i32
    %dma_wait3A_3453 = tpu.memref_slice %arg17[%dma_wait3A_3447, %dma_wait3A_3451, %dma_wait3A_3452] : memref<8x64x512xf32, #tpu.memory_space<vmem>> -> memref<1x32x512xf32, #tpu.memory_space<vmem>>
    %dma_wait3A_3454 = tpu.memref_squeeze %dma_wait3A_3453 : memref<1x32x512xf32, #tpu.memory_space<vmem>> -> memref<32x512xf32, #tpu.memory_space<vmem>>
    %dma_wait3A_3455 = arith.constant 0 : i32
    %dma_wait3A_3456 = arith.constant 0 : i32
    %dma_wait3A_3457 = tpu.memref_slice %arg7[%dma_wait3A_3446, %get3A_233, %dma_wait3A_3455, %dma_wait3A_3456] : memref<32x64x32x512xf32, #tpu.memory_space<hbm>> -> memref<1x1x32x512xf32, #tpu.memory_space<hbm>>
    %dma_wait3A_3458 = tpu.memref_squeeze %dma_wait3A_3457 : memref<1x1x32x512xf32, #tpu.memory_space<hbm>> -> memref<32x512xf32, #tpu.memory_space<hbm>>
    tpu.wait_dma2 semaphore(%dma_wait3A_3450 : memref<!tpu.dma_semaphore, #tpu.memory_space<semaphore_mem>>) src(%dma_wait3A_3458 : memref<32x512xf32, #tpu.memory_space<hbm>>) dst(%dma_wait3A_3454 : memref<32x512xf32, #tpu.memory_space<vmem>>)
    %dma_wait3A_3459 = arith.constant 25 : i32
    %dma_wait3A_3460 = arith.constant 1 : i32
    %dma_wait3A_3461 = arith.constant 3 : i32
    %dma_wait3A_3462 = tpu.memref_slice %arg22[%dma_wait3A_3461] : memref<4x!tpu.dma_semaphore, #tpu.memory_space<semaphore_mem>> -> memref<1x!tpu.dma_semaphore, #tpu.memory_space<semaphore_mem>>
    %dma_wait3A_3463 = tpu.memref_squeeze %dma_wait3A_3462 : memref<1x!tpu.dma_semaphore, #tpu.memory_space<semaphore_mem>> -> memref<!tpu.dma_semaphore, #tpu.memory_space<semaphore_mem>>
    %dma_wait3A_3464 = arith.constant 32 : i32
    %dma_wait3A_3465 = arith.constant 0 : i32
    %dma_wait3A_3466 = tpu.memref_slice %arg17[%dma_wait3A_3460, %dma_wait3A_3464, %dma_wait3A_3465] : memref<8x64x512xf32, #tpu.memory_space<vmem>> -> memref<1x32x512xf32, #tpu.memory_space<vmem>>
    %dma_wait3A_3467 = tpu.memref_squeeze %dma_wait3A_3466 : memref<1x32x512xf32, #tpu.memory_space<vmem>> -> memref<32x512xf32, #tpu.memory_space<vmem>>
    %dma_wait3A_3468 = arith.constant 0 : i32
    %dma_wait3A_3469 = arith.constant 0 : i32
    %dma_wait3A_3470 = tpu.memref_slice %arg7[%dma_wait3A_3459, %get3A_236, %dma_wait3A_3468, %dma_wait3A_3469] : memref<32x64x32x512xf32, #tpu.memory_space<hbm>> -> memref<1x1x32x512xf32, #tpu.memory_space<hbm>>
    %dma_wait3A_3471 = tpu.memref_squeeze %dma_wait3A_3470 : memref<1x1x32x512xf32, #tpu.memory_space<hbm>> -> memref<32x512xf32, #tpu.memory_space<hbm>>
    tpu.wait_dma2 semaphore(%dma_wait3A_3463 : memref<!tpu.dma_semaphore, #tpu.memory_space<semaphore_mem>>) src(%dma_wait3A_3471 : memref<32x512xf32, #tpu.memory_space<hbm>>) dst(%dma_wait3A_3467 : memref<32x512xf32, #tpu.memory_space<vmem>>)
    %dma_wait3A_3472 = arith.constant 26 : i32
    %dma_wait3A_3473 = arith.constant 2 : i32
    %dma_wait3A_3474 = arith.constant 3 : i32
    %dma_wait3A_3475 = tpu.memref_slice %arg22[%dma_wait3A_3474] : memref<4x!tpu.dma_semaphore, #tpu.memory_space<semaphore_mem>> -> memref<1x!tpu.dma_semaphore, #tpu.memory_space<semaphore_mem>>
    %dma_wait3A_3476 = tpu.memref_squeeze %dma_wait3A_3475 : memref<1x!tpu.dma_semaphore, #tpu.memory_space<semaphore_mem>> -> memref<!tpu.dma_semaphore, #tpu.memory_space<semaphore_mem>>
    %dma_wait3A_3477 = arith.constant 0 : i32
    %dma_wait3A_3478 = arith.constant 0 : i32
    %dma_wait3A_3479 = tpu.memref_slice %arg17[%dma_wait3A_3473, %dma_wait3A_3477, %dma_wait3A_3478] : memref<8x64x512xf32, #tpu.memory_space<vmem>> -> memref<1x32x512xf32, #tpu.memory_space<vmem>>
    %dma_wait3A_3480 = tpu.memref_squeeze %dma_wait3A_3479 : memref<1x32x512xf32, #tpu.memory_space<vmem>> -> memref<32x512xf32, #tpu.memory_space<vmem>>
    %dma_wait3A_3481 = arith.constant 0 : i32
    %dma_wait3A_3482 = arith.constant 0 : i32
    %dma_wait3A_3483 = tpu.memref_slice %arg7[%dma_wait3A_3472, %get3A_239, %dma_wait3A_3481, %dma_wait3A_3482] : memref<32x64x32x512xf32, #tpu.memory_space<hbm>> -> memref<1x1x32x512xf32, #tpu.memory_space<hbm>>
    %dma_wait3A_3484 = tpu.memref_squeeze %dma_wait3A_3483 : memref<1x1x32x512xf32, #tpu.memory_space<hbm>> -> memref<32x512xf32, #tpu.memory_space<hbm>>
    tpu.wait_dma2 semaphore(%dma_wait3A_3476 : memref<!tpu.dma_semaphore, #tpu.memory_space<semaphore_mem>>) src(%dma_wait3A_3484 : memref<32x512xf32, #tpu.memory_space<hbm>>) dst(%dma_wait3A_3480 : memref<32x512xf32, #tpu.memory_space<vmem>>)
    %dma_wait3A_3485 = arith.constant 26 : i32
    %dma_wait3A_3486 = arith.constant 2 : i32
    %dma_wait3A_3487 = arith.constant 3 : i32
    %dma_wait3A_3488 = tpu.memref_slice %arg22[%dma_wait3A_3487] : memref<4x!tpu.dma_semaphore, #tpu.memory_space<semaphore_mem>> -> memref<1x!tpu.dma_semaphore, #tpu.memory_space<semaphore_mem>>
    %dma_wait3A_3489 = tpu.memref_squeeze %dma_wait3A_3488 : memref<1x!tpu.dma_semaphore, #tpu.memory_space<semaphore_mem>> -> memref<!tpu.dma_semaphore, #tpu.memory_space<semaphore_mem>>
    %dma_wait3A_3490 = arith.constant 32 : i32
    %dma_wait3A_3491 = arith.constant 0 : i32
    %dma_wait3A_3492 = tpu.memref_slice %arg17[%dma_wait3A_3486, %dma_wait3A_3490, %dma_wait3A_3491] : memref<8x64x512xf32, #tpu.memory_space<vmem>> -> memref<1x32x512xf32, #tpu.memory_space<vmem>>
    %dma_wait3A_3493 = tpu.memref_squeeze %dma_wait3A_3492 : memref<1x32x512xf32, #tpu.memory_space<vmem>> -> memref<32x512xf32, #tpu.memory_space<vmem>>
    %dma_wait3A_3494 = arith.constant 0 : i32
    %dma_wait3A_3495 = arith.constant 0 : i32
    %dma_wait3A_3496 = tpu.memref_slice %arg7[%dma_wait3A_3485, %get3A_242, %dma_wait3A_3494, %dma_wait3A_3495] : memref<32x64x32x512xf32, #tpu.memory_space<hbm>> -> memref<1x1x32x512xf32, #tpu.memory_space<hbm>>
    %dma_wait3A_3497 = tpu.memref_squeeze %dma_wait3A_3496 : memref<1x1x32x512xf32, #tpu.memory_space<hbm>> -> memref<32x512xf32, #tpu.memory_space<hbm>>
    tpu.wait_dma2 semaphore(%dma_wait3A_3489 : memref<!tpu.dma_semaphore, #tpu.memory_space<semaphore_mem>>) src(%dma_wait3A_3497 : memref<32x512xf32, #tpu.memory_space<hbm>>) dst(%dma_wait3A_3493 : memref<32x512xf32, #tpu.memory_space<vmem>>)
    %dma_wait3A_3498 = arith.constant 27 : i32
    %dma_wait3A_3499 = arith.constant 3 : i32
    %dma_wait3A_3500 = arith.constant 3 : i32
    %dma_wait3A_3501 = tpu.memref_slice %arg22[%dma_wait3A_3500] : memref<4x!tpu.dma_semaphore, #tpu.memory_space<semaphore_mem>> -> memref<1x!tpu.dma_semaphore, #tpu.memory_space<semaphore_mem>>
    %dma_wait3A_3502 = tpu.memref_squeeze %dma_wait3A_3501 : memref<1x!tpu.dma_semaphore, #tpu.memory_space<semaphore_mem>> -> memref<!tpu.dma_semaphore, #tpu.memory_space<semaphore_mem>>
    %dma_wait3A_3503 = arith.constant 0 : i32
    %dma_wait3A_3504 = arith.constant 0 : i32
    %dma_wait3A_3505 = tpu.memref_slice %arg17[%dma_wait3A_3499, %dma_wait3A_3503, %dma_wait3A_3504] : memref<8x64x512xf32, #tpu.memory_space<vmem>> -> memref<1x32x512xf32, #tpu.memory_space<vmem>>
    %dma_wait3A_3506 = tpu.memref_squeeze %dma_wait3A_3505 : memref<1x32x512xf32, #tpu.memory_space<vmem>> -> memref<32x512xf32, #tpu.memory_space<vmem>>
    %dma_wait3A_3507 = arith.constant 0 : i32
    %dma_wait3A_3508 = arith.constant 0 : i32
    %dma_wait3A_3509 = tpu.memref_slice %arg7[%dma_wait3A_3498, %get3A_245, %dma_wait3A_3507, %dma_wait3A_3508] : memref<32x64x32x512xf32, #tpu.memory_space<hbm>> -> memref<1x1x32x512xf32, #tpu.memory_space<hbm>>
    %dma_wait3A_3510 = tpu.memref_squeeze %dma_wait3A_3509 : memref<1x1x32x512xf32, #tpu.memory_space<hbm>> -> memref<32x512xf32, #tpu.memory_space<hbm>>
    tpu.wait_dma2 semaphore(%dma_wait3A_3502 : memref<!tpu.dma_semaphore, #tpu.memory_space<semaphore_mem>>) src(%dma_wait3A_3510 : memref<32x512xf32, #tpu.memory_space<hbm>>) dst(%dma_wait3A_3506 : memref<32x512xf32, #tpu.memory_space<vmem>>)
    %dma_wait3A_3511 = arith.constant 27 : i32
    %dma_wait3A_3512 = arith.constant 3 : i32
    %dma_wait3A_3513 = arith.constant 3 : i32
    %dma_wait3A_3514 = tpu.memref_slice %arg22[%dma_wait3A_3513] : memref<4x!tpu.dma_semaphore, #tpu.memory_space<semaphore_mem>> -> memref<1x!tpu.dma_semaphore, #tpu.memory_space<semaphore_mem>>
    %dma_wait3A_3515 = tpu.memref_squeeze %dma_wait3A_3514 : memref<1x!tpu.dma_semaphore, #tpu.memory_space<semaphore_mem>> -> memref<!tpu.dma_semaphore, #tpu.memory_space<semaphore_mem>>
    %dma_wait3A_3516 = arith.constant 32 : i32
    %dma_wait3A_3517 = arith.constant 0 : i32
    %dma_wait3A_3518 = tpu.memref_slice %arg17[%dma_wait3A_3512, %dma_wait3A_3516, %dma_wait3A_3517] : memref<8x64x512xf32, #tpu.memory_space<vmem>> -> memref<1x32x512xf32, #tpu.memory_space<vmem>>
    %dma_wait3A_3519 = tpu.memref_squeeze %dma_wait3A_3518 : memref<1x32x512xf32, #tpu.memory_space<vmem>> -> memref<32x512xf32, #tpu.memory_space<vmem>>
    %dma_wait3A_3520 = arith.constant 0 : i32
    %dma_wait3A_3521 = arith.constant 0 : i32
    %dma_wait3A_3522 = tpu.memref_slice %arg7[%dma_wait3A_3511, %get3A_248, %dma_wait3A_3520, %dma_wait3A_3521] : memref<32x64x32x512xf32, #tpu.memory_space<hbm>> -> memref<1x1x32x512xf32, #tpu.memory_space<hbm>>
    %dma_wait3A_3523 = tpu.memref_squeeze %dma_wait3A_3522 : memref<1x1x32x512xf32, #tpu.memory_space<hbm>> -> memref<32x512xf32, #tpu.memory_space<hbm>>
    tpu.wait_dma2 semaphore(%dma_wait3A_3515 : memref<!tpu.dma_semaphore, #tpu.memory_space<semaphore_mem>>) src(%dma_wait3A_3523 : memref<32x512xf32, #tpu.memory_space<hbm>>) dst(%dma_wait3A_3519 : memref<32x512xf32, #tpu.memory_space<vmem>>)
    %dma_wait3A_3524 = arith.constant 28 : i32
    %dma_wait3A_3525 = arith.constant 4 : i32
    %dma_wait3A_3526 = arith.constant 3 : i32
    %dma_wait3A_3527 = tpu.memref_slice %arg22[%dma_wait3A_3526] : memref<4x!tpu.dma_semaphore, #tpu.memory_space<semaphore_mem>> -> memref<1x!tpu.dma_semaphore, #tpu.memory_space<semaphore_mem>>
    %dma_wait3A_3528 = tpu.memref_squeeze %dma_wait3A_3527 : memref<1x!tpu.dma_semaphore, #tpu.memory_space<semaphore_mem>> -> memref<!tpu.dma_semaphore, #tpu.memory_space<semaphore_mem>>
    %dma_wait3A_3529 = arith.constant 0 : i32
    %dma_wait3A_3530 = arith.constant 0 : i32
    %dma_wait3A_3531 = tpu.memref_slice %arg17[%dma_wait3A_3525, %dma_wait3A_3529, %dma_wait3A_3530] : memref<8x64x512xf32, #tpu.memory_space<vmem>> -> memref<1x32x512xf32, #tpu.memory_space<vmem>>
    %dma_wait3A_3532 = tpu.memref_squeeze %dma_wait3A_3531 : memref<1x32x512xf32, #tpu.memory_space<vmem>> -> memref<32x512xf32, #tpu.memory_space<vmem>>
    %dma_wait3A_3533 = arith.constant 0 : i32
    %dma_wait3A_3534 = arith.constant 0 : i32
    %dma_wait3A_3535 = tpu.memref_slice %arg7[%dma_wait3A_3524, %get3A_251, %dma_wait3A_3533, %dma_wait3A_3534] : memref<32x64x32x512xf32, #tpu.memory_space<hbm>> -> memref<1x1x32x512xf32, #tpu.memory_space<hbm>>
    %dma_wait3A_3536 = tpu.memref_squeeze %dma_wait3A_3535 : memref<1x1x32x512xf32, #tpu.memory_space<hbm>> -> memref<32x512xf32, #tpu.memory_space<hbm>>
    tpu.wait_dma2 semaphore(%dma_wait3A_3528 : memref<!tpu.dma_semaphore, #tpu.memory_space<semaphore_mem>>) src(%dma_wait3A_3536 : memref<32x512xf32, #tpu.memory_space<hbm>>) dst(%dma_wait3A_3532 : memref<32x512xf32, #tpu.memory_space<vmem>>)
    %dma_wait3A_3537 = arith.constant 28 : i32
    %dma_wait3A_3538 = arith.constant 4 : i32
    %dma_wait3A_3539 = arith.constant 3 : i32
    %dma_wait3A_3540 = tpu.memref_slice %arg22[%dma_wait3A_3539] : memref<4x!tpu.dma_semaphore, #tpu.memory_space<semaphore_mem>> -> memref<1x!tpu.dma_semaphore, #tpu.memory_space<semaphore_mem>>
    %dma_wait3A_3541 = tpu.memref_squeeze %dma_wait3A_3540 : memref<1x!tpu.dma_semaphore, #tpu.memory_space<semaphore_mem>> -> memref<!tpu.dma_semaphore, #tpu.memory_space<semaphore_mem>>
    %dma_wait3A_3542 = arith.constant 32 : i32
    %dma_wait3A_3543 = arith.constant 0 : i32
    %dma_wait3A_3544 = tpu.memref_slice %arg17[%dma_wait3A_3538, %dma_wait3A_3542, %dma_wait3A_3543] : memref<8x64x512xf32, #tpu.memory_space<vmem>> -> memref<1x32x512xf32, #tpu.memory_space<vmem>>
    %dma_wait3A_3545 = tpu.memref_squeeze %dma_wait3A_3544 : memref<1x32x512xf32, #tpu.memory_space<vmem>> -> memref<32x512xf32, #tpu.memory_space<vmem>>
    %dma_wait3A_3546 = arith.constant 0 : i32
    %dma_wait3A_3547 = arith.constant 0 : i32
    %dma_wait3A_3548 = tpu.memref_slice %arg7[%dma_wait3A_3537, %get3A_254, %dma_wait3A_3546, %dma_wait3A_3547] : memref<32x64x32x512xf32, #tpu.memory_space<hbm>> -> memref<1x1x32x512xf32, #tpu.memory_space<hbm>>
    %dma_wait3A_3549 = tpu.memref_squeeze %dma_wait3A_3548 : memref<1x1x32x512xf32, #tpu.memory_space<hbm>> -> memref<32x512xf32, #tpu.memory_space<hbm>>
    tpu.wait_dma2 semaphore(%dma_wait3A_3541 : memref<!tpu.dma_semaphore, #tpu.memory_space<semaphore_mem>>) src(%dma_wait3A_3549 : memref<32x512xf32, #tpu.memory_space<hbm>>) dst(%dma_wait3A_3545 : memref<32x512xf32, #tpu.memory_space<vmem>>)
    %dma_wait3A_3550 = arith.constant 29 : i32
    %dma_wait3A_3551 = arith.constant 5 : i32
    %dma_wait3A_3552 = arith.constant 3 : i32
    %dma_wait3A_3553 = tpu.memref_slice %arg22[%dma_wait3A_3552] : memref<4x!tpu.dma_semaphore, #tpu.memory_space<semaphore_mem>> -> memref<1x!tpu.dma_semaphore, #tpu.memory_space<semaphore_mem>>
    %dma_wait3A_3554 = tpu.memref_squeeze %dma_wait3A_3553 : memref<1x!tpu.dma_semaphore, #tpu.memory_space<semaphore_mem>> -> memref<!tpu.dma_semaphore, #tpu.memory_space<semaphore_mem>>
    %dma_wait3A_3555 = arith.constant 0 : i32
    %dma_wait3A_3556 = arith.constant 0 : i32
    %dma_wait3A_3557 = tpu.memref_slice %arg17[%dma_wait3A_3551, %dma_wait3A_3555, %dma_wait3A_3556] : memref<8x64x512xf32, #tpu.memory_space<vmem>> -> memref<1x32x512xf32, #tpu.memory_space<vmem>>
    %dma_wait3A_3558 = tpu.memref_squeeze %dma_wait3A_3557 : memref<1x32x512xf32, #tpu.memory_space<vmem>> -> memref<32x512xf32, #tpu.memory_space<vmem>>
    %dma_wait3A_3559 = arith.constant 0 : i32
    %dma_wait3A_3560 = arith.constant 0 : i32
    %dma_wait3A_3561 = tpu.memref_slice %arg7[%dma_wait3A_3550, %get3A_257, %dma_wait3A_3559, %dma_wait3A_3560] : memref<32x64x32x512xf32, #tpu.memory_space<hbm>> -> memref<1x1x32x512xf32, #tpu.memory_space<hbm>>
    %dma_wait3A_3562 = tpu.memref_squeeze %dma_wait3A_3561 : memref<1x1x32x512xf32, #tpu.memory_space<hbm>> -> memref<32x512xf32, #tpu.memory_space<hbm>>
    tpu.wait_dma2 semaphore(%dma_wait3A_3554 : memref<!tpu.dma_semaphore, #tpu.memory_space<semaphore_mem>>) src(%dma_wait3A_3562 : memref<32x512xf32, #tpu.memory_space<hbm>>) dst(%dma_wait3A_3558 : memref<32x512xf32, #tpu.memory_space<vmem>>)
    %dma_wait3A_3563 = arith.constant 29 : i32
    %dma_wait3A_3564 = arith.constant 5 : i32
    %dma_wait3A_3565 = arith.constant 3 : i32
    %dma_wait3A_3566 = tpu.memref_slice %arg22[%dma_wait3A_3565] : memref<4x!tpu.dma_semaphore, #tpu.memory_space<semaphore_mem>> -> memref<1x!tpu.dma_semaphore, #tpu.memory_space<semaphore_mem>>
    %dma_wait3A_3567 = tpu.memref_squeeze %dma_wait3A_3566 : memref<1x!tpu.dma_semaphore, #tpu.memory_space<semaphore_mem>> -> memref<!tpu.dma_semaphore, #tpu.memory_space<semaphore_mem>>
    %dma_wait3A_3568 = arith.constant 32 : i32
    %dma_wait3A_3569 = arith.constant 0 : i32
    %dma_wait3A_3570 = tpu.memref_slice %arg17[%dma_wait3A_3564, %dma_wait3A_3568, %dma_wait3A_3569] : memref<8x64x512xf32, #tpu.memory_space<vmem>> -> memref<1x32x512xf32, #tpu.memory_space<vmem>>
    %dma_wait3A_3571 = tpu.memref_squeeze %dma_wait3A_3570 : memref<1x32x512xf32, #tpu.memory_space<vmem>> -> memref<32x512xf32, #tpu.memory_space<vmem>>
    %dma_wait3A_3572 = arith.constant 0 : i32
    %dma_wait3A_3573 = arith.constant 0 : i32
    %dma_wait3A_3574 = tpu.memref_slice %arg7[%dma_wait3A_3563, %get3A_260, %dma_wait3A_3572, %dma_wait3A_3573] : memref<32x64x32x512xf32, #tpu.memory_space<hbm>> -> memref<1x1x32x512xf32, #tpu.memory_space<hbm>>
    %dma_wait3A_3575 = tpu.memref_squeeze %dma_wait3A_3574 : memref<1x1x32x512xf32, #tpu.memory_space<hbm>> -> memref<32x512xf32, #tpu.memory_space<hbm>>
    tpu.wait_dma2 semaphore(%dma_wait3A_3567 : memref<!tpu.dma_semaphore, #tpu.memory_space<semaphore_mem>>) src(%dma_wait3A_3575 : memref<32x512xf32, #tpu.memory_space<hbm>>) dst(%dma_wait3A_3571 : memref<32x512xf32, #tpu.memory_space<vmem>>)
    %dma_wait3A_3576 = arith.constant 30 : i32
    %dma_wait3A_3577 = arith.constant 6 : i32
    %dma_wait3A_3578 = arith.constant 3 : i32
    %dma_wait3A_3579 = tpu.memref_slice %arg22[%dma_wait3A_3578] : memref<4x!tpu.dma_semaphore, #tpu.memory_space<semaphore_mem>> -> memref<1x!tpu.dma_semaphore, #tpu.memory_space<semaphore_mem>>
    %dma_wait3A_3580 = tpu.memref_squeeze %dma_wait3A_3579 : memref<1x!tpu.dma_semaphore, #tpu.memory_space<semaphore_mem>> -> memref<!tpu.dma_semaphore, #tpu.memory_space<semaphore_mem>>
    %dma_wait3A_3581 = arith.constant 0 : i32
    %dma_wait3A_3582 = arith.constant 0 : i32
    %dma_wait3A_3583 = tpu.memref_slice %arg17[%dma_wait3A_3577, %dma_wait3A_3581, %dma_wait3A_3582] : memref<8x64x512xf32, #tpu.memory_space<vmem>> -> memref<1x32x512xf32, #tpu.memory_space<vmem>>
    %dma_wait3A_3584 = tpu.memref_squeeze %dma_wait3A_3583 : memref<1x32x512xf32, #tpu.memory_space<vmem>> -> memref<32x512xf32, #tpu.memory_space<vmem>>
    %dma_wait3A_3585 = arith.constant 0 : i32
    %dma_wait3A_3586 = arith.constant 0 : i32
    %dma_wait3A_3587 = tpu.memref_slice %arg7[%dma_wait3A_3576, %get3A_263, %dma_wait3A_3585, %dma_wait3A_3586] : memref<32x64x32x512xf32, #tpu.memory_space<hbm>> -> memref<1x1x32x512xf32, #tpu.memory_space<hbm>>
    %dma_wait3A_3588 = tpu.memref_squeeze %dma_wait3A_3587 : memref<1x1x32x512xf32, #tpu.memory_space<hbm>> -> memref<32x512xf32, #tpu.memory_space<hbm>>
    tpu.wait_dma2 semaphore(%dma_wait3A_3580 : memref<!tpu.dma_semaphore, #tpu.memory_space<semaphore_mem>>) src(%dma_wait3A_3588 : memref<32x512xf32, #tpu.memory_space<hbm>>) dst(%dma_wait3A_3584 : memref<32x512xf32, #tpu.memory_space<vmem>>)
    %dma_wait3A_3589 = arith.constant 30 : i32
    %dma_wait3A_3590 = arith.constant 6 : i32
    %dma_wait3A_3591 = arith.constant 3 : i32
    %dma_wait3A_3592 = tpu.memref_slice %arg22[%dma_wait3A_3591] : memref<4x!tpu.dma_semaphore, #tpu.memory_space<semaphore_mem>> -> memref<1x!tpu.dma_semaphore, #tpu.memory_space<semaphore_mem>>
    %dma_wait3A_3593 = tpu.memref_squeeze %dma_wait3A_3592 : memref<1x!tpu.dma_semaphore, #tpu.memory_space<semaphore_mem>> -> memref<!tpu.dma_semaphore, #tpu.memory_space<semaphore_mem>>
    %dma_wait3A_3594 = arith.constant 32 : i32
    %dma_wait3A_3595 = arith.constant 0 : i32
    %dma_wait3A_3596 = tpu.memref_slice %arg17[%dma_wait3A_3590, %dma_wait3A_3594, %dma_wait3A_3595] : memref<8x64x512xf32, #tpu.memory_space<vmem>> -> memref<1x32x512xf32, #tpu.memory_space<vmem>>
    %dma_wait3A_3597 = tpu.memref_squeeze %dma_wait3A_3596 : memref<1x32x512xf32, #tpu.memory_space<vmem>> -> memref<32x512xf32, #tpu.memory_space<vmem>>
    %dma_wait3A_3598 = arith.constant 0 : i32
    %dma_wait3A_3599 = arith.constant 0 : i32
    %dma_wait3A_3600 = tpu.memref_slice %arg7[%dma_wait3A_3589, %get3A_266, %dma_wait3A_3598, %dma_wait3A_3599] : memref<32x64x32x512xf32, #tpu.memory_space<hbm>> -> memref<1x1x32x512xf32, #tpu.memory_space<hbm>>
    %dma_wait3A_3601 = tpu.memref_squeeze %dma_wait3A_3600 : memref<1x1x32x512xf32, #tpu.memory_space<hbm>> -> memref<32x512xf32, #tpu.memory_space<hbm>>
    tpu.wait_dma2 semaphore(%dma_wait3A_3593 : memref<!tpu.dma_semaphore, #tpu.memory_space<semaphore_mem>>) src(%dma_wait3A_3601 : memref<32x512xf32, #tpu.memory_space<hbm>>) dst(%dma_wait3A_3597 : memref<32x512xf32, #tpu.memory_space<vmem>>)
    %dma_wait3A_3602 = arith.constant 31 : i32
    %dma_wait3A_3603 = arith.constant 7 : i32
    %dma_wait3A_3604 = arith.constant 3 : i32
    %dma_wait3A_3605 = tpu.memref_slice %arg22[%dma_wait3A_3604] : memref<4x!tpu.dma_semaphore, #tpu.memory_space<semaphore_mem>> -> memref<1x!tpu.dma_semaphore, #tpu.memory_space<semaphore_mem>>
    %dma_wait3A_3606 = tpu.memref_squeeze %dma_wait3A_3605 : memref<1x!tpu.dma_semaphore, #tpu.memory_space<semaphore_mem>> -> memref<!tpu.dma_semaphore, #tpu.memory_space<semaphore_mem>>
    %dma_wait3A_3607 = arith.constant 0 : i32
    %dma_wait3A_3608 = arith.constant 0 : i32
    %dma_wait3A_3609 = tpu.memref_slice %arg17[%dma_wait3A_3603, %dma_wait3A_3607, %dma_wait3A_3608] : memref<8x64x512xf32, #tpu.memory_space<vmem>> -> memref<1x32x512xf32, #tpu.memory_space<vmem>>
    %dma_wait3A_3610 = tpu.memref_squeeze %dma_wait3A_3609 : memref<1x32x512xf32, #tpu.memory_space<vmem>> -> memref<32x512xf32, #tpu.memory_space<vmem>>
    %dma_wait3A_3611 = arith.constant 0 : i32
    %dma_wait3A_3612 = arith.constant 0 : i32
    %dma_wait3A_3613 = tpu.memref_slice %arg7[%dma_wait3A_3602, %get3A_269, %dma_wait3A_3611, %dma_wait3A_3612] : memref<32x64x32x512xf32, #tpu.memory_space<hbm>> -> memref<1x1x32x512xf32, #tpu.memory_space<hbm>>
    %dma_wait3A_3614 = tpu.memref_squeeze %dma_wait3A_3613 : memref<1x1x32x512xf32, #tpu.memory_space<hbm>> -> memref<32x512xf32, #tpu.memory_space<hbm>>
    tpu.wait_dma2 semaphore(%dma_wait3A_3606 : memref<!tpu.dma_semaphore, #tpu.memory_space<semaphore_mem>>) src(%dma_wait3A_3614 : memref<32x512xf32, #tpu.memory_space<hbm>>) dst(%dma_wait3A_3610 : memref<32x512xf32, #tpu.memory_space<vmem>>)
    %dma_wait3A_3615 = arith.constant 31 : i32
    %dma_wait3A_3616 = arith.constant 7 : i32
    %dma_wait3A_3617 = arith.constant 3 : i32
    %dma_wait3A_3618 = tpu.memref_slice %arg22[%dma_wait3A_3617] : memref<4x!tpu.dma_semaphore, #tpu.memory_space<semaphore_mem>> -> memref<1x!tpu.dma_semaphore, #tpu.memory_space<semaphore_mem>>
    %dma_wait3A_3619 = tpu.memref_squeeze %dma_wait3A_3618 : memref<1x!tpu.dma_semaphore, #tpu.memory_space<semaphore_mem>> -> memref<!tpu.dma_semaphore, #tpu.memory_space<semaphore_mem>>
    %dma_wait3A_3620 = arith.constant 32 : i32
    %dma_wait3A_3621 = arith.constant 0 : i32
    %dma_wait3A_3622 = tpu.memref_slice %arg17[%dma_wait3A_3616, %dma_wait3A_3620, %dma_wait3A_3621] : memref<8x64x512xf32, #tpu.memory_space<vmem>> -> memref<1x32x512xf32, #tpu.memory_space<vmem>>
    %dma_wait3A_3623 = tpu.memref_squeeze %dma_wait3A_3622 : memref<1x32x512xf32, #tpu.memory_space<vmem>> -> memref<32x512xf32, #tpu.memory_space<vmem>>
    %dma_wait3A_3624 = arith.constant 0 : i32
    %dma_wait3A_3625 = arith.constant 0 : i32
    %dma_wait3A_3626 = tpu.memref_slice %arg7[%dma_wait3A_3615, %get3A_272, %dma_wait3A_3624, %dma_wait3A_3625] : memref<32x64x32x512xf32, #tpu.memory_space<hbm>> -> memref<1x1x32x512xf32, #tpu.memory_space<hbm>>
    %dma_wait3A_3627 = tpu.memref_squeeze %dma_wait3A_3626 : memref<1x1x32x512xf32, #tpu.memory_space<hbm>> -> memref<32x512xf32, #tpu.memory_space<hbm>>
    tpu.wait_dma2 semaphore(%dma_wait3A_3619 : memref<!tpu.dma_semaphore, #tpu.memory_space<semaphore_mem>>) src(%dma_wait3A_3627 : memref<32x512xf32, #tpu.memory_space<hbm>>) dst(%dma_wait3A_3623 : memref<32x512xf32, #tpu.memory_space<vmem>>)
    %get3A_3628 = arith.constant 0 : index
    %get3A_3629 = arith.constant 0 : index
    %get3A_3630 = arith.constant 0 : index
    %get3A_3631 = vector.load %arg17[%get3A_3628, %get3A_3629, %get3A_3630] : memref<8x64x512xf32, #tpu.memory_space<vmem>>, vector<8x64x512xf32>
    %slice3A_3632 = vector.extract_strided_slice %add3A_1947 {offsets = [24, 0], sizes = [8, 512], strides = [1, 1]} : vector<32x512xf32> to vector<8x512xf32>
    %broadcast_in_dim3A_3633 = vector.shape_cast %slice3A_3632 : vector<8x512xf32> to vector<8x1x512xf32>
    %add3A_3634 = vector.broadcast %broadcast_in_dim3A_3633 : vector<8x1x512xf32> to vector<8x64x512xf32>
    %add3A_3635 = arith.addf %get3A_3631, %add3A_3634 : vector<8x64x512xf32>
    %slice3A_3636 = vector.extract_strided_slice %concatenate3A_1965 {offsets = [24, 0], sizes = [8, 64], strides = [1, 1]} : vector<32x64xf32> to vector<8x64xf32>
    %broadcast_in_dim3A_3637 = vector.shape_cast %slice3A_3636 : vector<8x64xf32> to vector<8x64x1xf32>
    %broadcast_in_dim3A_3638 = vector.shape_cast %get3A_1976 : vector<1x512xf32> to vector<1x1x512xf32>
    %mul3A_3639 = vector.broadcast %broadcast_in_dim3A_3637 : vector<8x64x1xf32> to vector<8x64x512xf32>
    %mul3A_3640 = vector.broadcast %broadcast_in_dim3A_3638 : vector<1x1x512xf32> to vector<8x64x512xf32>
    %mul3A_3641 = arith.mulf %mul3A_3639, %mul3A_3640 : vector<8x64x512xf32>
    %add3A_3642 = arith.addf %add3A_3635, %mul3A_3641 : vector<8x64x512xf32>
    %tanh3A_3643 = math.tanh %add3A_3642 : vector<8x64x512xf32>
    %broadcast_in_dim3A_3644 = vector.shape_cast %get3A_1973 : vector<1x512xf32> to vector<1x1x512xf32>
    %mul3A_3645 = vector.broadcast %broadcast_in_dim3A_3644 : vector<1x1x512xf32> to vector<8x64x512xf32>
    %mul3A_3646 = arith.mulf %tanh3A_3643, %mul3A_3645 : vector<8x64x512xf32>
    %reduce_sum3A_3647 = arith.constant dense<0.000000e+00> : vector<8x64xf32>
    %reduce_sum3A_3648 = vector.multi_reduction <add>, %mul3A_3646, %reduce_sum3A_3647 [2] : vector<8x64x512xf32> to vector<8x64xf32>
    %reduce_max3A_3649 = arith.constant dense<0xFF800000> : vector<8xf32>
    %reduce_max3A_3650 = vector.multi_reduction <maximumf>, %reduce_sum3A_3648, %reduce_max3A_3649 [1] : vector<8x64xf32> to vector<8xf32>
    %broadcast_in_dim3A_3651 = vector.shape_cast %reduce_max3A_3650 : vector<8xf32> to vector<8x1xf32>
    %sub3A_3652 = vector.broadcast %broadcast_in_dim3A_3651 : vector<8x1xf32> to vector<8x64xf32>
    %sub3A_3653 = arith.subf %reduce_sum3A_3648, %sub3A_3652 : vector<8x64xf32>
    %exp3A_3654 = math.exp %sub3A_3653 : vector<8x64xf32>
    %slice3A_3655 = vector.extract_strided_slice %concatenate3A {offsets = [24, 0], sizes = [8, 64], strides = [1, 1]} : vector<32x64xf32> to vector<8x64xf32>
    %mul3A_3656 = arith.mulf %exp3A_3654, %slice3A_3655 : vector<8x64xf32>
    %slice3A_3657 = vector.extract_strided_slice %concatenate3A_1970 {offsets = [24, 0], sizes = [8, 64], strides = [1, 1]} : vector<32x64xf32> to vector<8x64xf32>
    %mul3A_3658 = arith.mulf %mul3A_3656, %slice3A_3657 : vector<8x64xf32>
    %reduce_sum3A_3659 = arith.constant dense<0.000000e+00> : vector<8xf32>
    %reduce_sum3A_3660 = vector.multi_reduction <add>, %mul3A_3658, %reduce_sum3A_3659 [1] : vector<8x64xf32> to vector<8xf32>
    %broadcast_in_dim3A_3661 = vector.shape_cast %reduce_sum3A_3660 : vector<8xf32> to vector<8x1xf32>
    %div3A_3662 = vector.broadcast %broadcast_in_dim3A_3661 : vector<8x1xf32> to vector<8x64xf32>
    %div3A_3663 = arith.divf %mul3A_3658, %div3A_3662 : vector<8x64xf32>
    %dma_wait3A_3664 = arith.constant 24 : i32
    %dma_wait3A_3665 = arith.constant 0 : i32
    %dma_wait3A_3666 = arith.constant 3 : i32
    %dma_wait3A_3667 = tpu.memref_slice %arg23[%dma_wait3A_3666] : memref<4x!tpu.dma_semaphore, #tpu.memory_space<semaphore_mem>> -> memref<1x!tpu.dma_semaphore, #tpu.memory_space<semaphore_mem>>
    %dma_wait3A_3668 = tpu.memref_squeeze %dma_wait3A_3667 : memref<1x!tpu.dma_semaphore, #tpu.memory_space<semaphore_mem>> -> memref<!tpu.dma_semaphore, #tpu.memory_space<semaphore_mem>>
    %dma_wait3A_3669 = arith.constant 0 : i32
    %dma_wait3A_3670 = arith.constant 0 : i32
    %dma_wait3A_3671 = tpu.memref_slice %arg21[%dma_wait3A_3665, %dma_wait3A_3669, %dma_wait3A_3670] : memref<8x64x512xf32, #tpu.memory_space<vmem>> -> memref<1x32x512xf32, #tpu.memory_space<vmem>>
    %dma_wait3A_3672 = tpu.memref_squeeze %dma_wait3A_3671 : memref<1x32x512xf32, #tpu.memory_space<vmem>> -> memref<32x512xf32, #tpu.memory_space<vmem>>
    %dma_wait3A_3673 = arith.constant 0 : i32
    %dma_wait3A_3674 = arith.constant 0 : i32
    %dma_wait3A_3675 = tpu.memref_slice %arg8[%dma_wait3A_3664, %get3A_227, %dma_wait3A_3673, %dma_wait3A_3674] : memref<32x64x32x512xf32, #tpu.memory_space<hbm>> -> memref<1x1x32x512xf32, #tpu.memory_space<hbm>>
    %dma_wait3A_3676 = tpu.memref_squeeze %dma_wait3A_3675 : memref<1x1x32x512xf32, #tpu.memory_space<hbm>> -> memref<32x512xf32, #tpu.memory_space<hbm>>
    tpu.wait_dma2 semaphore(%dma_wait3A_3668 : memref<!tpu.dma_semaphore, #tpu.memory_space<semaphore_mem>>) src(%dma_wait3A_3676 : memref<32x512xf32, #tpu.memory_space<hbm>>) dst(%dma_wait3A_3672 : memref<32x512xf32, #tpu.memory_space<vmem>>)
    %dma_wait3A_3677 = arith.constant 24 : i32
    %dma_wait3A_3678 = arith.constant 0 : i32
    %dma_wait3A_3679 = arith.constant 3 : i32
    %dma_wait3A_3680 = tpu.memref_slice %arg23[%dma_wait3A_3679] : memref<4x!tpu.dma_semaphore, #tpu.memory_space<semaphore_mem>> -> memref<1x!tpu.dma_semaphore, #tpu.memory_space<semaphore_mem>>
    %dma_wait3A_3681 = tpu.memref_squeeze %dma_wait3A_3680 : memref<1x!tpu.dma_semaphore, #tpu.memory_space<semaphore_mem>> -> memref<!tpu.dma_semaphore, #tpu.memory_space<semaphore_mem>>
    %dma_wait3A_3682 = arith.constant 32 : i32
    %dma_wait3A_3683 = arith.constant 0 : i32
    %dma_wait3A_3684 = tpu.memref_slice %arg21[%dma_wait3A_3678, %dma_wait3A_3682, %dma_wait3A_3683] : memref<8x64x512xf32, #tpu.memory_space<vmem>> -> memref<1x32x512xf32, #tpu.memory_space<vmem>>
    %dma_wait3A_3685 = tpu.memref_squeeze %dma_wait3A_3684 : memref<1x32x512xf32, #tpu.memory_space<vmem>> -> memref<32x512xf32, #tpu.memory_space<vmem>>
    %dma_wait3A_3686 = arith.constant 0 : i32
    %dma_wait3A_3687 = arith.constant 0 : i32
    %dma_wait3A_3688 = tpu.memref_slice %arg8[%dma_wait3A_3677, %get3A_230, %dma_wait3A_3686, %dma_wait3A_3687] : memref<32x64x32x512xf32, #tpu.memory_space<hbm>> -> memref<1x1x32x512xf32, #tpu.memory_space<hbm>>
    %dma_wait3A_3689 = tpu.memref_squeeze %dma_wait3A_3688 : memref<1x1x32x512xf32, #tpu.memory_space<hbm>> -> memref<32x512xf32, #tpu.memory_space<hbm>>
    tpu.wait_dma2 semaphore(%dma_wait3A_3681 : memref<!tpu.dma_semaphore, #tpu.memory_space<semaphore_mem>>) src(%dma_wait3A_3689 : memref<32x512xf32, #tpu.memory_space<hbm>>) dst(%dma_wait3A_3685 : memref<32x512xf32, #tpu.memory_space<vmem>>)
    %dma_wait3A_3690 = arith.constant 25 : i32
    %dma_wait3A_3691 = arith.constant 1 : i32
    %dma_wait3A_3692 = arith.constant 3 : i32
    %dma_wait3A_3693 = tpu.memref_slice %arg23[%dma_wait3A_3692] : memref<4x!tpu.dma_semaphore, #tpu.memory_space<semaphore_mem>> -> memref<1x!tpu.dma_semaphore, #tpu.memory_space<semaphore_mem>>
    %dma_wait3A_3694 = tpu.memref_squeeze %dma_wait3A_3693 : memref<1x!tpu.dma_semaphore, #tpu.memory_space<semaphore_mem>> -> memref<!tpu.dma_semaphore, #tpu.memory_space<semaphore_mem>>
    %dma_wait3A_3695 = arith.constant 0 : i32
    %dma_wait3A_3696 = arith.constant 0 : i32
    %dma_wait3A_3697 = tpu.memref_slice %arg21[%dma_wait3A_3691, %dma_wait3A_3695, %dma_wait3A_3696] : memref<8x64x512xf32, #tpu.memory_space<vmem>> -> memref<1x32x512xf32, #tpu.memory_space<vmem>>
    %dma_wait3A_3698 = tpu.memref_squeeze %dma_wait3A_3697 : memref<1x32x512xf32, #tpu.memory_space<vmem>> -> memref<32x512xf32, #tpu.memory_space<vmem>>
    %dma_wait3A_3699 = arith.constant 0 : i32
    %dma_wait3A_3700 = arith.constant 0 : i32
    %dma_wait3A_3701 = tpu.memref_slice %arg8[%dma_wait3A_3690, %get3A_233, %dma_wait3A_3699, %dma_wait3A_3700] : memref<32x64x32x512xf32, #tpu.memory_space<hbm>> -> memref<1x1x32x512xf32, #tpu.memory_space<hbm>>
    %dma_wait3A_3702 = tpu.memref_squeeze %dma_wait3A_3701 : memref<1x1x32x512xf32, #tpu.memory_space<hbm>> -> memref<32x512xf32, #tpu.memory_space<hbm>>
    tpu.wait_dma2 semaphore(%dma_wait3A_3694 : memref<!tpu.dma_semaphore, #tpu.memory_space<semaphore_mem>>) src(%dma_wait3A_3702 : memref<32x512xf32, #tpu.memory_space<hbm>>) dst(%dma_wait3A_3698 : memref<32x512xf32, #tpu.memory_space<vmem>>)
    %dma_wait3A_3703 = arith.constant 25 : i32
    %dma_wait3A_3704 = arith.constant 1 : i32
    %dma_wait3A_3705 = arith.constant 3 : i32
    %dma_wait3A_3706 = tpu.memref_slice %arg23[%dma_wait3A_3705] : memref<4x!tpu.dma_semaphore, #tpu.memory_space<semaphore_mem>> -> memref<1x!tpu.dma_semaphore, #tpu.memory_space<semaphore_mem>>
    %dma_wait3A_3707 = tpu.memref_squeeze %dma_wait3A_3706 : memref<1x!tpu.dma_semaphore, #tpu.memory_space<semaphore_mem>> -> memref<!tpu.dma_semaphore, #tpu.memory_space<semaphore_mem>>
    %dma_wait3A_3708 = arith.constant 32 : i32
    %dma_wait3A_3709 = arith.constant 0 : i32
    %dma_wait3A_3710 = tpu.memref_slice %arg21[%dma_wait3A_3704, %dma_wait3A_3708, %dma_wait3A_3709] : memref<8x64x512xf32, #tpu.memory_space<vmem>> -> memref<1x32x512xf32, #tpu.memory_space<vmem>>
    %dma_wait3A_3711 = tpu.memref_squeeze %dma_wait3A_3710 : memref<1x32x512xf32, #tpu.memory_space<vmem>> -> memref<32x512xf32, #tpu.memory_space<vmem>>
    %dma_wait3A_3712 = arith.constant 0 : i32
    %dma_wait3A_3713 = arith.constant 0 : i32
    %dma_wait3A_3714 = tpu.memref_slice %arg8[%dma_wait3A_3703, %get3A_236, %dma_wait3A_3712, %dma_wait3A_3713] : memref<32x64x32x512xf32, #tpu.memory_space<hbm>> -> memref<1x1x32x512xf32, #tpu.memory_space<hbm>>
    %dma_wait3A_3715 = tpu.memref_squeeze %dma_wait3A_3714 : memref<1x1x32x512xf32, #tpu.memory_space<hbm>> -> memref<32x512xf32, #tpu.memory_space<hbm>>
    tpu.wait_dma2 semaphore(%dma_wait3A_3707 : memref<!tpu.dma_semaphore, #tpu.memory_space<semaphore_mem>>) src(%dma_wait3A_3715 : memref<32x512xf32, #tpu.memory_space<hbm>>) dst(%dma_wait3A_3711 : memref<32x512xf32, #tpu.memory_space<vmem>>)
    %dma_wait3A_3716 = arith.constant 26 : i32
    %dma_wait3A_3717 = arith.constant 2 : i32
    %dma_wait3A_3718 = arith.constant 3 : i32
    %dma_wait3A_3719 = tpu.memref_slice %arg23[%dma_wait3A_3718] : memref<4x!tpu.dma_semaphore, #tpu.memory_space<semaphore_mem>> -> memref<1x!tpu.dma_semaphore, #tpu.memory_space<semaphore_mem>>
    %dma_wait3A_3720 = tpu.memref_squeeze %dma_wait3A_3719 : memref<1x!tpu.dma_semaphore, #tpu.memory_space<semaphore_mem>> -> memref<!tpu.dma_semaphore, #tpu.memory_space<semaphore_mem>>
    %dma_wait3A_3721 = arith.constant 0 : i32
    %dma_wait3A_3722 = arith.constant 0 : i32
    %dma_wait3A_3723 = tpu.memref_slice %arg21[%dma_wait3A_3717, %dma_wait3A_3721, %dma_wait3A_3722] : memref<8x64x512xf32, #tpu.memory_space<vmem>> -> memref<1x32x512xf32, #tpu.memory_space<vmem>>
    %dma_wait3A_3724 = tpu.memref_squeeze %dma_wait3A_3723 : memref<1x32x512xf32, #tpu.memory_space<vmem>> -> memref<32x512xf32, #tpu.memory_space<vmem>>
    %dma_wait3A_3725 = arith.constant 0 : i32
    %dma_wait3A_3726 = arith.constant 0 : i32
    %dma_wait3A_3727 = tpu.memref_slice %arg8[%dma_wait3A_3716, %get3A_239, %dma_wait3A_3725, %dma_wait3A_3726] : memref<32x64x32x512xf32, #tpu.memory_space<hbm>> -> memref<1x1x32x512xf32, #tpu.memory_space<hbm>>
    %dma_wait3A_3728 = tpu.memref_squeeze %dma_wait3A_3727 : memref<1x1x32x512xf32, #tpu.memory_space<hbm>> -> memref<32x512xf32, #tpu.memory_space<hbm>>
    tpu.wait_dma2 semaphore(%dma_wait3A_3720 : memref<!tpu.dma_semaphore, #tpu.memory_space<semaphore_mem>>) src(%dma_wait3A_3728 : memref<32x512xf32, #tpu.memory_space<hbm>>) dst(%dma_wait3A_3724 : memref<32x512xf32, #tpu.memory_space<vmem>>)
    %dma_wait3A_3729 = arith.constant 26 : i32
    %dma_wait3A_3730 = arith.constant 2 : i32
    %dma_wait3A_3731 = arith.constant 3 : i32
    %dma_wait3A_3732 = tpu.memref_slice %arg23[%dma_wait3A_3731] : memref<4x!tpu.dma_semaphore, #tpu.memory_space<semaphore_mem>> -> memref<1x!tpu.dma_semaphore, #tpu.memory_space<semaphore_mem>>
    %dma_wait3A_3733 = tpu.memref_squeeze %dma_wait3A_3732 : memref<1x!tpu.dma_semaphore, #tpu.memory_space<semaphore_mem>> -> memref<!tpu.dma_semaphore, #tpu.memory_space<semaphore_mem>>
    %dma_wait3A_3734 = arith.constant 32 : i32
    %dma_wait3A_3735 = arith.constant 0 : i32
    %dma_wait3A_3736 = tpu.memref_slice %arg21[%dma_wait3A_3730, %dma_wait3A_3734, %dma_wait3A_3735] : memref<8x64x512xf32, #tpu.memory_space<vmem>> -> memref<1x32x512xf32, #tpu.memory_space<vmem>>
    %dma_wait3A_3737 = tpu.memref_squeeze %dma_wait3A_3736 : memref<1x32x512xf32, #tpu.memory_space<vmem>> -> memref<32x512xf32, #tpu.memory_space<vmem>>
    %dma_wait3A_3738 = arith.constant 0 : i32
    %dma_wait3A_3739 = arith.constant 0 : i32
    %dma_wait3A_3740 = tpu.memref_slice %arg8[%dma_wait3A_3729, %get3A_242, %dma_wait3A_3738, %dma_wait3A_3739] : memref<32x64x32x512xf32, #tpu.memory_space<hbm>> -> memref<1x1x32x512xf32, #tpu.memory_space<hbm>>
    %dma_wait3A_3741 = tpu.memref_squeeze %dma_wait3A_3740 : memref<1x1x32x512xf32, #tpu.memory_space<hbm>> -> memref<32x512xf32, #tpu.memory_space<hbm>>
    tpu.wait_dma2 semaphore(%dma_wait3A_3733 : memref<!tpu.dma_semaphore, #tpu.memory_space<semaphore_mem>>) src(%dma_wait3A_3741 : memref<32x512xf32, #tpu.memory_space<hbm>>) dst(%dma_wait3A_3737 : memref<32x512xf32, #tpu.memory_space<vmem>>)
    %dma_wait3A_3742 = arith.constant 27 : i32
    %dma_wait3A_3743 = arith.constant 3 : i32
    %dma_wait3A_3744 = arith.constant 3 : i32
    %dma_wait3A_3745 = tpu.memref_slice %arg23[%dma_wait3A_3744] : memref<4x!tpu.dma_semaphore, #tpu.memory_space<semaphore_mem>> -> memref<1x!tpu.dma_semaphore, #tpu.memory_space<semaphore_mem>>
    %dma_wait3A_3746 = tpu.memref_squeeze %dma_wait3A_3745 : memref<1x!tpu.dma_semaphore, #tpu.memory_space<semaphore_mem>> -> memref<!tpu.dma_semaphore, #tpu.memory_space<semaphore_mem>>
    %dma_wait3A_3747 = arith.constant 0 : i32
    %dma_wait3A_3748 = arith.constant 0 : i32
    %dma_wait3A_3749 = tpu.memref_slice %arg21[%dma_wait3A_3743, %dma_wait3A_3747, %dma_wait3A_3748] : memref<8x64x512xf32, #tpu.memory_space<vmem>> -> memref<1x32x512xf32, #tpu.memory_space<vmem>>
    %dma_wait3A_3750 = tpu.memref_squeeze %dma_wait3A_3749 : memref<1x32x512xf32, #tpu.memory_space<vmem>> -> memref<32x512xf32, #tpu.memory_space<vmem>>
    %dma_wait3A_3751 = arith.constant 0 : i32
    %dma_wait3A_3752 = arith.constant 0 : i32
    %dma_wait3A_3753 = tpu.memref_slice %arg8[%dma_wait3A_3742, %get3A_245, %dma_wait3A_3751, %dma_wait3A_3752] : memref<32x64x32x512xf32, #tpu.memory_space<hbm>> -> memref<1x1x32x512xf32, #tpu.memory_space<hbm>>
    %dma_wait3A_3754 = tpu.memref_squeeze %dma_wait3A_3753 : memref<1x1x32x512xf32, #tpu.memory_space<hbm>> -> memref<32x512xf32, #tpu.memory_space<hbm>>
    tpu.wait_dma2 semaphore(%dma_wait3A_3746 : memref<!tpu.dma_semaphore, #tpu.memory_space<semaphore_mem>>) src(%dma_wait3A_3754 : memref<32x512xf32, #tpu.memory_space<hbm>>) dst(%dma_wait3A_3750 : memref<32x512xf32, #tpu.memory_space<vmem>>)
    %dma_wait3A_3755 = arith.constant 27 : i32
    %dma_wait3A_3756 = arith.constant 3 : i32
    %dma_wait3A_3757 = arith.constant 3 : i32
    %dma_wait3A_3758 = tpu.memref_slice %arg23[%dma_wait3A_3757] : memref<4x!tpu.dma_semaphore, #tpu.memory_space<semaphore_mem>> -> memref<1x!tpu.dma_semaphore, #tpu.memory_space<semaphore_mem>>
    %dma_wait3A_3759 = tpu.memref_squeeze %dma_wait3A_3758 : memref<1x!tpu.dma_semaphore, #tpu.memory_space<semaphore_mem>> -> memref<!tpu.dma_semaphore, #tpu.memory_space<semaphore_mem>>
    %dma_wait3A_3760 = arith.constant 32 : i32
    %dma_wait3A_3761 = arith.constant 0 : i32
    %dma_wait3A_3762 = tpu.memref_slice %arg21[%dma_wait3A_3756, %dma_wait3A_3760, %dma_wait3A_3761] : memref<8x64x512xf32, #tpu.memory_space<vmem>> -> memref<1x32x512xf32, #tpu.memory_space<vmem>>
    %dma_wait3A_3763 = tpu.memref_squeeze %dma_wait3A_3762 : memref<1x32x512xf32, #tpu.memory_space<vmem>> -> memref<32x512xf32, #tpu.memory_space<vmem>>
    %dma_wait3A_3764 = arith.constant 0 : i32
    %dma_wait3A_3765 = arith.constant 0 : i32
    %dma_wait3A_3766 = tpu.memref_slice %arg8[%dma_wait3A_3755, %get3A_248, %dma_wait3A_3764, %dma_wait3A_3765] : memref<32x64x32x512xf32, #tpu.memory_space<hbm>> -> memref<1x1x32x512xf32, #tpu.memory_space<hbm>>
    %dma_wait3A_3767 = tpu.memref_squeeze %dma_wait3A_3766 : memref<1x1x32x512xf32, #tpu.memory_space<hbm>> -> memref<32x512xf32, #tpu.memory_space<hbm>>
    tpu.wait_dma2 semaphore(%dma_wait3A_3759 : memref<!tpu.dma_semaphore, #tpu.memory_space<semaphore_mem>>) src(%dma_wait3A_3767 : memref<32x512xf32, #tpu.memory_space<hbm>>) dst(%dma_wait3A_3763 : memref<32x512xf32, #tpu.memory_space<vmem>>)
    %dma_wait3A_3768 = arith.constant 28 : i32
    %dma_wait3A_3769 = arith.constant 4 : i32
    %dma_wait3A_3770 = arith.constant 3 : i32
    %dma_wait3A_3771 = tpu.memref_slice %arg23[%dma_wait3A_3770] : memref<4x!tpu.dma_semaphore, #tpu.memory_space<semaphore_mem>> -> memref<1x!tpu.dma_semaphore, #tpu.memory_space<semaphore_mem>>
    %dma_wait3A_3772 = tpu.memref_squeeze %dma_wait3A_3771 : memref<1x!tpu.dma_semaphore, #tpu.memory_space<semaphore_mem>> -> memref<!tpu.dma_semaphore, #tpu.memory_space<semaphore_mem>>
    %dma_wait3A_3773 = arith.constant 0 : i32
    %dma_wait3A_3774 = arith.constant 0 : i32
    %dma_wait3A_3775 = tpu.memref_slice %arg21[%dma_wait3A_3769, %dma_wait3A_3773, %dma_wait3A_3774] : memref<8x64x512xf32, #tpu.memory_space<vmem>> -> memref<1x32x512xf32, #tpu.memory_space<vmem>>
    %dma_wait3A_3776 = tpu.memref_squeeze %dma_wait3A_3775 : memref<1x32x512xf32, #tpu.memory_space<vmem>> -> memref<32x512xf32, #tpu.memory_space<vmem>>
    %dma_wait3A_3777 = arith.constant 0 : i32
    %dma_wait3A_3778 = arith.constant 0 : i32
    %dma_wait3A_3779 = tpu.memref_slice %arg8[%dma_wait3A_3768, %get3A_251, %dma_wait3A_3777, %dma_wait3A_3778] : memref<32x64x32x512xf32, #tpu.memory_space<hbm>> -> memref<1x1x32x512xf32, #tpu.memory_space<hbm>>
    %dma_wait3A_3780 = tpu.memref_squeeze %dma_wait3A_3779 : memref<1x1x32x512xf32, #tpu.memory_space<hbm>> -> memref<32x512xf32, #tpu.memory_space<hbm>>
    tpu.wait_dma2 semaphore(%dma_wait3A_3772 : memref<!tpu.dma_semaphore, #tpu.memory_space<semaphore_mem>>) src(%dma_wait3A_3780 : memref<32x512xf32, #tpu.memory_space<hbm>>) dst(%dma_wait3A_3776 : memref<32x512xf32, #tpu.memory_space<vmem>>)
    %dma_wait3A_3781 = arith.constant 28 : i32
    %dma_wait3A_3782 = arith.constant 4 : i32
    %dma_wait3A_3783 = arith.constant 3 : i32
    %dma_wait3A_3784 = tpu.memref_slice %arg23[%dma_wait3A_3783] : memref<4x!tpu.dma_semaphore, #tpu.memory_space<semaphore_mem>> -> memref<1x!tpu.dma_semaphore, #tpu.memory_space<semaphore_mem>>
    %dma_wait3A_3785 = tpu.memref_squeeze %dma_wait3A_3784 : memref<1x!tpu.dma_semaphore, #tpu.memory_space<semaphore_mem>> -> memref<!tpu.dma_semaphore, #tpu.memory_space<semaphore_mem>>
    %dma_wait3A_3786 = arith.constant 32 : i32
    %dma_wait3A_3787 = arith.constant 0 : i32
    %dma_wait3A_3788 = tpu.memref_slice %arg21[%dma_wait3A_3782, %dma_wait3A_3786, %dma_wait3A_3787] : memref<8x64x512xf32, #tpu.memory_space<vmem>> -> memref<1x32x512xf32, #tpu.memory_space<vmem>>
    %dma_wait3A_3789 = tpu.memref_squeeze %dma_wait3A_3788 : memref<1x32x512xf32, #tpu.memory_space<vmem>> -> memref<32x512xf32, #tpu.memory_space<vmem>>
    %dma_wait3A_3790 = arith.constant 0 : i32
    %dma_wait3A_3791 = arith.constant 0 : i32
    %dma_wait3A_3792 = tpu.memref_slice %arg8[%dma_wait3A_3781, %get3A_254, %dma_wait3A_3790, %dma_wait3A_3791] : memref<32x64x32x512xf32, #tpu.memory_space<hbm>> -> memref<1x1x32x512xf32, #tpu.memory_space<hbm>>
    %dma_wait3A_3793 = tpu.memref_squeeze %dma_wait3A_3792 : memref<1x1x32x512xf32, #tpu.memory_space<hbm>> -> memref<32x512xf32, #tpu.memory_space<hbm>>
    tpu.wait_dma2 semaphore(%dma_wait3A_3785 : memref<!tpu.dma_semaphore, #tpu.memory_space<semaphore_mem>>) src(%dma_wait3A_3793 : memref<32x512xf32, #tpu.memory_space<hbm>>) dst(%dma_wait3A_3789 : memref<32x512xf32, #tpu.memory_space<vmem>>)
    %dma_wait3A_3794 = arith.constant 29 : i32
    %dma_wait3A_3795 = arith.constant 5 : i32
    %dma_wait3A_3796 = arith.constant 3 : i32
    %dma_wait3A_3797 = tpu.memref_slice %arg23[%dma_wait3A_3796] : memref<4x!tpu.dma_semaphore, #tpu.memory_space<semaphore_mem>> -> memref<1x!tpu.dma_semaphore, #tpu.memory_space<semaphore_mem>>
    %dma_wait3A_3798 = tpu.memref_squeeze %dma_wait3A_3797 : memref<1x!tpu.dma_semaphore, #tpu.memory_space<semaphore_mem>> -> memref<!tpu.dma_semaphore, #tpu.memory_space<semaphore_mem>>
    %dma_wait3A_3799 = arith.constant 0 : i32
    %dma_wait3A_3800 = arith.constant 0 : i32
    %dma_wait3A_3801 = tpu.memref_slice %arg21[%dma_wait3A_3795, %dma_wait3A_3799, %dma_wait3A_3800] : memref<8x64x512xf32, #tpu.memory_space<vmem>> -> memref<1x32x512xf32, #tpu.memory_space<vmem>>
    %dma_wait3A_3802 = tpu.memref_squeeze %dma_wait3A_3801 : memref<1x32x512xf32, #tpu.memory_space<vmem>> -> memref<32x512xf32, #tpu.memory_space<vmem>>
    %dma_wait3A_3803 = arith.constant 0 : i32
    %dma_wait3A_3804 = arith.constant 0 : i32
    %dma_wait3A_3805 = tpu.memref_slice %arg8[%dma_wait3A_3794, %get3A_257, %dma_wait3A_3803, %dma_wait3A_3804] : memref<32x64x32x512xf32, #tpu.memory_space<hbm>> -> memref<1x1x32x512xf32, #tpu.memory_space<hbm>>
    %dma_wait3A_3806 = tpu.memref_squeeze %dma_wait3A_3805 : memref<1x1x32x512xf32, #tpu.memory_space<hbm>> -> memref<32x512xf32, #tpu.memory_space<hbm>>
    tpu.wait_dma2 semaphore(%dma_wait3A_3798 : memref<!tpu.dma_semaphore, #tpu.memory_space<semaphore_mem>>) src(%dma_wait3A_3806 : memref<32x512xf32, #tpu.memory_space<hbm>>) dst(%dma_wait3A_3802 : memref<32x512xf32, #tpu.memory_space<vmem>>)
    %dma_wait3A_3807 = arith.constant 29 : i32
    %dma_wait3A_3808 = arith.constant 5 : i32
    %dma_wait3A_3809 = arith.constant 3 : i32
    %dma_wait3A_3810 = tpu.memref_slice %arg23[%dma_wait3A_3809] : memref<4x!tpu.dma_semaphore, #tpu.memory_space<semaphore_mem>> -> memref<1x!tpu.dma_semaphore, #tpu.memory_space<semaphore_mem>>
    %dma_wait3A_3811 = tpu.memref_squeeze %dma_wait3A_3810 : memref<1x!tpu.dma_semaphore, #tpu.memory_space<semaphore_mem>> -> memref<!tpu.dma_semaphore, #tpu.memory_space<semaphore_mem>>
    %dma_wait3A_3812 = arith.constant 32 : i32
    %dma_wait3A_3813 = arith.constant 0 : i32
    %dma_wait3A_3814 = tpu.memref_slice %arg21[%dma_wait3A_3808, %dma_wait3A_3812, %dma_wait3A_3813] : memref<8x64x512xf32, #tpu.memory_space<vmem>> -> memref<1x32x512xf32, #tpu.memory_space<vmem>>
    %dma_wait3A_3815 = tpu.memref_squeeze %dma_wait3A_3814 : memref<1x32x512xf32, #tpu.memory_space<vmem>> -> memref<32x512xf32, #tpu.memory_space<vmem>>
    %dma_wait3A_3816 = arith.constant 0 : i32
    %dma_wait3A_3817 = arith.constant 0 : i32
    %dma_wait3A_3818 = tpu.memref_slice %arg8[%dma_wait3A_3807, %get3A_260, %dma_wait3A_3816, %dma_wait3A_3817] : memref<32x64x32x512xf32, #tpu.memory_space<hbm>> -> memref<1x1x32x512xf32, #tpu.memory_space<hbm>>
    %dma_wait3A_3819 = tpu.memref_squeeze %dma_wait3A_3818 : memref<1x1x32x512xf32, #tpu.memory_space<hbm>> -> memref<32x512xf32, #tpu.memory_space<hbm>>
    tpu.wait_dma2 semaphore(%dma_wait3A_3811 : memref<!tpu.dma_semaphore, #tpu.memory_space<semaphore_mem>>) src(%dma_wait3A_3819 : memref<32x512xf32, #tpu.memory_space<hbm>>) dst(%dma_wait3A_3815 : memref<32x512xf32, #tpu.memory_space<vmem>>)
    %dma_wait3A_3820 = arith.constant 30 : i32
    %dma_wait3A_3821 = arith.constant 6 : i32
    %dma_wait3A_3822 = arith.constant 3 : i32
    %dma_wait3A_3823 = tpu.memref_slice %arg23[%dma_wait3A_3822] : memref<4x!tpu.dma_semaphore, #tpu.memory_space<semaphore_mem>> -> memref<1x!tpu.dma_semaphore, #tpu.memory_space<semaphore_mem>>
    %dma_wait3A_3824 = tpu.memref_squeeze %dma_wait3A_3823 : memref<1x!tpu.dma_semaphore, #tpu.memory_space<semaphore_mem>> -> memref<!tpu.dma_semaphore, #tpu.memory_space<semaphore_mem>>
    %dma_wait3A_3825 = arith.constant 0 : i32
    %dma_wait3A_3826 = arith.constant 0 : i32
    %dma_wait3A_3827 = tpu.memref_slice %arg21[%dma_wait3A_3821, %dma_wait3A_3825, %dma_wait3A_3826] : memref<8x64x512xf32, #tpu.memory_space<vmem>> -> memref<1x32x512xf32, #tpu.memory_space<vmem>>
    %dma_wait3A_3828 = tpu.memref_squeeze %dma_wait3A_3827 : memref<1x32x512xf32, #tpu.memory_space<vmem>> -> memref<32x512xf32, #tpu.memory_space<vmem>>
    %dma_wait3A_3829 = arith.constant 0 : i32
    %dma_wait3A_3830 = arith.constant 0 : i32
    %dma_wait3A_3831 = tpu.memref_slice %arg8[%dma_wait3A_3820, %get3A_263, %dma_wait3A_3829, %dma_wait3A_3830] : memref<32x64x32x512xf32, #tpu.memory_space<hbm>> -> memref<1x1x32x512xf32, #tpu.memory_space<hbm>>
    %dma_wait3A_3832 = tpu.memref_squeeze %dma_wait3A_3831 : memref<1x1x32x512xf32, #tpu.memory_space<hbm>> -> memref<32x512xf32, #tpu.memory_space<hbm>>
    tpu.wait_dma2 semaphore(%dma_wait3A_3824 : memref<!tpu.dma_semaphore, #tpu.memory_space<semaphore_mem>>) src(%dma_wait3A_3832 : memref<32x512xf32, #tpu.memory_space<hbm>>) dst(%dma_wait3A_3828 : memref<32x512xf32, #tpu.memory_space<vmem>>)
    %dma_wait3A_3833 = arith.constant 30 : i32
    %dma_wait3A_3834 = arith.constant 6 : i32
    %dma_wait3A_3835 = arith.constant 3 : i32
    %dma_wait3A_3836 = tpu.memref_slice %arg23[%dma_wait3A_3835] : memref<4x!tpu.dma_semaphore, #tpu.memory_space<semaphore_mem>> -> memref<1x!tpu.dma_semaphore, #tpu.memory_space<semaphore_mem>>
    %dma_wait3A_3837 = tpu.memref_squeeze %dma_wait3A_3836 : memref<1x!tpu.dma_semaphore, #tpu.memory_space<semaphore_mem>> -> memref<!tpu.dma_semaphore, #tpu.memory_space<semaphore_mem>>
    %dma_wait3A_3838 = arith.constant 32 : i32
    %dma_wait3A_3839 = arith.constant 0 : i32
    %dma_wait3A_3840 = tpu.memref_slice %arg21[%dma_wait3A_3834, %dma_wait3A_3838, %dma_wait3A_3839] : memref<8x64x512xf32, #tpu.memory_space<vmem>> -> memref<1x32x512xf32, #tpu.memory_space<vmem>>
    %dma_wait3A_3841 = tpu.memref_squeeze %dma_wait3A_3840 : memref<1x32x512xf32, #tpu.memory_space<vmem>> -> memref<32x512xf32, #tpu.memory_space<vmem>>
    %dma_wait3A_3842 = arith.constant 0 : i32
    %dma_wait3A_3843 = arith.constant 0 : i32
    %dma_wait3A_3844 = tpu.memref_slice %arg8[%dma_wait3A_3833, %get3A_266, %dma_wait3A_3842, %dma_wait3A_3843] : memref<32x64x32x512xf32, #tpu.memory_space<hbm>> -> memref<1x1x32x512xf32, #tpu.memory_space<hbm>>
    %dma_wait3A_3845 = tpu.memref_squeeze %dma_wait3A_3844 : memref<1x1x32x512xf32, #tpu.memory_space<hbm>> -> memref<32x512xf32, #tpu.memory_space<hbm>>
    tpu.wait_dma2 semaphore(%dma_wait3A_3837 : memref<!tpu.dma_semaphore, #tpu.memory_space<semaphore_mem>>) src(%dma_wait3A_3845 : memref<32x512xf32, #tpu.memory_space<hbm>>) dst(%dma_wait3A_3841 : memref<32x512xf32, #tpu.memory_space<vmem>>)
    %dma_wait3A_3846 = arith.constant 31 : i32
    %dma_wait3A_3847 = arith.constant 7 : i32
    %dma_wait3A_3848 = arith.constant 3 : i32
    %dma_wait3A_3849 = tpu.memref_slice %arg23[%dma_wait3A_3848] : memref<4x!tpu.dma_semaphore, #tpu.memory_space<semaphore_mem>> -> memref<1x!tpu.dma_semaphore, #tpu.memory_space<semaphore_mem>>
    %dma_wait3A_3850 = tpu.memref_squeeze %dma_wait3A_3849 : memref<1x!tpu.dma_semaphore, #tpu.memory_space<semaphore_mem>> -> memref<!tpu.dma_semaphore, #tpu.memory_space<semaphore_mem>>
    %dma_wait3A_3851 = arith.constant 0 : i32
    %dma_wait3A_3852 = arith.constant 0 : i32
    %dma_wait3A_3853 = tpu.memref_slice %arg21[%dma_wait3A_3847, %dma_wait3A_3851, %dma_wait3A_3852] : memref<8x64x512xf32, #tpu.memory_space<vmem>> -> memref<1x32x512xf32, #tpu.memory_space<vmem>>
    %dma_wait3A_3854 = tpu.memref_squeeze %dma_wait3A_3853 : memref<1x32x512xf32, #tpu.memory_space<vmem>> -> memref<32x512xf32, #tpu.memory_space<vmem>>
    %dma_wait3A_3855 = arith.constant 0 : i32
    %dma_wait3A_3856 = arith.constant 0 : i32
    %dma_wait3A_3857 = tpu.memref_slice %arg8[%dma_wait3A_3846, %get3A_269, %dma_wait3A_3855, %dma_wait3A_3856] : memref<32x64x32x512xf32, #tpu.memory_space<hbm>> -> memref<1x1x32x512xf32, #tpu.memory_space<hbm>>
    %dma_wait3A_3858 = tpu.memref_squeeze %dma_wait3A_3857 : memref<1x1x32x512xf32, #tpu.memory_space<hbm>> -> memref<32x512xf32, #tpu.memory_space<hbm>>
    tpu.wait_dma2 semaphore(%dma_wait3A_3850 : memref<!tpu.dma_semaphore, #tpu.memory_space<semaphore_mem>>) src(%dma_wait3A_3858 : memref<32x512xf32, #tpu.memory_space<hbm>>) dst(%dma_wait3A_3854 : memref<32x512xf32, #tpu.memory_space<vmem>>)
    %dma_wait3A_3859 = arith.constant 31 : i32
    %dma_wait3A_3860 = arith.constant 7 : i32
    %dma_wait3A_3861 = arith.constant 3 : i32
    %dma_wait3A_3862 = tpu.memref_slice %arg23[%dma_wait3A_3861] : memref<4x!tpu.dma_semaphore, #tpu.memory_space<semaphore_mem>> -> memref<1x!tpu.dma_semaphore, #tpu.memory_space<semaphore_mem>>
    %dma_wait3A_3863 = tpu.memref_squeeze %dma_wait3A_3862 : memref<1x!tpu.dma_semaphore, #tpu.memory_space<semaphore_mem>> -> memref<!tpu.dma_semaphore, #tpu.memory_space<semaphore_mem>>
    %dma_wait3A_3864 = arith.constant 32 : i32
    %dma_wait3A_3865 = arith.constant 0 : i32
    %dma_wait3A_3866 = tpu.memref_slice %arg21[%dma_wait3A_3860, %dma_wait3A_3864, %dma_wait3A_3865] : memref<8x64x512xf32, #tpu.memory_space<vmem>> -> memref<1x32x512xf32, #tpu.memory_space<vmem>>
    %dma_wait3A_3867 = tpu.memref_squeeze %dma_wait3A_3866 : memref<1x32x512xf32, #tpu.memory_space<vmem>> -> memref<32x512xf32, #tpu.memory_space<vmem>>
    %dma_wait3A_3868 = arith.constant 0 : i32
    %dma_wait3A_3869 = arith.constant 0 : i32
    %dma_wait3A_3870 = tpu.memref_slice %arg8[%dma_wait3A_3859, %get3A_272, %dma_wait3A_3868, %dma_wait3A_3869] : memref<32x64x32x512xf32, #tpu.memory_space<hbm>> -> memref<1x1x32x512xf32, #tpu.memory_space<hbm>>
    %dma_wait3A_3871 = tpu.memref_squeeze %dma_wait3A_3870 : memref<1x1x32x512xf32, #tpu.memory_space<hbm>> -> memref<32x512xf32, #tpu.memory_space<hbm>>
    tpu.wait_dma2 semaphore(%dma_wait3A_3863 : memref<!tpu.dma_semaphore, #tpu.memory_space<semaphore_mem>>) src(%dma_wait3A_3871 : memref<32x512xf32, #tpu.memory_space<hbm>>) dst(%dma_wait3A_3867 : memref<32x512xf32, #tpu.memory_space<vmem>>)
    %broadcast_in_dim3A_3872 = vector.shape_cast %div3A_3663 : vector<8x64xf32> to vector<8x64x1xf32>
    %get3A_3873 = arith.constant 0 : index
    %get3A_3874 = arith.constant 0 : index
    %get3A_3875 = arith.constant 0 : index
    %get3A_3876 = vector.load %arg21[%get3A_3873, %get3A_3874, %get3A_3875] : memref<8x64x512xf32, #tpu.memory_space<vmem>>, vector<8x64x512xf32>
    %mul3A_3877 = vector.broadcast %broadcast_in_dim3A_3872 : vector<8x64x1xf32> to vector<8x64x512xf32>
    %mul3A_3878 = arith.mulf %mul3A_3877, %get3A_3876 : vector<8x64x512xf32>
    %reduce_sum3A_3879 = arith.constant dense<0.000000e+00> : vector<8x512xf32>
    %reduce_sum3A_3880 = vector.multi_reduction <add>, %mul3A_3878, %reduce_sum3A_3879 [1] : vector<8x64x512xf32> to vector<8x512xf32>
    %swap3A_3881 = arith.constant 24 : index
    %swap3A_3882 = arith.constant 0 : index
    %swap3A_3883 = vector.load %arg11[%swap3A_3881, %swap3A_3882] : memref<32x512xf32, #tpu.memory_space<vmem>>, vector<8x512xf32>
    tpu.vector_store %arg11[%swap3A_3881, %swap3A_3882], %reduce_sum3A_3880 {strides = array<i32>} : memref<32x512xf32, #tpu.memory_space<vmem>>, vector<8x512xf32>,
    %slice3A_3884 = vector.extract_strided_slice %div3A_3663 {offsets = [0, 0], sizes = [8, 32], strides = [1, 1]} : vector<8x64xf32> to vector<8x32xf32>
    %dot_general3A_3885 = arith.constant dense<0.000000e+00> : vector<8x2048xf32>
    %dot_general3A_3886 = tpu.matmul %slice3A_3884, %convert_element_type3A_80, %dot_general3A_3885 {dimension_numbers = #tpu.dot_dimension_numbers<[1], [0], [0], [1], [0, 0, 1, 1], [], []>, transpose_lhs_hint = false} : vector<8x32xf32>, vector<32x2048xf32>, vector<8x2048xf32> -> vector<8x2048xf32>
    %slice3A_3887 = vector.extract_strided_slice %div3A_3663 {offsets = [0, 32], sizes = [8, 32], strides = [1, 1]} : vector<8x64xf32> to vector<8x32xf32>
    %dot_general3A_3888 = arith.constant dense<0.000000e+00> : vector<8x2048xf32>
    %dot_general3A_3889 = tpu.matmul %slice3A_3887, %convert_element_type3A_80, %dot_general3A_3888 {dimension_numbers = #tpu.dot_dimension_numbers<[1], [0], [0], [1], [0, 0, 1, 1], [], []>, transpose_lhs_hint = false} : vector<8x32xf32>, vector<32x2048xf32>, vector<8x2048xf32> -> vector<8x2048xf32>
    %slice3A_3890 = vector.extract_strided_slice %convert_element_type3A_51 {offsets = [24, 0], sizes = [8, 2048], strides = [1, 1]} : vector<32x2048xf32> to vector<8x2048xf32>
    %mul3A_3891 = arith.mulf %slice3A_3890, %dot_general3A_3886 : vector<8x2048xf32>
    %slice3A_3892 = vector.extract_strided_slice %convert_element_type3A_55 {offsets = [24, 0], sizes = [8, 2048], strides = [1, 1]} : vector<32x2048xf32> to vector<8x2048xf32>
    %mul3A_3893 = arith.mulf %slice3A_3892, %dot_general3A_3889 : vector<8x2048xf32>
    %add3A_3894 = arith.addf %mul3A_3891, %mul3A_3893 : vector<8x2048xf32>
    %swap3A_3895 = arith.constant 24 : index
    %swap3A_3896 = arith.constant 0 : index
    %swap3A_3897 = vector.load %arg12[%swap3A_3895, %swap3A_3896] : memref<32x2048xf32, #tpu.memory_space<vmem>>, vector<8x2048xf32>
    tpu.vector_store %arg12[%swap3A_3895, %swap3A_3896], %add3A_3894 {strides = array<i32>} : memref<32x2048xf32, #tpu.memory_space<vmem>>, vector<8x2048xf32>,
    %slice3A_3898 = vector.extract_strided_slice %get3A_1950 {offsets = [24, 0], sizes = [8, 2048], strides = [1, 1]} : vector<32x2048xf32> to vector<8x2048xf32>
    %add3A_3899 = arith.addf %slice3A_3898, %add3A_3894 : vector<8x2048xf32>
    %swap3A_3900 = arith.constant 24 : index
    %swap3A_3901 = arith.constant 0 : index
    %swap3A_3902 = vector.load %arg13[%swap3A_3900, %swap3A_3901] : memref<32x2048xf32, #tpu.memory_space<vmem>>, vector<8x2048xf32>
    tpu.vector_store %arg13[%swap3A_3900, %swap3A_3901], %add3A_3899 {strides = array<i32>} : memref<32x2048xf32, #tpu.memory_space<vmem>>, vector<8x2048xf32>,
    return
  }
}

</mosaic_0001>

<sc_bundles>
// kernel: kernel.4.cloned.1.call-start
scs
__scs_entry_jumppad:
0x0: {  	(pc) =	sbr.rel $0x88, $3  }
0x1: {  	(tag) =	ssettag $0x0;
	lr =	simm.s32 $0x1  }
0x2: {  	[smem:$0x3F97] =	sst lr;
	_ =	strace $0xD0000000  }
0x3: {  	_ = 	snop  }
0x4: {  	_ = 	snop  }
0x5: {  	_ = 	snop  }
0x6: {  	_ = 	snop  }
0x7: {  	_ = 	snop  }
__scs_overlays_trampoline_lowered:
0x8: {  	[smem:$0x3FA6] =	sst s0  }
0x9: {  	[smem:$0x3FA7] =	sst s1  }
0xa: {  	[smem:$0x3FA8] =	sst s2  }
0xb: {  	[smem:$0x3FA9] =	sst s3  }
0xc: {  	[smem:$0x3FAA] =	sst s4  }
0xd: {  	[smem:$0x3FAB] =	sst s5  }
0xe: {  	[smem:$0x3FAC] =	sst s6  }
0xf: {  	[smem:$0x3FAD] =	sst s7  }
0x10: {  	[smem:$0x3FAE] =	sst s8  }
0x11: {  	[smem:$0x3FAF] =	sst s9;
	s0 =	simm.s32 @!p0 $0x0  }
0x12: {  	s1 =	sld [smem:$0x3F95];
	s0 =	simm.s32 @p0 $0x1  }
0x13: {  	[smem:$0x3FB0] =	sst s0;
	s0 =	simm.s32 @!p1 $0x0  }
0x14: {  	s2 =	sld [smem:$0x3F94];
	s0 =	simm.s32 @p1 $0x1  }
0x15: {  	[smem:$0x3FB1] =	sst s0;
	s0 =	simm.s32 @!p2 $0x0  }
0x16: {  	s3 =	sld [smem:$0x3FDB];
	s0 =	simm.s32 @p2 $0x1  }
0x17: {  	s4 =	simm.s32 $0x1BF5;
	[smem:$0x3FB3] =	sst s0  }
0x18: {  	s0 =	sld [smem:$0x3F96];
	_ =	swait.ge [sflag:s4], $0x0  }
0x19: {  	s7 =	sld [smem:$0x3F97]  }
0x1a: {  	s8 =	sadd.s32 $0xFFFFE003, lr  }
0x1b: {  	s9 =	sadd.s32 $0xFFFFFEF7, lr;
	s5 =	simm.s32 $0xFFFFFFFF;
	p2 =	slt.u32 s8, $0xFFFFF086  }
0x1c: {  	p1 =	slt.u32 s9, $0xF7A;
	s5 =	simm.s32 @!p2 $0x0  }
0x1d: {  	s5 =	simm.s32 @p1 $0x1;
	p0 =	seq.s32 s7, s2  }
0x1e: {  	s7 =	smul.u32 @!p0 $0xF7A, s2;
	p2 =	seq.s32 @!p0 s5, $0x0  }
0x1f: {  	s9 =	smul.u32 $0xF7A, s1;
	s8 =	simm.s32 @!p0 $0x1BF5;
	p2 =	por !p2, p0  }
0x20: {  	[sflag:s8] =	ssyncset.s32 @!p0 $0xFFFFF086;
	s6 =	sadd.s32 @!p0 s3, s7;
	s7 =	simm.s32 @!p0 $0x108  }
0x21: {  	s3 =	sadd.s32 s3, s9;
	s6 =	sadd.s32 @!p0 $0x88, s6;
	s7 =	simm.s32 @p2 $0x1082  }
0x22: {  	[simem:s7], [sflag:s8] =	dma.local @!p0 [hbm:s6], $0xF7A  }
0x23: {  	s9 =	sor.u32 $0xD0000000, s2;
	s6 =	simm.s32 $0x108;
	_ =	swait.ge @!p0 [sflag:s8], $0x0  }
0x24: {  	s3 =	sadd.s32 $0x88, s3;
	s6 =	simm.s32 @!p1 $0x1082;
	[sflag:s4] =	ssyncset.s32 $0xFFFFF086  }
0x25: {  	[simem:s6], [sflag:s4] =	dma.local [hbm:s3], $0xF7A  }
0x26: {  	[smem:$0x3F97] =	sst s1;
	(tag) =	ssettag s2;
	_ =	strace s9  }
0x27: {  	s1 =	sld [smem:$0x3FA7]  }
0x28: {  	s2 =	sld [smem:$0x3FA8]  }
0x29: {  	s4 =	sld [smem:$0x3FAA]  }
0x2a: {  	p0 =	seq.s32 s5, $0x0;
	s5 =	sld [smem:$0x3FAB]  }
0x2b: {  	s6 =	sld [smem:$0x3FAC]  }
0x2c: {  	s7 =	sld [smem:$0x3FAD]  }
0x2d: {  	s3 =	simm.s32 $0x108;
	s8 =	sld [smem:$0x3FAE]  }
0x2e: {  	s3 =	simm.s32 @!p0 $0x1082;
	s9 =	sld [smem:$0x3FAF]  }
0x2f: {  	lr =	sadd.s32 s0, s3;
	s0 =	sld [smem:$0x3FA6]  }
0x30: {  	s3 =	sld [smem:$0x3FA9]  }
0x31: {  	[smem:$0x3FB2] =	sst s10  }
0x32: {  	s10 =	sld [smem:$0x3FB0];
	_ =	sdelay $0x3  }
0x33: {  	p0 =	seq.s32 s10, $0x1;
	s10 =	sld [smem:$0x3FB2];
	_ =	sdelay $0x3  }
0x34: {  	[smem:$0x3FB2] =	sst s10  }
0x35: {  	s10 =	sld [smem:$0x3FB1];
	_ =	sdelay $0x3  }
0x36: {  	p1 =	seq.s32 s10, $0x1;
	s10 =	sld [smem:$0x3FB2];
	_ =	sdelay $0x3  }
0x37: {  	[smem:$0x3FB2] =	sst s10  }
0x38: {  	s10 =	sld [smem:$0x3FB3]  }
0x39: {  	_ = 	snop;
	(pc) =	sbr.ind lr, $3  }
0x3a: {  	_ = 	snop  }
0x3b: {  	_ = 	snop  }
0x3c: {  	p2 =	seq.s32 s10, $0x1;
	s10 =	sld [smem:$0x3FB2]  }
0x3d: {  	_ =	shalt  }
0x3e: {  	_ =	shalt  }
0x3f: {  	_ =	shalt  }
0x40: {  	_ =	shalt  }
0x41: {  	_ =	shalt  }
0x42: {  	_ =	shalt  }
0x43: {  	_ =	shalt  }
0x44: {  	_ =	shalt  }
0x45: {  	_ =	shalt  }
0x46: {  	_ =	shalt  }
0x47: {  	_ =	shalt  }
0x48: {  	_ =	shalt  }
0x49: {  	_ =	shalt  }
0x4a: {  	_ =	shalt  }
0x4b: {  	_ =	shalt  }
0x4c: {  	_ =	shalt  }
0x4d: {  	_ =	shalt  }
0x4e: {  	_ =	shalt  }
0x4f: {  	_ =	shalt  }
0x50: {  	_ =	shalt  }
0x51: {  	_ =	shalt  }
0x52: {  	_ =	shalt  }
0x53: {  	_ =	shalt  }
0x54: {  	_ =	shalt  }
0x55: {  	_ =	shalt  }
0x56: {  	_ =	shalt  }
0x57: {  	_ =	shalt  }
0x58: {  	_ =	shalt  }
0x59: {  	_ =	shalt  }
0x5a: {  	_ =	shalt  }
0x5b: {  	_ =	shalt  }
0x5c: {  	_ =	shalt  }
0x5d: {  	_ =	shalt  }
0x5e: {  	_ =	shalt  }
0x5f: {  	_ =	shalt  }
0x60: {  	_ =	shalt  }
0x61: {  	_ =	shalt  }
0x62: {  	_ =	shalt  }
0x63: {  	_ =	shalt  }
0x64: {  	_ =	shalt  }
0x65: {  	_ =	shalt  }
0x66: {  	_ =	shalt  }
0x67: {  	_ =	shalt  }
0x68: {  	_ =	shalt  }
0x69: {  	_ =	shalt  }
0x6a: {  	_ =	shalt  }
0x6b: {  	_ =	shalt  }
0x6c: {  	_ =	shalt  }
0x6d: {  	_ =	shalt  }
0x6e: {  	_ =	shalt  }
0x6f: {  	_ =	shalt  }
0x70: {  	_ =	shalt  }
0x71: {  	_ =	shalt  }
0x72: {  	_ =	shalt  }
0x73: {  	_ =	shalt  }
0x74: {  	_ =	shalt  }
0x75: {  	_ =	shalt  }
0x76: {  	_ =	shalt  }
0x77: {  	_ =	shalt  }
0x78: {  	_ =	shalt  }
0x79: {  	_ =	shalt  }
0x7a: {  	_ =	shalt  }
0x7b: {  	_ =	shalt  }
0x7c: {  	_ =	shalt  }
0x7d: {  	_ =	shalt  }
0x7e: {  	_ =	shalt  }
0x7f: {  	_ =	shalt  }
0x80: {  	_ =	shalt  }
0x81: {  	_ =	shalt  }
0x82: {  	_ =	shalt  }
0x83: {  	_ =	shalt  }
0x84: {  	_ =	shalt  }
0x85: {  	_ =	shalt  }
0x86: {  	_ =	shalt  }
0x87: {  	_ =	shalt  }
.Lfunc_end0:
.L_simem_size_0:
called_computation_lowered:
.L_overlay_start_0:
0x88: {  	s2 =	sld [smem:$0x3FD9]  }
0x89: {  	s3 =	sld [smem:$0x3FFE];
	_ =	sdelay $0x1  }
0x8a: {  	s1 =	srdreg.scid  }
0x8b: {  	s0 =	sand.u32 $0x1, s1  }
0x8c: {  	s26 =	sshll.u32 s0, $0xA;
	s2 =	sadd.s32 s3, s2  }
0x8d: {  	s2 =	sadd.s32 s2, s26  }
0x8e: {  	[smem:$0x3FBE] =	sst s2  }
0x8f: {  	_ = 	snop  }
0x90: {  	s28 =	sld [smem:$0x3FD0];
	_ =	sdelay $0x2  }
0x91: {  	s4 =	simm.s32 $0xA;
	s5 =	simm.s32 $0x110;
	s2 =	sld [smem:$0x3FC4]  }
0x92: {  	[smem:s5], [sflag:s4] =	dma.local [hbm:s28], $0x1  }
0x93: {  	_ =	swait.eq [sflag:s4], $0x1  }
0x94: {  	[sflag:s4] =	ssyncset.done $0x0  }
0x95: {  	s3 =	sld [smem:$0x110];
	[sflag:s4] =	ssyncadd.s32 $0xFFFFFFFF;
	s4 =	simm.s32 $0x0  }
0x96: {  	[smem:$0xF] =	sst s4  }
0x97: {  	(tm) =	ssettm $0x1  }
0x98: {  	s29 =	sld [smem:$0x3FFB];
	_ =	sdelay $0x3  }
0x99: {  	_ =	strace s29  }
0x9a: {  	s5 =	sld [smem:$0x3FFC];
	_ =	sdelay $0x3  }
0x9b: {  	_ =	strace s5  }
0x9c: {  	s5 =	sld [smem:$0x3FFD];
	_ =	sdelay $0x3  }
0x9d: {  	_ =	strace s5  }
0x9e: {  	s30 =	simm.s32 $0x1B8B;
	_ =	strace $0x8FFFFFFF  }
0x9f: {  	_ =	swait.ge [sflag:s30], $0x1  }
0xa0: {  	[sflag:s30] =	ssyncset.done $0x0  }
0xa1: {  	s31 =	simm.s32 $0x1B8E;
	[sflag:s30] =	ssyncadd.s32 $0xFFFFFFFF  }
0xa2: {  	s6 =	simm.s32 $0x9;
	[smem:$0x3FD2] =	sst s31  }
0xa3: {  	s7 =	simm.s32 $0x90;
	s5 =	sshll.u32 s0, $0x8;
	_ =	strace $0x80000046  }
.LBB1_1:
0xa4: {  	s8 =	sshll.u32 s4, $0x4  }
0xa5: {  	s8 =	sadd.s32 s5, s8  }
0xa6: {  	s10 =	simm.s32 $0x10;
	s9 =	sadd.s32 s2, s8  }
0xa7: {  	[smem:s10], [sflag:s6] =	dma.local [hbm:s9], $0x10  }
0xa8: {  	_ =	swait.ge [sflag:s6], $0x10  }
0xa9: {  	[sflag:s6] =	ssyncset.done $0x0  }
0xaa: {  	[sflag:s6] =	ssyncadd.s32 $0xFFFFFFF0  }
0xab: {  	s12 =	sld [smem:$0x10]  }
0xac: {  	s14 =	simm.s32 $0x1  }
0xad: {  	s16 =	simm.s32 $0x11;
	s11 =	simm.s32 $0x0;
	s15 =	simm.f32 $-3.000000010e+38  }
0xae: {  	s13 =	simm.s32 $0x0;
	s9 =	simm.f32 $-3.000000010e+38;
	s10 =	simm.s32 $0x0  }
.LBB1_2:
0xaf: {  	p0 =	sgt.f32 s12, s9;
	s17 =	smov.u32 s12;
	s12 =	sld [smem:s16+$0x0]  }
0xb0: {  	s18 =	smov.u32 s11;
	s11 =	smov.u32 s14;
	p1 =	sne.s32 s14, $0x3F  }
.Ltmp0:
0xb1: {  	s14 =	sadd.s32 $0x1, s14;
	p2 =	sgt.f32 s17, s15;
	(pc) =	sbr.rel @p1 .LBB1_2-.Ltmp0, $3  }
0xb2: {  	s9 =	smov.u32 @p0 s17;
	s10 =	smov.u32 @p0 s18  }
0xb3: {  	s9 =	smov.u32 @p2 s15;
	s10 =	smov.u32 @p2 s13  }
0xb4: {  	s16 =	sadd.s32 $0x1, s16;
	s15 =	smov.u32 @p2 s17;
	s13 =	smov.u32 @p2 s18  }
0xb5: {  	p0 =	sgt.f32 s12, s9  }
0xb6: {  	p1 =	sgt.f32 s12, s15  }
0xb7: {  	s10 =	smov.u32 @p0 s11  }
0xb8: {  	s10 =	smov.u32 @p1 s13;
	s13 =	smov.u32 @p1 s11  }
0xb9: {  	[smem:$0x90] =	sst s13  }
0xba: {  	s8 =	sadd.s32 s3, s8;
	[smem:$0x91] =	sst s10  }
0xbb: {  	[hbm:s8], [sflag:s6] =	dma.local [smem:s7], $0x10  }
0xbc: {  	_ =	swait.ge [sflag:s6], $0x10  }
0xbd: {  	s4 =	sadd.s32 $0x1, s4;
	[sflag:s6] =	ssyncset.done $0x0  }
0xbe: {  	p0 =	sne.s32 s4, $0x10;
	[sflag:s6] =	ssyncadd.s32 $0xFFFFFFF0  }
0xbf: {  	_ =	strace @!p0 $0x90000046  }
0xc0: {  	_ =	sfence @!p0  }
0xc1: {  	s2 =	sld @!p0 [smem:$0x0];
	_ =	sdelay $0x2  }
0xc2: {  	s3 =	sshll.u32 @!p0 s1, $0xD;
	s1 =	sshrl.u32 @!p0 s1, $0x2  }
0xc3: {  	s3 =	sand.u32 @!p0 $0x4000, s3;
	s1 =	sadd.s32 @!p0 s1, s2  }
0xc4: {  	s0 =	sor.u32 @!p0 s3, s0;
	s1 =	sshll.u32 @!p0 s1, $0x11  }
0xc5: {  	s0 =	sor.u32 @!p0 s1, s0  }
0xc6: {  	s0 =	sadd.s32 @!p0 $0x8F2B, s0;
	(pc) =	sbr.abs @!p0 _section_cstart, $3  }
0xc7: {  	[sflag:s0] =	ssyncadd.remote.s32 @!p0 $0x1  }
0xc8: {  	_ =	strace @!p0 $0x9FFFFFFF  }
0xc9: {  	(tm) =	ssettm @!p0 $0x7FFFFFFF  }
.Ltmp1:
0xca: {  	_ = 	snop;
	(pc) =	sbr.rel .LBB1_1-.Ltmp1, $1  }
0xcb: {  	_ =	sdelay $0x2  }

</sc_bundles>
